<compile_context>
chip_gen: v7x
topology: tpu7x:2x2x1
jax: 0.10.2.dev20260603
libtpu: 0.0.44.dev20260713+nightly
codegen_flags: <defaults>
</compile_context>

<pallas_src>
import functools

import jax
import jax.numpy as jnp
from jax import lax
from jax.experimental import pallas as pl
from jax.experimental.pallas import tpu as pltpu
from jax.experimental.pallas import tpu_sc as plsc

_N = 1000000
_B = 16384
_D = 64
_NC = 2
_NS = 16
_L = 16
_NW = _NC * _NS
_BPW = _B // _NW
_NBLK = (_N + 127) // 128
_TAIL = (_N // 128) * 128
_BASE = _NBLK // _NW
_REM = _NBLK % _NW
_MAXBLK = _BASE + 1

_SC_PARAMS = pltpu.CompilerParams(
    needs_layout_passes=False,
    skip_device_barrier=True,
    disable_bounds_checks=True,
    disable_semaphore_checks=True,
)


def _gather_sc(u, v, embT, ctxT):
    mesh = plsc.VectorSubcoreMesh(core_axis_name="c", subcore_axis_name="s")

    @functools.partial(
        pl.kernel,
        mesh=mesh,
        compiler_params=_SC_PARAMS,
        out_type=(
            jax.ShapeDtypeStruct((_B * _D,), jnp.float32),
            jax.ShapeDtypeStruct((_B * _D,), jnp.float32),
        ),
        scratch_types=[
            pltpu.VMEM((_B,), jnp.int32),
            pltpu.VMEM((_B,), jnp.int32),
            pltpu.VMEM((_B,), jnp.int32),
            pltpu.VMEM((256,), jnp.int32),
            pltpu.VMEM((256,), jnp.int32),
            pltpu.VMEM((256,), jnp.int32),
            pltpu.VMEM((256,), jnp.int32),
            pltpu.VMEM((6, _D, 128), jnp.float32),
            pltpu.VMEM((_D, _N - _TAIL), jnp.float32),
            pltpu.VMEM((8, _D), jnp.float32),
            pltpu.SemaphoreType.DMA,
            pltpu.SemaphoreType.DMA,
        ],
    )
    def k(
        u_hbm, v_hbm, embT_hbm, ctxT_hbm, xg_hbm, yg_hbm,
        idxs, plist, olist, hist, starts, wrk, nlist, blk, tbuf, ring, sb, so,
    ):
        wid = lax.axis_index("s") * _NC + lax.axis_index("c")
        lo = wid * _BASE + jnp.minimum(wid, _REM)
        nblk = _BASE + (wid < _REM).astype(jnp.int32)

        iota = lax.iota(jnp.int32, _L)
        ones = jnp.ones((_L,), jnp.int32)

        def fetch(table_hbm, b, ph):
            gb = lo + b

            @pl.when(gb < _NBLK - 1)
            def _():
                pltpu.async_copy(
                    table_hbm.at[:, pl.ds(pl.multiple_of(gb * 128, 128), 128)],
                    blk.at[ph],
                    sb,
                )

            @pl.when(gb == _NBLK - 1)
            def _():
                pltpu.async_copy(
                    table_hbm.at[:, pl.ds(_TAIL, _N - _TAIL)], tbuf, sb
                )

        def drain(table_hbm, b, ph):
            gb = lo + b

            @pl.when(gb < _NBLK - 1)
            def _():
                pltpu.make_async_copy(
                    table_hbm.at[:, pl.ds(0, 128)], blk.at[ph], sb
                ).wait()

            @pl.when(gb == _NBLK - 1)
            def _():
                pltpu.make_async_copy(
                    table_hbm.at[:, pl.ds(_TAIL, _N - _TAIL)], tbuf, sb
                ).wait()

        def phase(idx_hbm, table_hbm, out_hbm):
            pltpu.sync_copy(idx_hbm, idxs)
            for kk in range(256 // _L):
                hist[pl.ds(kk * _L, _L)] = jnp.zeros((_L,), jnp.int32)

            def match(kk, off):
                vals = idxs[pl.ds(pl.multiple_of(kk * _L, _L), _L)]
                blkv = lax.shift_right_logical(vals, 7)
                m = (blkv >= lo) & (blkv < lo + nblk)
                pos = kk * _L + iota
                plsc.store_compressed(plist.at[pl.ds(off, _L)], pos, mask=m)
                brel = jnp.where(m, blkv - lo, 0)
                for j in range(_L):
                    mj = m & (iota == j)
                    plsc.addupdate_scatter(hist, [brel], ones, mask=mj)
                cnt = plsc.all_reduce_population_count(m)
                return off + cnt[0]

            nm = lax.fori_loop(0, _B // _L, match, jnp.int32(0))

            def scan(kk, carry):
                c = hist[pl.ds(pl.multiple_of(kk * _L, _L), _L)]
                cum = plsc.cumsum(c)
                ex = cum - c + carry
                starts[pl.ds(pl.multiple_of(kk * _L, _L), _L)] = ex
                wrk[pl.ds(pl.multiple_of(kk * _L, _L), _L)] = ex
                return carry + cum[_L - 1]

            lax.fori_loop(0, 256 // _L, scan, jnp.int32(0))

            def place(kk, carry):
                pos16 = plist[pl.ds(pl.multiple_of(kk * _L, _L), _L)]
                valid = (kk * _L + iota) < nm
                pos16 = jnp.where(valid, pos16, 0)
                vals = plsc.load_gather(idxs, [pos16])
                brel = jnp.where(
                    valid, lax.shift_right_logical(vals, 7) - lo, 0
                )
                packed = pos16 | lax.shift_left(vals & 127, 14)
                for j in range(_L):
                    mj = valid & (iota == j)
                    slotv = plsc.load_gather(wrk, [brel])
                    plsc.store_scatter(olist, [slotv], packed, mask=mj)
                    plsc.addupdate_scatter(wrk, [brel], ones, mask=mj)
                return carry

            lax.fori_loop(0, (nm + _L - 1) // _L, place, jnp.int32(0))

            def needed(kk, offn):
                ids = kk * _L + iota
                m = hist[pl.ds(pl.multiple_of(kk * _L, _L), _L)] > 0
                plsc.store_compressed(nlist.at[pl.ds(offn, _L)], ids, mask=m)
                cn = plsc.all_reduce_population_count(m)
                return offn + cn[0]

            nn = lax.fori_loop(0, 256 // _L, needed, jnp.int32(0))

            def blk_at(i):
                return plsc.load_gather(nlist, [jnp.full((_L,), i, jnp.int32)])[0]

            @pl.when(nn > 0)
            def _():
                fetch(table_hbm, blk_at(jnp.int32(0)), 0)

            @pl.when(nn > 1)
            def _():
                fetch(table_hbm, blk_at(jnp.int32(1)), 1)

            for pre in range(2, 5):
                @pl.when(nn > pre)
                def _():
                    fetch(table_hbm, blk_at(jnp.int32(pre)), pre)

            def stream(i, cnt):
                b = blk_at(i)
                ph = lax.rem(i, 6)

                @pl.when(i + 5 < nn)
                def _():
                    fetch(table_hbm, blk_at(i + 5), lax.rem(i + 5, 6))

                drain(table_hbm, b, ph)
                sv = plsc.load_gather(starts, [jnp.full((_L,), b, jnp.int32)])
                hv = plsc.load_gather(hist, [jnp.full((_L,), b, jnp.int32)])
                st = sv[0]
                en = st + hv[0]
                is_tail = (lo + b) == (_NBLK - 1)
                bp = jnp.full((_L,), ph, jnp.int32)

                def item(it, cnt2):
                    e = plsc.load_gather(olist, [jnp.full((_L,), it, jnp.int32)])[0]
                    pos = e & 16383
                    rs = jnp.full((_L,), lax.shift_right_logical(e, 14), jnp.int32)
                    slot = cnt2 & 7

                    @pl.when(cnt2 >= 8)
                    def _():
                        pltpu.make_async_copy(
                            table_hbm.at[0, pl.ds(0, _D)], ring.at[slot], so
                        ).wait()

                    @pl.when(jnp.logical_not(is_tail))
                    def _():
                        for c in range(_D // _L):
                            dims = iota + c * _L
                            ring[slot, pl.ds(c * _L, _L)] = plsc.load_gather(
                                blk, [bp, dims, rs]
                            )

                    @pl.when(is_tail)
                    def _():
                        for c in range(_D // _L):
                            dims = iota + c * _L
                            ring[slot, pl.ds(c * _L, _L)] = plsc.load_gather(
                                tbuf, [dims, rs]
                            )

                    pltpu.async_copy(
                        ring.at[slot],
                        out_hbm.at[pl.ds(pl.multiple_of(pos * _D, 8), _D)],
                        so,
                    )
                    return cnt2 + 1

                return lax.fori_loop(st, en, item, cnt)

            cnt = lax.fori_loop(0, nn, stream, jnp.int32(0))
            for j in range(8):
                @pl.when(j < cnt)
                def _():
                    pltpu.make_async_copy(
                        table_hbm.at[0, pl.ds(0, _D)], ring.at[j], so
                    ).wait()

        phase(u_hbm, embT_hbm, xg_hbm)
        phase(v_hbm, ctxT_hbm, yg_hbm)

    return k(u, v, embT, ctxT)


def _dot_sc(xg, yg):
    mesh = plsc.VectorSubcoreMesh(core_axis_name="c", subcore_axis_name="s")

    @functools.partial(
        pl.kernel,
        mesh=mesh,
        compiler_params=_SC_PARAMS,
        out_type=jax.ShapeDtypeStruct((_B,), jnp.float32),
        scratch_types=[
            pltpu.VMEM((_BPW * _D,), jnp.float32),
            pltpu.VMEM((_BPW * _D,), jnp.float32),
            pltpu.VMEM((_BPW,), jnp.float32),
            pltpu.VMEM((_L * _L,), jnp.float32),
        ],
    )
    def k(xg_hbm, yg_hbm, out_hbm, xv, yv, dv, tb):
        wid = lax.axis_index("s") * _NC + lax.axis_index("c")
        base = wid * _BPW
        pltpu.sync_copy(xg_hbm.at[pl.ds(base * _D, _BPW * _D)], xv)
        pltpu.sync_copy(yg_hbm.at[pl.ds(base * _D, _BPW * _D)], yv)
        iota = lax.iota(jnp.int32, _L)
        tcols = iota * _L

        def grp(g, carry):
            for j in range(_L):
                off = (g * _L + j) * _D
                t = xv[pl.ds(off, _L)] * yv[pl.ds(off, _L)]
                for c in range(1, _D // _L):
                    t = t + xv[pl.ds(off + c * _L, _L)] * yv[pl.ds(off + c * _L, _L)]
                plsc.store_scatter(tb, [tcols + j], t)
            accv = tb[pl.ds(0, _L)]
            for t in range(1, _L):
                accv = accv + tb[pl.ds(t * _L, _L)]
            dv[pl.ds(pl.multiple_of(g * _L, _L), _L)] = accv
            return carry

        lax.fori_loop(0, _BPW // _L, grp, 0)
        pltpu.sync_copy(dv, out_hbm.at[pl.ds(base, _BPW)])

    return k(xg, yg)


def _loss_tc(d, w):
    def k(d_ref, w_ref, o_ref):
        s = w_ref[...] * d_ref[...]
        ls = jnp.minimum(s, 0.0) - jnp.log1p(jnp.exp(-jnp.abs(s)))
        o_ref[0, 0] = -jnp.sum(ls) * (1.0 / _B)

    out = pl.pallas_call(
        k,
        out_shape=jax.ShapeDtypeStruct((1, 1), jnp.float32),
        out_specs=pl.BlockSpec(memory_space=pltpu.SMEM),
    )(d.reshape(128, 128), w.reshape(128, 128))
    return out[0, 0]


@jax.jit
def kernel(u, v, w, emb, ctx):
    u = u.astype(jnp.int32)
    v = v.astype(jnp.int32)
    xg, yg = _gather_sc(u, v, emb.T, ctx.T)
    d = _dot_sc(xg, yg)
    return _loss_tc(d, w.astype(jnp.float32))

# --- scband reference (transcript-rebuilt; emitter-appended) ---
"""Pipeline reference for scband-line-70660801953984 (READ-ONLY COPY).

The authoritative reference and input builder live on the scoring server;
editing this copy changes nothing except your own understanding.
"""

import jax, jax.numpy as jnp
import numpy as np

N = 1000000
DIM = 64
B = 16384

def setup_inputs(seed: int = 0) -> dict:
    key = jax.random.key(seed)
    k1, k2, k3, k4, k5 = jax.random.split(key, 5)
    u = jax.random.randint(k1, (B,), 0, N)
    v = jax.random.randint(k2, (B,), 0, N)
    w = jax.random.uniform(k3, (B,), dtype=jnp.float32)
    emb = jax.random.normal(k4, (N, DIM), dtype=jnp.float32) * 0.02
    ctx = jax.random.normal(k5, (N, DIM), dtype=jnp.float32) * 0.02
    return {"u": u, "v": v, "w": w, "emb": emb, "ctx": ctx}

def reference(u, v, w, emb, ctx):
    # LINE second-order proximity: score = w * <emb[u], ctx[v]>; loss = -mean(logsigmoid(score))
    x = jnp.take(emb, u, axis=0)
    y = jnp.take(ctx, v, axis=0)
    s = w * jnp.sum(x * y, axis=1)
    return -jnp.mean(jax.nn.log_sigmoid(s))

if __name__ == "__main__":
    import jax
    _d = setup_inputs()
    print(jax.jit(kernel)(*tuple(_d.values())))

</pallas_src>

<mosaic_0001>
#map = affine_map<(d0, d1) -> (0)>
#map1 = affine_map<(d0, d1) -> (0, 0)>
module attributes {stable_mosaic.version = 14 : i64} {
  func.func @k(%arg0: i32, %arg1: i32, %arg2: memref<16384xi32, #tpu.memory_space<hbm>>, %arg3: memref<16384xi32, #tpu.memory_space<hbm>>, %arg4: memref<64x1000000xf32, #tpu.memory_space<hbm>>, %arg5: memref<64x1000000xf32, #tpu.memory_space<hbm>>, %arg6: memref<1048576xf32, #tpu.memory_space<hbm>>, %arg7: memref<1048576xf32, #tpu.memory_space<hbm>>, %arg8: memref<16384xi32, #tpu.memory_space<vmem>>, %arg9: memref<16384xi32, #tpu.memory_space<vmem>>, %arg10: memref<16384xi32, #tpu.memory_space<vmem>>, %arg11: memref<256xi32, #tpu.memory_space<vmem>>, %arg12: memref<256xi32, #tpu.memory_space<vmem>>, %arg13: memref<256xi32, #tpu.memory_space<vmem>>, %arg14: memref<256xi32, #tpu.memory_space<vmem>>, %arg15: memref<6x64x128xf32, #tpu.memory_space<vmem>>, %arg16: memref<64x64xf32, #tpu.memory_space<vmem>>, %arg17: memref<8x64xf32, #tpu.memory_space<vmem>>, %arg18: memref<!tpu.dma_semaphore, #tpu.memory_space<semaphore_mem>>, %arg19: memref<!tpu.dma_semaphore, #tpu.memory_space<semaphore_mem>>) attributes {dimension_semantics = [#tpu.dimension_semantics<core_parallel>, #tpu.dimension_semantics<subcore_parallel>], iteration_bounds = array<i64: 2, 16>, scalar_prefetch = 0 : i64, scratch_operands = 12 : i64, tpu.core_type = #tpu.core_type<sc_vector_subcore>, window_params = [{transform_indices = #map}, {transform_indices = #map}, {transform_indices = #map1}, {transform_indices = #map1}, {transform_indices = #map}, {transform_indices = #map}]} {
    %mul3A = arith.constant 2 : i32
    %mul3A_0 = arith.muli %arg1, %mul3A : i32
    %add3A = arith.addi %mul3A_0, %arg0 : i32
    %mul3A_1 = arith.constant 244 : i32
    %mul3A_2 = arith.muli %add3A, %mul3A_1 : i32
    %min3A = arith.constant 5 : i32
    %min3A_3 = arith.minsi %add3A, %min3A : i32
    %add3A_4 = arith.addi %mul3A_2, %min3A_3 : i32
    %lt3A = arith.constant 5 : i32
    %lt3A_5 = arith.cmpi slt, %add3A, %lt3A : i32
    %convert_element_type3A = arith.extui %lt3A_5 : i1 to i32
    %add3A_6 = arith.constant 244 : i32
    %add3A_7 = arith.addi %add3A_6, %convert_element_type3A : i32
    %iota3A = tpu.iota {dimensions = array<i32: 0>} : vector<16xi32>
    %broadcast_in_dim3A = arith.constant 1 : i32
    %broadcast_in_dim3A_8 = vector.broadcast %broadcast_in_dim3A : i32 to vector<16xi32>
    "tpu.region"() ({
      %run_scoped3A = tpu.sem_alloc : memref<!tpu.dma_semaphore, #tpu.memory_space<semaphore_mem>>
      tpu.enqueue_dma source(%arg2 : memref<16384xi32, #tpu.memory_space<hbm>>) target(%arg8 : memref<16384xi32, #tpu.memory_space<vmem>>) target_semaphore(%run_scoped3A : memref<!tpu.dma_semaphore, #tpu.memory_space<semaphore_mem>>)
      tpu.wait_dma2 semaphore(%run_scoped3A : memref<!tpu.dma_semaphore, #tpu.memory_space<semaphore_mem>>) src(%arg2 : memref<16384xi32, #tpu.memory_space<hbm>>) dst(%arg8 : memref<16384xi32, #tpu.memory_space<vmem>>)
      tpu.yield
    }) : () -> ()
    %broadcast_in_dim3A_9 = arith.constant 0 : i32
    %broadcast_in_dim3A_10 = vector.broadcast %broadcast_in_dim3A_9 : i32 to vector<16xi32>
    %swap3A = arith.constant 0 : index
    %swap3A_11 = tpu.vector_load %arg11[%swap3A] {strides = array<i32>} : memref<256xi32, #tpu.memory_space<vmem>>, vector<16xi32>,
    tpu.vector_store %arg11[%swap3A], %broadcast_in_dim3A_10 {strides = array<i32>} : memref<256xi32, #tpu.memory_space<vmem>>, vector<16xi32>,
    %broadcast_in_dim3A_12 = arith.constant 0 : i32
    %broadcast_in_dim3A_13 = vector.broadcast %broadcast_in_dim3A_12 : i32 to vector<16xi32>
    %swap3A_14 = arith.constant 16 : index
    %swap3A_15 = tpu.vector_load %arg11[%swap3A_14] {strides = array<i32>} : memref<256xi32, #tpu.memory_space<vmem>>, vector<16xi32>,
    tpu.vector_store %arg11[%swap3A_14], %broadcast_in_dim3A_13 {strides = array<i32>} : memref<256xi32, #tpu.memory_space<vmem>>, vector<16xi32>,
    %broadcast_in_dim3A_16 = arith.constant 0 : i32
    %broadcast_in_dim3A_17 = vector.broadcast %broadcast_in_dim3A_16 : i32 to vector<16xi32>
    %swap3A_18 = arith.constant 32 : index
    %swap3A_19 = tpu.vector_load %arg11[%swap3A_18] {strides = array<i32>} : memref<256xi32, #tpu.memory_space<vmem>>, vector<16xi32>,
    tpu.vector_store %arg11[%swap3A_18], %broadcast_in_dim3A_17 {strides = array<i32>} : memref<256xi32, #tpu.memory_space<vmem>>, vector<16xi32>,
    %broadcast_in_dim3A_20 = arith.constant 0 : i32
    %broadcast_in_dim3A_21 = vector.broadcast %broadcast_in_dim3A_20 : i32 to vector<16xi32>
    %swap3A_22 = arith.constant 48 : index
    %swap3A_23 = tpu.vector_load %arg11[%swap3A_22] {strides = array<i32>} : memref<256xi32, #tpu.memory_space<vmem>>, vector<16xi32>,
    tpu.vector_store %arg11[%swap3A_22], %broadcast_in_dim3A_21 {strides = array<i32>} : memref<256xi32, #tpu.memory_space<vmem>>, vector<16xi32>,
    %broadcast_in_dim3A_24 = arith.constant 0 : i32
    %broadcast_in_dim3A_25 = vector.broadcast %broadcast_in_dim3A_24 : i32 to vector<16xi32>
    %swap3A_26 = arith.constant 64 : index
    %swap3A_27 = tpu.vector_load %arg11[%swap3A_26] {strides = array<i32>} : memref<256xi32, #tpu.memory_space<vmem>>, vector<16xi32>,
    tpu.vector_store %arg11[%swap3A_26], %broadcast_in_dim3A_25 {strides = array<i32>} : memref<256xi32, #tpu.memory_space<vmem>>, vector<16xi32>,
    %broadcast_in_dim3A_28 = arith.constant 0 : i32
    %broadcast_in_dim3A_29 = vector.broadcast %broadcast_in_dim3A_28 : i32 to vector<16xi32>
    %swap3A_30 = arith.constant 80 : index
    %swap3A_31 = tpu.vector_load %arg11[%swap3A_30] {strides = array<i32>} : memref<256xi32, #tpu.memory_space<vmem>>, vector<16xi32>,
    tpu.vector_store %arg11[%swap3A_30], %broadcast_in_dim3A_29 {strides = array<i32>} : memref<256xi32, #tpu.memory_space<vmem>>, vector<16xi32>,
    %broadcast_in_dim3A_32 = arith.constant 0 : i32
    %broadcast_in_dim3A_33 = vector.broadcast %broadcast_in_dim3A_32 : i32 to vector<16xi32>
    %swap3A_34 = arith.constant 96 : index
    %swap3A_35 = tpu.vector_load %arg11[%swap3A_34] {strides = array<i32>} : memref<256xi32, #tpu.memory_space<vmem>>, vector<16xi32>,
    tpu.vector_store %arg11[%swap3A_34], %broadcast_in_dim3A_33 {strides = array<i32>} : memref<256xi32, #tpu.memory_space<vmem>>, vector<16xi32>,
    %broadcast_in_dim3A_36 = arith.constant 0 : i32
    %broadcast_in_dim3A_37 = vector.broadcast %broadcast_in_dim3A_36 : i32 to vector<16xi32>
    %swap3A_38 = arith.constant 112 : index
    %swap3A_39 = tpu.vector_load %arg11[%swap3A_38] {strides = array<i32>} : memref<256xi32, #tpu.memory_space<vmem>>, vector<16xi32>,
    tpu.vector_store %arg11[%swap3A_38], %broadcast_in_dim3A_37 {strides = array<i32>} : memref<256xi32, #tpu.memory_space<vmem>>, vector<16xi32>,
    %broadcast_in_dim3A_40 = arith.constant 0 : i32
    %broadcast_in_dim3A_41 = vector.broadcast %broadcast_in_dim3A_40 : i32 to vector<16xi32>
    %swap3A_42 = arith.constant 128 : index
    %swap3A_43 = tpu.vector_load %arg11[%swap3A_42] {strides = array<i32>} : memref<256xi32, #tpu.memory_space<vmem>>, vector<16xi32>,
    tpu.vector_store %arg11[%swap3A_42], %broadcast_in_dim3A_41 {strides = array<i32>} : memref<256xi32, #tpu.memory_space<vmem>>, vector<16xi32>,
    %broadcast_in_dim3A_44 = arith.constant 0 : i32
    %broadcast_in_dim3A_45 = vector.broadcast %broadcast_in_dim3A_44 : i32 to vector<16xi32>
    %swap3A_46 = arith.constant 144 : index
    %swap3A_47 = tpu.vector_load %arg11[%swap3A_46] {strides = array<i32>} : memref<256xi32, #tpu.memory_space<vmem>>, vector<16xi32>,
    tpu.vector_store %arg11[%swap3A_46], %broadcast_in_dim3A_45 {strides = array<i32>} : memref<256xi32, #tpu.memory_space<vmem>>, vector<16xi32>,
    %broadcast_in_dim3A_48 = arith.constant 0 : i32
    %broadcast_in_dim3A_49 = vector.broadcast %broadcast_in_dim3A_48 : i32 to vector<16xi32>
    %swap3A_50 = arith.constant 160 : index
    %swap3A_51 = tpu.vector_load %arg11[%swap3A_50] {strides = array<i32>} : memref<256xi32, #tpu.memory_space<vmem>>, vector<16xi32>,
    tpu.vector_store %arg11[%swap3A_50], %broadcast_in_dim3A_49 {strides = array<i32>} : memref<256xi32, #tpu.memory_space<vmem>>, vector<16xi32>,
    %broadcast_in_dim3A_52 = arith.constant 0 : i32
    %broadcast_in_dim3A_53 = vector.broadcast %broadcast_in_dim3A_52 : i32 to vector<16xi32>
    %swap3A_54 = arith.constant 176 : index
    %swap3A_55 = tpu.vector_load %arg11[%swap3A_54] {strides = array<i32>} : memref<256xi32, #tpu.memory_space<vmem>>, vector<16xi32>,
    tpu.vector_store %arg11[%swap3A_54], %broadcast_in_dim3A_53 {strides = array<i32>} : memref<256xi32, #tpu.memory_space<vmem>>, vector<16xi32>,
    %broadcast_in_dim3A_56 = arith.constant 0 : i32
    %broadcast_in_dim3A_57 = vector.broadcast %broadcast_in_dim3A_56 : i32 to vector<16xi32>
    %swap3A_58 = arith.constant 192 : index
    %swap3A_59 = tpu.vector_load %arg11[%swap3A_58] {strides = array<i32>} : memref<256xi32, #tpu.memory_space<vmem>>, vector<16xi32>,
    tpu.vector_store %arg11[%swap3A_58], %broadcast_in_dim3A_57 {strides = array<i32>} : memref<256xi32, #tpu.memory_space<vmem>>, vector<16xi32>,
    %broadcast_in_dim3A_60 = arith.constant 0 : i32
    %broadcast_in_dim3A_61 = vector.broadcast %broadcast_in_dim3A_60 : i32 to vector<16xi32>
    %swap3A_62 = arith.constant 208 : index
    %swap3A_63 = tpu.vector_load %arg11[%swap3A_62] {strides = array<i32>} : memref<256xi32, #tpu.memory_space<vmem>>, vector<16xi32>,
    tpu.vector_store %arg11[%swap3A_62], %broadcast_in_dim3A_61 {strides = array<i32>} : memref<256xi32, #tpu.memory_space<vmem>>, vector<16xi32>,
    %broadcast_in_dim3A_64 = arith.constant 0 : i32
    %broadcast_in_dim3A_65 = vector.broadcast %broadcast_in_dim3A_64 : i32 to vector<16xi32>
    %swap3A_66 = arith.constant 224 : index
    %swap3A_67 = tpu.vector_load %arg11[%swap3A_66] {strides = array<i32>} : memref<256xi32, #tpu.memory_space<vmem>>, vector<16xi32>,
    tpu.vector_store %arg11[%swap3A_66], %broadcast_in_dim3A_65 {strides = array<i32>} : memref<256xi32, #tpu.memory_space<vmem>>, vector<16xi32>,
    %broadcast_in_dim3A_68 = arith.constant 0 : i32
    %broadcast_in_dim3A_69 = vector.broadcast %broadcast_in_dim3A_68 : i32 to vector<16xi32>
    %swap3A_70 = arith.constant 240 : index
    %swap3A_71 = tpu.vector_load %arg11[%swap3A_70] {strides = array<i32>} : memref<256xi32, #tpu.memory_space<vmem>>, vector<16xi32>,
    tpu.vector_store %arg11[%swap3A_70], %broadcast_in_dim3A_69 {strides = array<i32>} : memref<256xi32, #tpu.memory_space<vmem>>, vector<16xi32>,
    %scan3A = arith.constant 0 : i32
    %scan3A_72 = arith.constant 0 : i32
    %scan3A_73 = arith.constant 1024 : i32
    %scan3A_74 = arith.addi %scan3A_72, %scan3A_73 : i32
    %scan3A_75 = arith.constant 1 : i32
    %scan3A_76 = scf.for %scan3A_396 = %scan3A_72 to %scan3A_74 step %scan3A_75 iter_args(%scan3A_397 = %scan3A) -> (i32)  : i32 {
      %mul3A_398 = arith.constant 16 : i32
      %mul3A_399 = arith.muli %scan3A_396, %mul3A_398 : i32
      %multiple_of3A = tpu.assume_multiple %mul3A_399, 16 : i32
      %get3A = arith.index_cast %multiple_of3A : i32 to index
      %get3A_400 = tpu.vector_load %arg8[%get3A] {strides = array<i32>} : memref<16384xi32, #tpu.memory_space<vmem>>, vector<16xi32>,
      %shift_right_logical3A = arith.constant 7 : i32
      %shift_right_logical3A_401 = vector.broadcast %shift_right_logical3A : i32 to vector<16xi32>
      %shift_right_logical3A_402 = arith.shrui %get3A_400, %shift_right_logical3A_401 : vector<16xi32>
      %ge3A = vector.broadcast %add3A_4 : i32 to vector<16xi32>
      %ge3A_403 = arith.cmpi sge, %shift_right_logical3A_402, %ge3A : vector<16xi32>
      %add3A_404 = arith.addi %add3A_4, %add3A_7 : i32
      %lt3A_405 = vector.broadcast %add3A_404 : i32 to vector<16xi32>
      %lt3A_406 = arith.cmpi slt, %shift_right_logical3A_402, %lt3A_405 : vector<16xi32>
      %and3A_407 = arith.andi %ge3A_403, %lt3A_406 : vector<16xi1>
      %mul3A_408 = arith.constant 16 : i32
      %mul3A_409 = arith.muli %scan3A_396, %mul3A_408 : i32
      %add3A_410 = vector.broadcast %mul3A_409 : i32 to vector<16xi32>
      %add3A_411 = arith.addi %add3A_410, %iota3A : vector<16xi32>
      %swap3A_412 = arith.index_cast %scan3A_397 : i32 to index
      %swap3A_413 = tpu.vector_load %arg9[%swap3A_412] masked %and3A_407 {strides = array<i32>} : memref<16384xi32, #tpu.memory_space<vmem>>, vector<16xi32>, vector<16xi1>
      tpu.vector_store %arg9[%swap3A_412], %add3A_411 masked %and3A_407 {strides = array<i32>} : memref<16384xi32, #tpu.memory_space<vmem>>, vector<16xi32>, vector<16xi1>
      %sub3A_414 = vector.broadcast %add3A_4 : i32 to vector<16xi32>
      %sub3A_415 = arith.subi %shift_right_logical3A_402, %sub3A_414 : vector<16xi32>
      %jit3A_416 = arith.constant 0 : i32
      %broadcast_in_dim3A_417 = vector.broadcast %jit3A_416 : i32 to vector<16xi32>
      %select_n3A_418 = arith.select %and3A_407, %sub3A_415, %broadcast_in_dim3A_417 : vector<16xi1>, vector<16xi32>
      %eq3A = arith.constant 0 : i32
      %eq3A_419 = vector.broadcast %eq3A : i32 to vector<16xi32>
      %eq3A_420 = arith.cmpi eq, %iota3A, %eq3A_419 : vector<16xi32>
      %and3A_421 = arith.andi %and3A_407, %eq3A_420 : vector<16xi1>
      tpu.vector_store_idx %arg11[%select_n3A_418], %broadcast_in_dim3A_8 masked %and3A_421 {add = true} : memref<256xi32, #tpu.memory_space<vmem>>[vector<16xi32>], vector<16xi32>, vector<16xi1>
      %eq3A_422 = arith.constant 1 : i32
      %eq3A_423 = vector.broadcast %eq3A_422 : i32 to vector<16xi32>
      %eq3A_424 = arith.cmpi eq, %iota3A, %eq3A_423 : vector<16xi32>
      %and3A_425 = arith.andi %and3A_407, %eq3A_424 : vector<16xi1>
      tpu.vector_store_idx %arg11[%select_n3A_418], %broadcast_in_dim3A_8 masked %and3A_425 {add = true} : memref<256xi32, #tpu.memory_space<vmem>>[vector<16xi32>], vector<16xi32>, vector<16xi1>
      %eq3A_426 = arith.constant 2 : i32
      %eq3A_427 = vector.broadcast %eq3A_426 : i32 to vector<16xi32>
      %eq3A_428 = arith.cmpi eq, %iota3A, %eq3A_427 : vector<16xi32>
      %and3A_429 = arith.andi %and3A_407, %eq3A_428 : vector<16xi1>
      tpu.vector_store_idx %arg11[%select_n3A_418], %broadcast_in_dim3A_8 masked %and3A_429 {add = true} : memref<256xi32, #tpu.memory_space<vmem>>[vector<16xi32>], vector<16xi32>, vector<16xi1>
      %eq3A_430 = arith.constant 3 : i32
      %eq3A_431 = vector.broadcast %eq3A_430 : i32 to vector<16xi32>
      %eq3A_432 = arith.cmpi eq, %iota3A, %eq3A_431 : vector<16xi32>
      %and3A_433 = arith.andi %and3A_407, %eq3A_432 : vector<16xi1>
      tpu.vector_store_idx %arg11[%select_n3A_418], %broadcast_in_dim3A_8 masked %and3A_433 {add = true} : memref<256xi32, #tpu.memory_space<vmem>>[vector<16xi32>], vector<16xi32>, vector<16xi1>
      %eq3A_434 = arith.constant 4 : i32
      %eq3A_435 = vector.broadcast %eq3A_434 : i32 to vector<16xi32>
      %eq3A_436 = arith.cmpi eq, %iota3A, %eq3A_435 : vector<16xi32>
      %and3A_437 = arith.andi %and3A_407, %eq3A_436 : vector<16xi1>
      tpu.vector_store_idx %arg11[%select_n3A_418], %broadcast_in_dim3A_8 masked %and3A_437 {add = true} : memref<256xi32, #tpu.memory_space<vmem>>[vector<16xi32>], vector<16xi32>, vector<16xi1>
      %eq3A_438 = arith.constant 5 : i32
      %eq3A_439 = vector.broadcast %eq3A_438 : i32 to vector<16xi32>
      %eq3A_440 = arith.cmpi eq, %iota3A, %eq3A_439 : vector<16xi32>
      %and3A_441 = arith.andi %and3A_407, %eq3A_440 : vector<16xi1>
      tpu.vector_store_idx %arg11[%select_n3A_418], %broadcast_in_dim3A_8 masked %and3A_441 {add = true} : memref<256xi32, #tpu.memory_space<vmem>>[vector<16xi32>], vector<16xi32>, vector<16xi1>
      %eq3A_442 = arith.constant 6 : i32
      %eq3A_443 = vector.broadcast %eq3A_442 : i32 to vector<16xi32>
      %eq3A_444 = arith.cmpi eq, %iota3A, %eq3A_443 : vector<16xi32>
      %and3A_445 = arith.andi %and3A_407, %eq3A_444 : vector<16xi1>
      tpu.vector_store_idx %arg11[%select_n3A_418], %broadcast_in_dim3A_8 masked %and3A_445 {add = true} : memref<256xi32, #tpu.memory_space<vmem>>[vector<16xi32>], vector<16xi32>, vector<16xi1>
      %eq3A_446 = arith.constant 7 : i32
      %eq3A_447 = vector.broadcast %eq3A_446 : i32 to vector<16xi32>
      %eq3A_448 = arith.cmpi eq, %iota3A, %eq3A_447 : vector<16xi32>
      %and3A_449 = arith.andi %and3A_407, %eq3A_448 : vector<16xi1>
      tpu.vector_store_idx %arg11[%select_n3A_418], %broadcast_in_dim3A_8 masked %and3A_449 {add = true} : memref<256xi32, #tpu.memory_space<vmem>>[vector<16xi32>], vector<16xi32>, vector<16xi1>
      %eq3A_450 = arith.constant 8 : i32
      %eq3A_451 = vector.broadcast %eq3A_450 : i32 to vector<16xi32>
      %eq3A_452 = arith.cmpi eq, %iota3A, %eq3A_451 : vector<16xi32>
      %and3A_453 = arith.andi %and3A_407, %eq3A_452 : vector<16xi1>
      tpu.vector_store_idx %arg11[%select_n3A_418], %broadcast_in_dim3A_8 masked %and3A_453 {add = true} : memref<256xi32, #tpu.memory_space<vmem>>[vector<16xi32>], vector<16xi32>, vector<16xi1>
      %eq3A_454 = arith.constant 9 : i32
      %eq3A_455 = vector.broadcast %eq3A_454 : i32 to vector<16xi32>
      %eq3A_456 = arith.cmpi eq, %iota3A, %eq3A_455 : vector<16xi32>
      %and3A_457 = arith.andi %and3A_407, %eq3A_456 : vector<16xi1>
      tpu.vector_store_idx %arg11[%select_n3A_418], %broadcast_in_dim3A_8 masked %and3A_457 {add = true} : memref<256xi32, #tpu.memory_space<vmem>>[vector<16xi32>], vector<16xi32>, vector<16xi1>
      %eq3A_458 = arith.constant 10 : i32
      %eq3A_459 = vector.broadcast %eq3A_458 : i32 to vector<16xi32>
      %eq3A_460 = arith.cmpi eq, %iota3A, %eq3A_459 : vector<16xi32>
      %and3A_461 = arith.andi %and3A_407, %eq3A_460 : vector<16xi1>
      tpu.vector_store_idx %arg11[%select_n3A_418], %broadcast_in_dim3A_8 masked %and3A_461 {add = true} : memref<256xi32, #tpu.memory_space<vmem>>[vector<16xi32>], vector<16xi32>, vector<16xi1>
      %eq3A_462 = arith.constant 11 : i32
      %eq3A_463 = vector.broadcast %eq3A_462 : i32 to vector<16xi32>
      %eq3A_464 = arith.cmpi eq, %iota3A, %eq3A_463 : vector<16xi32>
      %and3A_465 = arith.andi %and3A_407, %eq3A_464 : vector<16xi1>
      tpu.vector_store_idx %arg11[%select_n3A_418], %broadcast_in_dim3A_8 masked %and3A_465 {add = true} : memref<256xi32, #tpu.memory_space<vmem>>[vector<16xi32>], vector<16xi32>, vector<16xi1>
      %eq3A_466 = arith.constant 12 : i32
      %eq3A_467 = vector.broadcast %eq3A_466 : i32 to vector<16xi32>
      %eq3A_468 = arith.cmpi eq, %iota3A, %eq3A_467 : vector<16xi32>
      %and3A_469 = arith.andi %and3A_407, %eq3A_468 : vector<16xi1>
      tpu.vector_store_idx %arg11[%select_n3A_418], %broadcast_in_dim3A_8 masked %and3A_469 {add = true} : memref<256xi32, #tpu.memory_space<vmem>>[vector<16xi32>], vector<16xi32>, vector<16xi1>
      %eq3A_470 = arith.constant 13 : i32
      %eq3A_471 = vector.broadcast %eq3A_470 : i32 to vector<16xi32>
      %eq3A_472 = arith.cmpi eq, %iota3A, %eq3A_471 : vector<16xi32>
      %and3A_473 = arith.andi %and3A_407, %eq3A_472 : vector<16xi1>
      tpu.vector_store_idx %arg11[%select_n3A_418], %broadcast_in_dim3A_8 masked %and3A_473 {add = true} : memref<256xi32, #tpu.memory_space<vmem>>[vector<16xi32>], vector<16xi32>, vector<16xi1>
      %eq3A_474 = arith.constant 14 : i32
      %eq3A_475 = vector.broadcast %eq3A_474 : i32 to vector<16xi32>
      %eq3A_476 = arith.cmpi eq, %iota3A, %eq3A_475 : vector<16xi32>
      %and3A_477 = arith.andi %and3A_407, %eq3A_476 : vector<16xi1>
      tpu.vector_store_idx %arg11[%select_n3A_418], %broadcast_in_dim3A_8 masked %and3A_477 {add = true} : memref<256xi32, #tpu.memory_space<vmem>>[vector<16xi32>], vector<16xi32>, vector<16xi1>
      %eq3A_478 = arith.constant 15 : i32
      %eq3A_479 = vector.broadcast %eq3A_478 : i32 to vector<16xi32>
      %eq3A_480 = arith.cmpi eq, %iota3A, %eq3A_479 : vector<16xi32>
      %and3A_481 = arith.andi %and3A_407, %eq3A_480 : vector<16xi1>
      tpu.vector_store_idx %arg11[%select_n3A_418], %broadcast_in_dim3A_8 masked %and3A_481 {add = true} : memref<256xi32, #tpu.memory_space<vmem>>[vector<16xi32>], vector<16xi32>, vector<16xi1>
      %all_reduce_population_count3A = tpu.all_reduce %and3A_407 {dim = 0 : i64, kind = #tpu.reduction_kind<sum>} : vector<16xi1> -> vector<16xi32>
      %slice3A = vector.extract_strided_slice %all_reduce_population_count3A {offsets = [0], sizes = [1], strides = [1]} : vector<16xi32> to vector<1xi32>
      %squeeze3A = vector.extract %slice3A[0] : i32 from vector<1xi32>
      %add3A_482 = arith.addi %scan3A_397, %squeeze3A : i32
      scf.yield %add3A_482 : i32
    }
    %scan3A_77 = arith.constant 1024 : i32
    %scan3A_78 = arith.constant 0 : i32
    %scan3A_79 = arith.constant 0 : i32
    %scan3A_80 = arith.constant 16 : i32
    %scan3A_81 = arith.addi %scan3A_79, %scan3A_80 : i32
    %scan3A_82 = arith.constant 1 : i32
    %scan3A_83 = scf.for %scan3A_396 = %scan3A_79 to %scan3A_81 step %scan3A_82 iter_args(%scan3A_397 = %scan3A_78) -> (i32)  : i32 {
      %mul3A_398 = arith.constant 16 : i32
      %mul3A_399 = arith.muli %scan3A_396, %mul3A_398 : i32
      %multiple_of3A = tpu.assume_multiple %mul3A_399, 16 : i32
      %get3A = arith.index_cast %multiple_of3A : i32 to index
      %get3A_400 = tpu.vector_load %arg11[%get3A] {strides = array<i32>} : memref<256xi32, #tpu.memory_space<vmem>>, vector<16xi32>,
      %broadcast_in_dim3A_401 = arith.constant true
      %broadcast_in_dim3A_402 = vector.broadcast %broadcast_in_dim3A_401 : i1 to vector<16xi1>
      %masked_cumsum3A = tpu.scan <sum>, %get3A_400 masked %broadcast_in_dim3A_402 : vector<16xi32>, vector<16xi1> -> vector<16xi32>
      %sub3A_403 = arith.subi %masked_cumsum3A, %get3A_400 : vector<16xi32>
      %add3A_404 = vector.broadcast %scan3A_397 : i32 to vector<16xi32>
      %add3A_405 = arith.addi %sub3A_403, %add3A_404 : vector<16xi32>
      %mul3A_406 = arith.constant 16 : i32
      %mul3A_407 = arith.muli %scan3A_396, %mul3A_406 : i32
      %multiple_of3A_408 = tpu.assume_multiple %mul3A_407, 16 : i32
      %swap3A_409 = arith.index_cast %multiple_of3A_408 : i32 to index
      %swap3A_410 = tpu.vector_load %arg12[%swap3A_409] {strides = array<i32>} : memref<256xi32, #tpu.memory_space<vmem>>, vector<16xi32>,
      tpu.vector_store %arg12[%swap3A_409], %add3A_405 {strides = array<i32>} : memref<256xi32, #tpu.memory_space<vmem>>, vector<16xi32>,
      %mul3A_411 = arith.constant 16 : i32
      %mul3A_412 = arith.muli %scan3A_396, %mul3A_411 : i32
      %multiple_of3A_413 = tpu.assume_multiple %mul3A_412, 16 : i32
      %swap3A_414 = arith.index_cast %multiple_of3A_413 : i32 to index
      %swap3A_415 = tpu.vector_load %arg13[%swap3A_414] {strides = array<i32>} : memref<256xi32, #tpu.memory_space<vmem>>, vector<16xi32>,
      tpu.vector_store %arg13[%swap3A_414], %add3A_405 {strides = array<i32>} : memref<256xi32, #tpu.memory_space<vmem>>, vector<16xi32>,
      %slice3A = vector.extract_strided_slice %masked_cumsum3A {offsets = [15], sizes = [1], strides = [1]} : vector<16xi32> to vector<1xi32>
      %squeeze3A = vector.extract %slice3A[0] : i32 from vector<1xi32>
      %add3A_416 = arith.addi %scan3A_397, %squeeze3A : i32
      scf.yield %add3A_416 : i32
    }
    %scan3A_84 = arith.constant 16 : i32
    %add3A_85 = arith.constant 16 : i32
    %add3A_86 = arith.addi %scan3A_76, %add3A_85 : i32
    %sub3A = arith.constant 1 : i32
    %sub3A_87 = arith.subi %add3A_86, %sub3A : i32
    %jit3A = arith.constant 16 : i32
    %div3A = arith.divsi %sub3A_87, %jit3A : i32
    %sign3A = arith.constant 0 : i32
    %sign3A_88 = arith.cmpi sgt, %sub3A_87, %sign3A : i32
    %sign3A_89 = arith.extui %sign3A_88 : i1 to i32
    %sign3A_90 = arith.constant 0 : i32
    %sign3A_91 = arith.cmpi slt, %sub3A_87, %sign3A_90 : i32
    %sign3A_92 = arith.extui %sign3A_91 : i1 to i32
    %sign3A_93 = arith.subi %sign3A_89, %sign3A_92 : i32
    %sign3A_94 = arith.constant 0 : i32
    %sign3A_95 = arith.cmpi sgt, %jit3A, %sign3A_94 : i32
    %sign3A_96 = arith.extui %sign3A_95 : i1 to i32
    %sign3A_97 = arith.constant 0 : i32
    %sign3A_98 = arith.cmpi slt, %jit3A, %sign3A_97 : i32
    %sign3A_99 = arith.extui %sign3A_98 : i1 to i32
    %sign3A_100 = arith.subi %sign3A_96, %sign3A_99 : i32
    %ne3A = arith.cmpi ne, %sign3A_93, %sign3A_100 : i32
    %rem3A = arith.remsi %sub3A_87, %jit3A : i32
    %ne3A_101 = arith.constant 0 : i32
    %ne3A_102 = arith.cmpi ne, %rem3A, %ne3A_101 : i32
    %and3A = arith.andi %ne3A, %ne3A_102 : i1
    %sub3A_103 = arith.constant 1 : i32
    %sub3A_104 = arith.subi %div3A, %sub3A_103 : i32
    %select_n3A = arith.select %and3A, %sub3A_104, %div3A : i32
    %while3A = arith.constant 0 : i32
    %while3A_105 = arith.constant 0 : i32
    %while3A_106 = arith.subi %select_n3A, %while3A_105 : i32
    %while3A_107 = arith.addi %while3A_105, %while3A_106 : i32
    %while3A_108 = arith.constant 1 : i32
    %while3A_109 = arith.divsi %while3A_106, %while3A_108 : i32
    %while3A_110 = arith.muli %while3A_109, %while3A_108 : i32
    %while3A_111 = arith.addi %while3A_105, %while3A_110 : i32
    %while3A_112 = arith.constant 1 : i32
    scf.for %while3A_396 = %while3A_105 to %while3A_111 step %while3A_112  : i32 {
      %mul3A_397 = arith.constant 16 : i32
      %mul3A_398 = arith.muli %while3A_396, %mul3A_397 : i32
      %multiple_of3A = tpu.assume_multiple %mul3A_398, 16 : i32
      %get3A = arith.index_cast %multiple_of3A : i32 to index
      %get3A_399 = tpu.vector_load %arg9[%get3A] {strides = array<i32>} : memref<16384xi32, #tpu.memory_space<vmem>>, vector<16xi32>,
      %mul3A_400 = arith.constant 16 : i32
      %mul3A_401 = arith.muli %while3A_396, %mul3A_400 : i32
      %add3A_402 = vector.broadcast %mul3A_401 : i32 to vector<16xi32>
      %add3A_403 = arith.addi %add3A_402, %iota3A : vector<16xi32>
      %lt3A_404 = vector.broadcast %scan3A_76 : i32 to vector<16xi32>
      %lt3A_405 = arith.cmpi slt, %add3A_403, %lt3A_404 : vector<16xi32>
      %jit3A_406 = arith.constant 0 : i32
      %broadcast_in_dim3A_407 = vector.broadcast %jit3A_406 : i32 to vector<16xi32>
      %select_n3A_408 = arith.select %lt3A_405, %get3A_399, %broadcast_in_dim3A_407 : vector<16xi1>, vector<16xi32>
      %gather3A = tpu.vector_load_idx %arg8[%select_n3A_408] : memref<16384xi32, #tpu.memory_space<vmem>>[vector<16xi32>], vector<16xi32>,
      %shift_right_logical3A = arith.constant 7 : i32
      %shift_right_logical3A_409 = vector.broadcast %shift_right_logical3A : i32 to vector<16xi32>
      %shift_right_logical3A_410 = arith.shrui %gather3A, %shift_right_logical3A_409 : vector<16xi32>
      %sub3A_411 = vector.broadcast %add3A_4 : i32 to vector<16xi32>
      %sub3A_412 = arith.subi %shift_right_logical3A_410, %sub3A_411 : vector<16xi32>
      %jit3A_413 = arith.constant 0 : i32
      %broadcast_in_dim3A_414 = vector.broadcast %jit3A_413 : i32 to vector<16xi32>
      %select_n3A_415 = arith.select %lt3A_405, %sub3A_412, %broadcast_in_dim3A_414 : vector<16xi1>, vector<16xi32>
      %and3A_416 = arith.constant 127 : i32
      %and3A_417 = vector.broadcast %and3A_416 : i32 to vector<16xi32>
      %and3A_418 = arith.andi %gather3A, %and3A_417 : vector<16xi32>
      %shift_left3A = arith.constant 14 : i32
      %shift_left3A_419 = vector.broadcast %shift_left3A : i32 to vector<16xi32>
      %shift_left3A_420 = arith.shli %and3A_418, %shift_left3A_419 : vector<16xi32>
      %or3A = arith.ori %select_n3A_408, %shift_left3A_420 : vector<16xi32>
      %eq3A = arith.constant 0 : i32
      %eq3A_421 = vector.broadcast %eq3A : i32 to vector<16xi32>
      %eq3A_422 = arith.cmpi eq, %iota3A, %eq3A_421 : vector<16xi32>
      %and3A_423 = arith.andi %lt3A_405, %eq3A_422 : vector<16xi1>
      %gather3A_424 = tpu.vector_load_idx %arg13[%select_n3A_415] : memref<256xi32, #tpu.memory_space<vmem>>[vector<16xi32>], vector<16xi32>,
      tpu.vector_store_idx %arg10[%gather3A_424], %or3A masked %and3A_423 : memref<16384xi32, #tpu.memory_space<vmem>>[vector<16xi32>], vector<16xi32>, vector<16xi1>
      tpu.vector_store_idx %arg13[%select_n3A_415], %broadcast_in_dim3A_8 masked %and3A_423 {add = true} : memref<256xi32, #tpu.memory_space<vmem>>[vector<16xi32>], vector<16xi32>, vector<16xi1>
      %eq3A_425 = arith.constant 1 : i32
      %eq3A_426 = vector.broadcast %eq3A_425 : i32 to vector<16xi32>
      %eq3A_427 = arith.cmpi eq, %iota3A, %eq3A_426 : vector<16xi32>
      %and3A_428 = arith.andi %lt3A_405, %eq3A_427 : vector<16xi1>
      %gather3A_429 = tpu.vector_load_idx %arg13[%select_n3A_415] : memref<256xi32, #tpu.memory_space<vmem>>[vector<16xi32>], vector<16xi32>,
      tpu.vector_store_idx %arg10[%gather3A_429], %or3A masked %and3A_428 : memref<16384xi32, #tpu.memory_space<vmem>>[vector<16xi32>], vector<16xi32>, vector<16xi1>
      tpu.vector_store_idx %arg13[%select_n3A_415], %broadcast_in_dim3A_8 masked %and3A_428 {add = true} : memref<256xi32, #tpu.memory_space<vmem>>[vector<16xi32>], vector<16xi32>, vector<16xi1>
      %eq3A_430 = arith.constant 2 : i32
      %eq3A_431 = vector.broadcast %eq3A_430 : i32 to vector<16xi32>
      %eq3A_432 = arith.cmpi eq, %iota3A, %eq3A_431 : vector<16xi32>
      %and3A_433 = arith.andi %lt3A_405, %eq3A_432 : vector<16xi1>
      %gather3A_434 = tpu.vector_load_idx %arg13[%select_n3A_415] : memref<256xi32, #tpu.memory_space<vmem>>[vector<16xi32>], vector<16xi32>,
      tpu.vector_store_idx %arg10[%gather3A_434], %or3A masked %and3A_433 : memref<16384xi32, #tpu.memory_space<vmem>>[vector<16xi32>], vector<16xi32>, vector<16xi1>
      tpu.vector_store_idx %arg13[%select_n3A_415], %broadcast_in_dim3A_8 masked %and3A_433 {add = true} : memref<256xi32, #tpu.memory_space<vmem>>[vector<16xi32>], vector<16xi32>, vector<16xi1>
      %eq3A_435 = arith.constant 3 : i32
      %eq3A_436 = vector.broadcast %eq3A_435 : i32 to vector<16xi32>
      %eq3A_437 = arith.cmpi eq, %iota3A, %eq3A_436 : vector<16xi32>
      %and3A_438 = arith.andi %lt3A_405, %eq3A_437 : vector<16xi1>
      %gather3A_439 = tpu.vector_load_idx %arg13[%select_n3A_415] : memref<256xi32, #tpu.memory_space<vmem>>[vector<16xi32>], vector<16xi32>,
      tpu.vector_store_idx %arg10[%gather3A_439], %or3A masked %and3A_438 : memref<16384xi32, #tpu.memory_space<vmem>>[vector<16xi32>], vector<16xi32>, vector<16xi1>
      tpu.vector_store_idx %arg13[%select_n3A_415], %broadcast_in_dim3A_8 masked %and3A_438 {add = true} : memref<256xi32, #tpu.memory_space<vmem>>[vector<16xi32>], vector<16xi32>, vector<16xi1>
      %eq3A_440 = arith.constant 4 : i32
      %eq3A_441 = vector.broadcast %eq3A_440 : i32 to vector<16xi32>
      %eq3A_442 = arith.cmpi eq, %iota3A, %eq3A_441 : vector<16xi32>
      %and3A_443 = arith.andi %lt3A_405, %eq3A_442 : vector<16xi1>
      %gather3A_444 = tpu.vector_load_idx %arg13[%select_n3A_415] : memref<256xi32, #tpu.memory_space<vmem>>[vector<16xi32>], vector<16xi32>,
      tpu.vector_store_idx %arg10[%gather3A_444], %or3A masked %and3A_443 : memref<16384xi32, #tpu.memory_space<vmem>>[vector<16xi32>], vector<16xi32>, vector<16xi1>
      tpu.vector_store_idx %arg13[%select_n3A_415], %broadcast_in_dim3A_8 masked %and3A_443 {add = true} : memref<256xi32, #tpu.memory_space<vmem>>[vector<16xi32>], vector<16xi32>, vector<16xi1>
      %eq3A_445 = arith.constant 5 : i32
      %eq3A_446 = vector.broadcast %eq3A_445 : i32 to vector<16xi32>
      %eq3A_447 = arith.cmpi eq, %iota3A, %eq3A_446 : vector<16xi32>
      %and3A_448 = arith.andi %lt3A_405, %eq3A_447 : vector<16xi1>
      %gather3A_449 = tpu.vector_load_idx %arg13[%select_n3A_415] : memref<256xi32, #tpu.memory_space<vmem>>[vector<16xi32>], vector<16xi32>,
      tpu.vector_store_idx %arg10[%gather3A_449], %or3A masked %and3A_448 : memref<16384xi32, #tpu.memory_space<vmem>>[vector<16xi32>], vector<16xi32>, vector<16xi1>
      tpu.vector_store_idx %arg13[%select_n3A_415], %broadcast_in_dim3A_8 masked %and3A_448 {add = true} : memref<256xi32, #tpu.memory_space<vmem>>[vector<16xi32>], vector<16xi32>, vector<16xi1>
      %eq3A_450 = arith.constant 6 : i32
      %eq3A_451 = vector.broadcast %eq3A_450 : i32 to vector<16xi32>
      %eq3A_452 = arith.cmpi eq, %iota3A, %eq3A_451 : vector<16xi32>
      %and3A_453 = arith.andi %lt3A_405, %eq3A_452 : vector<16xi1>
      %gather3A_454 = tpu.vector_load_idx %arg13[%select_n3A_415] : memref<256xi32, #tpu.memory_space<vmem>>[vector<16xi32>], vector<16xi32>,
      tpu.vector_store_idx %arg10[%gather3A_454], %or3A masked %and3A_453 : memref<16384xi32, #tpu.memory_space<vmem>>[vector<16xi32>], vector<16xi32>, vector<16xi1>
      tpu.vector_store_idx %arg13[%select_n3A_415], %broadcast_in_dim3A_8 masked %and3A_453 {add = true} : memref<256xi32, #tpu.memory_space<vmem>>[vector<16xi32>], vector<16xi32>, vector<16xi1>
      %eq3A_455 = arith.constant 7 : i32
      %eq3A_456 = vector.broadcast %eq3A_455 : i32 to vector<16xi32>
      %eq3A_457 = arith.cmpi eq, %iota3A, %eq3A_456 : vector<16xi32>
      %and3A_458 = arith.andi %lt3A_405, %eq3A_457 : vector<16xi1>
      %gather3A_459 = tpu.vector_load_idx %arg13[%select_n3A_415] : memref<256xi32, #tpu.memory_space<vmem>>[vector<16xi32>], vector<16xi32>,
      tpu.vector_store_idx %arg10[%gather3A_459], %or3A masked %and3A_458 : memref<16384xi32, #tpu.memory_space<vmem>>[vector<16xi32>], vector<16xi32>, vector<16xi1>
      tpu.vector_store_idx %arg13[%select_n3A_415], %broadcast_in_dim3A_8 masked %and3A_458 {add = true} : memref<256xi32, #tpu.memory_space<vmem>>[vector<16xi32>], vector<16xi32>, vector<16xi1>
      %eq3A_460 = arith.constant 8 : i32
      %eq3A_461 = vector.broadcast %eq3A_460 : i32 to vector<16xi32>
      %eq3A_462 = arith.cmpi eq, %iota3A, %eq3A_461 : vector<16xi32>
      %and3A_463 = arith.andi %lt3A_405, %eq3A_462 : vector<16xi1>
      %gather3A_464 = tpu.vector_load_idx %arg13[%select_n3A_415] : memref<256xi32, #tpu.memory_space<vmem>>[vector<16xi32>], vector<16xi32>,
      tpu.vector_store_idx %arg10[%gather3A_464], %or3A masked %and3A_463 : memref<16384xi32, #tpu.memory_space<vmem>>[vector<16xi32>], vector<16xi32>, vector<16xi1>
      tpu.vector_store_idx %arg13[%select_n3A_415], %broadcast_in_dim3A_8 masked %and3A_463 {add = true} : memref<256xi32, #tpu.memory_space<vmem>>[vector<16xi32>], vector<16xi32>, vector<16xi1>
      %eq3A_465 = arith.constant 9 : i32
      %eq3A_466 = vector.broadcast %eq3A_465 : i32 to vector<16xi32>
      %eq3A_467 = arith.cmpi eq, %iota3A, %eq3A_466 : vector<16xi32>
      %and3A_468 = arith.andi %lt3A_405, %eq3A_467 : vector<16xi1>
      %gather3A_469 = tpu.vector_load_idx %arg13[%select_n3A_415] : memref<256xi32, #tpu.memory_space<vmem>>[vector<16xi32>], vector<16xi32>,
      tpu.vector_store_idx %arg10[%gather3A_469], %or3A masked %and3A_468 : memref<16384xi32, #tpu.memory_space<vmem>>[vector<16xi32>], vector<16xi32>, vector<16xi1>
      tpu.vector_store_idx %arg13[%select_n3A_415], %broadcast_in_dim3A_8 masked %and3A_468 {add = true} : memref<256xi32, #tpu.memory_space<vmem>>[vector<16xi32>], vector<16xi32>, vector<16xi1>
      %eq3A_470 = arith.constant 10 : i32
      %eq3A_471 = vector.broadcast %eq3A_470 : i32 to vector<16xi32>
      %eq3A_472 = arith.cmpi eq, %iota3A, %eq3A_471 : vector<16xi32>
      %and3A_473 = arith.andi %lt3A_405, %eq3A_472 : vector<16xi1>
      %gather3A_474 = tpu.vector_load_idx %arg13[%select_n3A_415] : memref<256xi32, #tpu.memory_space<vmem>>[vector<16xi32>], vector<16xi32>,
      tpu.vector_store_idx %arg10[%gather3A_474], %or3A masked %and3A_473 : memref<16384xi32, #tpu.memory_space<vmem>>[vector<16xi32>], vector<16xi32>, vector<16xi1>
      tpu.vector_store_idx %arg13[%select_n3A_415], %broadcast_in_dim3A_8 masked %and3A_473 {add = true} : memref<256xi32, #tpu.memory_space<vmem>>[vector<16xi32>], vector<16xi32>, vector<16xi1>
      %eq3A_475 = arith.constant 11 : i32
      %eq3A_476 = vector.broadcast %eq3A_475 : i32 to vector<16xi32>
      %eq3A_477 = arith.cmpi eq, %iota3A, %eq3A_476 : vector<16xi32>
      %and3A_478 = arith.andi %lt3A_405, %eq3A_477 : vector<16xi1>
      %gather3A_479 = tpu.vector_load_idx %arg13[%select_n3A_415] : memref<256xi32, #tpu.memory_space<vmem>>[vector<16xi32>], vector<16xi32>,
      tpu.vector_store_idx %arg10[%gather3A_479], %or3A masked %and3A_478 : memref<16384xi32, #tpu.memory_space<vmem>>[vector<16xi32>], vector<16xi32>, vector<16xi1>
      tpu.vector_store_idx %arg13[%select_n3A_415], %broadcast_in_dim3A_8 masked %and3A_478 {add = true} : memref<256xi32, #tpu.memory_space<vmem>>[vector<16xi32>], vector<16xi32>, vector<16xi1>
      %eq3A_480 = arith.constant 12 : i32
      %eq3A_481 = vector.broadcast %eq3A_480 : i32 to vector<16xi32>
      %eq3A_482 = arith.cmpi eq, %iota3A, %eq3A_481 : vector<16xi32>
      %and3A_483 = arith.andi %lt3A_405, %eq3A_482 : vector<16xi1>
      %gather3A_484 = tpu.vector_load_idx %arg13[%select_n3A_415] : memref<256xi32, #tpu.memory_space<vmem>>[vector<16xi32>], vector<16xi32>,
      tpu.vector_store_idx %arg10[%gather3A_484], %or3A masked %and3A_483 : memref<16384xi32, #tpu.memory_space<vmem>>[vector<16xi32>], vector<16xi32>, vector<16xi1>
      tpu.vector_store_idx %arg13[%select_n3A_415], %broadcast_in_dim3A_8 masked %and3A_483 {add = true} : memref<256xi32, #tpu.memory_space<vmem>>[vector<16xi32>], vector<16xi32>, vector<16xi1>
      %eq3A_485 = arith.constant 13 : i32
      %eq3A_486 = vector.broadcast %eq3A_485 : i32 to vector<16xi32>
      %eq3A_487 = arith.cmpi eq, %iota3A, %eq3A_486 : vector<16xi32>
      %and3A_488 = arith.andi %lt3A_405, %eq3A_487 : vector<16xi1>
      %gather3A_489 = tpu.vector_load_idx %arg13[%select_n3A_415] : memref<256xi32, #tpu.memory_space<vmem>>[vector<16xi32>], vector<16xi32>,
      tpu.vector_store_idx %arg10[%gather3A_489], %or3A masked %and3A_488 : memref<16384xi32, #tpu.memory_space<vmem>>[vector<16xi32>], vector<16xi32>, vector<16xi1>
      tpu.vector_store_idx %arg13[%select_n3A_415], %broadcast_in_dim3A_8 masked %and3A_488 {add = true} : memref<256xi32, #tpu.memory_space<vmem>>[vector<16xi32>], vector<16xi32>, vector<16xi1>
      %eq3A_490 = arith.constant 14 : i32
      %eq3A_491 = vector.broadcast %eq3A_490 : i32 to vector<16xi32>
      %eq3A_492 = arith.cmpi eq, %iota3A, %eq3A_491 : vector<16xi32>
      %and3A_493 = arith.andi %lt3A_405, %eq3A_492 : vector<16xi1>
      %gather3A_494 = tpu.vector_load_idx %arg13[%select_n3A_415] : memref<256xi32, #tpu.memory_space<vmem>>[vector<16xi32>], vector<16xi32>,
      tpu.vector_store_idx %arg10[%gather3A_494], %or3A masked %and3A_493 : memref<16384xi32, #tpu.memory_space<vmem>>[vector<16xi32>], vector<16xi32>, vector<16xi1>
      tpu.vector_store_idx %arg13[%select_n3A_415], %broadcast_in_dim3A_8 masked %and3A_493 {add = true} : memref<256xi32, #tpu.memory_space<vmem>>[vector<16xi32>], vector<16xi32>, vector<16xi1>
      %eq3A_495 = arith.constant 15 : i32
      %eq3A_496 = vector.broadcast %eq3A_495 : i32 to vector<16xi32>
      %eq3A_497 = arith.cmpi eq, %iota3A, %eq3A_496 : vector<16xi32>
      %and3A_498 = arith.andi %lt3A_405, %eq3A_497 : vector<16xi1>
      %gather3A_499 = tpu.vector_load_idx %arg13[%select_n3A_415] : memref<256xi32, #tpu.memory_space<vmem>>[vector<16xi32>], vector<16xi32>,
      tpu.vector_store_idx %arg10[%gather3A_499], %or3A masked %and3A_498 : memref<16384xi32, #tpu.memory_space<vmem>>[vector<16xi32>], vector<16xi32>, vector<16xi1>
      tpu.vector_store_idx %arg13[%select_n3A_415], %broadcast_in_dim3A_8 masked %and3A_498 {add = true} : memref<256xi32, #tpu.memory_space<vmem>>[vector<16xi32>], vector<16xi32>, vector<16xi1>
    }
    %while3A_113 = arith.constant 1 : i32
    scf.for %while3A_396 = %while3A_111 to %while3A_107 step %while3A_113  : i32 {
      %mul3A_397 = arith.constant 16 : i32
      %mul3A_398 = arith.muli %while3A_396, %mul3A_397 : i32
      %multiple_of3A = tpu.assume_multiple %mul3A_398, 16 : i32
      %get3A = arith.index_cast %multiple_of3A : i32 to index
      %get3A_399 = tpu.vector_load %arg9[%get3A] {strides = array<i32>} : memref<16384xi32, #tpu.memory_space<vmem>>, vector<16xi32>,
      %mul3A_400 = arith.constant 16 : i32
      %mul3A_401 = arith.muli %while3A_396, %mul3A_400 : i32
      %add3A_402 = vector.broadcast %mul3A_401 : i32 to vector<16xi32>
      %add3A_403 = arith.addi %add3A_402, %iota3A : vector<16xi32>
      %lt3A_404 = vector.broadcast %scan3A_76 : i32 to vector<16xi32>
      %lt3A_405 = arith.cmpi slt, %add3A_403, %lt3A_404 : vector<16xi32>
      %jit3A_406 = arith.constant 0 : i32
      %broadcast_in_dim3A_407 = vector.broadcast %jit3A_406 : i32 to vector<16xi32>
      %select_n3A_408 = arith.select %lt3A_405, %get3A_399, %broadcast_in_dim3A_407 : vector<16xi1>, vector<16xi32>
      %gather3A = tpu.vector_load_idx %arg8[%select_n3A_408] : memref<16384xi32, #tpu.memory_space<vmem>>[vector<16xi32>], vector<16xi32>,
      %shift_right_logical3A = arith.constant 7 : i32
      %shift_right_logical3A_409 = vector.broadcast %shift_right_logical3A : i32 to vector<16xi32>
      %shift_right_logical3A_410 = arith.shrui %gather3A, %shift_right_logical3A_409 : vector<16xi32>
      %sub3A_411 = vector.broadcast %add3A_4 : i32 to vector<16xi32>
      %sub3A_412 = arith.subi %shift_right_logical3A_410, %sub3A_411 : vector<16xi32>
      %jit3A_413 = arith.constant 0 : i32
      %broadcast_in_dim3A_414 = vector.broadcast %jit3A_413 : i32 to vector<16xi32>
      %select_n3A_415 = arith.select %lt3A_405, %sub3A_412, %broadcast_in_dim3A_414 : vector<16xi1>, vector<16xi32>
      %and3A_416 = arith.constant 127 : i32
      %and3A_417 = vector.broadcast %and3A_416 : i32 to vector<16xi32>
      %and3A_418 = arith.andi %gather3A, %and3A_417 : vector<16xi32>
      %shift_left3A = arith.constant 14 : i32
      %shift_left3A_419 = vector.broadcast %shift_left3A : i32 to vector<16xi32>
      %shift_left3A_420 = arith.shli %and3A_418, %shift_left3A_419 : vector<16xi32>
      %or3A = arith.ori %select_n3A_408, %shift_left3A_420 : vector<16xi32>
      %eq3A = arith.constant 0 : i32
      %eq3A_421 = vector.broadcast %eq3A : i32 to vector<16xi32>
      %eq3A_422 = arith.cmpi eq, %iota3A, %eq3A_421 : vector<16xi32>
      %and3A_423 = arith.andi %lt3A_405, %eq3A_422 : vector<16xi1>
      %gather3A_424 = tpu.vector_load_idx %arg13[%select_n3A_415] : memref<256xi32, #tpu.memory_space<vmem>>[vector<16xi32>], vector<16xi32>,
      tpu.vector_store_idx %arg10[%gather3A_424], %or3A masked %and3A_423 : memref<16384xi32, #tpu.memory_space<vmem>>[vector<16xi32>], vector<16xi32>, vector<16xi1>
      tpu.vector_store_idx %arg13[%select_n3A_415], %broadcast_in_dim3A_8 masked %and3A_423 {add = true} : memref<256xi32, #tpu.memory_space<vmem>>[vector<16xi32>], vector<16xi32>, vector<16xi1>
      %eq3A_425 = arith.constant 1 : i32
      %eq3A_426 = vector.broadcast %eq3A_425 : i32 to vector<16xi32>
      %eq3A_427 = arith.cmpi eq, %iota3A, %eq3A_426 : vector<16xi32>
      %and3A_428 = arith.andi %lt3A_405, %eq3A_427 : vector<16xi1>
      %gather3A_429 = tpu.vector_load_idx %arg13[%select_n3A_415] : memref<256xi32, #tpu.memory_space<vmem>>[vector<16xi32>], vector<16xi32>,
      tpu.vector_store_idx %arg10[%gather3A_429], %or3A masked %and3A_428 : memref<16384xi32, #tpu.memory_space<vmem>>[vector<16xi32>], vector<16xi32>, vector<16xi1>
      tpu.vector_store_idx %arg13[%select_n3A_415], %broadcast_in_dim3A_8 masked %and3A_428 {add = true} : memref<256xi32, #tpu.memory_space<vmem>>[vector<16xi32>], vector<16xi32>, vector<16xi1>
      %eq3A_430 = arith.constant 2 : i32
      %eq3A_431 = vector.broadcast %eq3A_430 : i32 to vector<16xi32>
      %eq3A_432 = arith.cmpi eq, %iota3A, %eq3A_431 : vector<16xi32>
      %and3A_433 = arith.andi %lt3A_405, %eq3A_432 : vector<16xi1>
      %gather3A_434 = tpu.vector_load_idx %arg13[%select_n3A_415] : memref<256xi32, #tpu.memory_space<vmem>>[vector<16xi32>], vector<16xi32>,
      tpu.vector_store_idx %arg10[%gather3A_434], %or3A masked %and3A_433 : memref<16384xi32, #tpu.memory_space<vmem>>[vector<16xi32>], vector<16xi32>, vector<16xi1>
      tpu.vector_store_idx %arg13[%select_n3A_415], %broadcast_in_dim3A_8 masked %and3A_433 {add = true} : memref<256xi32, #tpu.memory_space<vmem>>[vector<16xi32>], vector<16xi32>, vector<16xi1>
      %eq3A_435 = arith.constant 3 : i32
      %eq3A_436 = vector.broadcast %eq3A_435 : i32 to vector<16xi32>
      %eq3A_437 = arith.cmpi eq, %iota3A, %eq3A_436 : vector<16xi32>
      %and3A_438 = arith.andi %lt3A_405, %eq3A_437 : vector<16xi1>
      %gather3A_439 = tpu.vector_load_idx %arg13[%select_n3A_415] : memref<256xi32, #tpu.memory_space<vmem>>[vector<16xi32>], vector<16xi32>,
      tpu.vector_store_idx %arg10[%gather3A_439], %or3A masked %and3A_438 : memref<16384xi32, #tpu.memory_space<vmem>>[vector<16xi32>], vector<16xi32>, vector<16xi1>
      tpu.vector_store_idx %arg13[%select_n3A_415], %broadcast_in_dim3A_8 masked %and3A_438 {add = true} : memref<256xi32, #tpu.memory_space<vmem>>[vector<16xi32>], vector<16xi32>, vector<16xi1>
      %eq3A_440 = arith.constant 4 : i32
      %eq3A_441 = vector.broadcast %eq3A_440 : i32 to vector<16xi32>
      %eq3A_442 = arith.cmpi eq, %iota3A, %eq3A_441 : vector<16xi32>
      %and3A_443 = arith.andi %lt3A_405, %eq3A_442 : vector<16xi1>
      %gather3A_444 = tpu.vector_load_idx %arg13[%select_n3A_415] : memref<256xi32, #tpu.memory_space<vmem>>[vector<16xi32>], vector<16xi32>,
      tpu.vector_store_idx %arg10[%gather3A_444], %or3A masked %and3A_443 : memref<16384xi32, #tpu.memory_space<vmem>>[vector<16xi32>], vector<16xi32>, vector<16xi1>
      tpu.vector_store_idx %arg13[%select_n3A_415], %broadcast_in_dim3A_8 masked %and3A_443 {add = true} : memref<256xi32, #tpu.memory_space<vmem>>[vector<16xi32>], vector<16xi32>, vector<16xi1>
      %eq3A_445 = arith.constant 5 : i32
      %eq3A_446 = vector.broadcast %eq3A_445 : i32 to vector<16xi32>
      %eq3A_447 = arith.cmpi eq, %iota3A, %eq3A_446 : vector<16xi32>
      %and3A_448 = arith.andi %lt3A_405, %eq3A_447 : vector<16xi1>
      %gather3A_449 = tpu.vector_load_idx %arg13[%select_n3A_415] : memref<256xi32, #tpu.memory_space<vmem>>[vector<16xi32>], vector<16xi32>,
      tpu.vector_store_idx %arg10[%gather3A_449], %or3A masked %and3A_448 : memref<16384xi32, #tpu.memory_space<vmem>>[vector<16xi32>], vector<16xi32>, vector<16xi1>
      tpu.vector_store_idx %arg13[%select_n3A_415], %broadcast_in_dim3A_8 masked %and3A_448 {add = true} : memref<256xi32, #tpu.memory_space<vmem>>[vector<16xi32>], vector<16xi32>, vector<16xi1>
      %eq3A_450 = arith.constant 6 : i32
      %eq3A_451 = vector.broadcast %eq3A_450 : i32 to vector<16xi32>
      %eq3A_452 = arith.cmpi eq, %iota3A, %eq3A_451 : vector<16xi32>
      %and3A_453 = arith.andi %lt3A_405, %eq3A_452 : vector<16xi1>
      %gather3A_454 = tpu.vector_load_idx %arg13[%select_n3A_415] : memref<256xi32, #tpu.memory_space<vmem>>[vector<16xi32>], vector<16xi32>,
      tpu.vector_store_idx %arg10[%gather3A_454], %or3A masked %and3A_453 : memref<16384xi32, #tpu.memory_space<vmem>>[vector<16xi32>], vector<16xi32>, vector<16xi1>
      tpu.vector_store_idx %arg13[%select_n3A_415], %broadcast_in_dim3A_8 masked %and3A_453 {add = true} : memref<256xi32, #tpu.memory_space<vmem>>[vector<16xi32>], vector<16xi32>, vector<16xi1>
      %eq3A_455 = arith.constant 7 : i32
      %eq3A_456 = vector.broadcast %eq3A_455 : i32 to vector<16xi32>
      %eq3A_457 = arith.cmpi eq, %iota3A, %eq3A_456 : vector<16xi32>
      %and3A_458 = arith.andi %lt3A_405, %eq3A_457 : vector<16xi1>
      %gather3A_459 = tpu.vector_load_idx %arg13[%select_n3A_415] : memref<256xi32, #tpu.memory_space<vmem>>[vector<16xi32>], vector<16xi32>,
      tpu.vector_store_idx %arg10[%gather3A_459], %or3A masked %and3A_458 : memref<16384xi32, #tpu.memory_space<vmem>>[vector<16xi32>], vector<16xi32>, vector<16xi1>
      tpu.vector_store_idx %arg13[%select_n3A_415], %broadcast_in_dim3A_8 masked %and3A_458 {add = true} : memref<256xi32, #tpu.memory_space<vmem>>[vector<16xi32>], vector<16xi32>, vector<16xi1>
      %eq3A_460 = arith.constant 8 : i32
      %eq3A_461 = vector.broadcast %eq3A_460 : i32 to vector<16xi32>
      %eq3A_462 = arith.cmpi eq, %iota3A, %eq3A_461 : vector<16xi32>
      %and3A_463 = arith.andi %lt3A_405, %eq3A_462 : vector<16xi1>
      %gather3A_464 = tpu.vector_load_idx %arg13[%select_n3A_415] : memref<256xi32, #tpu.memory_space<vmem>>[vector<16xi32>], vector<16xi32>,
      tpu.vector_store_idx %arg10[%gather3A_464], %or3A masked %and3A_463 : memref<16384xi32, #tpu.memory_space<vmem>>[vector<16xi32>], vector<16xi32>, vector<16xi1>
      tpu.vector_store_idx %arg13[%select_n3A_415], %broadcast_in_dim3A_8 masked %and3A_463 {add = true} : memref<256xi32, #tpu.memory_space<vmem>>[vector<16xi32>], vector<16xi32>, vector<16xi1>
      %eq3A_465 = arith.constant 9 : i32
      %eq3A_466 = vector.broadcast %eq3A_465 : i32 to vector<16xi32>
      %eq3A_467 = arith.cmpi eq, %iota3A, %eq3A_466 : vector<16xi32>
      %and3A_468 = arith.andi %lt3A_405, %eq3A_467 : vector<16xi1>
      %gather3A_469 = tpu.vector_load_idx %arg13[%select_n3A_415] : memref<256xi32, #tpu.memory_space<vmem>>[vector<16xi32>], vector<16xi32>,
      tpu.vector_store_idx %arg10[%gather3A_469], %or3A masked %and3A_468 : memref<16384xi32, #tpu.memory_space<vmem>>[vector<16xi32>], vector<16xi32>, vector<16xi1>
      tpu.vector_store_idx %arg13[%select_n3A_415], %broadcast_in_dim3A_8 masked %and3A_468 {add = true} : memref<256xi32, #tpu.memory_space<vmem>>[vector<16xi32>], vector<16xi32>, vector<16xi1>
      %eq3A_470 = arith.constant 10 : i32
      %eq3A_471 = vector.broadcast %eq3A_470 : i32 to vector<16xi32>
      %eq3A_472 = arith.cmpi eq, %iota3A, %eq3A_471 : vector<16xi32>
      %and3A_473 = arith.andi %lt3A_405, %eq3A_472 : vector<16xi1>
      %gather3A_474 = tpu.vector_load_idx %arg13[%select_n3A_415] : memref<256xi32, #tpu.memory_space<vmem>>[vector<16xi32>], vector<16xi32>,
      tpu.vector_store_idx %arg10[%gather3A_474], %or3A masked %and3A_473 : memref<16384xi32, #tpu.memory_space<vmem>>[vector<16xi32>], vector<16xi32>, vector<16xi1>
      tpu.vector_store_idx %arg13[%select_n3A_415], %broadcast_in_dim3A_8 masked %and3A_473 {add = true} : memref<256xi32, #tpu.memory_space<vmem>>[vector<16xi32>], vector<16xi32>, vector<16xi1>
      %eq3A_475 = arith.constant 11 : i32
      %eq3A_476 = vector.broadcast %eq3A_475 : i32 to vector<16xi32>
      %eq3A_477 = arith.cmpi eq, %iota3A, %eq3A_476 : vector<16xi32>
      %and3A_478 = arith.andi %lt3A_405, %eq3A_477 : vector<16xi1>
      %gather3A_479 = tpu.vector_load_idx %arg13[%select_n3A_415] : memref<256xi32, #tpu.memory_space<vmem>>[vector<16xi32>], vector<16xi32>,
      tpu.vector_store_idx %arg10[%gather3A_479], %or3A masked %and3A_478 : memref<16384xi32, #tpu.memory_space<vmem>>[vector<16xi32>], vector<16xi32>, vector<16xi1>
      tpu.vector_store_idx %arg13[%select_n3A_415], %broadcast_in_dim3A_8 masked %and3A_478 {add = true} : memref<256xi32, #tpu.memory_space<vmem>>[vector<16xi32>], vector<16xi32>, vector<16xi1>
      %eq3A_480 = arith.constant 12 : i32
      %eq3A_481 = vector.broadcast %eq3A_480 : i32 to vector<16xi32>
      %eq3A_482 = arith.cmpi eq, %iota3A, %eq3A_481 : vector<16xi32>
      %and3A_483 = arith.andi %lt3A_405, %eq3A_482 : vector<16xi1>
      %gather3A_484 = tpu.vector_load_idx %arg13[%select_n3A_415] : memref<256xi32, #tpu.memory_space<vmem>>[vector<16xi32>], vector<16xi32>,
      tpu.vector_store_idx %arg10[%gather3A_484], %or3A masked %and3A_483 : memref<16384xi32, #tpu.memory_space<vmem>>[vector<16xi32>], vector<16xi32>, vector<16xi1>
      tpu.vector_store_idx %arg13[%select_n3A_415], %broadcast_in_dim3A_8 masked %and3A_483 {add = true} : memref<256xi32, #tpu.memory_space<vmem>>[vector<16xi32>], vector<16xi32>, vector<16xi1>
      %eq3A_485 = arith.constant 13 : i32
      %eq3A_486 = vector.broadcast %eq3A_485 : i32 to vector<16xi32>
      %eq3A_487 = arith.cmpi eq, %iota3A, %eq3A_486 : vector<16xi32>
      %and3A_488 = arith.andi %lt3A_405, %eq3A_487 : vector<16xi1>
      %gather3A_489 = tpu.vector_load_idx %arg13[%select_n3A_415] : memref<256xi32, #tpu.memory_space<vmem>>[vector<16xi32>], vector<16xi32>,
      tpu.vector_store_idx %arg10[%gather3A_489], %or3A masked %and3A_488 : memref<16384xi32, #tpu.memory_space<vmem>>[vector<16xi32>], vector<16xi32>, vector<16xi1>
      tpu.vector_store_idx %arg13[%select_n3A_415], %broadcast_in_dim3A_8 masked %and3A_488 {add = true} : memref<256xi32, #tpu.memory_space<vmem>>[vector<16xi32>], vector<16xi32>, vector<16xi1>
      %eq3A_490 = arith.constant 14 : i32
      %eq3A_491 = vector.broadcast %eq3A_490 : i32 to vector<16xi32>
      %eq3A_492 = arith.cmpi eq, %iota3A, %eq3A_491 : vector<16xi32>
      %and3A_493 = arith.andi %lt3A_405, %eq3A_492 : vector<16xi1>
      %gather3A_494 = tpu.vector_load_idx %arg13[%select_n3A_415] : memref<256xi32, #tpu.memory_space<vmem>>[vector<16xi32>], vector<16xi32>,
      tpu.vector_store_idx %arg10[%gather3A_494], %or3A masked %and3A_493 : memref<16384xi32, #tpu.memory_space<vmem>>[vector<16xi32>], vector<16xi32>, vector<16xi1>
      tpu.vector_store_idx %arg13[%select_n3A_415], %broadcast_in_dim3A_8 masked %and3A_493 {add = true} : memref<256xi32, #tpu.memory_space<vmem>>[vector<16xi32>], vector<16xi32>, vector<16xi1>
      %eq3A_495 = arith.constant 15 : i32
      %eq3A_496 = vector.broadcast %eq3A_495 : i32 to vector<16xi32>
      %eq3A_497 = arith.cmpi eq, %iota3A, %eq3A_496 : vector<16xi32>
      %and3A_498 = arith.andi %lt3A_405, %eq3A_497 : vector<16xi1>
      %gather3A_499 = tpu.vector_load_idx %arg13[%select_n3A_415] : memref<256xi32, #tpu.memory_space<vmem>>[vector<16xi32>], vector<16xi32>,
      tpu.vector_store_idx %arg10[%gather3A_499], %or3A masked %and3A_498 : memref<16384xi32, #tpu.memory_space<vmem>>[vector<16xi32>], vector<16xi32>, vector<16xi1>
      tpu.vector_store_idx %arg13[%select_n3A_415], %broadcast_in_dim3A_8 masked %and3A_498 {add = true} : memref<256xi32, #tpu.memory_space<vmem>>[vector<16xi32>], vector<16xi32>, vector<16xi1>
    }
    %scan3A_114 = arith.constant 0 : i32
    %scan3A_115 = arith.constant 0 : i32
    %scan3A_116 = arith.constant 16 : i32
    %scan3A_117 = arith.addi %scan3A_115, %scan3A_116 : i32
    %scan3A_118 = arith.constant 1 : i32
    %scan3A_119 = scf.for %scan3A_396 = %scan3A_115 to %scan3A_117 step %scan3A_118 iter_args(%scan3A_397 = %scan3A_114) -> (i32)  : i32 {
      %mul3A_398 = arith.constant 16 : i32
      %mul3A_399 = arith.muli %scan3A_396, %mul3A_398 : i32
      %add3A_400 = vector.broadcast %mul3A_399 : i32 to vector<16xi32>
      %add3A_401 = arith.addi %add3A_400, %iota3A : vector<16xi32>
      %mul3A_402 = arith.constant 16 : i32
      %mul3A_403 = arith.muli %scan3A_396, %mul3A_402 : i32
      %multiple_of3A = tpu.assume_multiple %mul3A_403, 16 : i32
      %get3A = arith.index_cast %multiple_of3A : i32 to index
      %get3A_404 = tpu.vector_load %arg11[%get3A] {strides = array<i32>} : memref<256xi32, #tpu.memory_space<vmem>>, vector<16xi32>,
      %gt3A_405 = arith.constant 0 : i32
      %gt3A_406 = vector.broadcast %gt3A_405 : i32 to vector<16xi32>
      %gt3A_407 = arith.cmpi sgt, %get3A_404, %gt3A_406 : vector<16xi32>
      %swap3A_408 = arith.index_cast %scan3A_397 : i32 to index
      %swap3A_409 = tpu.vector_load %arg14[%swap3A_408] masked %gt3A_407 {strides = array<i32>} : memref<256xi32, #tpu.memory_space<vmem>>, vector<16xi32>, vector<16xi1>
      tpu.vector_store %arg14[%swap3A_408], %add3A_401 masked %gt3A_407 {strides = array<i32>} : memref<256xi32, #tpu.memory_space<vmem>>, vector<16xi32>, vector<16xi1>
      %all_reduce_population_count3A = tpu.all_reduce %gt3A_407 {dim = 0 : i64, kind = #tpu.reduction_kind<sum>} : vector<16xi1> -> vector<16xi32>
      %slice3A = vector.extract_strided_slice %all_reduce_population_count3A {offsets = [0], sizes = [1], strides = [1]} : vector<16xi32> to vector<1xi32>
      %squeeze3A = vector.extract %slice3A[0] : i32 from vector<1xi32>
      %add3A_410 = arith.addi %scan3A_397, %squeeze3A : i32
      scf.yield %add3A_410 : i32
    }
    %scan3A_120 = arith.constant 16 : i32
    %gt3A = arith.constant 0 : i32
    %gt3A_121 = arith.cmpi sgt, %scan3A_119, %gt3A : i32
    %convert_element_type3A_122 = arith.extui %gt3A_121 : i1 to i32
    %cond3A = arith.constant 0 : i32
    %cond3A_123 = arith.cmpi ne, %convert_element_type3A_122, %cond3A : i32
    scf.if %cond3A_123 {
      %broadcast_in_dim3A_396 = arith.constant 0 : i32
      %broadcast_in_dim3A_397 = vector.broadcast %broadcast_in_dim3A_396 : i32 to vector<16xi32>
      %gather3A = tpu.vector_load_idx %arg14[%broadcast_in_dim3A_397] : memref<256xi32, #tpu.memory_space<vmem>>[vector<16xi32>], vector<16xi32>,
      %slice3A = vector.extract_strided_slice %gather3A {offsets = [0], sizes = [1], strides = [1]} : vector<16xi32> to vector<1xi32>
      %squeeze3A = vector.extract %slice3A[0] : i32 from vector<1xi32>
      %add3A_398 = arith.addi %add3A_4, %squeeze3A : i32
      %lt3A_399 = arith.constant 7812 : i32
      %lt3A_400 = arith.cmpi slt, %add3A_398, %lt3A_399 : i32
      %convert_element_type3A_401 = arith.extui %lt3A_400 : i1 to i32
      %cond3A_402 = arith.constant 0 : i32
      %cond3A_403 = arith.cmpi ne, %convert_element_type3A_401, %cond3A_402 : i32
      scf.if %cond3A_403 {
        %mul3A_408 = arith.constant 128 : i32
        %mul3A_409 = arith.muli %add3A_398, %mul3A_408 : i32
        %multiple_of3A = tpu.assume_multiple %mul3A_409, 128 : i32
        %dma_start3A = arith.constant 0 : i32
        %dma_start3A_410 = arith.constant 0 : i32
        %dma_start3A_411 = arith.constant 0 : i32
        %dma_start3A_412 = tpu.memref_slice %arg15[%dma_start3A, %dma_start3A_410, %dma_start3A_411] : memref<6x64x128xf32, #tpu.memory_space<vmem>> -> memref<1x64x128xf32, #tpu.memory_space<vmem>>
        %dma_start3A_413 = tpu.memref_squeeze %dma_start3A_412 : memref<1x64x128xf32, #tpu.memory_space<vmem>> -> memref<64x128xf32, #tpu.memory_space<vmem>>
        %dma_start3A_414 = arith.constant 0 : i32
        %dma_start3A_415 = tpu.memref_slice %arg4[%dma_start3A_414, %multiple_of3A] : memref<64x1000000xf32, #tpu.memory_space<hbm>> -> memref<64x128xf32, #tpu.memory_space<hbm>>
        %dma_start3A_416 = arith.constant 0 : i32
        %dma_start3A_417 = arith.constant 0 : i32
        %dma_start3A_418 = tpu.memref_slice %arg15[%dma_start3A, %dma_start3A_416, %dma_start3A_417] : memref<6x64x128xf32, #tpu.memory_space<vmem>> -> memref<1x64x128xf32, #tpu.memory_space<vmem>>
        %dma_start3A_419 = tpu.memref_squeeze %dma_start3A_418 : memref<1x64x128xf32, #tpu.memory_space<vmem>> -> memref<64x128xf32, #tpu.memory_space<vmem>>
        %dma_start3A_420 = arith.constant 0 : i32
        %dma_start3A_421 = tpu.memref_slice %arg4[%dma_start3A_420, %multiple_of3A] : memref<64x1000000xf32, #tpu.memory_space<hbm>> -> memref<64x128xf32, #tpu.memory_space<hbm>>
        tpu.enqueue_dma source(%dma_start3A_421 : memref<64x128xf32, #tpu.memory_space<hbm>>) target(%dma_start3A_419 : memref<64x128xf32, #tpu.memory_space<vmem>>) target_semaphore(%arg18 : memref<!tpu.dma_semaphore, #tpu.memory_space<semaphore_mem>>)
      } else {
      }
      %eq3A = arith.constant 7812 : i32
      %eq3A_404 = arith.cmpi eq, %add3A_398, %eq3A : i32
      %convert_element_type3A_405 = arith.extui %eq3A_404 : i1 to i32
      %cond3A_406 = arith.constant 0 : i32
      %cond3A_407 = arith.cmpi ne, %convert_element_type3A_405, %cond3A_406 : i32
      scf.if %cond3A_407 {
        %dma_start3A = arith.constant 0 : i32
        %dma_start3A_408 = arith.constant 999936 : i32
        %dma_start3A_409 = tpu.memref_slice %arg4[%dma_start3A, %dma_start3A_408] : memref<64x1000000xf32, #tpu.memory_space<hbm>> -> memref<64x64xf32, #tpu.memory_space<hbm>>
        %dma_start3A_410 = arith.constant 0 : i32
        %dma_start3A_411 = arith.constant 999936 : i32
        %dma_start3A_412 = tpu.memref_slice %arg4[%dma_start3A_410, %dma_start3A_411] : memref<64x1000000xf32, #tpu.memory_space<hbm>> -> memref<64x64xf32, #tpu.memory_space<hbm>>
        tpu.enqueue_dma source(%dma_start3A_412 : memref<64x64xf32, #tpu.memory_space<hbm>>) target(%arg16 : memref<64x64xf32, #tpu.memory_space<vmem>>) target_semaphore(%arg18 : memref<!tpu.dma_semaphore, #tpu.memory_space<semaphore_mem>>)
      } else {
      }
    } else {
    }
    %gt3A_124 = arith.constant 1 : i32
    %gt3A_125 = arith.cmpi sgt, %scan3A_119, %gt3A_124 : i32
    %convert_element_type3A_126 = arith.extui %gt3A_125 : i1 to i32
    %cond3A_127 = arith.constant 0 : i32
    %cond3A_128 = arith.cmpi ne, %convert_element_type3A_126, %cond3A_127 : i32
    scf.if %cond3A_128 {
      %broadcast_in_dim3A_396 = arith.constant 1 : i32
      %broadcast_in_dim3A_397 = vector.broadcast %broadcast_in_dim3A_396 : i32 to vector<16xi32>
      %gather3A = tpu.vector_load_idx %arg14[%broadcast_in_dim3A_397] : memref<256xi32, #tpu.memory_space<vmem>>[vector<16xi32>], vector<16xi32>,
      %slice3A = vector.extract_strided_slice %gather3A {offsets = [0], sizes = [1], strides = [1]} : vector<16xi32> to vector<1xi32>
      %squeeze3A = vector.extract %slice3A[0] : i32 from vector<1xi32>
      %add3A_398 = arith.addi %add3A_4, %squeeze3A : i32
      %lt3A_399 = arith.constant 7812 : i32
      %lt3A_400 = arith.cmpi slt, %add3A_398, %lt3A_399 : i32
      %convert_element_type3A_401 = arith.extui %lt3A_400 : i1 to i32
      %cond3A_402 = arith.constant 0 : i32
      %cond3A_403 = arith.cmpi ne, %convert_element_type3A_401, %cond3A_402 : i32
      scf.if %cond3A_403 {
        %mul3A_408 = arith.constant 128 : i32
        %mul3A_409 = arith.muli %add3A_398, %mul3A_408 : i32
        %multiple_of3A = tpu.assume_multiple %mul3A_409, 128 : i32
        %dma_start3A = arith.constant 1 : i32
        %dma_start3A_410 = arith.constant 0 : i32
        %dma_start3A_411 = arith.constant 0 : i32
        %dma_start3A_412 = tpu.memref_slice %arg15[%dma_start3A, %dma_start3A_410, %dma_start3A_411] : memref<6x64x128xf32, #tpu.memory_space<vmem>> -> memref<1x64x128xf32, #tpu.memory_space<vmem>>
        %dma_start3A_413 = tpu.memref_squeeze %dma_start3A_412 : memref<1x64x128xf32, #tpu.memory_space<vmem>> -> memref<64x128xf32, #tpu.memory_space<vmem>>
        %dma_start3A_414 = arith.constant 0 : i32
        %dma_start3A_415 = tpu.memref_slice %arg4[%dma_start3A_414, %multiple_of3A] : memref<64x1000000xf32, #tpu.memory_space<hbm>> -> memref<64x128xf32, #tpu.memory_space<hbm>>
        %dma_start3A_416 = arith.constant 0 : i32
        %dma_start3A_417 = arith.constant 0 : i32
        %dma_start3A_418 = tpu.memref_slice %arg15[%dma_start3A, %dma_start3A_416, %dma_start3A_417] : memref<6x64x128xf32, #tpu.memory_space<vmem>> -> memref<1x64x128xf32, #tpu.memory_space<vmem>>
        %dma_start3A_419 = tpu.memref_squeeze %dma_start3A_418 : memref<1x64x128xf32, #tpu.memory_space<vmem>> -> memref<64x128xf32, #tpu.memory_space<vmem>>
        %dma_start3A_420 = arith.constant 0 : i32
        %dma_start3A_421 = tpu.memref_slice %arg4[%dma_start3A_420, %multiple_of3A] : memref<64x1000000xf32, #tpu.memory_space<hbm>> -> memref<64x128xf32, #tpu.memory_space<hbm>>
        tpu.enqueue_dma source(%dma_start3A_421 : memref<64x128xf32, #tpu.memory_space<hbm>>) target(%dma_start3A_419 : memref<64x128xf32, #tpu.memory_space<vmem>>) target_semaphore(%arg18 : memref<!tpu.dma_semaphore, #tpu.memory_space<semaphore_mem>>)
      } else {
      }
      %eq3A = arith.constant 7812 : i32
      %eq3A_404 = arith.cmpi eq, %add3A_398, %eq3A : i32
      %convert_element_type3A_405 = arith.extui %eq3A_404 : i1 to i32
      %cond3A_406 = arith.constant 0 : i32
      %cond3A_407 = arith.cmpi ne, %convert_element_type3A_405, %cond3A_406 : i32
      scf.if %cond3A_407 {
        %dma_start3A = arith.constant 0 : i32
        %dma_start3A_408 = arith.constant 999936 : i32
        %dma_start3A_409 = tpu.memref_slice %arg4[%dma_start3A, %dma_start3A_408] : memref<64x1000000xf32, #tpu.memory_space<hbm>> -> memref<64x64xf32, #tpu.memory_space<hbm>>
        %dma_start3A_410 = arith.constant 0 : i32
        %dma_start3A_411 = arith.constant 999936 : i32
        %dma_start3A_412 = tpu.memref_slice %arg4[%dma_start3A_410, %dma_start3A_411] : memref<64x1000000xf32, #tpu.memory_space<hbm>> -> memref<64x64xf32, #tpu.memory_space<hbm>>
        tpu.enqueue_dma source(%dma_start3A_412 : memref<64x64xf32, #tpu.memory_space<hbm>>) target(%arg16 : memref<64x64xf32, #tpu.memory_space<vmem>>) target_semaphore(%arg18 : memref<!tpu.dma_semaphore, #tpu.memory_space<semaphore_mem>>)
      } else {
      }
    } else {
    }
    %gt3A_129 = arith.constant 2 : i32
    %gt3A_130 = arith.cmpi sgt, %scan3A_119, %gt3A_129 : i32
    %convert_element_type3A_131 = arith.extui %gt3A_130 : i1 to i32
    %cond3A_132 = arith.constant 0 : i32
    %cond3A_133 = arith.cmpi ne, %convert_element_type3A_131, %cond3A_132 : i32
    scf.if %cond3A_133 {
      %broadcast_in_dim3A_396 = arith.constant 2 : i32
      %broadcast_in_dim3A_397 = vector.broadcast %broadcast_in_dim3A_396 : i32 to vector<16xi32>
      %gather3A = tpu.vector_load_idx %arg14[%broadcast_in_dim3A_397] : memref<256xi32, #tpu.memory_space<vmem>>[vector<16xi32>], vector<16xi32>,
      %slice3A = vector.extract_strided_slice %gather3A {offsets = [0], sizes = [1], strides = [1]} : vector<16xi32> to vector<1xi32>
      %squeeze3A = vector.extract %slice3A[0] : i32 from vector<1xi32>
      %add3A_398 = arith.addi %add3A_4, %squeeze3A : i32
      %lt3A_399 = arith.constant 7812 : i32
      %lt3A_400 = arith.cmpi slt, %add3A_398, %lt3A_399 : i32
      %convert_element_type3A_401 = arith.extui %lt3A_400 : i1 to i32
      %cond3A_402 = arith.constant 0 : i32
      %cond3A_403 = arith.cmpi ne, %convert_element_type3A_401, %cond3A_402 : i32
      scf.if %cond3A_403 {
        %mul3A_408 = arith.constant 128 : i32
        %mul3A_409 = arith.muli %add3A_398, %mul3A_408 : i32
        %multiple_of3A = tpu.assume_multiple %mul3A_409, 128 : i32
        %dma_start3A = arith.constant 2 : i32
        %dma_start3A_410 = arith.constant 0 : i32
        %dma_start3A_411 = arith.constant 0 : i32
        %dma_start3A_412 = tpu.memref_slice %arg15[%dma_start3A, %dma_start3A_410, %dma_start3A_411] : memref<6x64x128xf32, #tpu.memory_space<vmem>> -> memref<1x64x128xf32, #tpu.memory_space<vmem>>
        %dma_start3A_413 = tpu.memref_squeeze %dma_start3A_412 : memref<1x64x128xf32, #tpu.memory_space<vmem>> -> memref<64x128xf32, #tpu.memory_space<vmem>>
        %dma_start3A_414 = arith.constant 0 : i32
        %dma_start3A_415 = tpu.memref_slice %arg4[%dma_start3A_414, %multiple_of3A] : memref<64x1000000xf32, #tpu.memory_space<hbm>> -> memref<64x128xf32, #tpu.memory_space<hbm>>
        %dma_start3A_416 = arith.constant 0 : i32
        %dma_start3A_417 = arith.constant 0 : i32
        %dma_start3A_418 = tpu.memref_slice %arg15[%dma_start3A, %dma_start3A_416, %dma_start3A_417] : memref<6x64x128xf32, #tpu.memory_space<vmem>> -> memref<1x64x128xf32, #tpu.memory_space<vmem>>
        %dma_start3A_419 = tpu.memref_squeeze %dma_start3A_418 : memref<1x64x128xf32, #tpu.memory_space<vmem>> -> memref<64x128xf32, #tpu.memory_space<vmem>>
        %dma_start3A_420 = arith.constant 0 : i32
        %dma_start3A_421 = tpu.memref_slice %arg4[%dma_start3A_420, %multiple_of3A] : memref<64x1000000xf32, #tpu.memory_space<hbm>> -> memref<64x128xf32, #tpu.memory_space<hbm>>
        tpu.enqueue_dma source(%dma_start3A_421 : memref<64x128xf32, #tpu.memory_space<hbm>>) target(%dma_start3A_419 : memref<64x128xf32, #tpu.memory_space<vmem>>) target_semaphore(%arg18 : memref<!tpu.dma_semaphore, #tpu.memory_space<semaphore_mem>>)
      } else {
      }
      %eq3A = arith.constant 7812 : i32
      %eq3A_404 = arith.cmpi eq, %add3A_398, %eq3A : i32
      %convert_element_type3A_405 = arith.extui %eq3A_404 : i1 to i32
      %cond3A_406 = arith.constant 0 : i32
      %cond3A_407 = arith.cmpi ne, %convert_element_type3A_405, %cond3A_406 : i32
      scf.if %cond3A_407 {
        %dma_start3A = arith.constant 0 : i32
        %dma_start3A_408 = arith.constant 999936 : i32
        %dma_start3A_409 = tpu.memref_slice %arg4[%dma_start3A, %dma_start3A_408] : memref<64x1000000xf32, #tpu.memory_space<hbm>> -> memref<64x64xf32, #tpu.memory_space<hbm>>
        %dma_start3A_410 = arith.constant 0 : i32
        %dma_start3A_411 = arith.constant 999936 : i32
        %dma_start3A_412 = tpu.memref_slice %arg4[%dma_start3A_410, %dma_start3A_411] : memref<64x1000000xf32, #tpu.memory_space<hbm>> -> memref<64x64xf32, #tpu.memory_space<hbm>>
        tpu.enqueue_dma source(%dma_start3A_412 : memref<64x64xf32, #tpu.memory_space<hbm>>) target(%arg16 : memref<64x64xf32, #tpu.memory_space<vmem>>) target_semaphore(%arg18 : memref<!tpu.dma_semaphore, #tpu.memory_space<semaphore_mem>>)
      } else {
      }
    } else {
    }
    %gt3A_134 = arith.constant 3 : i32
    %gt3A_135 = arith.cmpi sgt, %scan3A_119, %gt3A_134 : i32
    %convert_element_type3A_136 = arith.extui %gt3A_135 : i1 to i32
    %cond3A_137 = arith.constant 0 : i32
    %cond3A_138 = arith.cmpi ne, %convert_element_type3A_136, %cond3A_137 : i32
    scf.if %cond3A_138 {
      %broadcast_in_dim3A_396 = arith.constant 3 : i32
      %broadcast_in_dim3A_397 = vector.broadcast %broadcast_in_dim3A_396 : i32 to vector<16xi32>
      %gather3A = tpu.vector_load_idx %arg14[%broadcast_in_dim3A_397] : memref<256xi32, #tpu.memory_space<vmem>>[vector<16xi32>], vector<16xi32>,
      %slice3A = vector.extract_strided_slice %gather3A {offsets = [0], sizes = [1], strides = [1]} : vector<16xi32> to vector<1xi32>
      %squeeze3A = vector.extract %slice3A[0] : i32 from vector<1xi32>
      %add3A_398 = arith.addi %add3A_4, %squeeze3A : i32
      %lt3A_399 = arith.constant 7812 : i32
      %lt3A_400 = arith.cmpi slt, %add3A_398, %lt3A_399 : i32
      %convert_element_type3A_401 = arith.extui %lt3A_400 : i1 to i32
      %cond3A_402 = arith.constant 0 : i32
      %cond3A_403 = arith.cmpi ne, %convert_element_type3A_401, %cond3A_402 : i32
      scf.if %cond3A_403 {
        %mul3A_408 = arith.constant 128 : i32
        %mul3A_409 = arith.muli %add3A_398, %mul3A_408 : i32
        %multiple_of3A = tpu.assume_multiple %mul3A_409, 128 : i32
        %dma_start3A = arith.constant 3 : i32
        %dma_start3A_410 = arith.constant 0 : i32
        %dma_start3A_411 = arith.constant 0 : i32
        %dma_start3A_412 = tpu.memref_slice %arg15[%dma_start3A, %dma_start3A_410, %dma_start3A_411] : memref<6x64x128xf32, #tpu.memory_space<vmem>> -> memref<1x64x128xf32, #tpu.memory_space<vmem>>
        %dma_start3A_413 = tpu.memref_squeeze %dma_start3A_412 : memref<1x64x128xf32, #tpu.memory_space<vmem>> -> memref<64x128xf32, #tpu.memory_space<vmem>>
        %dma_start3A_414 = arith.constant 0 : i32
        %dma_start3A_415 = tpu.memref_slice %arg4[%dma_start3A_414, %multiple_of3A] : memref<64x1000000xf32, #tpu.memory_space<hbm>> -> memref<64x128xf32, #tpu.memory_space<hbm>>
        %dma_start3A_416 = arith.constant 0 : i32
        %dma_start3A_417 = arith.constant 0 : i32
        %dma_start3A_418 = tpu.memref_slice %arg15[%dma_start3A, %dma_start3A_416, %dma_start3A_417] : memref<6x64x128xf32, #tpu.memory_space<vmem>> -> memref<1x64x128xf32, #tpu.memory_space<vmem>>
        %dma_start3A_419 = tpu.memref_squeeze %dma_start3A_418 : memref<1x64x128xf32, #tpu.memory_space<vmem>> -> memref<64x128xf32, #tpu.memory_space<vmem>>
        %dma_start3A_420 = arith.constant 0 : i32
        %dma_start3A_421 = tpu.memref_slice %arg4[%dma_start3A_420, %multiple_of3A] : memref<64x1000000xf32, #tpu.memory_space<hbm>> -> memref<64x128xf32, #tpu.memory_space<hbm>>
        tpu.enqueue_dma source(%dma_start3A_421 : memref<64x128xf32, #tpu.memory_space<hbm>>) target(%dma_start3A_419 : memref<64x128xf32, #tpu.memory_space<vmem>>) target_semaphore(%arg18 : memref<!tpu.dma_semaphore, #tpu.memory_space<semaphore_mem>>)
      } else {
      }
      %eq3A = arith.constant 7812 : i32
      %eq3A_404 = arith.cmpi eq, %add3A_398, %eq3A : i32
      %convert_element_type3A_405 = arith.extui %eq3A_404 : i1 to i32
      %cond3A_406 = arith.constant 0 : i32
      %cond3A_407 = arith.cmpi ne, %convert_element_type3A_405, %cond3A_406 : i32
      scf.if %cond3A_407 {
        %dma_start3A = arith.constant 0 : i32
        %dma_start3A_408 = arith.constant 999936 : i32
        %dma_start3A_409 = tpu.memref_slice %arg4[%dma_start3A, %dma_start3A_408] : memref<64x1000000xf32, #tpu.memory_space<hbm>> -> memref<64x64xf32, #tpu.memory_space<hbm>>
        %dma_start3A_410 = arith.constant 0 : i32
        %dma_start3A_411 = arith.constant 999936 : i32
        %dma_start3A_412 = tpu.memref_slice %arg4[%dma_start3A_410, %dma_start3A_411] : memref<64x1000000xf32, #tpu.memory_space<hbm>> -> memref<64x64xf32, #tpu.memory_space<hbm>>
        tpu.enqueue_dma source(%dma_start3A_412 : memref<64x64xf32, #tpu.memory_space<hbm>>) target(%arg16 : memref<64x64xf32, #tpu.memory_space<vmem>>) target_semaphore(%arg18 : memref<!tpu.dma_semaphore, #tpu.memory_space<semaphore_mem>>)
      } else {
      }
    } else {
    }
    %gt3A_139 = arith.constant 4 : i32
    %gt3A_140 = arith.cmpi sgt, %scan3A_119, %gt3A_139 : i32
    %convert_element_type3A_141 = arith.extui %gt3A_140 : i1 to i32
    %cond3A_142 = arith.constant 0 : i32
    %cond3A_143 = arith.cmpi ne, %convert_element_type3A_141, %cond3A_142 : i32
    scf.if %cond3A_143 {
      %broadcast_in_dim3A_396 = arith.constant 4 : i32
      %broadcast_in_dim3A_397 = vector.broadcast %broadcast_in_dim3A_396 : i32 to vector<16xi32>
      %gather3A = tpu.vector_load_idx %arg14[%broadcast_in_dim3A_397] : memref<256xi32, #tpu.memory_space<vmem>>[vector<16xi32>], vector<16xi32>,
      %slice3A = vector.extract_strided_slice %gather3A {offsets = [0], sizes = [1], strides = [1]} : vector<16xi32> to vector<1xi32>
      %squeeze3A = vector.extract %slice3A[0] : i32 from vector<1xi32>
      %add3A_398 = arith.addi %add3A_4, %squeeze3A : i32
      %lt3A_399 = arith.constant 7812 : i32
      %lt3A_400 = arith.cmpi slt, %add3A_398, %lt3A_399 : i32
      %convert_element_type3A_401 = arith.extui %lt3A_400 : i1 to i32
      %cond3A_402 = arith.constant 0 : i32
      %cond3A_403 = arith.cmpi ne, %convert_element_type3A_401, %cond3A_402 : i32
      scf.if %cond3A_403 {
        %mul3A_408 = arith.constant 128 : i32
        %mul3A_409 = arith.muli %add3A_398, %mul3A_408 : i32
        %multiple_of3A = tpu.assume_multiple %mul3A_409, 128 : i32
        %dma_start3A = arith.constant 4 : i32
        %dma_start3A_410 = arith.constant 0 : i32
        %dma_start3A_411 = arith.constant 0 : i32
        %dma_start3A_412 = tpu.memref_slice %arg15[%dma_start3A, %dma_start3A_410, %dma_start3A_411] : memref<6x64x128xf32, #tpu.memory_space<vmem>> -> memref<1x64x128xf32, #tpu.memory_space<vmem>>
        %dma_start3A_413 = tpu.memref_squeeze %dma_start3A_412 : memref<1x64x128xf32, #tpu.memory_space<vmem>> -> memref<64x128xf32, #tpu.memory_space<vmem>>
        %dma_start3A_414 = arith.constant 0 : i32
        %dma_start3A_415 = tpu.memref_slice %arg4[%dma_start3A_414, %multiple_of3A] : memref<64x1000000xf32, #tpu.memory_space<hbm>> -> memref<64x128xf32, #tpu.memory_space<hbm>>
        %dma_start3A_416 = arith.constant 0 : i32
        %dma_start3A_417 = arith.constant 0 : i32
        %dma_start3A_418 = tpu.memref_slice %arg15[%dma_start3A, %dma_start3A_416, %dma_start3A_417] : memref<6x64x128xf32, #tpu.memory_space<vmem>> -> memref<1x64x128xf32, #tpu.memory_space<vmem>>
        %dma_start3A_419 = tpu.memref_squeeze %dma_start3A_418 : memref<1x64x128xf32, #tpu.memory_space<vmem>> -> memref<64x128xf32, #tpu.memory_space<vmem>>
        %dma_start3A_420 = arith.constant 0 : i32
        %dma_start3A_421 = tpu.memref_slice %arg4[%dma_start3A_420, %multiple_of3A] : memref<64x1000000xf32, #tpu.memory_space<hbm>> -> memref<64x128xf32, #tpu.memory_space<hbm>>
        tpu.enqueue_dma source(%dma_start3A_421 : memref<64x128xf32, #tpu.memory_space<hbm>>) target(%dma_start3A_419 : memref<64x128xf32, #tpu.memory_space<vmem>>) target_semaphore(%arg18 : memref<!tpu.dma_semaphore, #tpu.memory_space<semaphore_mem>>)
      } else {
      }
      %eq3A = arith.constant 7812 : i32
      %eq3A_404 = arith.cmpi eq, %add3A_398, %eq3A : i32
      %convert_element_type3A_405 = arith.extui %eq3A_404 : i1 to i32
      %cond3A_406 = arith.constant 0 : i32
      %cond3A_407 = arith.cmpi ne, %convert_element_type3A_405, %cond3A_406 : i32
      scf.if %cond3A_407 {
        %dma_start3A = arith.constant 0 : i32
        %dma_start3A_408 = arith.constant 999936 : i32
        %dma_start3A_409 = tpu.memref_slice %arg4[%dma_start3A, %dma_start3A_408] : memref<64x1000000xf32, #tpu.memory_space<hbm>> -> memref<64x64xf32, #tpu.memory_space<hbm>>
        %dma_start3A_410 = arith.constant 0 : i32
        %dma_start3A_411 = arith.constant 999936 : i32
        %dma_start3A_412 = tpu.memref_slice %arg4[%dma_start3A_410, %dma_start3A_411] : memref<64x1000000xf32, #tpu.memory_space<hbm>> -> memref<64x64xf32, #tpu.memory_space<hbm>>
        tpu.enqueue_dma source(%dma_start3A_412 : memref<64x64xf32, #tpu.memory_space<hbm>>) target(%arg16 : memref<64x64xf32, #tpu.memory_space<vmem>>) target_semaphore(%arg18 : memref<!tpu.dma_semaphore, #tpu.memory_space<semaphore_mem>>)
      } else {
      }
    } else {
    }
    %while3A_144 = arith.constant 0 : i32
    %while3A_145 = arith.constant 0 : i32
    %while3A_146 = arith.subi %scan3A_119, %while3A_144 : i32
    %while3A_147 = arith.addi %while3A_144, %while3A_146 : i32
    %while3A_148 = arith.constant 1 : i32
    %while3A_149 = arith.divsi %while3A_146, %while3A_148 : i32
    %while3A_150 = arith.muli %while3A_149, %while3A_148 : i32
    %while3A_151 = arith.addi %while3A_144, %while3A_150 : i32
    %while3A_152 = arith.constant 1 : i32
    %while3A_153 = scf.for %while3A_396 = %while3A_144 to %while3A_151 step %while3A_152 iter_args(%while3A_397 = %while3A_145) -> (i32)  : i32 {
      %broadcast_in_dim3A_398 = vector.broadcast %while3A_396 : i32 to vector<16xi32>
      %gather3A = tpu.vector_load_idx %arg14[%broadcast_in_dim3A_398] : memref<256xi32, #tpu.memory_space<vmem>>[vector<16xi32>], vector<16xi32>,
      %slice3A = vector.extract_strided_slice %gather3A {offsets = [0], sizes = [1], strides = [1]} : vector<16xi32> to vector<1xi32>
      %squeeze3A = vector.extract %slice3A[0] : i32 from vector<1xi32>
      %rem3A_399 = arith.constant 6 : i32
      %rem3A_400 = arith.remsi %while3A_396, %rem3A_399 : i32
      %add3A_401 = arith.constant 5 : i32
      %add3A_402 = arith.addi %while3A_396, %add3A_401 : i32
      %lt3A_403 = arith.cmpi slt, %add3A_402, %scan3A_119 : i32
      %convert_element_type3A_404 = arith.extui %lt3A_403 : i1 to i32
      %cond3A_405 = arith.constant 0 : i32
      %cond3A_406 = arith.cmpi ne, %convert_element_type3A_404, %cond3A_405 : i32
      scf.if %cond3A_406 {
        %add3A_440 = arith.constant 5 : i32
        %add3A_441 = arith.addi %while3A_396, %add3A_440 : i32
        %broadcast_in_dim3A_442 = vector.broadcast %add3A_441 : i32 to vector<16xi32>
        %gather3A_443 = tpu.vector_load_idx %arg14[%broadcast_in_dim3A_442] : memref<256xi32, #tpu.memory_space<vmem>>[vector<16xi32>], vector<16xi32>,
        %slice3A_444 = vector.extract_strided_slice %gather3A_443 {offsets = [0], sizes = [1], strides = [1]} : vector<16xi32> to vector<1xi32>
        %squeeze3A_445 = vector.extract %slice3A_444[0] : i32 from vector<1xi32>
        %add3A_446 = arith.constant 5 : i32
        %add3A_447 = arith.addi %while3A_396, %add3A_446 : i32
        %rem3A_448 = arith.constant 6 : i32
        %rem3A_449 = arith.remsi %add3A_447, %rem3A_448 : i32
        %add3A_450 = arith.addi %add3A_4, %squeeze3A_445 : i32
        %lt3A_451 = arith.constant 7812 : i32
        %lt3A_452 = arith.cmpi slt, %add3A_450, %lt3A_451 : i32
        %convert_element_type3A_453 = arith.extui %lt3A_452 : i1 to i32
        %cond3A_454 = arith.constant 0 : i32
        %cond3A_455 = arith.cmpi ne, %convert_element_type3A_453, %cond3A_454 : i32
        scf.if %cond3A_455 {
          %mul3A_461 = arith.constant 128 : i32
          %mul3A_462 = arith.muli %add3A_450, %mul3A_461 : i32
          %multiple_of3A = tpu.assume_multiple %mul3A_462, 128 : i32
          %dma_start3A = arith.constant 0 : i32
          %dma_start3A_463 = arith.constant 0 : i32
          %dma_start3A_464 = tpu.memref_slice %arg15[%rem3A_449, %dma_start3A, %dma_start3A_463] : memref<6x64x128xf32, #tpu.memory_space<vmem>> -> memref<1x64x128xf32, #tpu.memory_space<vmem>>
          %dma_start3A_465 = tpu.memref_squeeze %dma_start3A_464 : memref<1x64x128xf32, #tpu.memory_space<vmem>> -> memref<64x128xf32, #tpu.memory_space<vmem>>
          %dma_start3A_466 = arith.constant 0 : i32
          %dma_start3A_467 = tpu.memref_slice %arg4[%dma_start3A_466, %multiple_of3A] : memref<64x1000000xf32, #tpu.memory_space<hbm>> -> memref<64x128xf32, #tpu.memory_space<hbm>>
          %dma_start3A_468 = arith.constant 0 : i32
          %dma_start3A_469 = arith.constant 0 : i32
          %dma_start3A_470 = tpu.memref_slice %arg15[%rem3A_449, %dma_start3A_468, %dma_start3A_469] : memref<6x64x128xf32, #tpu.memory_space<vmem>> -> memref<1x64x128xf32, #tpu.memory_space<vmem>>
          %dma_start3A_471 = tpu.memref_squeeze %dma_start3A_470 : memref<1x64x128xf32, #tpu.memory_space<vmem>> -> memref<64x128xf32, #tpu.memory_space<vmem>>
          %dma_start3A_472 = arith.constant 0 : i32
          %dma_start3A_473 = tpu.memref_slice %arg4[%dma_start3A_472, %multiple_of3A] : memref<64x1000000xf32, #tpu.memory_space<hbm>> -> memref<64x128xf32, #tpu.memory_space<hbm>>
          tpu.enqueue_dma source(%dma_start3A_473 : memref<64x128xf32, #tpu.memory_space<hbm>>) target(%dma_start3A_471 : memref<64x128xf32, #tpu.memory_space<vmem>>) target_semaphore(%arg18 : memref<!tpu.dma_semaphore, #tpu.memory_space<semaphore_mem>>)
        } else {
        }
        %eq3A_456 = arith.constant 7812 : i32
        %eq3A_457 = arith.cmpi eq, %add3A_450, %eq3A_456 : i32
        %convert_element_type3A_458 = arith.extui %eq3A_457 : i1 to i32
        %cond3A_459 = arith.constant 0 : i32
        %cond3A_460 = arith.cmpi ne, %convert_element_type3A_458, %cond3A_459 : i32
        scf.if %cond3A_460 {
          %dma_start3A = arith.constant 0 : i32
          %dma_start3A_461 = arith.constant 999936 : i32
          %dma_start3A_462 = tpu.memref_slice %arg4[%dma_start3A, %dma_start3A_461] : memref<64x1000000xf32, #tpu.memory_space<hbm>> -> memref<64x64xf32, #tpu.memory_space<hbm>>
          %dma_start3A_463 = arith.constant 0 : i32
          %dma_start3A_464 = arith.constant 999936 : i32
          %dma_start3A_465 = tpu.memref_slice %arg4[%dma_start3A_463, %dma_start3A_464] : memref<64x1000000xf32, #tpu.memory_space<hbm>> -> memref<64x64xf32, #tpu.memory_space<hbm>>
          tpu.enqueue_dma source(%dma_start3A_465 : memref<64x64xf32, #tpu.memory_space<hbm>>) target(%arg16 : memref<64x64xf32, #tpu.memory_space<vmem>>) target_semaphore(%arg18 : memref<!tpu.dma_semaphore, #tpu.memory_space<semaphore_mem>>)
        } else {
        }
      } else {
      }
      %add3A_407 = arith.addi %add3A_4, %squeeze3A : i32
      %lt3A_408 = arith.constant 7812 : i32
      %lt3A_409 = arith.cmpi slt, %add3A_407, %lt3A_408 : i32
      %convert_element_type3A_410 = arith.extui %lt3A_409 : i1 to i32
      %cond3A_411 = arith.constant 0 : i32
      %cond3A_412 = arith.cmpi ne, %convert_element_type3A_410, %cond3A_411 : i32
      scf.if %cond3A_412 {
        %dma_wait3A = arith.constant 0 : i32
        %dma_wait3A_440 = arith.constant 0 : i32
        %dma_wait3A_441 = tpu.memref_slice %arg15[%rem3A_400, %dma_wait3A, %dma_wait3A_440] : memref<6x64x128xf32, #tpu.memory_space<vmem>> -> memref<1x64x128xf32, #tpu.memory_space<vmem>>
        %dma_wait3A_442 = tpu.memref_squeeze %dma_wait3A_441 : memref<1x64x128xf32, #tpu.memory_space<vmem>> -> memref<64x128xf32, #tpu.memory_space<vmem>>
        %dma_wait3A_443 = arith.constant 0 : i32
        %dma_wait3A_444 = arith.constant 0 : i32
        %dma_wait3A_445 = tpu.memref_slice %arg4[%dma_wait3A_443, %dma_wait3A_444] : memref<64x1000000xf32, #tpu.memory_space<hbm>> -> memref<64x128xf32, #tpu.memory_space<hbm>>
        %dma_wait3A_446 = arith.constant 0 : i32
        %dma_wait3A_447 = arith.constant 0 : i32
        %dma_wait3A_448 = tpu.memref_slice %arg15[%rem3A_400, %dma_wait3A_446, %dma_wait3A_447] : memref<6x64x128xf32, #tpu.memory_space<vmem>> -> memref<1x64x128xf32, #tpu.memory_space<vmem>>
        %dma_wait3A_449 = tpu.memref_squeeze %dma_wait3A_448 : memref<1x64x128xf32, #tpu.memory_space<vmem>> -> memref<64x128xf32, #tpu.memory_space<vmem>>
        %dma_wait3A_450 = arith.constant 0 : i32
        %dma_wait3A_451 = arith.constant 0 : i32
        %dma_wait3A_452 = tpu.memref_slice %arg4[%dma_wait3A_450, %dma_wait3A_451] : memref<64x1000000xf32, #tpu.memory_space<hbm>> -> memref<64x128xf32, #tpu.memory_space<hbm>>
        tpu.wait_dma2 semaphore(%arg18 : memref<!tpu.dma_semaphore, #tpu.memory_space<semaphore_mem>>) src(%dma_wait3A_452 : memref<64x128xf32, #tpu.memory_space<hbm>>) dst(%dma_wait3A_449 : memref<64x128xf32, #tpu.memory_space<vmem>>)
      } else {
      }
      %eq3A = arith.constant 7812 : i32
      %eq3A_413 = arith.cmpi eq, %add3A_407, %eq3A : i32
      %convert_element_type3A_414 = arith.extui %eq3A_413 : i1 to i32
      %cond3A_415 = arith.constant 0 : i32
      %cond3A_416 = arith.cmpi ne, %convert_element_type3A_414, %cond3A_415 : i32
      scf.if %cond3A_416 {
        %dma_wait3A = arith.constant 0 : i32
        %dma_wait3A_440 = arith.constant 999936 : i32
        %dma_wait3A_441 = tpu.memref_slice %arg4[%dma_wait3A, %dma_wait3A_440] : memref<64x1000000xf32, #tpu.memory_space<hbm>> -> memref<64x64xf32, #tpu.memory_space<hbm>>
        %dma_wait3A_442 = arith.constant 0 : i32
        %dma_wait3A_443 = arith.constant 999936 : i32
        %dma_wait3A_444 = tpu.memref_slice %arg4[%dma_wait3A_442, %dma_wait3A_443] : memref<64x1000000xf32, #tpu.memory_space<hbm>> -> memref<64x64xf32, #tpu.memory_space<hbm>>
        tpu.wait_dma2 semaphore(%arg18 : memref<!tpu.dma_semaphore, #tpu.memory_space<semaphore_mem>>) src(%dma_wait3A_444 : memref<64x64xf32, #tpu.memory_space<hbm>>) dst(%arg16 : memref<64x64xf32, #tpu.memory_space<vmem>>)
      } else {
      }
      %broadcast_in_dim3A_417 = vector.broadcast %squeeze3A : i32 to vector<16xi32>
      %gather3A_418 = tpu.vector_load_idx %arg12[%broadcast_in_dim3A_417] : memref<256xi32, #tpu.memory_space<vmem>>[vector<16xi32>], vector<16xi32>,
      %broadcast_in_dim3A_419 = vector.broadcast %squeeze3A : i32 to vector<16xi32>
      %gather3A_420 = tpu.vector_load_idx %arg11[%broadcast_in_dim3A_419] : memref<256xi32, #tpu.memory_space<vmem>>[vector<16xi32>], vector<16xi32>,
      %slice3A_421 = vector.extract_strided_slice %gather3A_418 {offsets = [0], sizes = [1], strides = [1]} : vector<16xi32> to vector<1xi32>
      %squeeze3A_422 = vector.extract %slice3A_421[0] : i32 from vector<1xi32>
      %slice3A_423 = vector.extract_strided_slice %gather3A_420 {offsets = [0], sizes = [1], strides = [1]} : vector<16xi32> to vector<1xi32>
      %squeeze3A_424 = vector.extract %slice3A_423[0] : i32 from vector<1xi32>
      %add3A_425 = arith.addi %squeeze3A_422, %squeeze3A_424 : i32
      %add3A_426 = arith.addi %add3A_4, %squeeze3A : i32
      %eq3A_427 = arith.constant 7812 : i32
      %eq3A_428 = arith.cmpi eq, %add3A_426, %eq3A_427 : i32
      %broadcast_in_dim3A_429 = vector.broadcast %rem3A_400 : i32 to vector<16xi32>
      %while3A_430 = arith.subi %add3A_425, %squeeze3A_422 : i32
      %while3A_431 = arith.addi %squeeze3A_422, %while3A_430 : i32
      %while3A_432 = arith.constant 1 : i32
      %while3A_433 = arith.divsi %while3A_430, %while3A_432 : i32
      %while3A_434 = arith.muli %while3A_433, %while3A_432 : i32
      %while3A_435 = arith.addi %squeeze3A_422, %while3A_434 : i32
      %while3A_436 = arith.constant 1 : i32
      %while3A_437 = scf.for %while3A_440 = %squeeze3A_422 to %while3A_435 step %while3A_436 iter_args(%while3A_441 = %while3A_397) -> (i32)  : i32 {
        %broadcast_in_dim3A_442 = vector.broadcast %while3A_440 : i32 to vector<16xi32>
        %gather3A_443 = tpu.vector_load_idx %arg10[%broadcast_in_dim3A_442] : memref<16384xi32, #tpu.memory_space<vmem>>[vector<16xi32>], vector<16xi32>,
        %slice3A_444 = vector.extract_strided_slice %gather3A_443 {offsets = [0], sizes = [1], strides = [1]} : vector<16xi32> to vector<1xi32>
        %squeeze3A_445 = vector.extract %slice3A_444[0] : i32 from vector<1xi32>
        %and3A_446 = arith.constant 16383 : i32
        %and3A_447 = arith.andi %squeeze3A_445, %and3A_446 : i32
        %shift_right_logical3A = arith.constant 14 : i32
        %shift_right_logical3A_448 = arith.shrui %squeeze3A_445, %shift_right_logical3A : i32
        %broadcast_in_dim3A_449 = vector.broadcast %shift_right_logical3A_448 : i32 to vector<16xi32>
        %and3A_450 = arith.constant 7 : i32
        %and3A_451 = arith.andi %while3A_441, %and3A_450 : i32
        %ge3A = arith.constant 8 : i32
        %ge3A_452 = arith.cmpi sge, %while3A_441, %ge3A : i32
        %convert_element_type3A_453 = arith.extui %ge3A_452 : i1 to i32
        %cond3A_454 = arith.constant 0 : i32
        %cond3A_455 = arith.cmpi ne, %convert_element_type3A_453, %cond3A_454 : i32
        scf.if %cond3A_455 {
          %dma_wait3A = arith.constant 0 : i32
          %dma_wait3A_474 = arith.constant 0 : i32
          %dma_wait3A_475 = tpu.memref_slice %arg17[%and3A_451, %dma_wait3A_474] : memref<8x64xf32, #tpu.memory_space<vmem>> -> memref<1x64xf32, #tpu.memory_space<vmem>>
          %dma_wait3A_476 = tpu.memref_squeeze %dma_wait3A_475 : memref<1x64xf32, #tpu.memory_space<vmem>> -> memref<64xf32, #tpu.memory_space<vmem>>
          %dma_wait3A_477 = arith.constant 0 : i32
          %dma_wait3A_478 = tpu.memref_slice %arg4[%dma_wait3A, %dma_wait3A_477] : memref<64x1000000xf32, #tpu.memory_space<hbm>> -> memref<1x64xf32, #tpu.memory_space<hbm>>
          %dma_wait3A_479 = tpu.memref_squeeze %dma_wait3A_478 : memref<1x64xf32, #tpu.memory_space<hbm>> -> memref<64xf32, #tpu.memory_space<hbm>>
          %dma_wait3A_480 = arith.constant 0 : i32
          %dma_wait3A_481 = tpu.memref_slice %arg17[%and3A_451, %dma_wait3A_480] : memref<8x64xf32, #tpu.memory_space<vmem>> -> memref<1x64xf32, #tpu.memory_space<vmem>>
          %dma_wait3A_482 = tpu.memref_squeeze %dma_wait3A_481 : memref<1x64xf32, #tpu.memory_space<vmem>> -> memref<64xf32, #tpu.memory_space<vmem>>
          %dma_wait3A_483 = arith.constant 0 : i32
          %dma_wait3A_484 = tpu.memref_slice %arg4[%dma_wait3A, %dma_wait3A_483] : memref<64x1000000xf32, #tpu.memory_space<hbm>> -> memref<1x64xf32, #tpu.memory_space<hbm>>
          %dma_wait3A_485 = tpu.memref_squeeze %dma_wait3A_484 : memref<1x64xf32, #tpu.memory_space<hbm>> -> memref<64xf32, #tpu.memory_space<hbm>>
          tpu.wait_dma2 semaphore(%arg19 : memref<!tpu.dma_semaphore, #tpu.memory_space<semaphore_mem>>) src(%dma_wait3A_485 : memref<64xf32, #tpu.memory_space<hbm>>) dst(%dma_wait3A_482 : memref<64xf32, #tpu.memory_space<vmem>>)
        } else {
        }
        %not3A = arith.constant true
        %not3A_456 = arith.xori %eq3A_428, %not3A : i1
        %convert_element_type3A_457 = arith.extui %not3A_456 : i1 to i32
        %cond3A_458 = arith.constant 0 : i32
        %cond3A_459 = arith.cmpi ne, %convert_element_type3A_457, %cond3A_458 : i32
        scf.if %cond3A_459 {
          %add3A_474 = arith.constant 0 : i32
          %add3A_475 = vector.broadcast %add3A_474 : i32 to vector<16xi32>
          %add3A_476 = arith.addi %iota3A, %add3A_475 : vector<16xi32>
          %gather3A_477 = tpu.vector_load_idx %arg15[%broadcast_in_dim3A_429, %add3A_476, %broadcast_in_dim3A_449] : memref<6x64x128xf32, #tpu.memory_space<vmem>>[vector<16xi32>, vector<16xi32>, vector<16xi32>], vector<16xf32>,
          %swap3A_478 = arith.index_cast %and3A_451 : i32 to index
          %swap3A_479 = arith.constant 0 : index
          %swap3A_480 = tpu.vector_load %arg17[%swap3A_478, %swap3A_479] {strides = array<i32>} : memref<8x64xf32, #tpu.memory_space<vmem>>, vector<16xf32>,
          tpu.vector_store %arg17[%swap3A_478, %swap3A_479], %gather3A_477 {strides = array<i32>} : memref<8x64xf32, #tpu.memory_space<vmem>>, vector<16xf32>,
          %add3A_481 = arith.constant 16 : i32
          %add3A_482 = vector.broadcast %add3A_481 : i32 to vector<16xi32>
          %add3A_483 = arith.addi %iota3A, %add3A_482 : vector<16xi32>
          %gather3A_484 = tpu.vector_load_idx %arg15[%broadcast_in_dim3A_429, %add3A_483, %broadcast_in_dim3A_449] : memref<6x64x128xf32, #tpu.memory_space<vmem>>[vector<16xi32>, vector<16xi32>, vector<16xi32>], vector<16xf32>,
          %swap3A_485 = arith.index_cast %and3A_451 : i32 to index
          %swap3A_486 = arith.constant 16 : index
          %swap3A_487 = tpu.vector_load %arg17[%swap3A_485, %swap3A_486] {strides = array<i32>} : memref<8x64xf32, #tpu.memory_space<vmem>>, vector<16xf32>,
          tpu.vector_store %arg17[%swap3A_485, %swap3A_486], %gather3A_484 {strides = array<i32>} : memref<8x64xf32, #tpu.memory_space<vmem>>, vector<16xf32>,
          %add3A_488 = arith.constant 32 : i32
          %add3A_489 = vector.broadcast %add3A_488 : i32 to vector<16xi32>
          %add3A_490 = arith.addi %iota3A, %add3A_489 : vector<16xi32>
          %gather3A_491 = tpu.vector_load_idx %arg15[%broadcast_in_dim3A_429, %add3A_490, %broadcast_in_dim3A_449] : memref<6x64x128xf32, #tpu.memory_space<vmem>>[vector<16xi32>, vector<16xi32>, vector<16xi32>], vector<16xf32>,
          %swap3A_492 = arith.index_cast %and3A_451 : i32 to index
          %swap3A_493 = arith.constant 32 : index
          %swap3A_494 = tpu.vector_load %arg17[%swap3A_492, %swap3A_493] {strides = array<i32>} : memref<8x64xf32, #tpu.memory_space<vmem>>, vector<16xf32>,
          tpu.vector_store %arg17[%swap3A_492, %swap3A_493], %gather3A_491 {strides = array<i32>} : memref<8x64xf32, #tpu.memory_space<vmem>>, vector<16xf32>,
          %add3A_495 = arith.constant 48 : i32
          %add3A_496 = vector.broadcast %add3A_495 : i32 to vector<16xi32>
          %add3A_497 = arith.addi %iota3A, %add3A_496 : vector<16xi32>
          %gather3A_498 = tpu.vector_load_idx %arg15[%broadcast_in_dim3A_429, %add3A_497, %broadcast_in_dim3A_449] : memref<6x64x128xf32, #tpu.memory_space<vmem>>[vector<16xi32>, vector<16xi32>, vector<16xi32>], vector<16xf32>,
          %swap3A_499 = arith.index_cast %and3A_451 : i32 to index
          %swap3A_500 = arith.constant 48 : index
          %swap3A_501 = tpu.vector_load %arg17[%swap3A_499, %swap3A_500] {strides = array<i32>} : memref<8x64xf32, #tpu.memory_space<vmem>>, vector<16xf32>,
          tpu.vector_store %arg17[%swap3A_499, %swap3A_500], %gather3A_498 {strides = array<i32>} : memref<8x64xf32, #tpu.memory_space<vmem>>, vector<16xf32>,
        } else {
        }
        %convert_element_type3A_460 = arith.extui %eq3A_428 : i1 to i32
        %cond3A_461 = arith.constant 0 : i32
        %cond3A_462 = arith.cmpi ne, %convert_element_type3A_460, %cond3A_461 : i32
        scf.if %cond3A_462 {
          %add3A_474 = arith.constant 0 : i32
          %add3A_475 = vector.broadcast %add3A_474 : i32 to vector<16xi32>
          %add3A_476 = arith.addi %iota3A, %add3A_475 : vector<16xi32>
          %gather3A_477 = tpu.vector_load_idx %arg16[%add3A_476, %broadcast_in_dim3A_449] : memref<64x64xf32, #tpu.memory_space<vmem>>[vector<16xi32>, vector<16xi32>], vector<16xf32>,
          %swap3A_478 = arith.index_cast %and3A_451 : i32 to index
          %swap3A_479 = arith.constant 0 : index
          %swap3A_480 = tpu.vector_load %arg17[%swap3A_478, %swap3A_479] {strides = array<i32>} : memref<8x64xf32, #tpu.memory_space<vmem>>, vector<16xf32>,
          tpu.vector_store %arg17[%swap3A_478, %swap3A_479], %gather3A_477 {strides = array<i32>} : memref<8x64xf32, #tpu.memory_space<vmem>>, vector<16xf32>,
          %add3A_481 = arith.constant 16 : i32
          %add3A_482 = vector.broadcast %add3A_481 : i32 to vector<16xi32>
          %add3A_483 = arith.addi %iota3A, %add3A_482 : vector<16xi32>
          %gather3A_484 = tpu.vector_load_idx %arg16[%add3A_483, %broadcast_in_dim3A_449] : memref<64x64xf32, #tpu.memory_space<vmem>>[vector<16xi32>, vector<16xi32>], vector<16xf32>,
          %swap3A_485 = arith.index_cast %and3A_451 : i32 to index
          %swap3A_486 = arith.constant 16 : index
          %swap3A_487 = tpu.vector_load %arg17[%swap3A_485, %swap3A_486] {strides = array<i32>} : memref<8x64xf32, #tpu.memory_space<vmem>>, vector<16xf32>,
          tpu.vector_store %arg17[%swap3A_485, %swap3A_486], %gather3A_484 {strides = array<i32>} : memref<8x64xf32, #tpu.memory_space<vmem>>, vector<16xf32>,
          %add3A_488 = arith.constant 32 : i32
          %add3A_489 = vector.broadcast %add3A_488 : i32 to vector<16xi32>
          %add3A_490 = arith.addi %iota3A, %add3A_489 : vector<16xi32>
          %gather3A_491 = tpu.vector_load_idx %arg16[%add3A_490, %broadcast_in_dim3A_449] : memref<64x64xf32, #tpu.memory_space<vmem>>[vector<16xi32>, vector<16xi32>], vector<16xf32>,
          %swap3A_492 = arith.index_cast %and3A_451 : i32 to index
          %swap3A_493 = arith.constant 32 : index
          %swap3A_494 = tpu.vector_load %arg17[%swap3A_492, %swap3A_493] {strides = array<i32>} : memref<8x64xf32, #tpu.memory_space<vmem>>, vector<16xf32>,
          tpu.vector_store %arg17[%swap3A_492, %swap3A_493], %gather3A_491 {strides = array<i32>} : memref<8x64xf32, #tpu.memory_space<vmem>>, vector<16xf32>,
          %add3A_495 = arith.constant 48 : i32
          %add3A_496 = vector.broadcast %add3A_495 : i32 to vector<16xi32>
          %add3A_497 = arith.addi %iota3A, %add3A_496 : vector<16xi32>
          %gather3A_498 = tpu.vector_load_idx %arg16[%add3A_497, %broadcast_in_dim3A_449] : memref<64x64xf32, #tpu.memory_space<vmem>>[vector<16xi32>, vector<16xi32>], vector<16xf32>,
          %swap3A_499 = arith.index_cast %and3A_451 : i32 to index
          %swap3A_500 = arith.constant 48 : index
          %swap3A_501 = tpu.vector_load %arg17[%swap3A_499, %swap3A_500] {strides = array<i32>} : memref<8x64xf32, #tpu.memory_space<vmem>>, vector<16xf32>,
          tpu.vector_store %arg17[%swap3A_499, %swap3A_500], %gather3A_498 {strides = array<i32>} : memref<8x64xf32, #tpu.memory_space<vmem>>, vector<16xf32>,
        } else {
        }
        %mul3A_463 = arith.constant 64 : i32
        %mul3A_464 = arith.muli %and3A_447, %mul3A_463 : i32
        %multiple_of3A = tpu.assume_multiple %mul3A_464, 8 : i32
        %dma_start3A = arith.constant 0 : i32
        %dma_start3A_465 = tpu.memref_slice %arg17[%and3A_451, %dma_start3A] : memref<8x64xf32, #tpu.memory_space<vmem>> -> memref<1x64xf32, #tpu.memory_space<vmem>>
        %dma_start3A_466 = tpu.memref_squeeze %dma_start3A_465 : memref<1x64xf32, #tpu.memory_space<vmem>> -> memref<64xf32, #tpu.memory_space<vmem>>
        %dma_start3A_467 = tpu.memref_slice %arg6[%multiple_of3A] : memref<1048576xf32, #tpu.memory_space<hbm>> -> memref<64xf32, #tpu.memory_space<hbm>>
        %dma_start3A_468 = tpu.memref_slice %arg6[%multiple_of3A] : memref<1048576xf32, #tpu.memory_space<hbm>> -> memref<64xf32, #tpu.memory_space<hbm>>
        %dma_start3A_469 = arith.constant 0 : i32
        %dma_start3A_470 = tpu.memref_slice %arg17[%and3A_451, %dma_start3A_469] : memref<8x64xf32, #tpu.memory_space<vmem>> -> memref<1x64xf32, #tpu.memory_space<vmem>>
        %dma_start3A_471 = tpu.memref_squeeze %dma_start3A_470 : memref<1x64xf32, #tpu.memory_space<vmem>> -> memref<64xf32, #tpu.memory_space<vmem>>
        tpu.enqueue_dma source(%dma_start3A_471 : memref<64xf32, #tpu.memory_space<vmem>>) target(%dma_start3A_468 : memref<64xf32, #tpu.memory_space<hbm>>) target_semaphore(%arg19 : memref<!tpu.dma_semaphore, #tpu.memory_space<semaphore_mem>>)
        %add3A_472 = arith.constant 1 : i32
        %add3A_473 = arith.addi %while3A_441, %add3A_472 : i32
        scf.yield %add3A_473 : i32
      }
      %while3A_438 = arith.constant 1 : i32
      %while3A_439 = scf.for %while3A_440 = %while3A_435 to %while3A_431 step %while3A_438 iter_args(%while3A_441 = %while3A_437) -> (i32)  : i32 {
        %broadcast_in_dim3A_442 = vector.broadcast %while3A_440 : i32 to vector<16xi32>
        %gather3A_443 = tpu.vector_load_idx %arg10[%broadcast_in_dim3A_442] : memref<16384xi32, #tpu.memory_space<vmem>>[vector<16xi32>], vector<16xi32>,
        %slice3A_444 = vector.extract_strided_slice %gather3A_443 {offsets = [0], sizes = [1], strides = [1]} : vector<16xi32> to vector<1xi32>
        %squeeze3A_445 = vector.extract %slice3A_444[0] : i32 from vector<1xi32>
        %and3A_446 = arith.constant 16383 : i32
        %and3A_447 = arith.andi %squeeze3A_445, %and3A_446 : i32
        %shift_right_logical3A = arith.constant 14 : i32
        %shift_right_logical3A_448 = arith.shrui %squeeze3A_445, %shift_right_logical3A : i32
        %broadcast_in_dim3A_449 = vector.broadcast %shift_right_logical3A_448 : i32 to vector<16xi32>
        %and3A_450 = arith.constant 7 : i32
        %and3A_451 = arith.andi %while3A_441, %and3A_450 : i32
        %ge3A = arith.constant 8 : i32
        %ge3A_452 = arith.cmpi sge, %while3A_441, %ge3A : i32
        %convert_element_type3A_453 = arith.extui %ge3A_452 : i1 to i32
        %cond3A_454 = arith.constant 0 : i32
        %cond3A_455 = arith.cmpi ne, %convert_element_type3A_453, %cond3A_454 : i32
        scf.if %cond3A_455 {
          %dma_wait3A = arith.constant 0 : i32
          %dma_wait3A_474 = arith.constant 0 : i32
          %dma_wait3A_475 = tpu.memref_slice %arg17[%and3A_451, %dma_wait3A_474] : memref<8x64xf32, #tpu.memory_space<vmem>> -> memref<1x64xf32, #tpu.memory_space<vmem>>
          %dma_wait3A_476 = tpu.memref_squeeze %dma_wait3A_475 : memref<1x64xf32, #tpu.memory_space<vmem>> -> memref<64xf32, #tpu.memory_space<vmem>>
          %dma_wait3A_477 = arith.constant 0 : i32
          %dma_wait3A_478 = tpu.memref_slice %arg4[%dma_wait3A, %dma_wait3A_477] : memref<64x1000000xf32, #tpu.memory_space<hbm>> -> memref<1x64xf32, #tpu.memory_space<hbm>>
          %dma_wait3A_479 = tpu.memref_squeeze %dma_wait3A_478 : memref<1x64xf32, #tpu.memory_space<hbm>> -> memref<64xf32, #tpu.memory_space<hbm>>
          %dma_wait3A_480 = arith.constant 0 : i32
          %dma_wait3A_481 = tpu.memref_slice %arg17[%and3A_451, %dma_wait3A_480] : memref<8x64xf32, #tpu.memory_space<vmem>> -> memref<1x64xf32, #tpu.memory_space<vmem>>
          %dma_wait3A_482 = tpu.memref_squeeze %dma_wait3A_481 : memref<1x64xf32, #tpu.memory_space<vmem>> -> memref<64xf32, #tpu.memory_space<vmem>>
          %dma_wait3A_483 = arith.constant 0 : i32
          %dma_wait3A_484 = tpu.memref_slice %arg4[%dma_wait3A, %dma_wait3A_483] : memref<64x1000000xf32, #tpu.memory_space<hbm>> -> memref<1x64xf32, #tpu.memory_space<hbm>>
          %dma_wait3A_485 = tpu.memref_squeeze %dma_wait3A_484 : memref<1x64xf32, #tpu.memory_space<hbm>> -> memref<64xf32, #tpu.memory_space<hbm>>
          tpu.wait_dma2 semaphore(%arg19 : memref<!tpu.dma_semaphore, #tpu.memory_space<semaphore_mem>>) src(%dma_wait3A_485 : memref<64xf32, #tpu.memory_space<hbm>>) dst(%dma_wait3A_482 : memref<64xf32, #tpu.memory_space<vmem>>)
        } else {
        }
        %not3A = arith.constant true
        %not3A_456 = arith.xori %eq3A_428, %not3A : i1
        %convert_element_type3A_457 = arith.extui %not3A_456 : i1 to i32
        %cond3A_458 = arith.constant 0 : i32
        %cond3A_459 = arith.cmpi ne, %convert_element_type3A_457, %cond3A_458 : i32
        scf.if %cond3A_459 {
          %add3A_474 = arith.constant 0 : i32
          %add3A_475 = vector.broadcast %add3A_474 : i32 to vector<16xi32>
          %add3A_476 = arith.addi %iota3A, %add3A_475 : vector<16xi32>
          %gather3A_477 = tpu.vector_load_idx %arg15[%broadcast_in_dim3A_429, %add3A_476, %broadcast_in_dim3A_449] : memref<6x64x128xf32, #tpu.memory_space<vmem>>[vector<16xi32>, vector<16xi32>, vector<16xi32>], vector<16xf32>,
          %swap3A_478 = arith.index_cast %and3A_451 : i32 to index
          %swap3A_479 = arith.constant 0 : index
          %swap3A_480 = tpu.vector_load %arg17[%swap3A_478, %swap3A_479] {strides = array<i32>} : memref<8x64xf32, #tpu.memory_space<vmem>>, vector<16xf32>,
          tpu.vector_store %arg17[%swap3A_478, %swap3A_479], %gather3A_477 {strides = array<i32>} : memref<8x64xf32, #tpu.memory_space<vmem>>, vector<16xf32>,
          %add3A_481 = arith.constant 16 : i32
          %add3A_482 = vector.broadcast %add3A_481 : i32 to vector<16xi32>
          %add3A_483 = arith.addi %iota3A, %add3A_482 : vector<16xi32>
          %gather3A_484 = tpu.vector_load_idx %arg15[%broadcast_in_dim3A_429, %add3A_483, %broadcast_in_dim3A_449] : memref<6x64x128xf32, #tpu.memory_space<vmem>>[vector<16xi32>, vector<16xi32>, vector<16xi32>], vector<16xf32>,
          %swap3A_485 = arith.index_cast %and3A_451 : i32 to index
          %swap3A_486 = arith.constant 16 : index
          %swap3A_487 = tpu.vector_load %arg17[%swap3A_485, %swap3A_486] {strides = array<i32>} : memref<8x64xf32, #tpu.memory_space<vmem>>, vector<16xf32>,
          tpu.vector_store %arg17[%swap3A_485, %swap3A_486], %gather3A_484 {strides = array<i32>} : memref<8x64xf32, #tpu.memory_space<vmem>>, vector<16xf32>,
          %add3A_488 = arith.constant 32 : i32
          %add3A_489 = vector.broadcast %add3A_488 : i32 to vector<16xi32>
          %add3A_490 = arith.addi %iota3A, %add3A_489 : vector<16xi32>
          %gather3A_491 = tpu.vector_load_idx %arg15[%broadcast_in_dim3A_429, %add3A_490, %broadcast_in_dim3A_449] : memref<6x64x128xf32, #tpu.memory_space<vmem>>[vector<16xi32>, vector<16xi32>, vector<16xi32>], vector<16xf32>,
          %swap3A_492 = arith.index_cast %and3A_451 : i32 to index
          %swap3A_493 = arith.constant 32 : index
          %swap3A_494 = tpu.vector_load %arg17[%swap3A_492, %swap3A_493] {strides = array<i32>} : memref<8x64xf32, #tpu.memory_space<vmem>>, vector<16xf32>,
          tpu.vector_store %arg17[%swap3A_492, %swap3A_493], %gather3A_491 {strides = array<i32>} : memref<8x64xf32, #tpu.memory_space<vmem>>, vector<16xf32>,
          %add3A_495 = arith.constant 48 : i32
          %add3A_496 = vector.broadcast %add3A_495 : i32 to vector<16xi32>
          %add3A_497 = arith.addi %iota3A, %add3A_496 : vector<16xi32>
          %gather3A_498 = tpu.vector_load_idx %arg15[%broadcast_in_dim3A_429, %add3A_497, %broadcast_in_dim3A_449] : memref<6x64x128xf32, #tpu.memory_space<vmem>>[vector<16xi32>, vector<16xi32>, vector<16xi32>], vector<16xf32>,
          %swap3A_499 = arith.index_cast %and3A_451 : i32 to index
          %swap3A_500 = arith.constant 48 : index
          %swap3A_501 = tpu.vector_load %arg17[%swap3A_499, %swap3A_500] {strides = array<i32>} : memref<8x64xf32, #tpu.memory_space<vmem>>, vector<16xf32>,
          tpu.vector_store %arg17[%swap3A_499, %swap3A_500], %gather3A_498 {strides = array<i32>} : memref<8x64xf32, #tpu.memory_space<vmem>>, vector<16xf32>,
        } else {
        }
        %convert_element_type3A_460 = arith.extui %eq3A_428 : i1 to i32
        %cond3A_461 = arith.constant 0 : i32
        %cond3A_462 = arith.cmpi ne, %convert_element_type3A_460, %cond3A_461 : i32
        scf.if %cond3A_462 {
          %add3A_474 = arith.constant 0 : i32
          %add3A_475 = vector.broadcast %add3A_474 : i32 to vector<16xi32>
          %add3A_476 = arith.addi %iota3A, %add3A_475 : vector<16xi32>
          %gather3A_477 = tpu.vector_load_idx %arg16[%add3A_476, %broadcast_in_dim3A_449] : memref<64x64xf32, #tpu.memory_space<vmem>>[vector<16xi32>, vector<16xi32>], vector<16xf32>,
          %swap3A_478 = arith.index_cast %and3A_451 : i32 to index
          %swap3A_479 = arith.constant 0 : index
          %swap3A_480 = tpu.vector_load %arg17[%swap3A_478, %swap3A_479] {strides = array<i32>} : memref<8x64xf32, #tpu.memory_space<vmem>>, vector<16xf32>,
          tpu.vector_store %arg17[%swap3A_478, %swap3A_479], %gather3A_477 {strides = array<i32>} : memref<8x64xf32, #tpu.memory_space<vmem>>, vector<16xf32>,
          %add3A_481 = arith.constant 16 : i32
          %add3A_482 = vector.broadcast %add3A_481 : i32 to vector<16xi32>
          %add3A_483 = arith.addi %iota3A, %add3A_482 : vector<16xi32>
          %gather3A_484 = tpu.vector_load_idx %arg16[%add3A_483, %broadcast_in_dim3A_449] : memref<64x64xf32, #tpu.memory_space<vmem>>[vector<16xi32>, vector<16xi32>], vector<16xf32>,
          %swap3A_485 = arith.index_cast %and3A_451 : i32 to index
          %swap3A_486 = arith.constant 16 : index
          %swap3A_487 = tpu.vector_load %arg17[%swap3A_485, %swap3A_486] {strides = array<i32>} : memref<8x64xf32, #tpu.memory_space<vmem>>, vector<16xf32>,
          tpu.vector_store %arg17[%swap3A_485, %swap3A_486], %gather3A_484 {strides = array<i32>} : memref<8x64xf32, #tpu.memory_space<vmem>>, vector<16xf32>,
          %add3A_488 = arith.constant 32 : i32
          %add3A_489 = vector.broadcast %add3A_488 : i32 to vector<16xi32>
          %add3A_490 = arith.addi %iota3A, %add3A_489 : vector<16xi32>
          %gather3A_491 = tpu.vector_load_idx %arg16[%add3A_490, %broadcast_in_dim3A_449] : memref<64x64xf32, #tpu.memory_space<vmem>>[vector<16xi32>, vector<16xi32>], vector<16xf32>,
          %swap3A_492 = arith.index_cast %and3A_451 : i32 to index
          %swap3A_493 = arith.constant 32 : index
          %swap3A_494 = tpu.vector_load %arg17[%swap3A_492, %swap3A_493] {strides = array<i32>} : memref<8x64xf32, #tpu.memory_space<vmem>>, vector<16xf32>,
          tpu.vector_store %arg17[%swap3A_492, %swap3A_493], %gather3A_491 {strides = array<i32>} : memref<8x64xf32, #tpu.memory_space<vmem>>, vector<16xf32>,
          %add3A_495 = arith.constant 48 : i32
          %add3A_496 = vector.broadcast %add3A_495 : i32 to vector<16xi32>
          %add3A_497 = arith.addi %iota3A, %add3A_496 : vector<16xi32>
          %gather3A_498 = tpu.vector_load_idx %arg16[%add3A_497, %broadcast_in_dim3A_449] : memref<64x64xf32, #tpu.memory_space<vmem>>[vector<16xi32>, vector<16xi32>], vector<16xf32>,
          %swap3A_499 = arith.index_cast %and3A_451 : i32 to index
          %swap3A_500 = arith.constant 48 : index
          %swap3A_501 = tpu.vector_load %arg17[%swap3A_499, %swap3A_500] {strides = array<i32>} : memref<8x64xf32, #tpu.memory_space<vmem>>, vector<16xf32>,
          tpu.vector_store %arg17[%swap3A_499, %swap3A_500], %gather3A_498 {strides = array<i32>} : memref<8x64xf32, #tpu.memory_space<vmem>>, vector<16xf32>,
        } else {
        }
        %mul3A_463 = arith.constant 64 : i32
        %mul3A_464 = arith.muli %and3A_447, %mul3A_463 : i32
        %multiple_of3A = tpu.assume_multiple %mul3A_464, 8 : i32
        %dma_start3A = arith.constant 0 : i32
        %dma_start3A_465 = tpu.memref_slice %arg17[%and3A_451, %dma_start3A] : memref<8x64xf32, #tpu.memory_space<vmem>> -> memref<1x64xf32, #tpu.memory_space<vmem>>
        %dma_start3A_466 = tpu.memref_squeeze %dma_start3A_465 : memref<1x64xf32, #tpu.memory_space<vmem>> -> memref<64xf32, #tpu.memory_space<vmem>>
        %dma_start3A_467 = tpu.memref_slice %arg6[%multiple_of3A] : memref<1048576xf32, #tpu.memory_space<hbm>> -> memref<64xf32, #tpu.memory_space<hbm>>
        %dma_start3A_468 = tpu.memref_slice %arg6[%multiple_of3A] : memref<1048576xf32, #tpu.memory_space<hbm>> -> memref<64xf32, #tpu.memory_space<hbm>>
        %dma_start3A_469 = arith.constant 0 : i32
        %dma_start3A_470 = tpu.memref_slice %arg17[%and3A_451, %dma_start3A_469] : memref<8x64xf32, #tpu.memory_space<vmem>> -> memref<1x64xf32, #tpu.memory_space<vmem>>
        %dma_start3A_471 = tpu.memref_squeeze %dma_start3A_470 : memref<1x64xf32, #tpu.memory_space<vmem>> -> memref<64xf32, #tpu.memory_space<vmem>>
        tpu.enqueue_dma source(%dma_start3A_471 : memref<64xf32, #tpu.memory_space<vmem>>) target(%dma_start3A_468 : memref<64xf32, #tpu.memory_space<hbm>>) target_semaphore(%arg19 : memref<!tpu.dma_semaphore, #tpu.memory_space<semaphore_mem>>)
        %add3A_472 = arith.constant 1 : i32
        %add3A_473 = arith.addi %while3A_441, %add3A_472 : i32
        scf.yield %add3A_473 : i32
      }
      scf.yield %while3A_439 : i32
    }
    %while3A_154 = arith.constant 1 : i32
    %while3A_155 = scf.for %while3A_396 = %while3A_151 to %while3A_147 step %while3A_154 iter_args(%while3A_397 = %while3A_153) -> (i32)  : i32 {
      %broadcast_in_dim3A_398 = vector.broadcast %while3A_396 : i32 to vector<16xi32>
      %gather3A = tpu.vector_load_idx %arg14[%broadcast_in_dim3A_398] : memref<256xi32, #tpu.memory_space<vmem>>[vector<16xi32>], vector<16xi32>,
      %slice3A = vector.extract_strided_slice %gather3A {offsets = [0], sizes = [1], strides = [1]} : vector<16xi32> to vector<1xi32>
      %squeeze3A = vector.extract %slice3A[0] : i32 from vector<1xi32>
      %rem3A_399 = arith.constant 6 : i32
      %rem3A_400 = arith.remsi %while3A_396, %rem3A_399 : i32
      %add3A_401 = arith.constant 5 : i32
      %add3A_402 = arith.addi %while3A_396, %add3A_401 : i32
      %lt3A_403 = arith.cmpi slt, %add3A_402, %scan3A_119 : i32
      %convert_element_type3A_404 = arith.extui %lt3A_403 : i1 to i32
      %cond3A_405 = arith.constant 0 : i32
      %cond3A_406 = arith.cmpi ne, %convert_element_type3A_404, %cond3A_405 : i32
      scf.if %cond3A_406 {
        %add3A_440 = arith.constant 5 : i32
        %add3A_441 = arith.addi %while3A_396, %add3A_440 : i32
        %broadcast_in_dim3A_442 = vector.broadcast %add3A_441 : i32 to vector<16xi32>
        %gather3A_443 = tpu.vector_load_idx %arg14[%broadcast_in_dim3A_442] : memref<256xi32, #tpu.memory_space<vmem>>[vector<16xi32>], vector<16xi32>,
        %slice3A_444 = vector.extract_strided_slice %gather3A_443 {offsets = [0], sizes = [1], strides = [1]} : vector<16xi32> to vector<1xi32>
        %squeeze3A_445 = vector.extract %slice3A_444[0] : i32 from vector<1xi32>
        %add3A_446 = arith.constant 5 : i32
        %add3A_447 = arith.addi %while3A_396, %add3A_446 : i32
        %rem3A_448 = arith.constant 6 : i32
        %rem3A_449 = arith.remsi %add3A_447, %rem3A_448 : i32
        %add3A_450 = arith.addi %add3A_4, %squeeze3A_445 : i32
        %lt3A_451 = arith.constant 7812 : i32
        %lt3A_452 = arith.cmpi slt, %add3A_450, %lt3A_451 : i32
        %convert_element_type3A_453 = arith.extui %lt3A_452 : i1 to i32
        %cond3A_454 = arith.constant 0 : i32
        %cond3A_455 = arith.cmpi ne, %convert_element_type3A_453, %cond3A_454 : i32
        scf.if %cond3A_455 {
          %mul3A_461 = arith.constant 128 : i32
          %mul3A_462 = arith.muli %add3A_450, %mul3A_461 : i32
          %multiple_of3A = tpu.assume_multiple %mul3A_462, 128 : i32
          %dma_start3A = arith.constant 0 : i32
          %dma_start3A_463 = arith.constant 0 : i32
          %dma_start3A_464 = tpu.memref_slice %arg15[%rem3A_449, %dma_start3A, %dma_start3A_463] : memref<6x64x128xf32, #tpu.memory_space<vmem>> -> memref<1x64x128xf32, #tpu.memory_space<vmem>>
          %dma_start3A_465 = tpu.memref_squeeze %dma_start3A_464 : memref<1x64x128xf32, #tpu.memory_space<vmem>> -> memref<64x128xf32, #tpu.memory_space<vmem>>
          %dma_start3A_466 = arith.constant 0 : i32
          %dma_start3A_467 = tpu.memref_slice %arg4[%dma_start3A_466, %multiple_of3A] : memref<64x1000000xf32, #tpu.memory_space<hbm>> -> memref<64x128xf32, #tpu.memory_space<hbm>>
          %dma_start3A_468 = arith.constant 0 : i32
          %dma_start3A_469 = arith.constant 0 : i32
          %dma_start3A_470 = tpu.memref_slice %arg15[%rem3A_449, %dma_start3A_468, %dma_start3A_469] : memref<6x64x128xf32, #tpu.memory_space<vmem>> -> memref<1x64x128xf32, #tpu.memory_space<vmem>>
          %dma_start3A_471 = tpu.memref_squeeze %dma_start3A_470 : memref<1x64x128xf32, #tpu.memory_space<vmem>> -> memref<64x128xf32, #tpu.memory_space<vmem>>
          %dma_start3A_472 = arith.constant 0 : i32
          %dma_start3A_473 = tpu.memref_slice %arg4[%dma_start3A_472, %multiple_of3A] : memref<64x1000000xf32, #tpu.memory_space<hbm>> -> memref<64x128xf32, #tpu.memory_space<hbm>>
          tpu.enqueue_dma source(%dma_start3A_473 : memref<64x128xf32, #tpu.memory_space<hbm>>) target(%dma_start3A_471 : memref<64x128xf32, #tpu.memory_space<vmem>>) target_semaphore(%arg18 : memref<!tpu.dma_semaphore, #tpu.memory_space<semaphore_mem>>)
        } else {
        }
        %eq3A_456 = arith.constant 7812 : i32
        %eq3A_457 = arith.cmpi eq, %add3A_450, %eq3A_456 : i32
        %convert_element_type3A_458 = arith.extui %eq3A_457 : i1 to i32
        %cond3A_459 = arith.constant 0 : i32
        %cond3A_460 = arith.cmpi ne, %convert_element_type3A_458, %cond3A_459 : i32
        scf.if %cond3A_460 {
          %dma_start3A = arith.constant 0 : i32
          %dma_start3A_461 = arith.constant 999936 : i32
          %dma_start3A_462 = tpu.memref_slice %arg4[%dma_start3A, %dma_start3A_461] : memref<64x1000000xf32, #tpu.memory_space<hbm>> -> memref<64x64xf32, #tpu.memory_space<hbm>>
          %dma_start3A_463 = arith.constant 0 : i32
          %dma_start3A_464 = arith.constant 999936 : i32
          %dma_start3A_465 = tpu.memref_slice %arg4[%dma_start3A_463, %dma_start3A_464] : memref<64x1000000xf32, #tpu.memory_space<hbm>> -> memref<64x64xf32, #tpu.memory_space<hbm>>
          tpu.enqueue_dma source(%dma_start3A_465 : memref<64x64xf32, #tpu.memory_space<hbm>>) target(%arg16 : memref<64x64xf32, #tpu.memory_space<vmem>>) target_semaphore(%arg18 : memref<!tpu.dma_semaphore, #tpu.memory_space<semaphore_mem>>)
        } else {
        }
      } else {
      }
      %add3A_407 = arith.addi %add3A_4, %squeeze3A : i32
      %lt3A_408 = arith.constant 7812 : i32
      %lt3A_409 = arith.cmpi slt, %add3A_407, %lt3A_408 : i32
      %convert_element_type3A_410 = arith.extui %lt3A_409 : i1 to i32
      %cond3A_411 = arith.constant 0 : i32
      %cond3A_412 = arith.cmpi ne, %convert_element_type3A_410, %cond3A_411 : i32
      scf.if %cond3A_412 {
        %dma_wait3A = arith.constant 0 : i32
        %dma_wait3A_440 = arith.constant 0 : i32
        %dma_wait3A_441 = tpu.memref_slice %arg15[%rem3A_400, %dma_wait3A, %dma_wait3A_440] : memref<6x64x128xf32, #tpu.memory_space<vmem>> -> memref<1x64x128xf32, #tpu.memory_space<vmem>>
        %dma_wait3A_442 = tpu.memref_squeeze %dma_wait3A_441 : memref<1x64x128xf32, #tpu.memory_space<vmem>> -> memref<64x128xf32, #tpu.memory_space<vmem>>
        %dma_wait3A_443 = arith.constant 0 : i32
        %dma_wait3A_444 = arith.constant 0 : i32
        %dma_wait3A_445 = tpu.memref_slice %arg4[%dma_wait3A_443, %dma_wait3A_444] : memref<64x1000000xf32, #tpu.memory_space<hbm>> -> memref<64x128xf32, #tpu.memory_space<hbm>>
        %dma_wait3A_446 = arith.constant 0 : i32
        %dma_wait3A_447 = arith.constant 0 : i32
        %dma_wait3A_448 = tpu.memref_slice %arg15[%rem3A_400, %dma_wait3A_446, %dma_wait3A_447] : memref<6x64x128xf32, #tpu.memory_space<vmem>> -> memref<1x64x128xf32, #tpu.memory_space<vmem>>
        %dma_wait3A_449 = tpu.memref_squeeze %dma_wait3A_448 : memref<1x64x128xf32, #tpu.memory_space<vmem>> -> memref<64x128xf32, #tpu.memory_space<vmem>>
        %dma_wait3A_450 = arith.constant 0 : i32
        %dma_wait3A_451 = arith.constant 0 : i32
        %dma_wait3A_452 = tpu.memref_slice %arg4[%dma_wait3A_450, %dma_wait3A_451] : memref<64x1000000xf32, #tpu.memory_space<hbm>> -> memref<64x128xf32, #tpu.memory_space<hbm>>
        tpu.wait_dma2 semaphore(%arg18 : memref<!tpu.dma_semaphore, #tpu.memory_space<semaphore_mem>>) src(%dma_wait3A_452 : memref<64x128xf32, #tpu.memory_space<hbm>>) dst(%dma_wait3A_449 : memref<64x128xf32, #tpu.memory_space<vmem>>)
      } else {
      }
      %eq3A = arith.constant 7812 : i32
      %eq3A_413 = arith.cmpi eq, %add3A_407, %eq3A : i32
      %convert_element_type3A_414 = arith.extui %eq3A_413 : i1 to i32
      %cond3A_415 = arith.constant 0 : i32
      %cond3A_416 = arith.cmpi ne, %convert_element_type3A_414, %cond3A_415 : i32
      scf.if %cond3A_416 {
        %dma_wait3A = arith.constant 0 : i32
        %dma_wait3A_440 = arith.constant 999936 : i32
        %dma_wait3A_441 = tpu.memref_slice %arg4[%dma_wait3A, %dma_wait3A_440] : memref<64x1000000xf32, #tpu.memory_space<hbm>> -> memref<64x64xf32, #tpu.memory_space<hbm>>
        %dma_wait3A_442 = arith.constant 0 : i32
        %dma_wait3A_443 = arith.constant 999936 : i32
        %dma_wait3A_444 = tpu.memref_slice %arg4[%dma_wait3A_442, %dma_wait3A_443] : memref<64x1000000xf32, #tpu.memory_space<hbm>> -> memref<64x64xf32, #tpu.memory_space<hbm>>
        tpu.wait_dma2 semaphore(%arg18 : memref<!tpu.dma_semaphore, #tpu.memory_space<semaphore_mem>>) src(%dma_wait3A_444 : memref<64x64xf32, #tpu.memory_space<hbm>>) dst(%arg16 : memref<64x64xf32, #tpu.memory_space<vmem>>)
      } else {
      }
      %broadcast_in_dim3A_417 = vector.broadcast %squeeze3A : i32 to vector<16xi32>
      %gather3A_418 = tpu.vector_load_idx %arg12[%broadcast_in_dim3A_417] : memref<256xi32, #tpu.memory_space<vmem>>[vector<16xi32>], vector<16xi32>,
      %broadcast_in_dim3A_419 = vector.broadcast %squeeze3A : i32 to vector<16xi32>
      %gather3A_420 = tpu.vector_load_idx %arg11[%broadcast_in_dim3A_419] : memref<256xi32, #tpu.memory_space<vmem>>[vector<16xi32>], vector<16xi32>,
      %slice3A_421 = vector.extract_strided_slice %gather3A_418 {offsets = [0], sizes = [1], strides = [1]} : vector<16xi32> to vector<1xi32>
      %squeeze3A_422 = vector.extract %slice3A_421[0] : i32 from vector<1xi32>
      %slice3A_423 = vector.extract_strided_slice %gather3A_420 {offsets = [0], sizes = [1], strides = [1]} : vector<16xi32> to vector<1xi32>
      %squeeze3A_424 = vector.extract %slice3A_423[0] : i32 from vector<1xi32>
      %add3A_425 = arith.addi %squeeze3A_422, %squeeze3A_424 : i32
      %add3A_426 = arith.addi %add3A_4, %squeeze3A : i32
      %eq3A_427 = arith.constant 7812 : i32
      %eq3A_428 = arith.cmpi eq, %add3A_426, %eq3A_427 : i32
      %broadcast_in_dim3A_429 = vector.broadcast %rem3A_400 : i32 to vector<16xi32>
      %while3A_430 = arith.subi %add3A_425, %squeeze3A_422 : i32
      %while3A_431 = arith.addi %squeeze3A_422, %while3A_430 : i32
      %while3A_432 = arith.constant 1 : i32
      %while3A_433 = arith.divsi %while3A_430, %while3A_432 : i32
      %while3A_434 = arith.muli %while3A_433, %while3A_432 : i32
      %while3A_435 = arith.addi %squeeze3A_422, %while3A_434 : i32
      %while3A_436 = arith.constant 1 : i32
      %while3A_437 = scf.for %while3A_440 = %squeeze3A_422 to %while3A_435 step %while3A_436 iter_args(%while3A_441 = %while3A_397) -> (i32)  : i32 {
        %broadcast_in_dim3A_442 = vector.broadcast %while3A_440 : i32 to vector<16xi32>
        %gather3A_443 = tpu.vector_load_idx %arg10[%broadcast_in_dim3A_442] : memref<16384xi32, #tpu.memory_space<vmem>>[vector<16xi32>], vector<16xi32>,
        %slice3A_444 = vector.extract_strided_slice %gather3A_443 {offsets = [0], sizes = [1], strides = [1]} : vector<16xi32> to vector<1xi32>
        %squeeze3A_445 = vector.extract %slice3A_444[0] : i32 from vector<1xi32>
        %and3A_446 = arith.constant 16383 : i32
        %and3A_447 = arith.andi %squeeze3A_445, %and3A_446 : i32
        %shift_right_logical3A = arith.constant 14 : i32
        %shift_right_logical3A_448 = arith.shrui %squeeze3A_445, %shift_right_logical3A : i32
        %broadcast_in_dim3A_449 = vector.broadcast %shift_right_logical3A_448 : i32 to vector<16xi32>
        %and3A_450 = arith.constant 7 : i32
        %and3A_451 = arith.andi %while3A_441, %and3A_450 : i32
        %ge3A = arith.constant 8 : i32
        %ge3A_452 = arith.cmpi sge, %while3A_441, %ge3A : i32
        %convert_element_type3A_453 = arith.extui %ge3A_452 : i1 to i32
        %cond3A_454 = arith.constant 0 : i32
        %cond3A_455 = arith.cmpi ne, %convert_element_type3A_453, %cond3A_454 : i32
        scf.if %cond3A_455 {
          %dma_wait3A = arith.constant 0 : i32
          %dma_wait3A_474 = arith.constant 0 : i32
          %dma_wait3A_475 = tpu.memref_slice %arg17[%and3A_451, %dma_wait3A_474] : memref<8x64xf32, #tpu.memory_space<vmem>> -> memref<1x64xf32, #tpu.memory_space<vmem>>
          %dma_wait3A_476 = tpu.memref_squeeze %dma_wait3A_475 : memref<1x64xf32, #tpu.memory_space<vmem>> -> memref<64xf32, #tpu.memory_space<vmem>>
          %dma_wait3A_477 = arith.constant 0 : i32
          %dma_wait3A_478 = tpu.memref_slice %arg4[%dma_wait3A, %dma_wait3A_477] : memref<64x1000000xf32, #tpu.memory_space<hbm>> -> memref<1x64xf32, #tpu.memory_space<hbm>>
          %dma_wait3A_479 = tpu.memref_squeeze %dma_wait3A_478 : memref<1x64xf32, #tpu.memory_space<hbm>> -> memref<64xf32, #tpu.memory_space<hbm>>
          %dma_wait3A_480 = arith.constant 0 : i32
          %dma_wait3A_481 = tpu.memref_slice %arg17[%and3A_451, %dma_wait3A_480] : memref<8x64xf32, #tpu.memory_space<vmem>> -> memref<1x64xf32, #tpu.memory_space<vmem>>
          %dma_wait3A_482 = tpu.memref_squeeze %dma_wait3A_481 : memref<1x64xf32, #tpu.memory_space<vmem>> -> memref<64xf32, #tpu.memory_space<vmem>>
          %dma_wait3A_483 = arith.constant 0 : i32
          %dma_wait3A_484 = tpu.memref_slice %arg4[%dma_wait3A, %dma_wait3A_483] : memref<64x1000000xf32, #tpu.memory_space<hbm>> -> memref<1x64xf32, #tpu.memory_space<hbm>>
          %dma_wait3A_485 = tpu.memref_squeeze %dma_wait3A_484 : memref<1x64xf32, #tpu.memory_space<hbm>> -> memref<64xf32, #tpu.memory_space<hbm>>
          tpu.wait_dma2 semaphore(%arg19 : memref<!tpu.dma_semaphore, #tpu.memory_space<semaphore_mem>>) src(%dma_wait3A_485 : memref<64xf32, #tpu.memory_space<hbm>>) dst(%dma_wait3A_482 : memref<64xf32, #tpu.memory_space<vmem>>)
        } else {
        }
        %not3A = arith.constant true
        %not3A_456 = arith.xori %eq3A_428, %not3A : i1
        %convert_element_type3A_457 = arith.extui %not3A_456 : i1 to i32
        %cond3A_458 = arith.constant 0 : i32
        %cond3A_459 = arith.cmpi ne, %convert_element_type3A_457, %cond3A_458 : i32
        scf.if %cond3A_459 {
          %add3A_474 = arith.constant 0 : i32
          %add3A_475 = vector.broadcast %add3A_474 : i32 to vector<16xi32>
          %add3A_476 = arith.addi %iota3A, %add3A_475 : vector<16xi32>
          %gather3A_477 = tpu.vector_load_idx %arg15[%broadcast_in_dim3A_429, %add3A_476, %broadcast_in_dim3A_449] : memref<6x64x128xf32, #tpu.memory_space<vmem>>[vector<16xi32>, vector<16xi32>, vector<16xi32>], vector<16xf32>,
          %swap3A_478 = arith.index_cast %and3A_451 : i32 to index
          %swap3A_479 = arith.constant 0 : index
          %swap3A_480 = tpu.vector_load %arg17[%swap3A_478, %swap3A_479] {strides = array<i32>} : memref<8x64xf32, #tpu.memory_space<vmem>>, vector<16xf32>,
          tpu.vector_store %arg17[%swap3A_478, %swap3A_479], %gather3A_477 {strides = array<i32>} : memref<8x64xf32, #tpu.memory_space<vmem>>, vector<16xf32>,
          %add3A_481 = arith.constant 16 : i32
          %add3A_482 = vector.broadcast %add3A_481 : i32 to vector<16xi32>
          %add3A_483 = arith.addi %iota3A, %add3A_482 : vector<16xi32>
          %gather3A_484 = tpu.vector_load_idx %arg15[%broadcast_in_dim3A_429, %add3A_483, %broadcast_in_dim3A_449] : memref<6x64x128xf32, #tpu.memory_space<vmem>>[vector<16xi32>, vector<16xi32>, vector<16xi32>], vector<16xf32>,
          %swap3A_485 = arith.index_cast %and3A_451 : i32 to index
          %swap3A_486 = arith.constant 16 : index
          %swap3A_487 = tpu.vector_load %arg17[%swap3A_485, %swap3A_486] {strides = array<i32>} : memref<8x64xf32, #tpu.memory_space<vmem>>, vector<16xf32>,
          tpu.vector_store %arg17[%swap3A_485, %swap3A_486], %gather3A_484 {strides = array<i32>} : memref<8x64xf32, #tpu.memory_space<vmem>>, vector<16xf32>,
          %add3A_488 = arith.constant 32 : i32
          %add3A_489 = vector.broadcast %add3A_488 : i32 to vector<16xi32>
          %add3A_490 = arith.addi %iota3A, %add3A_489 : vector<16xi32>
          %gather3A_491 = tpu.vector_load_idx %arg15[%broadcast_in_dim3A_429, %add3A_490, %broadcast_in_dim3A_449] : memref<6x64x128xf32, #tpu.memory_space<vmem>>[vector<16xi32>, vector<16xi32>, vector<16xi32>], vector<16xf32>,
          %swap3A_492 = arith.index_cast %and3A_451 : i32 to index
          %swap3A_493 = arith.constant 32 : index
          %swap3A_494 = tpu.vector_load %arg17[%swap3A_492, %swap3A_493] {strides = array<i32>} : memref<8x64xf32, #tpu.memory_space<vmem>>, vector<16xf32>,
          tpu.vector_store %arg17[%swap3A_492, %swap3A_493], %gather3A_491 {strides = array<i32>} : memref<8x64xf32, #tpu.memory_space<vmem>>, vector<16xf32>,
          %add3A_495 = arith.constant 48 : i32
          %add3A_496 = vector.broadcast %add3A_495 : i32 to vector<16xi32>
          %add3A_497 = arith.addi %iota3A, %add3A_496 : vector<16xi32>
          %gather3A_498 = tpu.vector_load_idx %arg15[%broadcast_in_dim3A_429, %add3A_497, %broadcast_in_dim3A_449] : memref<6x64x128xf32, #tpu.memory_space<vmem>>[vector<16xi32>, vector<16xi32>, vector<16xi32>], vector<16xf32>,
          %swap3A_499 = arith.index_cast %and3A_451 : i32 to index
          %swap3A_500 = arith.constant 48 : index
          %swap3A_501 = tpu.vector_load %arg17[%swap3A_499, %swap3A_500] {strides = array<i32>} : memref<8x64xf32, #tpu.memory_space<vmem>>, vector<16xf32>,
          tpu.vector_store %arg17[%swap3A_499, %swap3A_500], %gather3A_498 {strides = array<i32>} : memref<8x64xf32, #tpu.memory_space<vmem>>, vector<16xf32>,
        } else {
        }
        %convert_element_type3A_460 = arith.extui %eq3A_428 : i1 to i32
        %cond3A_461 = arith.constant 0 : i32
        %cond3A_462 = arith.cmpi ne, %convert_element_type3A_460, %cond3A_461 : i32
        scf.if %cond3A_462 {
          %add3A_474 = arith.constant 0 : i32
          %add3A_475 = vector.broadcast %add3A_474 : i32 to vector<16xi32>
          %add3A_476 = arith.addi %iota3A, %add3A_475 : vector<16xi32>
          %gather3A_477 = tpu.vector_load_idx %arg16[%add3A_476, %broadcast_in_dim3A_449] : memref<64x64xf32, #tpu.memory_space<vmem>>[vector<16xi32>, vector<16xi32>], vector<16xf32>,
          %swap3A_478 = arith.index_cast %and3A_451 : i32 to index
          %swap3A_479 = arith.constant 0 : index
          %swap3A_480 = tpu.vector_load %arg17[%swap3A_478, %swap3A_479] {strides = array<i32>} : memref<8x64xf32, #tpu.memory_space<vmem>>, vector<16xf32>,
          tpu.vector_store %arg17[%swap3A_478, %swap3A_479], %gather3A_477 {strides = array<i32>} : memref<8x64xf32, #tpu.memory_space<vmem>>, vector<16xf32>,
          %add3A_481 = arith.constant 16 : i32
          %add3A_482 = vector.broadcast %add3A_481 : i32 to vector<16xi32>
          %add3A_483 = arith.addi %iota3A, %add3A_482 : vector<16xi32>
          %gather3A_484 = tpu.vector_load_idx %arg16[%add3A_483, %broadcast_in_dim3A_449] : memref<64x64xf32, #tpu.memory_space<vmem>>[vector<16xi32>, vector<16xi32>], vector<16xf32>,
          %swap3A_485 = arith.index_cast %and3A_451 : i32 to index
          %swap3A_486 = arith.constant 16 : index
          %swap3A_487 = tpu.vector_load %arg17[%swap3A_485, %swap3A_486] {strides = array<i32>} : memref<8x64xf32, #tpu.memory_space<vmem>>, vector<16xf32>,
          tpu.vector_store %arg17[%swap3A_485, %swap3A_486], %gather3A_484 {strides = array<i32>} : memref<8x64xf32, #tpu.memory_space<vmem>>, vector<16xf32>,
          %add3A_488 = arith.constant 32 : i32
          %add3A_489 = vector.broadcast %add3A_488 : i32 to vector<16xi32>
          %add3A_490 = arith.addi %iota3A, %add3A_489 : vector<16xi32>
          %gather3A_491 = tpu.vector_load_idx %arg16[%add3A_490, %broadcast_in_dim3A_449] : memref<64x64xf32, #tpu.memory_space<vmem>>[vector<16xi32>, vector<16xi32>], vector<16xf32>,
          %swap3A_492 = arith.index_cast %and3A_451 : i32 to index
          %swap3A_493 = arith.constant 32 : index
          %swap3A_494 = tpu.vector_load %arg17[%swap3A_492, %swap3A_493] {strides = array<i32>} : memref<8x64xf32, #tpu.memory_space<vmem>>, vector<16xf32>,
          tpu.vector_store %arg17[%swap3A_492, %swap3A_493], %gather3A_491 {strides = array<i32>} : memref<8x64xf32, #tpu.memory_space<vmem>>, vector<16xf32>,
          %add3A_495 = arith.constant 48 : i32
          %add3A_496 = vector.broadcast %add3A_495 : i32 to vector<16xi32>
          %add3A_497 = arith.addi %iota3A, %add3A_496 : vector<16xi32>
          %gather3A_498 = tpu.vector_load_idx %arg16[%add3A_497, %broadcast_in_dim3A_449] : memref<64x64xf32, #tpu.memory_space<vmem>>[vector<16xi32>, vector<16xi32>], vector<16xf32>,
          %swap3A_499 = arith.index_cast %and3A_451 : i32 to index
          %swap3A_500 = arith.constant 48 : index
          %swap3A_501 = tpu.vector_load %arg17[%swap3A_499, %swap3A_500] {strides = array<i32>} : memref<8x64xf32, #tpu.memory_space<vmem>>, vector<16xf32>,
          tpu.vector_store %arg17[%swap3A_499, %swap3A_500], %gather3A_498 {strides = array<i32>} : memref<8x64xf32, #tpu.memory_space<vmem>>, vector<16xf32>,
        } else {
        }
        %mul3A_463 = arith.constant 64 : i32
        %mul3A_464 = arith.muli %and3A_447, %mul3A_463 : i32
        %multiple_of3A = tpu.assume_multiple %mul3A_464, 8 : i32
        %dma_start3A = arith.constant 0 : i32
        %dma_start3A_465 = tpu.memref_slice %arg17[%and3A_451, %dma_start3A] : memref<8x64xf32, #tpu.memory_space<vmem>> -> memref<1x64xf32, #tpu.memory_space<vmem>>
        %dma_start3A_466 = tpu.memref_squeeze %dma_start3A_465 : memref<1x64xf32, #tpu.memory_space<vmem>> -> memref<64xf32, #tpu.memory_space<vmem>>
        %dma_start3A_467 = tpu.memref_slice %arg6[%multiple_of3A] : memref<1048576xf32, #tpu.memory_space<hbm>> -> memref<64xf32, #tpu.memory_space<hbm>>
        %dma_start3A_468 = tpu.memref_slice %arg6[%multiple_of3A] : memref<1048576xf32, #tpu.memory_space<hbm>> -> memref<64xf32, #tpu.memory_space<hbm>>
        %dma_start3A_469 = arith.constant 0 : i32
        %dma_start3A_470 = tpu.memref_slice %arg17[%and3A_451, %dma_start3A_469] : memref<8x64xf32, #tpu.memory_space<vmem>> -> memref<1x64xf32, #tpu.memory_space<vmem>>
        %dma_start3A_471 = tpu.memref_squeeze %dma_start3A_470 : memref<1x64xf32, #tpu.memory_space<vmem>> -> memref<64xf32, #tpu.memory_space<vmem>>
        tpu.enqueue_dma source(%dma_start3A_471 : memref<64xf32, #tpu.memory_space<vmem>>) target(%dma_start3A_468 : memref<64xf32, #tpu.memory_space<hbm>>) target_semaphore(%arg19 : memref<!tpu.dma_semaphore, #tpu.memory_space<semaphore_mem>>)
        %add3A_472 = arith.constant 1 : i32
        %add3A_473 = arith.addi %while3A_441, %add3A_472 : i32
        scf.yield %add3A_473 : i32
      }
      %while3A_438 = arith.constant 1 : i32
      %while3A_439 = scf.for %while3A_440 = %while3A_435 to %while3A_431 step %while3A_438 iter_args(%while3A_441 = %while3A_437) -> (i32)  : i32 {
        %broadcast_in_dim3A_442 = vector.broadcast %while3A_440 : i32 to vector<16xi32>
        %gather3A_443 = tpu.vector_load_idx %arg10[%broadcast_in_dim3A_442] : memref<16384xi32, #tpu.memory_space<vmem>>[vector<16xi32>], vector<16xi32>,
        %slice3A_444 = vector.extract_strided_slice %gather3A_443 {offsets = [0], sizes = [1], strides = [1]} : vector<16xi32> to vector<1xi32>
        %squeeze3A_445 = vector.extract %slice3A_444[0] : i32 from vector<1xi32>
        %and3A_446 = arith.constant 16383 : i32
        %and3A_447 = arith.andi %squeeze3A_445, %and3A_446 : i32
        %shift_right_logical3A = arith.constant 14 : i32
        %shift_right_logical3A_448 = arith.shrui %squeeze3A_445, %shift_right_logical3A : i32
        %broadcast_in_dim3A_449 = vector.broadcast %shift_right_logical3A_448 : i32 to vector<16xi32>
        %and3A_450 = arith.constant 7 : i32
        %and3A_451 = arith.andi %while3A_441, %and3A_450 : i32
        %ge3A = arith.constant 8 : i32
        %ge3A_452 = arith.cmpi sge, %while3A_441, %ge3A : i32
        %convert_element_type3A_453 = arith.extui %ge3A_452 : i1 to i32
        %cond3A_454 = arith.constant 0 : i32
        %cond3A_455 = arith.cmpi ne, %convert_element_type3A_453, %cond3A_454 : i32
        scf.if %cond3A_455 {
          %dma_wait3A = arith.constant 0 : i32
          %dma_wait3A_474 = arith.constant 0 : i32
          %dma_wait3A_475 = tpu.memref_slice %arg17[%and3A_451, %dma_wait3A_474] : memref<8x64xf32, #tpu.memory_space<vmem>> -> memref<1x64xf32, #tpu.memory_space<vmem>>
          %dma_wait3A_476 = tpu.memref_squeeze %dma_wait3A_475 : memref<1x64xf32, #tpu.memory_space<vmem>> -> memref<64xf32, #tpu.memory_space<vmem>>
          %dma_wait3A_477 = arith.constant 0 : i32
          %dma_wait3A_478 = tpu.memref_slice %arg4[%dma_wait3A, %dma_wait3A_477] : memref<64x1000000xf32, #tpu.memory_space<hbm>> -> memref<1x64xf32, #tpu.memory_space<hbm>>
          %dma_wait3A_479 = tpu.memref_squeeze %dma_wait3A_478 : memref<1x64xf32, #tpu.memory_space<hbm>> -> memref<64xf32, #tpu.memory_space<hbm>>
          %dma_wait3A_480 = arith.constant 0 : i32
          %dma_wait3A_481 = tpu.memref_slice %arg17[%and3A_451, %dma_wait3A_480] : memref<8x64xf32, #tpu.memory_space<vmem>> -> memref<1x64xf32, #tpu.memory_space<vmem>>
          %dma_wait3A_482 = tpu.memref_squeeze %dma_wait3A_481 : memref<1x64xf32, #tpu.memory_space<vmem>> -> memref<64xf32, #tpu.memory_space<vmem>>
          %dma_wait3A_483 = arith.constant 0 : i32
          %dma_wait3A_484 = tpu.memref_slice %arg4[%dma_wait3A, %dma_wait3A_483] : memref<64x1000000xf32, #tpu.memory_space<hbm>> -> memref<1x64xf32, #tpu.memory_space<hbm>>
          %dma_wait3A_485 = tpu.memref_squeeze %dma_wait3A_484 : memref<1x64xf32, #tpu.memory_space<hbm>> -> memref<64xf32, #tpu.memory_space<hbm>>
          tpu.wait_dma2 semaphore(%arg19 : memref<!tpu.dma_semaphore, #tpu.memory_space<semaphore_mem>>) src(%dma_wait3A_485 : memref<64xf32, #tpu.memory_space<hbm>>) dst(%dma_wait3A_482 : memref<64xf32, #tpu.memory_space<vmem>>)
        } else {
        }
        %not3A = arith.constant true
        %not3A_456 = arith.xori %eq3A_428, %not3A : i1
        %convert_element_type3A_457 = arith.extui %not3A_456 : i1 to i32
        %cond3A_458 = arith.constant 0 : i32
        %cond3A_459 = arith.cmpi ne, %convert_element_type3A_457, %cond3A_458 : i32
        scf.if %cond3A_459 {
          %add3A_474 = arith.constant 0 : i32
          %add3A_475 = vector.broadcast %add3A_474 : i32 to vector<16xi32>
          %add3A_476 = arith.addi %iota3A, %add3A_475 : vector<16xi32>
          %gather3A_477 = tpu.vector_load_idx %arg15[%broadcast_in_dim3A_429, %add3A_476, %broadcast_in_dim3A_449] : memref<6x64x128xf32, #tpu.memory_space<vmem>>[vector<16xi32>, vector<16xi32>, vector<16xi32>], vector<16xf32>,
          %swap3A_478 = arith.index_cast %and3A_451 : i32 to index
          %swap3A_479 = arith.constant 0 : index
          %swap3A_480 = tpu.vector_load %arg17[%swap3A_478, %swap3A_479] {strides = array<i32>} : memref<8x64xf32, #tpu.memory_space<vmem>>, vector<16xf32>,
          tpu.vector_store %arg17[%swap3A_478, %swap3A_479], %gather3A_477 {strides = array<i32>} : memref<8x64xf32, #tpu.memory_space<vmem>>, vector<16xf32>,
          %add3A_481 = arith.constant 16 : i32
          %add3A_482 = vector.broadcast %add3A_481 : i32 to vector<16xi32>
          %add3A_483 = arith.addi %iota3A, %add3A_482 : vector<16xi32>
          %gather3A_484 = tpu.vector_load_idx %arg15[%broadcast_in_dim3A_429, %add3A_483, %broadcast_in_dim3A_449] : memref<6x64x128xf32, #tpu.memory_space<vmem>>[vector<16xi32>, vector<16xi32>, vector<16xi32>], vector<16xf32>,
          %swap3A_485 = arith.index_cast %and3A_451 : i32 to index
          %swap3A_486 = arith.constant 16 : index
          %swap3A_487 = tpu.vector_load %arg17[%swap3A_485, %swap3A_486] {strides = array<i32>} : memref<8x64xf32, #tpu.memory_space<vmem>>, vector<16xf32>,
          tpu.vector_store %arg17[%swap3A_485, %swap3A_486], %gather3A_484 {strides = array<i32>} : memref<8x64xf32, #tpu.memory_space<vmem>>, vector<16xf32>,
          %add3A_488 = arith.constant 32 : i32
          %add3A_489 = vector.broadcast %add3A_488 : i32 to vector<16xi32>
          %add3A_490 = arith.addi %iota3A, %add3A_489 : vector<16xi32>
          %gather3A_491 = tpu.vector_load_idx %arg15[%broadcast_in_dim3A_429, %add3A_490, %broadcast_in_dim3A_449] : memref<6x64x128xf32, #tpu.memory_space<vmem>>[vector<16xi32>, vector<16xi32>, vector<16xi32>], vector<16xf32>,
          %swap3A_492 = arith.index_cast %and3A_451 : i32 to index
          %swap3A_493 = arith.constant 32 : index
          %swap3A_494 = tpu.vector_load %arg17[%swap3A_492, %swap3A_493] {strides = array<i32>} : memref<8x64xf32, #tpu.memory_space<vmem>>, vector<16xf32>,
          tpu.vector_store %arg17[%swap3A_492, %swap3A_493], %gather3A_491 {strides = array<i32>} : memref<8x64xf32, #tpu.memory_space<vmem>>, vector<16xf32>,
          %add3A_495 = arith.constant 48 : i32
          %add3A_496 = vector.broadcast %add3A_495 : i32 to vector<16xi32>
          %add3A_497 = arith.addi %iota3A, %add3A_496 : vector<16xi32>
          %gather3A_498 = tpu.vector_load_idx %arg15[%broadcast_in_dim3A_429, %add3A_497, %broadcast_in_dim3A_449] : memref<6x64x128xf32, #tpu.memory_space<vmem>>[vector<16xi32>, vector<16xi32>, vector<16xi32>], vector<16xf32>,
          %swap3A_499 = arith.index_cast %and3A_451 : i32 to index
          %swap3A_500 = arith.constant 48 : index
          %swap3A_501 = tpu.vector_load %arg17[%swap3A_499, %swap3A_500] {strides = array<i32>} : memref<8x64xf32, #tpu.memory_space<vmem>>, vector<16xf32>,
          tpu.vector_store %arg17[%swap3A_499, %swap3A_500], %gather3A_498 {strides = array<i32>} : memref<8x64xf32, #tpu.memory_space<vmem>>, vector<16xf32>,
        } else {
        }
        %convert_element_type3A_460 = arith.extui %eq3A_428 : i1 to i32
        %cond3A_461 = arith.constant 0 : i32
        %cond3A_462 = arith.cmpi ne, %convert_element_type3A_460, %cond3A_461 : i32
        scf.if %cond3A_462 {
          %add3A_474 = arith.constant 0 : i32
          %add3A_475 = vector.broadcast %add3A_474 : i32 to vector<16xi32>
          %add3A_476 = arith.addi %iota3A, %add3A_475 : vector<16xi32>
          %gather3A_477 = tpu.vector_load_idx %arg16[%add3A_476, %broadcast_in_dim3A_449] : memref<64x64xf32, #tpu.memory_space<vmem>>[vector<16xi32>, vector<16xi32>], vector<16xf32>,
          %swap3A_478 = arith.index_cast %and3A_451 : i32 to index
          %swap3A_479 = arith.constant 0 : index
          %swap3A_480 = tpu.vector_load %arg17[%swap3A_478, %swap3A_479] {strides = array<i32>} : memref<8x64xf32, #tpu.memory_space<vmem>>, vector<16xf32>,
          tpu.vector_store %arg17[%swap3A_478, %swap3A_479], %gather3A_477 {strides = array<i32>} : memref<8x64xf32, #tpu.memory_space<vmem>>, vector<16xf32>,
          %add3A_481 = arith.constant 16 : i32
          %add3A_482 = vector.broadcast %add3A_481 : i32 to vector<16xi32>
          %add3A_483 = arith.addi %iota3A, %add3A_482 : vector<16xi32>
          %gather3A_484 = tpu.vector_load_idx %arg16[%add3A_483, %broadcast_in_dim3A_449] : memref<64x64xf32, #tpu.memory_space<vmem>>[vector<16xi32>, vector<16xi32>], vector<16xf32>,
          %swap3A_485 = arith.index_cast %and3A_451 : i32 to index
          %swap3A_486 = arith.constant 16 : index
          %swap3A_487 = tpu.vector_load %arg17[%swap3A_485, %swap3A_486] {strides = array<i32>} : memref<8x64xf32, #tpu.memory_space<vmem>>, vector<16xf32>,
          tpu.vector_store %arg17[%swap3A_485, %swap3A_486], %gather3A_484 {strides = array<i32>} : memref<8x64xf32, #tpu.memory_space<vmem>>, vector<16xf32>,
          %add3A_488 = arith.constant 32 : i32
          %add3A_489 = vector.broadcast %add3A_488 : i32 to vector<16xi32>
          %add3A_490 = arith.addi %iota3A, %add3A_489 : vector<16xi32>
          %gather3A_491 = tpu.vector_load_idx %arg16[%add3A_490, %broadcast_in_dim3A_449] : memref<64x64xf32, #tpu.memory_space<vmem>>[vector<16xi32>, vector<16xi32>], vector<16xf32>,
          %swap3A_492 = arith.index_cast %and3A_451 : i32 to index
          %swap3A_493 = arith.constant 32 : index
          %swap3A_494 = tpu.vector_load %arg17[%swap3A_492, %swap3A_493] {strides = array<i32>} : memref<8x64xf32, #tpu.memory_space<vmem>>, vector<16xf32>,
          tpu.vector_store %arg17[%swap3A_492, %swap3A_493], %gather3A_491 {strides = array<i32>} : memref<8x64xf32, #tpu.memory_space<vmem>>, vector<16xf32>,
          %add3A_495 = arith.constant 48 : i32
          %add3A_496 = vector.broadcast %add3A_495 : i32 to vector<16xi32>
          %add3A_497 = arith.addi %iota3A, %add3A_496 : vector<16xi32>
          %gather3A_498 = tpu.vector_load_idx %arg16[%add3A_497, %broadcast_in_dim3A_449] : memref<64x64xf32, #tpu.memory_space<vmem>>[vector<16xi32>, vector<16xi32>], vector<16xf32>,
          %swap3A_499 = arith.index_cast %and3A_451 : i32 to index
          %swap3A_500 = arith.constant 48 : index
          %swap3A_501 = tpu.vector_load %arg17[%swap3A_499, %swap3A_500] {strides = array<i32>} : memref<8x64xf32, #tpu.memory_space<vmem>>, vector<16xf32>,
          tpu.vector_store %arg17[%swap3A_499, %swap3A_500], %gather3A_498 {strides = array<i32>} : memref<8x64xf32, #tpu.memory_space<vmem>>, vector<16xf32>,
        } else {
        }
        %mul3A_463 = arith.constant 64 : i32
        %mul3A_464 = arith.muli %and3A_447, %mul3A_463 : i32
        %multiple_of3A = tpu.assume_multiple %mul3A_464, 8 : i32
        %dma_start3A = arith.constant 0 : i32
        %dma_start3A_465 = tpu.memref_slice %arg17[%and3A_451, %dma_start3A] : memref<8x64xf32, #tpu.memory_space<vmem>> -> memref<1x64xf32, #tpu.memory_space<vmem>>
        %dma_start3A_466 = tpu.memref_squeeze %dma_start3A_465 : memref<1x64xf32, #tpu.memory_space<vmem>> -> memref<64xf32, #tpu.memory_space<vmem>>
        %dma_start3A_467 = tpu.memref_slice %arg6[%multiple_of3A] : memref<1048576xf32, #tpu.memory_space<hbm>> -> memref<64xf32, #tpu.memory_space<hbm>>
        %dma_start3A_468 = tpu.memref_slice %arg6[%multiple_of3A] : memref<1048576xf32, #tpu.memory_space<hbm>> -> memref<64xf32, #tpu.memory_space<hbm>>
        %dma_start3A_469 = arith.constant 0 : i32
        %dma_start3A_470 = tpu.memref_slice %arg17[%and3A_451, %dma_start3A_469] : memref<8x64xf32, #tpu.memory_space<vmem>> -> memref<1x64xf32, #tpu.memory_space<vmem>>
        %dma_start3A_471 = tpu.memref_squeeze %dma_start3A_470 : memref<1x64xf32, #tpu.memory_space<vmem>> -> memref<64xf32, #tpu.memory_space<vmem>>
        tpu.enqueue_dma source(%dma_start3A_471 : memref<64xf32, #tpu.memory_space<vmem>>) target(%dma_start3A_468 : memref<64xf32, #tpu.memory_space<hbm>>) target_semaphore(%arg19 : memref<!tpu.dma_semaphore, #tpu.memory_space<semaphore_mem>>)
        %add3A_472 = arith.constant 1 : i32
        %add3A_473 = arith.addi %while3A_441, %add3A_472 : i32
        scf.yield %add3A_473 : i32
      }
      scf.yield %while3A_439 : i32
    }
    %gt3A_156 = arith.constant 0 : i32
    %gt3A_157 = arith.cmpi sgt, %while3A_155, %gt3A_156 : i32
    %convert_element_type3A_158 = arith.extui %gt3A_157 : i1 to i32
    %cond3A_159 = arith.constant 0 : i32
    %cond3A_160 = arith.cmpi ne, %convert_element_type3A_158, %cond3A_159 : i32
    scf.if %cond3A_160 {
      %dma_wait3A = arith.constant 0 : i32
      %dma_wait3A_396 = arith.constant 0 : i32
      %dma_wait3A_397 = arith.constant 0 : i32
      %dma_wait3A_398 = tpu.memref_slice %arg17[%dma_wait3A_396, %dma_wait3A_397] : memref<8x64xf32, #tpu.memory_space<vmem>> -> memref<1x64xf32, #tpu.memory_space<vmem>>
      %dma_wait3A_399 = tpu.memref_squeeze %dma_wait3A_398 : memref<1x64xf32, #tpu.memory_space<vmem>> -> memref<64xf32, #tpu.memory_space<vmem>>
      %dma_wait3A_400 = arith.constant 0 : i32
      %dma_wait3A_401 = tpu.memref_slice %arg4[%dma_wait3A, %dma_wait3A_400] : memref<64x1000000xf32, #tpu.memory_space<hbm>> -> memref<1x64xf32, #tpu.memory_space<hbm>>
      %dma_wait3A_402 = tpu.memref_squeeze %dma_wait3A_401 : memref<1x64xf32, #tpu.memory_space<hbm>> -> memref<64xf32, #tpu.memory_space<hbm>>
      %dma_wait3A_403 = arith.constant 0 : i32
      %dma_wait3A_404 = tpu.memref_slice %arg17[%dma_wait3A_396, %dma_wait3A_403] : memref<8x64xf32, #tpu.memory_space<vmem>> -> memref<1x64xf32, #tpu.memory_space<vmem>>
      %dma_wait3A_405 = tpu.memref_squeeze %dma_wait3A_404 : memref<1x64xf32, #tpu.memory_space<vmem>> -> memref<64xf32, #tpu.memory_space<vmem>>
      %dma_wait3A_406 = arith.constant 0 : i32
      %dma_wait3A_407 = tpu.memref_slice %arg4[%dma_wait3A, %dma_wait3A_406] : memref<64x1000000xf32, #tpu.memory_space<hbm>> -> memref<1x64xf32, #tpu.memory_space<hbm>>
      %dma_wait3A_408 = tpu.memref_squeeze %dma_wait3A_407 : memref<1x64xf32, #tpu.memory_space<hbm>> -> memref<64xf32, #tpu.memory_space<hbm>>
      tpu.wait_dma2 semaphore(%arg19 : memref<!tpu.dma_semaphore, #tpu.memory_space<semaphore_mem>>) src(%dma_wait3A_408 : memref<64xf32, #tpu.memory_space<hbm>>) dst(%dma_wait3A_405 : memref<64xf32, #tpu.memory_space<vmem>>)
    } else {
    }
    %gt3A_161 = arith.constant 1 : i32
    %gt3A_162 = arith.cmpi sgt, %while3A_155, %gt3A_161 : i32
    %convert_element_type3A_163 = arith.extui %gt3A_162 : i1 to i32
    %cond3A_164 = arith.constant 0 : i32
    %cond3A_165 = arith.cmpi ne, %convert_element_type3A_163, %cond3A_164 : i32
    scf.if %cond3A_165 {
      %dma_wait3A = arith.constant 0 : i32
      %dma_wait3A_396 = arith.constant 1 : i32
      %dma_wait3A_397 = arith.constant 0 : i32
      %dma_wait3A_398 = tpu.memref_slice %arg17[%dma_wait3A_396, %dma_wait3A_397] : memref<8x64xf32, #tpu.memory_space<vmem>> -> memref<1x64xf32, #tpu.memory_space<vmem>>
      %dma_wait3A_399 = tpu.memref_squeeze %dma_wait3A_398 : memref<1x64xf32, #tpu.memory_space<vmem>> -> memref<64xf32, #tpu.memory_space<vmem>>
      %dma_wait3A_400 = arith.constant 0 : i32
      %dma_wait3A_401 = tpu.memref_slice %arg4[%dma_wait3A, %dma_wait3A_400] : memref<64x1000000xf32, #tpu.memory_space<hbm>> -> memref<1x64xf32, #tpu.memory_space<hbm>>
      %dma_wait3A_402 = tpu.memref_squeeze %dma_wait3A_401 : memref<1x64xf32, #tpu.memory_space<hbm>> -> memref<64xf32, #tpu.memory_space<hbm>>
      %dma_wait3A_403 = arith.constant 0 : i32
      %dma_wait3A_404 = tpu.memref_slice %arg17[%dma_wait3A_396, %dma_wait3A_403] : memref<8x64xf32, #tpu.memory_space<vmem>> -> memref<1x64xf32, #tpu.memory_space<vmem>>
      %dma_wait3A_405 = tpu.memref_squeeze %dma_wait3A_404 : memref<1x64xf32, #tpu.memory_space<vmem>> -> memref<64xf32, #tpu.memory_space<vmem>>
      %dma_wait3A_406 = arith.constant 0 : i32
      %dma_wait3A_407 = tpu.memref_slice %arg4[%dma_wait3A, %dma_wait3A_406] : memref<64x1000000xf32, #tpu.memory_space<hbm>> -> memref<1x64xf32, #tpu.memory_space<hbm>>
      %dma_wait3A_408 = tpu.memref_squeeze %dma_wait3A_407 : memref<1x64xf32, #tpu.memory_space<hbm>> -> memref<64xf32, #tpu.memory_space<hbm>>
      tpu.wait_dma2 semaphore(%arg19 : memref<!tpu.dma_semaphore, #tpu.memory_space<semaphore_mem>>) src(%dma_wait3A_408 : memref<64xf32, #tpu.memory_space<hbm>>) dst(%dma_wait3A_405 : memref<64xf32, #tpu.memory_space<vmem>>)
    } else {
    }
    %gt3A_166 = arith.constant 2 : i32
    %gt3A_167 = arith.cmpi sgt, %while3A_155, %gt3A_166 : i32
    %convert_element_type3A_168 = arith.extui %gt3A_167 : i1 to i32
    %cond3A_169 = arith.constant 0 : i32
    %cond3A_170 = arith.cmpi ne, %convert_element_type3A_168, %cond3A_169 : i32
    scf.if %cond3A_170 {
      %dma_wait3A = arith.constant 0 : i32
      %dma_wait3A_396 = arith.constant 2 : i32
      %dma_wait3A_397 = arith.constant 0 : i32
      %dma_wait3A_398 = tpu.memref_slice %arg17[%dma_wait3A_396, %dma_wait3A_397] : memref<8x64xf32, #tpu.memory_space<vmem>> -> memref<1x64xf32, #tpu.memory_space<vmem>>
      %dma_wait3A_399 = tpu.memref_squeeze %dma_wait3A_398 : memref<1x64xf32, #tpu.memory_space<vmem>> -> memref<64xf32, #tpu.memory_space<vmem>>
      %dma_wait3A_400 = arith.constant 0 : i32
      %dma_wait3A_401 = tpu.memref_slice %arg4[%dma_wait3A, %dma_wait3A_400] : memref<64x1000000xf32, #tpu.memory_space<hbm>> -> memref<1x64xf32, #tpu.memory_space<hbm>>
      %dma_wait3A_402 = tpu.memref_squeeze %dma_wait3A_401 : memref<1x64xf32, #tpu.memory_space<hbm>> -> memref<64xf32, #tpu.memory_space<hbm>>
      %dma_wait3A_403 = arith.constant 0 : i32
      %dma_wait3A_404 = tpu.memref_slice %arg17[%dma_wait3A_396, %dma_wait3A_403] : memref<8x64xf32, #tpu.memory_space<vmem>> -> memref<1x64xf32, #tpu.memory_space<vmem>>
      %dma_wait3A_405 = tpu.memref_squeeze %dma_wait3A_404 : memref<1x64xf32, #tpu.memory_space<vmem>> -> memref<64xf32, #tpu.memory_space<vmem>>
      %dma_wait3A_406 = arith.constant 0 : i32
      %dma_wait3A_407 = tpu.memref_slice %arg4[%dma_wait3A, %dma_wait3A_406] : memref<64x1000000xf32, #tpu.memory_space<hbm>> -> memref<1x64xf32, #tpu.memory_space<hbm>>
      %dma_wait3A_408 = tpu.memref_squeeze %dma_wait3A_407 : memref<1x64xf32, #tpu.memory_space<hbm>> -> memref<64xf32, #tpu.memory_space<hbm>>
      tpu.wait_dma2 semaphore(%arg19 : memref<!tpu.dma_semaphore, #tpu.memory_space<semaphore_mem>>) src(%dma_wait3A_408 : memref<64xf32, #tpu.memory_space<hbm>>) dst(%dma_wait3A_405 : memref<64xf32, #tpu.memory_space<vmem>>)
    } else {
    }
    %gt3A_171 = arith.constant 3 : i32
    %gt3A_172 = arith.cmpi sgt, %while3A_155, %gt3A_171 : i32
    %convert_element_type3A_173 = arith.extui %gt3A_172 : i1 to i32
    %cond3A_174 = arith.constant 0 : i32
    %cond3A_175 = arith.cmpi ne, %convert_element_type3A_173, %cond3A_174 : i32
    scf.if %cond3A_175 {
      %dma_wait3A = arith.constant 0 : i32
      %dma_wait3A_396 = arith.constant 3 : i32
      %dma_wait3A_397 = arith.constant 0 : i32
      %dma_wait3A_398 = tpu.memref_slice %arg17[%dma_wait3A_396, %dma_wait3A_397] : memref<8x64xf32, #tpu.memory_space<vmem>> -> memref<1x64xf32, #tpu.memory_space<vmem>>
      %dma_wait3A_399 = tpu.memref_squeeze %dma_wait3A_398 : memref<1x64xf32, #tpu.memory_space<vmem>> -> memref<64xf32, #tpu.memory_space<vmem>>
      %dma_wait3A_400 = arith.constant 0 : i32
      %dma_wait3A_401 = tpu.memref_slice %arg4[%dma_wait3A, %dma_wait3A_400] : memref<64x1000000xf32, #tpu.memory_space<hbm>> -> memref<1x64xf32, #tpu.memory_space<hbm>>
      %dma_wait3A_402 = tpu.memref_squeeze %dma_wait3A_401 : memref<1x64xf32, #tpu.memory_space<hbm>> -> memref<64xf32, #tpu.memory_space<hbm>>
      %dma_wait3A_403 = arith.constant 0 : i32
      %dma_wait3A_404 = tpu.memref_slice %arg17[%dma_wait3A_396, %dma_wait3A_403] : memref<8x64xf32, #tpu.memory_space<vmem>> -> memref<1x64xf32, #tpu.memory_space<vmem>>
      %dma_wait3A_405 = tpu.memref_squeeze %dma_wait3A_404 : memref<1x64xf32, #tpu.memory_space<vmem>> -> memref<64xf32, #tpu.memory_space<vmem>>
      %dma_wait3A_406 = arith.constant 0 : i32
      %dma_wait3A_407 = tpu.memref_slice %arg4[%dma_wait3A, %dma_wait3A_406] : memref<64x1000000xf32, #tpu.memory_space<hbm>> -> memref<1x64xf32, #tpu.memory_space<hbm>>
      %dma_wait3A_408 = tpu.memref_squeeze %dma_wait3A_407 : memref<1x64xf32, #tpu.memory_space<hbm>> -> memref<64xf32, #tpu.memory_space<hbm>>
      tpu.wait_dma2 semaphore(%arg19 : memref<!tpu.dma_semaphore, #tpu.memory_space<semaphore_mem>>) src(%dma_wait3A_408 : memref<64xf32, #tpu.memory_space<hbm>>) dst(%dma_wait3A_405 : memref<64xf32, #tpu.memory_space<vmem>>)
    } else {
    }
    %gt3A_176 = arith.constant 4 : i32
    %gt3A_177 = arith.cmpi sgt, %while3A_155, %gt3A_176 : i32
    %convert_element_type3A_178 = arith.extui %gt3A_177 : i1 to i32
    %cond3A_179 = arith.constant 0 : i32
    %cond3A_180 = arith.cmpi ne, %convert_element_type3A_178, %cond3A_179 : i32
    scf.if %cond3A_180 {
      %dma_wait3A = arith.constant 0 : i32
      %dma_wait3A_396 = arith.constant 4 : i32
      %dma_wait3A_397 = arith.constant 0 : i32
      %dma_wait3A_398 = tpu.memref_slice %arg17[%dma_wait3A_396, %dma_wait3A_397] : memref<8x64xf32, #tpu.memory_space<vmem>> -> memref<1x64xf32, #tpu.memory_space<vmem>>
      %dma_wait3A_399 = tpu.memref_squeeze %dma_wait3A_398 : memref<1x64xf32, #tpu.memory_space<vmem>> -> memref<64xf32, #tpu.memory_space<vmem>>
      %dma_wait3A_400 = arith.constant 0 : i32
      %dma_wait3A_401 = tpu.memref_slice %arg4[%dma_wait3A, %dma_wait3A_400] : memref<64x1000000xf32, #tpu.memory_space<hbm>> -> memref<1x64xf32, #tpu.memory_space<hbm>>
      %dma_wait3A_402 = tpu.memref_squeeze %dma_wait3A_401 : memref<1x64xf32, #tpu.memory_space<hbm>> -> memref<64xf32, #tpu.memory_space<hbm>>
      %dma_wait3A_403 = arith.constant 0 : i32
      %dma_wait3A_404 = tpu.memref_slice %arg17[%dma_wait3A_396, %dma_wait3A_403] : memref<8x64xf32, #tpu.memory_space<vmem>> -> memref<1x64xf32, #tpu.memory_space<vmem>>
      %dma_wait3A_405 = tpu.memref_squeeze %dma_wait3A_404 : memref<1x64xf32, #tpu.memory_space<vmem>> -> memref<64xf32, #tpu.memory_space<vmem>>
      %dma_wait3A_406 = arith.constant 0 : i32
      %dma_wait3A_407 = tpu.memref_slice %arg4[%dma_wait3A, %dma_wait3A_406] : memref<64x1000000xf32, #tpu.memory_space<hbm>> -> memref<1x64xf32, #tpu.memory_space<hbm>>
      %dma_wait3A_408 = tpu.memref_squeeze %dma_wait3A_407 : memref<1x64xf32, #tpu.memory_space<hbm>> -> memref<64xf32, #tpu.memory_space<hbm>>
      tpu.wait_dma2 semaphore(%arg19 : memref<!tpu.dma_semaphore, #tpu.memory_space<semaphore_mem>>) src(%dma_wait3A_408 : memref<64xf32, #tpu.memory_space<hbm>>) dst(%dma_wait3A_405 : memref<64xf32, #tpu.memory_space<vmem>>)
    } else {
    }
    %gt3A_181 = arith.constant 5 : i32
    %gt3A_182 = arith.cmpi sgt, %while3A_155, %gt3A_181 : i32
    %convert_element_type3A_183 = arith.extui %gt3A_182 : i1 to i32
    %cond3A_184 = arith.constant 0 : i32
    %cond3A_185 = arith.cmpi ne, %convert_element_type3A_183, %cond3A_184 : i32
    scf.if %cond3A_185 {
      %dma_wait3A = arith.constant 0 : i32
      %dma_wait3A_396 = arith.constant 5 : i32
      %dma_wait3A_397 = arith.constant 0 : i32
      %dma_wait3A_398 = tpu.memref_slice %arg17[%dma_wait3A_396, %dma_wait3A_397] : memref<8x64xf32, #tpu.memory_space<vmem>> -> memref<1x64xf32, #tpu.memory_space<vmem>>
      %dma_wait3A_399 = tpu.memref_squeeze %dma_wait3A_398 : memref<1x64xf32, #tpu.memory_space<vmem>> -> memref<64xf32, #tpu.memory_space<vmem>>
      %dma_wait3A_400 = arith.constant 0 : i32
      %dma_wait3A_401 = tpu.memref_slice %arg4[%dma_wait3A, %dma_wait3A_400] : memref<64x1000000xf32, #tpu.memory_space<hbm>> -> memref<1x64xf32, #tpu.memory_space<hbm>>
      %dma_wait3A_402 = tpu.memref_squeeze %dma_wait3A_401 : memref<1x64xf32, #tpu.memory_space<hbm>> -> memref<64xf32, #tpu.memory_space<hbm>>
      %dma_wait3A_403 = arith.constant 0 : i32
      %dma_wait3A_404 = tpu.memref_slice %arg17[%dma_wait3A_396, %dma_wait3A_403] : memref<8x64xf32, #tpu.memory_space<vmem>> -> memref<1x64xf32, #tpu.memory_space<vmem>>
      %dma_wait3A_405 = tpu.memref_squeeze %dma_wait3A_404 : memref<1x64xf32, #tpu.memory_space<vmem>> -> memref<64xf32, #tpu.memory_space<vmem>>
      %dma_wait3A_406 = arith.constant 0 : i32
      %dma_wait3A_407 = tpu.memref_slice %arg4[%dma_wait3A, %dma_wait3A_406] : memref<64x1000000xf32, #tpu.memory_space<hbm>> -> memref<1x64xf32, #tpu.memory_space<hbm>>
      %dma_wait3A_408 = tpu.memref_squeeze %dma_wait3A_407 : memref<1x64xf32, #tpu.memory_space<hbm>> -> memref<64xf32, #tpu.memory_space<hbm>>
      tpu.wait_dma2 semaphore(%arg19 : memref<!tpu.dma_semaphore, #tpu.memory_space<semaphore_mem>>) src(%dma_wait3A_408 : memref<64xf32, #tpu.memory_space<hbm>>) dst(%dma_wait3A_405 : memref<64xf32, #tpu.memory_space<vmem>>)
    } else {
    }
    %gt3A_186 = arith.constant 6 : i32
    %gt3A_187 = arith.cmpi sgt, %while3A_155, %gt3A_186 : i32
    %convert_element_type3A_188 = arith.extui %gt3A_187 : i1 to i32
    %cond3A_189 = arith.constant 0 : i32
    %cond3A_190 = arith.cmpi ne, %convert_element_type3A_188, %cond3A_189 : i32
    scf.if %cond3A_190 {
      %dma_wait3A = arith.constant 0 : i32
      %dma_wait3A_396 = arith.constant 6 : i32
      %dma_wait3A_397 = arith.constant 0 : i32
      %dma_wait3A_398 = tpu.memref_slice %arg17[%dma_wait3A_396, %dma_wait3A_397] : memref<8x64xf32, #tpu.memory_space<vmem>> -> memref<1x64xf32, #tpu.memory_space<vmem>>
      %dma_wait3A_399 = tpu.memref_squeeze %dma_wait3A_398 : memref<1x64xf32, #tpu.memory_space<vmem>> -> memref<64xf32, #tpu.memory_space<vmem>>
      %dma_wait3A_400 = arith.constant 0 : i32
      %dma_wait3A_401 = tpu.memref_slice %arg4[%dma_wait3A, %dma_wait3A_400] : memref<64x1000000xf32, #tpu.memory_space<hbm>> -> memref<1x64xf32, #tpu.memory_space<hbm>>
      %dma_wait3A_402 = tpu.memref_squeeze %dma_wait3A_401 : memref<1x64xf32, #tpu.memory_space<hbm>> -> memref<64xf32, #tpu.memory_space<hbm>>
      %dma_wait3A_403 = arith.constant 0 : i32
      %dma_wait3A_404 = tpu.memref_slice %arg17[%dma_wait3A_396, %dma_wait3A_403] : memref<8x64xf32, #tpu.memory_space<vmem>> -> memref<1x64xf32, #tpu.memory_space<vmem>>
      %dma_wait3A_405 = tpu.memref_squeeze %dma_wait3A_404 : memref<1x64xf32, #tpu.memory_space<vmem>> -> memref<64xf32, #tpu.memory_space<vmem>>
      %dma_wait3A_406 = arith.constant 0 : i32
      %dma_wait3A_407 = tpu.memref_slice %arg4[%dma_wait3A, %dma_wait3A_406] : memref<64x1000000xf32, #tpu.memory_space<hbm>> -> memref<1x64xf32, #tpu.memory_space<hbm>>
      %dma_wait3A_408 = tpu.memref_squeeze %dma_wait3A_407 : memref<1x64xf32, #tpu.memory_space<hbm>> -> memref<64xf32, #tpu.memory_space<hbm>>
      tpu.wait_dma2 semaphore(%arg19 : memref<!tpu.dma_semaphore, #tpu.memory_space<semaphore_mem>>) src(%dma_wait3A_408 : memref<64xf32, #tpu.memory_space<hbm>>) dst(%dma_wait3A_405 : memref<64xf32, #tpu.memory_space<vmem>>)
    } else {
    }
    %gt3A_191 = arith.constant 7 : i32
    %gt3A_192 = arith.cmpi sgt, %while3A_155, %gt3A_191 : i32
    %convert_element_type3A_193 = arith.extui %gt3A_192 : i1 to i32
    %cond3A_194 = arith.constant 0 : i32
    %cond3A_195 = arith.cmpi ne, %convert_element_type3A_193, %cond3A_194 : i32
    scf.if %cond3A_195 {
      %dma_wait3A = arith.constant 0 : i32
      %dma_wait3A_396 = arith.constant 7 : i32
      %dma_wait3A_397 = arith.constant 0 : i32
      %dma_wait3A_398 = tpu.memref_slice %arg17[%dma_wait3A_396, %dma_wait3A_397] : memref<8x64xf32, #tpu.memory_space<vmem>> -> memref<1x64xf32, #tpu.memory_space<vmem>>
      %dma_wait3A_399 = tpu.memref_squeeze %dma_wait3A_398 : memref<1x64xf32, #tpu.memory_space<vmem>> -> memref<64xf32, #tpu.memory_space<vmem>>
      %dma_wait3A_400 = arith.constant 0 : i32
      %dma_wait3A_401 = tpu.memref_slice %arg4[%dma_wait3A, %dma_wait3A_400] : memref<64x1000000xf32, #tpu.memory_space<hbm>> -> memref<1x64xf32, #tpu.memory_space<hbm>>
      %dma_wait3A_402 = tpu.memref_squeeze %dma_wait3A_401 : memref<1x64xf32, #tpu.memory_space<hbm>> -> memref<64xf32, #tpu.memory_space<hbm>>
      %dma_wait3A_403 = arith.constant 0 : i32
      %dma_wait3A_404 = tpu.memref_slice %arg17[%dma_wait3A_396, %dma_wait3A_403] : memref<8x64xf32, #tpu.memory_space<vmem>> -> memref<1x64xf32, #tpu.memory_space<vmem>>
      %dma_wait3A_405 = tpu.memref_squeeze %dma_wait3A_404 : memref<1x64xf32, #tpu.memory_space<vmem>> -> memref<64xf32, #tpu.memory_space<vmem>>
      %dma_wait3A_406 = arith.constant 0 : i32
      %dma_wait3A_407 = tpu.memref_slice %arg4[%dma_wait3A, %dma_wait3A_406] : memref<64x1000000xf32, #tpu.memory_space<hbm>> -> memref<1x64xf32, #tpu.memory_space<hbm>>
      %dma_wait3A_408 = tpu.memref_squeeze %dma_wait3A_407 : memref<1x64xf32, #tpu.memory_space<hbm>> -> memref<64xf32, #tpu.memory_space<hbm>>
      tpu.wait_dma2 semaphore(%arg19 : memref<!tpu.dma_semaphore, #tpu.memory_space<semaphore_mem>>) src(%dma_wait3A_408 : memref<64xf32, #tpu.memory_space<hbm>>) dst(%dma_wait3A_405 : memref<64xf32, #tpu.memory_space<vmem>>)
    } else {
    }
    "tpu.region"() ({
      %run_scoped3A = tpu.sem_alloc : memref<!tpu.dma_semaphore, #tpu.memory_space<semaphore_mem>>
      tpu.enqueue_dma source(%arg3 : memref<16384xi32, #tpu.memory_space<hbm>>) target(%arg8 : memref<16384xi32, #tpu.memory_space<vmem>>) target_semaphore(%run_scoped3A : memref<!tpu.dma_semaphore, #tpu.memory_space<semaphore_mem>>)
      tpu.wait_dma2 semaphore(%run_scoped3A : memref<!tpu.dma_semaphore, #tpu.memory_space<semaphore_mem>>) src(%arg3 : memref<16384xi32, #tpu.memory_space<hbm>>) dst(%arg8 : memref<16384xi32, #tpu.memory_space<vmem>>)
      tpu.yield
    }) : () -> ()
    %broadcast_in_dim3A_196 = arith.constant 0 : i32
    %broadcast_in_dim3A_197 = vector.broadcast %broadcast_in_dim3A_196 : i32 to vector<16xi32>
    %swap3A_198 = arith.constant 0 : index
    %swap3A_199 = tpu.vector_load %arg11[%swap3A_198] {strides = array<i32>} : memref<256xi32, #tpu.memory_space<vmem>>, vector<16xi32>,
    tpu.vector_store %arg11[%swap3A_198], %broadcast_in_dim3A_197 {strides = array<i32>} : memref<256xi32, #tpu.memory_space<vmem>>, vector<16xi32>,
    %broadcast_in_dim3A_200 = arith.constant 0 : i32
    %broadcast_in_dim3A_201 = vector.broadcast %broadcast_in_dim3A_200 : i32 to vector<16xi32>
    %swap3A_202 = arith.constant 16 : index
    %swap3A_203 = tpu.vector_load %arg11[%swap3A_202] {strides = array<i32>} : memref<256xi32, #tpu.memory_space<vmem>>, vector<16xi32>,
    tpu.vector_store %arg11[%swap3A_202], %broadcast_in_dim3A_201 {strides = array<i32>} : memref<256xi32, #tpu.memory_space<vmem>>, vector<16xi32>,
    %broadcast_in_dim3A_204 = arith.constant 0 : i32
    %broadcast_in_dim3A_205 = vector.broadcast %broadcast_in_dim3A_204 : i32 to vector<16xi32>
    %swap3A_206 = arith.constant 32 : index
    %swap3A_207 = tpu.vector_load %arg11[%swap3A_206] {strides = array<i32>} : memref<256xi32, #tpu.memory_space<vmem>>, vector<16xi32>,
    tpu.vector_store %arg11[%swap3A_206], %broadcast_in_dim3A_205 {strides = array<i32>} : memref<256xi32, #tpu.memory_space<vmem>>, vector<16xi32>,
    %broadcast_in_dim3A_208 = arith.constant 0 : i32
    %broadcast_in_dim3A_209 = vector.broadcast %broadcast_in_dim3A_208 : i32 to vector<16xi32>
    %swap3A_210 = arith.constant 48 : index
    %swap3A_211 = tpu.vector_load %arg11[%swap3A_210] {strides = array<i32>} : memref<256xi32, #tpu.memory_space<vmem>>, vector<16xi32>,
    tpu.vector_store %arg11[%swap3A_210], %broadcast_in_dim3A_209 {strides = array<i32>} : memref<256xi32, #tpu.memory_space<vmem>>, vector<16xi32>,
    %broadcast_in_dim3A_212 = arith.constant 0 : i32
    %broadcast_in_dim3A_213 = vector.broadcast %broadcast_in_dim3A_212 : i32 to vector<16xi32>
    %swap3A_214 = arith.constant 64 : index
    %swap3A_215 = tpu.vector_load %arg11[%swap3A_214] {strides = array<i32>} : memref<256xi32, #tpu.memory_space<vmem>>, vector<16xi32>,
    tpu.vector_store %arg11[%swap3A_214], %broadcast_in_dim3A_213 {strides = array<i32>} : memref<256xi32, #tpu.memory_space<vmem>>, vector<16xi32>,
    %broadcast_in_dim3A_216 = arith.constant 0 : i32
    %broadcast_in_dim3A_217 = vector.broadcast %broadcast_in_dim3A_216 : i32 to vector<16xi32>
    %swap3A_218 = arith.constant 80 : index
    %swap3A_219 = tpu.vector_load %arg11[%swap3A_218] {strides = array<i32>} : memref<256xi32, #tpu.memory_space<vmem>>, vector<16xi32>,
    tpu.vector_store %arg11[%swap3A_218], %broadcast_in_dim3A_217 {strides = array<i32>} : memref<256xi32, #tpu.memory_space<vmem>>, vector<16xi32>,
    %broadcast_in_dim3A_220 = arith.constant 0 : i32
    %broadcast_in_dim3A_221 = vector.broadcast %broadcast_in_dim3A_220 : i32 to vector<16xi32>
    %swap3A_222 = arith.constant 96 : index
    %swap3A_223 = tpu.vector_load %arg11[%swap3A_222] {strides = array<i32>} : memref<256xi32, #tpu.memory_space<vmem>>, vector<16xi32>,
    tpu.vector_store %arg11[%swap3A_222], %broadcast_in_dim3A_221 {strides = array<i32>} : memref<256xi32, #tpu.memory_space<vmem>>, vector<16xi32>,
    %broadcast_in_dim3A_224 = arith.constant 0 : i32
    %broadcast_in_dim3A_225 = vector.broadcast %broadcast_in_dim3A_224 : i32 to vector<16xi32>
    %swap3A_226 = arith.constant 112 : index
    %swap3A_227 = tpu.vector_load %arg11[%swap3A_226] {strides = array<i32>} : memref<256xi32, #tpu.memory_space<vmem>>, vector<16xi32>,
    tpu.vector_store %arg11[%swap3A_226], %broadcast_in_dim3A_225 {strides = array<i32>} : memref<256xi32, #tpu.memory_space<vmem>>, vector<16xi32>,
    %broadcast_in_dim3A_228 = arith.constant 0 : i32
    %broadcast_in_dim3A_229 = vector.broadcast %broadcast_in_dim3A_228 : i32 to vector<16xi32>
    %swap3A_230 = arith.constant 128 : index
    %swap3A_231 = tpu.vector_load %arg11[%swap3A_230] {strides = array<i32>} : memref<256xi32, #tpu.memory_space<vmem>>, vector<16xi32>,
    tpu.vector_store %arg11[%swap3A_230], %broadcast_in_dim3A_229 {strides = array<i32>} : memref<256xi32, #tpu.memory_space<vmem>>, vector<16xi32>,
    %broadcast_in_dim3A_232 = arith.constant 0 : i32
    %broadcast_in_dim3A_233 = vector.broadcast %broadcast_in_dim3A_232 : i32 to vector<16xi32>
    %swap3A_234 = arith.constant 144 : index
    %swap3A_235 = tpu.vector_load %arg11[%swap3A_234] {strides = array<i32>} : memref<256xi32, #tpu.memory_space<vmem>>, vector<16xi32>,
    tpu.vector_store %arg11[%swap3A_234], %broadcast_in_dim3A_233 {strides = array<i32>} : memref<256xi32, #tpu.memory_space<vmem>>, vector<16xi32>,
    %broadcast_in_dim3A_236 = arith.constant 0 : i32
    %broadcast_in_dim3A_237 = vector.broadcast %broadcast_in_dim3A_236 : i32 to vector<16xi32>
    %swap3A_238 = arith.constant 160 : index
    %swap3A_239 = tpu.vector_load %arg11[%swap3A_238] {strides = array<i32>} : memref<256xi32, #tpu.memory_space<vmem>>, vector<16xi32>,
    tpu.vector_store %arg11[%swap3A_238], %broadcast_in_dim3A_237 {strides = array<i32>} : memref<256xi32, #tpu.memory_space<vmem>>, vector<16xi32>,
    %broadcast_in_dim3A_240 = arith.constant 0 : i32
    %broadcast_in_dim3A_241 = vector.broadcast %broadcast_in_dim3A_240 : i32 to vector<16xi32>
    %swap3A_242 = arith.constant 176 : index
    %swap3A_243 = tpu.vector_load %arg11[%swap3A_242] {strides = array<i32>} : memref<256xi32, #tpu.memory_space<vmem>>, vector<16xi32>,
    tpu.vector_store %arg11[%swap3A_242], %broadcast_in_dim3A_241 {strides = array<i32>} : memref<256xi32, #tpu.memory_space<vmem>>, vector<16xi32>,
    %broadcast_in_dim3A_244 = arith.constant 0 : i32
    %broadcast_in_dim3A_245 = vector.broadcast %broadcast_in_dim3A_244 : i32 to vector<16xi32>
    %swap3A_246 = arith.constant 192 : index
    %swap3A_247 = tpu.vector_load %arg11[%swap3A_246] {strides = array<i32>} : memref<256xi32, #tpu.memory_space<vmem>>, vector<16xi32>,
    tpu.vector_store %arg11[%swap3A_246], %broadcast_in_dim3A_245 {strides = array<i32>} : memref<256xi32, #tpu.memory_space<vmem>>, vector<16xi32>,
    %broadcast_in_dim3A_248 = arith.constant 0 : i32
    %broadcast_in_dim3A_249 = vector.broadcast %broadcast_in_dim3A_248 : i32 to vector<16xi32>
    %swap3A_250 = arith.constant 208 : index
    %swap3A_251 = tpu.vector_load %arg11[%swap3A_250] {strides = array<i32>} : memref<256xi32, #tpu.memory_space<vmem>>, vector<16xi32>,
    tpu.vector_store %arg11[%swap3A_250], %broadcast_in_dim3A_249 {strides = array<i32>} : memref<256xi32, #tpu.memory_space<vmem>>, vector<16xi32>,
    %broadcast_in_dim3A_252 = arith.constant 0 : i32
    %broadcast_in_dim3A_253 = vector.broadcast %broadcast_in_dim3A_252 : i32 to vector<16xi32>
    %swap3A_254 = arith.constant 224 : index
    %swap3A_255 = tpu.vector_load %arg11[%swap3A_254] {strides = array<i32>} : memref<256xi32, #tpu.memory_space<vmem>>, vector<16xi32>,
    tpu.vector_store %arg11[%swap3A_254], %broadcast_in_dim3A_253 {strides = array<i32>} : memref<256xi32, #tpu.memory_space<vmem>>, vector<16xi32>,
    %broadcast_in_dim3A_256 = arith.constant 0 : i32
    %broadcast_in_dim3A_257 = vector.broadcast %broadcast_in_dim3A_256 : i32 to vector<16xi32>
    %swap3A_258 = arith.constant 240 : index
    %swap3A_259 = tpu.vector_load %arg11[%swap3A_258] {strides = array<i32>} : memref<256xi32, #tpu.memory_space<vmem>>, vector<16xi32>,
    tpu.vector_store %arg11[%swap3A_258], %broadcast_in_dim3A_257 {strides = array<i32>} : memref<256xi32, #tpu.memory_space<vmem>>, vector<16xi32>,
    %scan3A_260 = arith.constant 0 : i32
    %scan3A_261 = arith.constant 0 : i32
    %scan3A_262 = arith.constant 1024 : i32
    %scan3A_263 = arith.addi %scan3A_261, %scan3A_262 : i32
    %scan3A_264 = arith.constant 1 : i32
    %scan3A_265 = scf.for %scan3A_396 = %scan3A_261 to %scan3A_263 step %scan3A_264 iter_args(%scan3A_397 = %scan3A_260) -> (i32)  : i32 {
      %mul3A_398 = arith.constant 16 : i32
      %mul3A_399 = arith.muli %scan3A_396, %mul3A_398 : i32
      %multiple_of3A = tpu.assume_multiple %mul3A_399, 16 : i32
      %get3A = arith.index_cast %multiple_of3A : i32 to index
      %get3A_400 = tpu.vector_load %arg8[%get3A] {strides = array<i32>} : memref<16384xi32, #tpu.memory_space<vmem>>, vector<16xi32>,
      %shift_right_logical3A = arith.constant 7 : i32
      %shift_right_logical3A_401 = vector.broadcast %shift_right_logical3A : i32 to vector<16xi32>
      %shift_right_logical3A_402 = arith.shrui %get3A_400, %shift_right_logical3A_401 : vector<16xi32>
      %ge3A = vector.broadcast %add3A_4 : i32 to vector<16xi32>
      %ge3A_403 = arith.cmpi sge, %shift_right_logical3A_402, %ge3A : vector<16xi32>
      %add3A_404 = arith.addi %add3A_4, %add3A_7 : i32
      %lt3A_405 = vector.broadcast %add3A_404 : i32 to vector<16xi32>
      %lt3A_406 = arith.cmpi slt, %shift_right_logical3A_402, %lt3A_405 : vector<16xi32>
      %and3A_407 = arith.andi %ge3A_403, %lt3A_406 : vector<16xi1>
      %mul3A_408 = arith.constant 16 : i32
      %mul3A_409 = arith.muli %scan3A_396, %mul3A_408 : i32
      %add3A_410 = vector.broadcast %mul3A_409 : i32 to vector<16xi32>
      %add3A_411 = arith.addi %add3A_410, %iota3A : vector<16xi32>
      %swap3A_412 = arith.index_cast %scan3A_397 : i32 to index
      %swap3A_413 = tpu.vector_load %arg9[%swap3A_412] masked %and3A_407 {strides = array<i32>} : memref<16384xi32, #tpu.memory_space<vmem>>, vector<16xi32>, vector<16xi1>
      tpu.vector_store %arg9[%swap3A_412], %add3A_411 masked %and3A_407 {strides = array<i32>} : memref<16384xi32, #tpu.memory_space<vmem>>, vector<16xi32>, vector<16xi1>
      %sub3A_414 = vector.broadcast %add3A_4 : i32 to vector<16xi32>
      %sub3A_415 = arith.subi %shift_right_logical3A_402, %sub3A_414 : vector<16xi32>
      %jit3A_416 = arith.constant 0 : i32
      %broadcast_in_dim3A_417 = vector.broadcast %jit3A_416 : i32 to vector<16xi32>
      %select_n3A_418 = arith.select %and3A_407, %sub3A_415, %broadcast_in_dim3A_417 : vector<16xi1>, vector<16xi32>
      %eq3A = arith.constant 0 : i32
      %eq3A_419 = vector.broadcast %eq3A : i32 to vector<16xi32>
      %eq3A_420 = arith.cmpi eq, %iota3A, %eq3A_419 : vector<16xi32>
      %and3A_421 = arith.andi %and3A_407, %eq3A_420 : vector<16xi1>
      tpu.vector_store_idx %arg11[%select_n3A_418], %broadcast_in_dim3A_8 masked %and3A_421 {add = true} : memref<256xi32, #tpu.memory_space<vmem>>[vector<16xi32>], vector<16xi32>, vector<16xi1>
      %eq3A_422 = arith.constant 1 : i32
      %eq3A_423 = vector.broadcast %eq3A_422 : i32 to vector<16xi32>
      %eq3A_424 = arith.cmpi eq, %iota3A, %eq3A_423 : vector<16xi32>
      %and3A_425 = arith.andi %and3A_407, %eq3A_424 : vector<16xi1>
      tpu.vector_store_idx %arg11[%select_n3A_418], %broadcast_in_dim3A_8 masked %and3A_425 {add = true} : memref<256xi32, #tpu.memory_space<vmem>>[vector<16xi32>], vector<16xi32>, vector<16xi1>
      %eq3A_426 = arith.constant 2 : i32
      %eq3A_427 = vector.broadcast %eq3A_426 : i32 to vector<16xi32>
      %eq3A_428 = arith.cmpi eq, %iota3A, %eq3A_427 : vector<16xi32>
      %and3A_429 = arith.andi %and3A_407, %eq3A_428 : vector<16xi1>
      tpu.vector_store_idx %arg11[%select_n3A_418], %broadcast_in_dim3A_8 masked %and3A_429 {add = true} : memref<256xi32, #tpu.memory_space<vmem>>[vector<16xi32>], vector<16xi32>, vector<16xi1>
      %eq3A_430 = arith.constant 3 : i32
      %eq3A_431 = vector.broadcast %eq3A_430 : i32 to vector<16xi32>
      %eq3A_432 = arith.cmpi eq, %iota3A, %eq3A_431 : vector<16xi32>
      %and3A_433 = arith.andi %and3A_407, %eq3A_432 : vector<16xi1>
      tpu.vector_store_idx %arg11[%select_n3A_418], %broadcast_in_dim3A_8 masked %and3A_433 {add = true} : memref<256xi32, #tpu.memory_space<vmem>>[vector<16xi32>], vector<16xi32>, vector<16xi1>
      %eq3A_434 = arith.constant 4 : i32
      %eq3A_435 = vector.broadcast %eq3A_434 : i32 to vector<16xi32>
      %eq3A_436 = arith.cmpi eq, %iota3A, %eq3A_435 : vector<16xi32>
      %and3A_437 = arith.andi %and3A_407, %eq3A_436 : vector<16xi1>
      tpu.vector_store_idx %arg11[%select_n3A_418], %broadcast_in_dim3A_8 masked %and3A_437 {add = true} : memref<256xi32, #tpu.memory_space<vmem>>[vector<16xi32>], vector<16xi32>, vector<16xi1>
      %eq3A_438 = arith.constant 5 : i32
      %eq3A_439 = vector.broadcast %eq3A_438 : i32 to vector<16xi32>
      %eq3A_440 = arith.cmpi eq, %iota3A, %eq3A_439 : vector<16xi32>
      %and3A_441 = arith.andi %and3A_407, %eq3A_440 : vector<16xi1>
      tpu.vector_store_idx %arg11[%select_n3A_418], %broadcast_in_dim3A_8 masked %and3A_441 {add = true} : memref<256xi32, #tpu.memory_space<vmem>>[vector<16xi32>], vector<16xi32>, vector<16xi1>
      %eq3A_442 = arith.constant 6 : i32
      %eq3A_443 = vector.broadcast %eq3A_442 : i32 to vector<16xi32>
      %eq3A_444 = arith.cmpi eq, %iota3A, %eq3A_443 : vector<16xi32>
      %and3A_445 = arith.andi %and3A_407, %eq3A_444 : vector<16xi1>
      tpu.vector_store_idx %arg11[%select_n3A_418], %broadcast_in_dim3A_8 masked %and3A_445 {add = true} : memref<256xi32, #tpu.memory_space<vmem>>[vector<16xi32>], vector<16xi32>, vector<16xi1>
      %eq3A_446 = arith.constant 7 : i32
      %eq3A_447 = vector.broadcast %eq3A_446 : i32 to vector<16xi32>
      %eq3A_448 = arith.cmpi eq, %iota3A, %eq3A_447 : vector<16xi32>
      %and3A_449 = arith.andi %and3A_407, %eq3A_448 : vector<16xi1>
      tpu.vector_store_idx %arg11[%select_n3A_418], %broadcast_in_dim3A_8 masked %and3A_449 {add = true} : memref<256xi32, #tpu.memory_space<vmem>>[vector<16xi32>], vector<16xi32>, vector<16xi1>
      %eq3A_450 = arith.constant 8 : i32
      %eq3A_451 = vector.broadcast %eq3A_450 : i32 to vector<16xi32>
      %eq3A_452 = arith.cmpi eq, %iota3A, %eq3A_451 : vector<16xi32>
      %and3A_453 = arith.andi %and3A_407, %eq3A_452 : vector<16xi1>
      tpu.vector_store_idx %arg11[%select_n3A_418], %broadcast_in_dim3A_8 masked %and3A_453 {add = true} : memref<256xi32, #tpu.memory_space<vmem>>[vector<16xi32>], vector<16xi32>, vector<16xi1>
      %eq3A_454 = arith.constant 9 : i32
      %eq3A_455 = vector.broadcast %eq3A_454 : i32 to vector<16xi32>
      %eq3A_456 = arith.cmpi eq, %iota3A, %eq3A_455 : vector<16xi32>
      %and3A_457 = arith.andi %and3A_407, %eq3A_456 : vector<16xi1>
      tpu.vector_store_idx %arg11[%select_n3A_418], %broadcast_in_dim3A_8 masked %and3A_457 {add = true} : memref<256xi32, #tpu.memory_space<vmem>>[vector<16xi32>], vector<16xi32>, vector<16xi1>
      %eq3A_458 = arith.constant 10 : i32
      %eq3A_459 = vector.broadcast %eq3A_458 : i32 to vector<16xi32>
      %eq3A_460 = arith.cmpi eq, %iota3A, %eq3A_459 : vector<16xi32>
      %and3A_461 = arith.andi %and3A_407, %eq3A_460 : vector<16xi1>
      tpu.vector_store_idx %arg11[%select_n3A_418], %broadcast_in_dim3A_8 masked %and3A_461 {add = true} : memref<256xi32, #tpu.memory_space<vmem>>[vector<16xi32>], vector<16xi32>, vector<16xi1>
      %eq3A_462 = arith.constant 11 : i32
      %eq3A_463 = vector.broadcast %eq3A_462 : i32 to vector<16xi32>
      %eq3A_464 = arith.cmpi eq, %iota3A, %eq3A_463 : vector<16xi32>
      %and3A_465 = arith.andi %and3A_407, %eq3A_464 : vector<16xi1>
      tpu.vector_store_idx %arg11[%select_n3A_418], %broadcast_in_dim3A_8 masked %and3A_465 {add = true} : memref<256xi32, #tpu.memory_space<vmem>>[vector<16xi32>], vector<16xi32>, vector<16xi1>
      %eq3A_466 = arith.constant 12 : i32
      %eq3A_467 = vector.broadcast %eq3A_466 : i32 to vector<16xi32>
      %eq3A_468 = arith.cmpi eq, %iota3A, %eq3A_467 : vector<16xi32>
      %and3A_469 = arith.andi %and3A_407, %eq3A_468 : vector<16xi1>
      tpu.vector_store_idx %arg11[%select_n3A_418], %broadcast_in_dim3A_8 masked %and3A_469 {add = true} : memref<256xi32, #tpu.memory_space<vmem>>[vector<16xi32>], vector<16xi32>, vector<16xi1>
      %eq3A_470 = arith.constant 13 : i32
      %eq3A_471 = vector.broadcast %eq3A_470 : i32 to vector<16xi32>
      %eq3A_472 = arith.cmpi eq, %iota3A, %eq3A_471 : vector<16xi32>
      %and3A_473 = arith.andi %and3A_407, %eq3A_472 : vector<16xi1>
      tpu.vector_store_idx %arg11[%select_n3A_418], %broadcast_in_dim3A_8 masked %and3A_473 {add = true} : memref<256xi32, #tpu.memory_space<vmem>>[vector<16xi32>], vector<16xi32>, vector<16xi1>
      %eq3A_474 = arith.constant 14 : i32
      %eq3A_475 = vector.broadcast %eq3A_474 : i32 to vector<16xi32>
      %eq3A_476 = arith.cmpi eq, %iota3A, %eq3A_475 : vector<16xi32>
      %and3A_477 = arith.andi %and3A_407, %eq3A_476 : vector<16xi1>
      tpu.vector_store_idx %arg11[%select_n3A_418], %broadcast_in_dim3A_8 masked %and3A_477 {add = true} : memref<256xi32, #tpu.memory_space<vmem>>[vector<16xi32>], vector<16xi32>, vector<16xi1>
      %eq3A_478 = arith.constant 15 : i32
      %eq3A_479 = vector.broadcast %eq3A_478 : i32 to vector<16xi32>
      %eq3A_480 = arith.cmpi eq, %iota3A, %eq3A_479 : vector<16xi32>
      %and3A_481 = arith.andi %and3A_407, %eq3A_480 : vector<16xi1>
      tpu.vector_store_idx %arg11[%select_n3A_418], %broadcast_in_dim3A_8 masked %and3A_481 {add = true} : memref<256xi32, #tpu.memory_space<vmem>>[vector<16xi32>], vector<16xi32>, vector<16xi1>
      %all_reduce_population_count3A = tpu.all_reduce %and3A_407 {dim = 0 : i64, kind = #tpu.reduction_kind<sum>} : vector<16xi1> -> vector<16xi32>
      %slice3A = vector.extract_strided_slice %all_reduce_population_count3A {offsets = [0], sizes = [1], strides = [1]} : vector<16xi32> to vector<1xi32>
      %squeeze3A = vector.extract %slice3A[0] : i32 from vector<1xi32>
      %add3A_482 = arith.addi %scan3A_397, %squeeze3A : i32
      scf.yield %add3A_482 : i32
    }
    %scan3A_266 = arith.constant 1024 : i32
    %scan3A_267 = arith.constant 0 : i32
    %scan3A_268 = arith.constant 0 : i32
    %scan3A_269 = arith.constant 16 : i32
    %scan3A_270 = arith.addi %scan3A_268, %scan3A_269 : i32
    %scan3A_271 = arith.constant 1 : i32
    %scan3A_272 = scf.for %scan3A_396 = %scan3A_268 to %scan3A_270 step %scan3A_271 iter_args(%scan3A_397 = %scan3A_267) -> (i32)  : i32 {
      %mul3A_398 = arith.constant 16 : i32
      %mul3A_399 = arith.muli %scan3A_396, %mul3A_398 : i32
      %multiple_of3A = tpu.assume_multiple %mul3A_399, 16 : i32
      %get3A = arith.index_cast %multiple_of3A : i32 to index
      %get3A_400 = tpu.vector_load %arg11[%get3A] {strides = array<i32>} : memref<256xi32, #tpu.memory_space<vmem>>, vector<16xi32>,
      %broadcast_in_dim3A_401 = arith.constant true
      %broadcast_in_dim3A_402 = vector.broadcast %broadcast_in_dim3A_401 : i1 to vector<16xi1>
      %masked_cumsum3A = tpu.scan <sum>, %get3A_400 masked %broadcast_in_dim3A_402 : vector<16xi32>, vector<16xi1> -> vector<16xi32>
      %sub3A_403 = arith.subi %masked_cumsum3A, %get3A_400 : vector<16xi32>
      %add3A_404 = vector.broadcast %scan3A_397 : i32 to vector<16xi32>
      %add3A_405 = arith.addi %sub3A_403, %add3A_404 : vector<16xi32>
      %mul3A_406 = arith.constant 16 : i32
      %mul3A_407 = arith.muli %scan3A_396, %mul3A_406 : i32
      %multiple_of3A_408 = tpu.assume_multiple %mul3A_407, 16 : i32
      %swap3A_409 = arith.index_cast %multiple_of3A_408 : i32 to index
      %swap3A_410 = tpu.vector_load %arg12[%swap3A_409] {strides = array<i32>} : memref<256xi32, #tpu.memory_space<vmem>>, vector<16xi32>,
      tpu.vector_store %arg12[%swap3A_409], %add3A_405 {strides = array<i32>} : memref<256xi32, #tpu.memory_space<vmem>>, vector<16xi32>,
      %mul3A_411 = arith.constant 16 : i32
      %mul3A_412 = arith.muli %scan3A_396, %mul3A_411 : i32
      %multiple_of3A_413 = tpu.assume_multiple %mul3A_412, 16 : i32
      %swap3A_414 = arith.index_cast %multiple_of3A_413 : i32 to index
      %swap3A_415 = tpu.vector_load %arg13[%swap3A_414] {strides = array<i32>} : memref<256xi32, #tpu.memory_space<vmem>>, vector<16xi32>,
      tpu.vector_store %arg13[%swap3A_414], %add3A_405 {strides = array<i32>} : memref<256xi32, #tpu.memory_space<vmem>>, vector<16xi32>,
      %slice3A = vector.extract_strided_slice %masked_cumsum3A {offsets = [15], sizes = [1], strides = [1]} : vector<16xi32> to vector<1xi32>
      %squeeze3A = vector.extract %slice3A[0] : i32 from vector<1xi32>
      %add3A_416 = arith.addi %scan3A_397, %squeeze3A : i32
      scf.yield %add3A_416 : i32
    }
    %scan3A_273 = arith.constant 16 : i32
    %add3A_274 = arith.constant 16 : i32
    %add3A_275 = arith.addi %scan3A_265, %add3A_274 : i32
    %sub3A_276 = arith.constant 1 : i32
    %sub3A_277 = arith.subi %add3A_275, %sub3A_276 : i32
    %jit3A_278 = arith.constant 16 : i32
    %div3A_279 = arith.divsi %sub3A_277, %jit3A_278 : i32
    %sign3A_280 = arith.constant 0 : i32
    %sign3A_281 = arith.cmpi sgt, %sub3A_277, %sign3A_280 : i32
    %sign3A_282 = arith.extui %sign3A_281 : i1 to i32
    %sign3A_283 = arith.constant 0 : i32
    %sign3A_284 = arith.cmpi slt, %sub3A_277, %sign3A_283 : i32
    %sign3A_285 = arith.extui %sign3A_284 : i1 to i32
    %sign3A_286 = arith.subi %sign3A_282, %sign3A_285 : i32
    %sign3A_287 = arith.constant 0 : i32
    %sign3A_288 = arith.cmpi sgt, %jit3A_278, %sign3A_287 : i32
    %sign3A_289 = arith.extui %sign3A_288 : i1 to i32
    %sign3A_290 = arith.constant 0 : i32
    %sign3A_291 = arith.cmpi slt, %jit3A_278, %sign3A_290 : i32
    %sign3A_292 = arith.extui %sign3A_291 : i1 to i32
    %sign3A_293 = arith.subi %sign3A_289, %sign3A_292 : i32
    %ne3A_294 = arith.cmpi ne, %sign3A_286, %sign3A_293 : i32
    %rem3A_295 = arith.remsi %sub3A_277, %jit3A_278 : i32
    %ne3A_296 = arith.constant 0 : i32
    %ne3A_297 = arith.cmpi ne, %rem3A_295, %ne3A_296 : i32
    %and3A_298 = arith.andi %ne3A_294, %ne3A_297 : i1
    %sub3A_299 = arith.constant 1 : i32
    %sub3A_300 = arith.subi %div3A_279, %sub3A_299 : i32
    %select_n3A_301 = arith.select %and3A_298, %sub3A_300, %div3A_279 : i32
    %while3A_302 = arith.constant 0 : i32
    %while3A_303 = arith.constant 0 : i32
    %while3A_304 = arith.subi %select_n3A_301, %while3A_303 : i32
    %while3A_305 = arith.addi %while3A_303, %while3A_304 : i32
    %while3A_306 = arith.constant 1 : i32
    %while3A_307 = arith.divsi %while3A_304, %while3A_306 : i32
    %while3A_308 = arith.muli %while3A_307, %while3A_306 : i32
    %while3A_309 = arith.addi %while3A_303, %while3A_308 : i32
    %while3A_310 = arith.constant 1 : i32
    scf.for %while3A_396 = %while3A_303 to %while3A_309 step %while3A_310  : i32 {
      %mul3A_397 = arith.constant 16 : i32
      %mul3A_398 = arith.muli %while3A_396, %mul3A_397 : i32
      %multiple_of3A = tpu.assume_multiple %mul3A_398, 16 : i32
      %get3A = arith.index_cast %multiple_of3A : i32 to index
      %get3A_399 = tpu.vector_load %arg9[%get3A] {strides = array<i32>} : memref<16384xi32, #tpu.memory_space<vmem>>, vector<16xi32>,
      %mul3A_400 = arith.constant 16 : i32
      %mul3A_401 = arith.muli %while3A_396, %mul3A_400 : i32
      %add3A_402 = vector.broadcast %mul3A_401 : i32 to vector<16xi32>
      %add3A_403 = arith.addi %add3A_402, %iota3A : vector<16xi32>
      %lt3A_404 = vector.broadcast %scan3A_265 : i32 to vector<16xi32>
      %lt3A_405 = arith.cmpi slt, %add3A_403, %lt3A_404 : vector<16xi32>
      %jit3A_406 = arith.constant 0 : i32
      %broadcast_in_dim3A_407 = vector.broadcast %jit3A_406 : i32 to vector<16xi32>
      %select_n3A_408 = arith.select %lt3A_405, %get3A_399, %broadcast_in_dim3A_407 : vector<16xi1>, vector<16xi32>
      %gather3A = tpu.vector_load_idx %arg8[%select_n3A_408] : memref<16384xi32, #tpu.memory_space<vmem>>[vector<16xi32>], vector<16xi32>,
      %shift_right_logical3A = arith.constant 7 : i32
      %shift_right_logical3A_409 = vector.broadcast %shift_right_logical3A : i32 to vector<16xi32>
      %shift_right_logical3A_410 = arith.shrui %gather3A, %shift_right_logical3A_409 : vector<16xi32>
      %sub3A_411 = vector.broadcast %add3A_4 : i32 to vector<16xi32>
      %sub3A_412 = arith.subi %shift_right_logical3A_410, %sub3A_411 : vector<16xi32>
      %jit3A_413 = arith.constant 0 : i32
      %broadcast_in_dim3A_414 = vector.broadcast %jit3A_413 : i32 to vector<16xi32>
      %select_n3A_415 = arith.select %lt3A_405, %sub3A_412, %broadcast_in_dim3A_414 : vector<16xi1>, vector<16xi32>
      %and3A_416 = arith.constant 127 : i32
      %and3A_417 = vector.broadcast %and3A_416 : i32 to vector<16xi32>
      %and3A_418 = arith.andi %gather3A, %and3A_417 : vector<16xi32>
      %shift_left3A = arith.constant 14 : i32
      %shift_left3A_419 = vector.broadcast %shift_left3A : i32 to vector<16xi32>
      %shift_left3A_420 = arith.shli %and3A_418, %shift_left3A_419 : vector<16xi32>
      %or3A = arith.ori %select_n3A_408, %shift_left3A_420 : vector<16xi32>
      %eq3A = arith.constant 0 : i32
      %eq3A_421 = vector.broadcast %eq3A : i32 to vector<16xi32>
      %eq3A_422 = arith.cmpi eq, %iota3A, %eq3A_421 : vector<16xi32>
      %and3A_423 = arith.andi %lt3A_405, %eq3A_422 : vector<16xi1>
      %gather3A_424 = tpu.vector_load_idx %arg13[%select_n3A_415] : memref<256xi32, #tpu.memory_space<vmem>>[vector<16xi32>], vector<16xi32>,
      tpu.vector_store_idx %arg10[%gather3A_424], %or3A masked %and3A_423 : memref<16384xi32, #tpu.memory_space<vmem>>[vector<16xi32>], vector<16xi32>, vector<16xi1>
      tpu.vector_store_idx %arg13[%select_n3A_415], %broadcast_in_dim3A_8 masked %and3A_423 {add = true} : memref<256xi32, #tpu.memory_space<vmem>>[vector<16xi32>], vector<16xi32>, vector<16xi1>
      %eq3A_425 = arith.constant 1 : i32
      %eq3A_426 = vector.broadcast %eq3A_425 : i32 to vector<16xi32>
      %eq3A_427 = arith.cmpi eq, %iota3A, %eq3A_426 : vector<16xi32>
      %and3A_428 = arith.andi %lt3A_405, %eq3A_427 : vector<16xi1>
      %gather3A_429 = tpu.vector_load_idx %arg13[%select_n3A_415] : memref<256xi32, #tpu.memory_space<vmem>>[vector<16xi32>], vector<16xi32>,
      tpu.vector_store_idx %arg10[%gather3A_429], %or3A masked %and3A_428 : memref<16384xi32, #tpu.memory_space<vmem>>[vector<16xi32>], vector<16xi32>, vector<16xi1>
      tpu.vector_store_idx %arg13[%select_n3A_415], %broadcast_in_dim3A_8 masked %and3A_428 {add = true} : memref<256xi32, #tpu.memory_space<vmem>>[vector<16xi32>], vector<16xi32>, vector<16xi1>
      %eq3A_430 = arith.constant 2 : i32
      %eq3A_431 = vector.broadcast %eq3A_430 : i32 to vector<16xi32>
      %eq3A_432 = arith.cmpi eq, %iota3A, %eq3A_431 : vector<16xi32>
      %and3A_433 = arith.andi %lt3A_405, %eq3A_432 : vector<16xi1>
      %gather3A_434 = tpu.vector_load_idx %arg13[%select_n3A_415] : memref<256xi32, #tpu.memory_space<vmem>>[vector<16xi32>], vector<16xi32>,
      tpu.vector_store_idx %arg10[%gather3A_434], %or3A masked %and3A_433 : memref<16384xi32, #tpu.memory_space<vmem>>[vector<16xi32>], vector<16xi32>, vector<16xi1>
      tpu.vector_store_idx %arg13[%select_n3A_415], %broadcast_in_dim3A_8 masked %and3A_433 {add = true} : memref<256xi32, #tpu.memory_space<vmem>>[vector<16xi32>], vector<16xi32>, vector<16xi1>
      %eq3A_435 = arith.constant 3 : i32
      %eq3A_436 = vector.broadcast %eq3A_435 : i32 to vector<16xi32>
      %eq3A_437 = arith.cmpi eq, %iota3A, %eq3A_436 : vector<16xi32>
      %and3A_438 = arith.andi %lt3A_405, %eq3A_437 : vector<16xi1>
      %gather3A_439 = tpu.vector_load_idx %arg13[%select_n3A_415] : memref<256xi32, #tpu.memory_space<vmem>>[vector<16xi32>], vector<16xi32>,
      tpu.vector_store_idx %arg10[%gather3A_439], %or3A masked %and3A_438 : memref<16384xi32, #tpu.memory_space<vmem>>[vector<16xi32>], vector<16xi32>, vector<16xi1>
      tpu.vector_store_idx %arg13[%select_n3A_415], %broadcast_in_dim3A_8 masked %and3A_438 {add = true} : memref<256xi32, #tpu.memory_space<vmem>>[vector<16xi32>], vector<16xi32>, vector<16xi1>
      %eq3A_440 = arith.constant 4 : i32
      %eq3A_441 = vector.broadcast %eq3A_440 : i32 to vector<16xi32>
      %eq3A_442 = arith.cmpi eq, %iota3A, %eq3A_441 : vector<16xi32>
      %and3A_443 = arith.andi %lt3A_405, %eq3A_442 : vector<16xi1>
      %gather3A_444 = tpu.vector_load_idx %arg13[%select_n3A_415] : memref<256xi32, #tpu.memory_space<vmem>>[vector<16xi32>], vector<16xi32>,
      tpu.vector_store_idx %arg10[%gather3A_444], %or3A masked %and3A_443 : memref<16384xi32, #tpu.memory_space<vmem>>[vector<16xi32>], vector<16xi32>, vector<16xi1>
      tpu.vector_store_idx %arg13[%select_n3A_415], %broadcast_in_dim3A_8 masked %and3A_443 {add = true} : memref<256xi32, #tpu.memory_space<vmem>>[vector<16xi32>], vector<16xi32>, vector<16xi1>
      %eq3A_445 = arith.constant 5 : i32
      %eq3A_446 = vector.broadcast %eq3A_445 : i32 to vector<16xi32>
      %eq3A_447 = arith.cmpi eq, %iota3A, %eq3A_446 : vector<16xi32>
      %and3A_448 = arith.andi %lt3A_405, %eq3A_447 : vector<16xi1>
      %gather3A_449 = tpu.vector_load_idx %arg13[%select_n3A_415] : memref<256xi32, #tpu.memory_space<vmem>>[vector<16xi32>], vector<16xi32>,
      tpu.vector_store_idx %arg10[%gather3A_449], %or3A masked %and3A_448 : memref<16384xi32, #tpu.memory_space<vmem>>[vector<16xi32>], vector<16xi32>, vector<16xi1>
      tpu.vector_store_idx %arg13[%select_n3A_415], %broadcast_in_dim3A_8 masked %and3A_448 {add = true} : memref<256xi32, #tpu.memory_space<vmem>>[vector<16xi32>], vector<16xi32>, vector<16xi1>
      %eq3A_450 = arith.constant 6 : i32
      %eq3A_451 = vector.broadcast %eq3A_450 : i32 to vector<16xi32>
      %eq3A_452 = arith.cmpi eq, %iota3A, %eq3A_451 : vector<16xi32>
      %and3A_453 = arith.andi %lt3A_405, %eq3A_452 : vector<16xi1>
      %gather3A_454 = tpu.vector_load_idx %arg13[%select_n3A_415] : memref<256xi32, #tpu.memory_space<vmem>>[vector<16xi32>], vector<16xi32>,
      tpu.vector_store_idx %arg10[%gather3A_454], %or3A masked %and3A_453 : memref<16384xi32, #tpu.memory_space<vmem>>[vector<16xi32>], vector<16xi32>, vector<16xi1>
      tpu.vector_store_idx %arg13[%select_n3A_415], %broadcast_in_dim3A_8 masked %and3A_453 {add = true} : memref<256xi32, #tpu.memory_space<vmem>>[vector<16xi32>], vector<16xi32>, vector<16xi1>
      %eq3A_455 = arith.constant 7 : i32
      %eq3A_456 = vector.broadcast %eq3A_455 : i32 to vector<16xi32>
      %eq3A_457 = arith.cmpi eq, %iota3A, %eq3A_456 : vector<16xi32>
      %and3A_458 = arith.andi %lt3A_405, %eq3A_457 : vector<16xi1>
      %gather3A_459 = tpu.vector_load_idx %arg13[%select_n3A_415] : memref<256xi32, #tpu.memory_space<vmem>>[vector<16xi32>], vector<16xi32>,
      tpu.vector_store_idx %arg10[%gather3A_459], %or3A masked %and3A_458 : memref<16384xi32, #tpu.memory_space<vmem>>[vector<16xi32>], vector<16xi32>, vector<16xi1>
      tpu.vector_store_idx %arg13[%select_n3A_415], %broadcast_in_dim3A_8 masked %and3A_458 {add = true} : memref<256xi32, #tpu.memory_space<vmem>>[vector<16xi32>], vector<16xi32>, vector<16xi1>
      %eq3A_460 = arith.constant 8 : i32
      %eq3A_461 = vector.broadcast %eq3A_460 : i32 to vector<16xi32>
      %eq3A_462 = arith.cmpi eq, %iota3A, %eq3A_461 : vector<16xi32>
      %and3A_463 = arith.andi %lt3A_405, %eq3A_462 : vector<16xi1>
      %gather3A_464 = tpu.vector_load_idx %arg13[%select_n3A_415] : memref<256xi32, #tpu.memory_space<vmem>>[vector<16xi32>], vector<16xi32>,
      tpu.vector_store_idx %arg10[%gather3A_464], %or3A masked %and3A_463 : memref<16384xi32, #tpu.memory_space<vmem>>[vector<16xi32>], vector<16xi32>, vector<16xi1>
      tpu.vector_store_idx %arg13[%select_n3A_415], %broadcast_in_dim3A_8 masked %and3A_463 {add = true} : memref<256xi32, #tpu.memory_space<vmem>>[vector<16xi32>], vector<16xi32>, vector<16xi1>
      %eq3A_465 = arith.constant 9 : i32
      %eq3A_466 = vector.broadcast %eq3A_465 : i32 to vector<16xi32>
      %eq3A_467 = arith.cmpi eq, %iota3A, %eq3A_466 : vector<16xi32>
      %and3A_468 = arith.andi %lt3A_405, %eq3A_467 : vector<16xi1>
      %gather3A_469 = tpu.vector_load_idx %arg13[%select_n3A_415] : memref<256xi32, #tpu.memory_space<vmem>>[vector<16xi32>], vector<16xi32>,
      tpu.vector_store_idx %arg10[%gather3A_469], %or3A masked %and3A_468 : memref<16384xi32, #tpu.memory_space<vmem>>[vector<16xi32>], vector<16xi32>, vector<16xi1>
      tpu.vector_store_idx %arg13[%select_n3A_415], %broadcast_in_dim3A_8 masked %and3A_468 {add = true} : memref<256xi32, #tpu.memory_space<vmem>>[vector<16xi32>], vector<16xi32>, vector<16xi1>
      %eq3A_470 = arith.constant 10 : i32
      %eq3A_471 = vector.broadcast %eq3A_470 : i32 to vector<16xi32>
      %eq3A_472 = arith.cmpi eq, %iota3A, %eq3A_471 : vector<16xi32>
      %and3A_473 = arith.andi %lt3A_405, %eq3A_472 : vector<16xi1>
      %gather3A_474 = tpu.vector_load_idx %arg13[%select_n3A_415] : memref<256xi32, #tpu.memory_space<vmem>>[vector<16xi32>], vector<16xi32>,
      tpu.vector_store_idx %arg10[%gather3A_474], %or3A masked %and3A_473 : memref<16384xi32, #tpu.memory_space<vmem>>[vector<16xi32>], vector<16xi32>, vector<16xi1>
      tpu.vector_store_idx %arg13[%select_n3A_415], %broadcast_in_dim3A_8 masked %and3A_473 {add = true} : memref<256xi32, #tpu.memory_space<vmem>>[vector<16xi32>], vector<16xi32>, vector<16xi1>
      %eq3A_475 = arith.constant 11 : i32
      %eq3A_476 = vector.broadcast %eq3A_475 : i32 to vector<16xi32>
      %eq3A_477 = arith.cmpi eq, %iota3A, %eq3A_476 : vector<16xi32>
      %and3A_478 = arith.andi %lt3A_405, %eq3A_477 : vector<16xi1>
      %gather3A_479 = tpu.vector_load_idx %arg13[%select_n3A_415] : memref<256xi32, #tpu.memory_space<vmem>>[vector<16xi32>], vector<16xi32>,
      tpu.vector_store_idx %arg10[%gather3A_479], %or3A masked %and3A_478 : memref<16384xi32, #tpu.memory_space<vmem>>[vector<16xi32>], vector<16xi32>, vector<16xi1>
      tpu.vector_store_idx %arg13[%select_n3A_415], %broadcast_in_dim3A_8 masked %and3A_478 {add = true} : memref<256xi32, #tpu.memory_space<vmem>>[vector<16xi32>], vector<16xi32>, vector<16xi1>
      %eq3A_480 = arith.constant 12 : i32
      %eq3A_481 = vector.broadcast %eq3A_480 : i32 to vector<16xi32>
      %eq3A_482 = arith.cmpi eq, %iota3A, %eq3A_481 : vector<16xi32>
      %and3A_483 = arith.andi %lt3A_405, %eq3A_482 : vector<16xi1>
      %gather3A_484 = tpu.vector_load_idx %arg13[%select_n3A_415] : memref<256xi32, #tpu.memory_space<vmem>>[vector<16xi32>], vector<16xi32>,
      tpu.vector_store_idx %arg10[%gather3A_484], %or3A masked %and3A_483 : memref<16384xi32, #tpu.memory_space<vmem>>[vector<16xi32>], vector<16xi32>, vector<16xi1>
      tpu.vector_store_idx %arg13[%select_n3A_415], %broadcast_in_dim3A_8 masked %and3A_483 {add = true} : memref<256xi32, #tpu.memory_space<vmem>>[vector<16xi32>], vector<16xi32>, vector<16xi1>
      %eq3A_485 = arith.constant 13 : i32
      %eq3A_486 = vector.broadcast %eq3A_485 : i32 to vector<16xi32>
      %eq3A_487 = arith.cmpi eq, %iota3A, %eq3A_486 : vector<16xi32>
      %and3A_488 = arith.andi %lt3A_405, %eq3A_487 : vector<16xi1>
      %gather3A_489 = tpu.vector_load_idx %arg13[%select_n3A_415] : memref<256xi32, #tpu.memory_space<vmem>>[vector<16xi32>], vector<16xi32>,
      tpu.vector_store_idx %arg10[%gather3A_489], %or3A masked %and3A_488 : memref<16384xi32, #tpu.memory_space<vmem>>[vector<16xi32>], vector<16xi32>, vector<16xi1>
      tpu.vector_store_idx %arg13[%select_n3A_415], %broadcast_in_dim3A_8 masked %and3A_488 {add = true} : memref<256xi32, #tpu.memory_space<vmem>>[vector<16xi32>], vector<16xi32>, vector<16xi1>
      %eq3A_490 = arith.constant 14 : i32
      %eq3A_491 = vector.broadcast %eq3A_490 : i32 to vector<16xi32>
      %eq3A_492 = arith.cmpi eq, %iota3A, %eq3A_491 : vector<16xi32>
      %and3A_493 = arith.andi %lt3A_405, %eq3A_492 : vector<16xi1>
      %gather3A_494 = tpu.vector_load_idx %arg13[%select_n3A_415] : memref<256xi32, #tpu.memory_space<vmem>>[vector<16xi32>], vector<16xi32>,
      tpu.vector_store_idx %arg10[%gather3A_494], %or3A masked %and3A_493 : memref<16384xi32, #tpu.memory_space<vmem>>[vector<16xi32>], vector<16xi32>, vector<16xi1>
      tpu.vector_store_idx %arg13[%select_n3A_415], %broadcast_in_dim3A_8 masked %and3A_493 {add = true} : memref<256xi32, #tpu.memory_space<vmem>>[vector<16xi32>], vector<16xi32>, vector<16xi1>
      %eq3A_495 = arith.constant 15 : i32
      %eq3A_496 = vector.broadcast %eq3A_495 : i32 to vector<16xi32>
      %eq3A_497 = arith.cmpi eq, %iota3A, %eq3A_496 : vector<16xi32>
      %and3A_498 = arith.andi %lt3A_405, %eq3A_497 : vector<16xi1>
      %gather3A_499 = tpu.vector_load_idx %arg13[%select_n3A_415] : memref<256xi32, #tpu.memory_space<vmem>>[vector<16xi32>], vector<16xi32>,
      tpu.vector_store_idx %arg10[%gather3A_499], %or3A masked %and3A_498 : memref<16384xi32, #tpu.memory_space<vmem>>[vector<16xi32>], vector<16xi32>, vector<16xi1>
      tpu.vector_store_idx %arg13[%select_n3A_415], %broadcast_in_dim3A_8 masked %and3A_498 {add = true} : memref<256xi32, #tpu.memory_space<vmem>>[vector<16xi32>], vector<16xi32>, vector<16xi1>
    }
    %while3A_311 = arith.constant 1 : i32
    scf.for %while3A_396 = %while3A_309 to %while3A_305 step %while3A_311  : i32 {
      %mul3A_397 = arith.constant 16 : i32
      %mul3A_398 = arith.muli %while3A_396, %mul3A_397 : i32
      %multiple_of3A = tpu.assume_multiple %mul3A_398, 16 : i32
      %get3A = arith.index_cast %multiple_of3A : i32 to index
      %get3A_399 = tpu.vector_load %arg9[%get3A] {strides = array<i32>} : memref<16384xi32, #tpu.memory_space<vmem>>, vector<16xi32>,
      %mul3A_400 = arith.constant 16 : i32
      %mul3A_401 = arith.muli %while3A_396, %mul3A_400 : i32
      %add3A_402 = vector.broadcast %mul3A_401 : i32 to vector<16xi32>
      %add3A_403 = arith.addi %add3A_402, %iota3A : vector<16xi32>
      %lt3A_404 = vector.broadcast %scan3A_265 : i32 to vector<16xi32>
      %lt3A_405 = arith.cmpi slt, %add3A_403, %lt3A_404 : vector<16xi32>
      %jit3A_406 = arith.constant 0 : i32
      %broadcast_in_dim3A_407 = vector.broadcast %jit3A_406 : i32 to vector<16xi32>
      %select_n3A_408 = arith.select %lt3A_405, %get3A_399, %broadcast_in_dim3A_407 : vector<16xi1>, vector<16xi32>
      %gather3A = tpu.vector_load_idx %arg8[%select_n3A_408] : memref<16384xi32, #tpu.memory_space<vmem>>[vector<16xi32>], vector<16xi32>,
      %shift_right_logical3A = arith.constant 7 : i32
      %shift_right_logical3A_409 = vector.broadcast %shift_right_logical3A : i32 to vector<16xi32>
      %shift_right_logical3A_410 = arith.shrui %gather3A, %shift_right_logical3A_409 : vector<16xi32>
      %sub3A_411 = vector.broadcast %add3A_4 : i32 to vector<16xi32>
      %sub3A_412 = arith.subi %shift_right_logical3A_410, %sub3A_411 : vector<16xi32>
      %jit3A_413 = arith.constant 0 : i32
      %broadcast_in_dim3A_414 = vector.broadcast %jit3A_413 : i32 to vector<16xi32>
      %select_n3A_415 = arith.select %lt3A_405, %sub3A_412, %broadcast_in_dim3A_414 : vector<16xi1>, vector<16xi32>
      %and3A_416 = arith.constant 127 : i32
      %and3A_417 = vector.broadcast %and3A_416 : i32 to vector<16xi32>
      %and3A_418 = arith.andi %gather3A, %and3A_417 : vector<16xi32>
      %shift_left3A = arith.constant 14 : i32
      %shift_left3A_419 = vector.broadcast %shift_left3A : i32 to vector<16xi32>
      %shift_left3A_420 = arith.shli %and3A_418, %shift_left3A_419 : vector<16xi32>
      %or3A = arith.ori %select_n3A_408, %shift_left3A_420 : vector<16xi32>
      %eq3A = arith.constant 0 : i32
      %eq3A_421 = vector.broadcast %eq3A : i32 to vector<16xi32>
      %eq3A_422 = arith.cmpi eq, %iota3A, %eq3A_421 : vector<16xi32>
      %and3A_423 = arith.andi %lt3A_405, %eq3A_422 : vector<16xi1>
      %gather3A_424 = tpu.vector_load_idx %arg13[%select_n3A_415] : memref<256xi32, #tpu.memory_space<vmem>>[vector<16xi32>], vector<16xi32>,
      tpu.vector_store_idx %arg10[%gather3A_424], %or3A masked %and3A_423 : memref<16384xi32, #tpu.memory_space<vmem>>[vector<16xi32>], vector<16xi32>, vector<16xi1>
      tpu.vector_store_idx %arg13[%select_n3A_415], %broadcast_in_dim3A_8 masked %and3A_423 {add = true} : memref<256xi32, #tpu.memory_space<vmem>>[vector<16xi32>], vector<16xi32>, vector<16xi1>
      %eq3A_425 = arith.constant 1 : i32
      %eq3A_426 = vector.broadcast %eq3A_425 : i32 to vector<16xi32>
      %eq3A_427 = arith.cmpi eq, %iota3A, %eq3A_426 : vector<16xi32>
      %and3A_428 = arith.andi %lt3A_405, %eq3A_427 : vector<16xi1>
      %gather3A_429 = tpu.vector_load_idx %arg13[%select_n3A_415] : memref<256xi32, #tpu.memory_space<vmem>>[vector<16xi32>], vector<16xi32>,
      tpu.vector_store_idx %arg10[%gather3A_429], %or3A masked %and3A_428 : memref<16384xi32, #tpu.memory_space<vmem>>[vector<16xi32>], vector<16xi32>, vector<16xi1>
      tpu.vector_store_idx %arg13[%select_n3A_415], %broadcast_in_dim3A_8 masked %and3A_428 {add = true} : memref<256xi32, #tpu.memory_space<vmem>>[vector<16xi32>], vector<16xi32>, vector<16xi1>
      %eq3A_430 = arith.constant 2 : i32
      %eq3A_431 = vector.broadcast %eq3A_430 : i32 to vector<16xi32>
      %eq3A_432 = arith.cmpi eq, %iota3A, %eq3A_431 : vector<16xi32>
      %and3A_433 = arith.andi %lt3A_405, %eq3A_432 : vector<16xi1>
      %gather3A_434 = tpu.vector_load_idx %arg13[%select_n3A_415] : memref<256xi32, #tpu.memory_space<vmem>>[vector<16xi32>], vector<16xi32>,
      tpu.vector_store_idx %arg10[%gather3A_434], %or3A masked %and3A_433 : memref<16384xi32, #tpu.memory_space<vmem>>[vector<16xi32>], vector<16xi32>, vector<16xi1>
      tpu.vector_store_idx %arg13[%select_n3A_415], %broadcast_in_dim3A_8 masked %and3A_433 {add = true} : memref<256xi32, #tpu.memory_space<vmem>>[vector<16xi32>], vector<16xi32>, vector<16xi1>
      %eq3A_435 = arith.constant 3 : i32
      %eq3A_436 = vector.broadcast %eq3A_435 : i32 to vector<16xi32>
      %eq3A_437 = arith.cmpi eq, %iota3A, %eq3A_436 : vector<16xi32>
      %and3A_438 = arith.andi %lt3A_405, %eq3A_437 : vector<16xi1>
      %gather3A_439 = tpu.vector_load_idx %arg13[%select_n3A_415] : memref<256xi32, #tpu.memory_space<vmem>>[vector<16xi32>], vector<16xi32>,
      tpu.vector_store_idx %arg10[%gather3A_439], %or3A masked %and3A_438 : memref<16384xi32, #tpu.memory_space<vmem>>[vector<16xi32>], vector<16xi32>, vector<16xi1>
      tpu.vector_store_idx %arg13[%select_n3A_415], %broadcast_in_dim3A_8 masked %and3A_438 {add = true} : memref<256xi32, #tpu.memory_space<vmem>>[vector<16xi32>], vector<16xi32>, vector<16xi1>
      %eq3A_440 = arith.constant 4 : i32
      %eq3A_441 = vector.broadcast %eq3A_440 : i32 to vector<16xi32>
      %eq3A_442 = arith.cmpi eq, %iota3A, %eq3A_441 : vector<16xi32>
      %and3A_443 = arith.andi %lt3A_405, %eq3A_442 : vector<16xi1>
      %gather3A_444 = tpu.vector_load_idx %arg13[%select_n3A_415] : memref<256xi32, #tpu.memory_space<vmem>>[vector<16xi32>], vector<16xi32>,
      tpu.vector_store_idx %arg10[%gather3A_444], %or3A masked %and3A_443 : memref<16384xi32, #tpu.memory_space<vmem>>[vector<16xi32>], vector<16xi32>, vector<16xi1>
      tpu.vector_store_idx %arg13[%select_n3A_415], %broadcast_in_dim3A_8 masked %and3A_443 {add = true} : memref<256xi32, #tpu.memory_space<vmem>>[vector<16xi32>], vector<16xi32>, vector<16xi1>
      %eq3A_445 = arith.constant 5 : i32
      %eq3A_446 = vector.broadcast %eq3A_445 : i32 to vector<16xi32>
      %eq3A_447 = arith.cmpi eq, %iota3A, %eq3A_446 : vector<16xi32>
      %and3A_448 = arith.andi %lt3A_405, %eq3A_447 : vector<16xi1>
      %gather3A_449 = tpu.vector_load_idx %arg13[%select_n3A_415] : memref<256xi32, #tpu.memory_space<vmem>>[vector<16xi32>], vector<16xi32>,
      tpu.vector_store_idx %arg10[%gather3A_449], %or3A masked %and3A_448 : memref<16384xi32, #tpu.memory_space<vmem>>[vector<16xi32>], vector<16xi32>, vector<16xi1>
      tpu.vector_store_idx %arg13[%select_n3A_415], %broadcast_in_dim3A_8 masked %and3A_448 {add = true} : memref<256xi32, #tpu.memory_space<vmem>>[vector<16xi32>], vector<16xi32>, vector<16xi1>
      %eq3A_450 = arith.constant 6 : i32
      %eq3A_451 = vector.broadcast %eq3A_450 : i32 to vector<16xi32>
      %eq3A_452 = arith.cmpi eq, %iota3A, %eq3A_451 : vector<16xi32>
      %and3A_453 = arith.andi %lt3A_405, %eq3A_452 : vector<16xi1>
      %gather3A_454 = tpu.vector_load_idx %arg13[%select_n3A_415] : memref<256xi32, #tpu.memory_space<vmem>>[vector<16xi32>], vector<16xi32>,
      tpu.vector_store_idx %arg10[%gather3A_454], %or3A masked %and3A_453 : memref<16384xi32, #tpu.memory_space<vmem>>[vector<16xi32>], vector<16xi32>, vector<16xi1>
      tpu.vector_store_idx %arg13[%select_n3A_415], %broadcast_in_dim3A_8 masked %and3A_453 {add = true} : memref<256xi32, #tpu.memory_space<vmem>>[vector<16xi32>], vector<16xi32>, vector<16xi1>
      %eq3A_455 = arith.constant 7 : i32
      %eq3A_456 = vector.broadcast %eq3A_455 : i32 to vector<16xi32>
      %eq3A_457 = arith.cmpi eq, %iota3A, %eq3A_456 : vector<16xi32>
      %and3A_458 = arith.andi %lt3A_405, %eq3A_457 : vector<16xi1>
      %gather3A_459 = tpu.vector_load_idx %arg13[%select_n3A_415] : memref<256xi32, #tpu.memory_space<vmem>>[vector<16xi32>], vector<16xi32>,
      tpu.vector_store_idx %arg10[%gather3A_459], %or3A masked %and3A_458 : memref<16384xi32, #tpu.memory_space<vmem>>[vector<16xi32>], vector<16xi32>, vector<16xi1>
      tpu.vector_store_idx %arg13[%select_n3A_415], %broadcast_in_dim3A_8 masked %and3A_458 {add = true} : memref<256xi32, #tpu.memory_space<vmem>>[vector<16xi32>], vector<16xi32>, vector<16xi1>
      %eq3A_460 = arith.constant 8 : i32
      %eq3A_461 = vector.broadcast %eq3A_460 : i32 to vector<16xi32>
      %eq3A_462 = arith.cmpi eq, %iota3A, %eq3A_461 : vector<16xi32>
      %and3A_463 = arith.andi %lt3A_405, %eq3A_462 : vector<16xi1>
      %gather3A_464 = tpu.vector_load_idx %arg13[%select_n3A_415] : memref<256xi32, #tpu.memory_space<vmem>>[vector<16xi32>], vector<16xi32>,
      tpu.vector_store_idx %arg10[%gather3A_464], %or3A masked %and3A_463 : memref<16384xi32, #tpu.memory_space<vmem>>[vector<16xi32>], vector<16xi32>, vector<16xi1>
      tpu.vector_store_idx %arg13[%select_n3A_415], %broadcast_in_dim3A_8 masked %and3A_463 {add = true} : memref<256xi32, #tpu.memory_space<vmem>>[vector<16xi32>], vector<16xi32>, vector<16xi1>
      %eq3A_465 = arith.constant 9 : i32
      %eq3A_466 = vector.broadcast %eq3A_465 : i32 to vector<16xi32>
      %eq3A_467 = arith.cmpi eq, %iota3A, %eq3A_466 : vector<16xi32>
      %and3A_468 = arith.andi %lt3A_405, %eq3A_467 : vector<16xi1>
      %gather3A_469 = tpu.vector_load_idx %arg13[%select_n3A_415] : memref<256xi32, #tpu.memory_space<vmem>>[vector<16xi32>], vector<16xi32>,
      tpu.vector_store_idx %arg10[%gather3A_469], %or3A masked %and3A_468 : memref<16384xi32, #tpu.memory_space<vmem>>[vector<16xi32>], vector<16xi32>, vector<16xi1>
      tpu.vector_store_idx %arg13[%select_n3A_415], %broadcast_in_dim3A_8 masked %and3A_468 {add = true} : memref<256xi32, #tpu.memory_space<vmem>>[vector<16xi32>], vector<16xi32>, vector<16xi1>
      %eq3A_470 = arith.constant 10 : i32
      %eq3A_471 = vector.broadcast %eq3A_470 : i32 to vector<16xi32>
      %eq3A_472 = arith.cmpi eq, %iota3A, %eq3A_471 : vector<16xi32>
      %and3A_473 = arith.andi %lt3A_405, %eq3A_472 : vector<16xi1>
      %gather3A_474 = tpu.vector_load_idx %arg13[%select_n3A_415] : memref<256xi32, #tpu.memory_space<vmem>>[vector<16xi32>], vector<16xi32>,
      tpu.vector_store_idx %arg10[%gather3A_474], %or3A masked %and3A_473 : memref<16384xi32, #tpu.memory_space<vmem>>[vector<16xi32>], vector<16xi32>, vector<16xi1>
      tpu.vector_store_idx %arg13[%select_n3A_415], %broadcast_in_dim3A_8 masked %and3A_473 {add = true} : memref<256xi32, #tpu.memory_space<vmem>>[vector<16xi32>], vector<16xi32>, vector<16xi1>
      %eq3A_475 = arith.constant 11 : i32
      %eq3A_476 = vector.broadcast %eq3A_475 : i32 to vector<16xi32>
      %eq3A_477 = arith.cmpi eq, %iota3A, %eq3A_476 : vector<16xi32>
      %and3A_478 = arith.andi %lt3A_405, %eq3A_477 : vector<16xi1>
      %gather3A_479 = tpu.vector_load_idx %arg13[%select_n3A_415] : memref<256xi32, #tpu.memory_space<vmem>>[vector<16xi32>], vector<16xi32>,
      tpu.vector_store_idx %arg10[%gather3A_479], %or3A masked %and3A_478 : memref<16384xi32, #tpu.memory_space<vmem>>[vector<16xi32>], vector<16xi32>, vector<16xi1>
      tpu.vector_store_idx %arg13[%select_n3A_415], %broadcast_in_dim3A_8 masked %and3A_478 {add = true} : memref<256xi32, #tpu.memory_space<vmem>>[vector<16xi32>], vector<16xi32>, vector<16xi1>
      %eq3A_480 = arith.constant 12 : i32
      %eq3A_481 = vector.broadcast %eq3A_480 : i32 to vector<16xi32>
      %eq3A_482 = arith.cmpi eq, %iota3A, %eq3A_481 : vector<16xi32>
      %and3A_483 = arith.andi %lt3A_405, %eq3A_482 : vector<16xi1>
      %gather3A_484 = tpu.vector_load_idx %arg13[%select_n3A_415] : memref<256xi32, #tpu.memory_space<vmem>>[vector<16xi32>], vector<16xi32>,
      tpu.vector_store_idx %arg10[%gather3A_484], %or3A masked %and3A_483 : memref<16384xi32, #tpu.memory_space<vmem>>[vector<16xi32>], vector<16xi32>, vector<16xi1>
      tpu.vector_store_idx %arg13[%select_n3A_415], %broadcast_in_dim3A_8 masked %and3A_483 {add = true} : memref<256xi32, #tpu.memory_space<vmem>>[vector<16xi32>], vector<16xi32>, vector<16xi1>
      %eq3A_485 = arith.constant 13 : i32
      %eq3A_486 = vector.broadcast %eq3A_485 : i32 to vector<16xi32>
      %eq3A_487 = arith.cmpi eq, %iota3A, %eq3A_486 : vector<16xi32>
      %and3A_488 = arith.andi %lt3A_405, %eq3A_487 : vector<16xi1>
      %gather3A_489 = tpu.vector_load_idx %arg13[%select_n3A_415] : memref<256xi32, #tpu.memory_space<vmem>>[vector<16xi32>], vector<16xi32>,
      tpu.vector_store_idx %arg10[%gather3A_489], %or3A masked %and3A_488 : memref<16384xi32, #tpu.memory_space<vmem>>[vector<16xi32>], vector<16xi32>, vector<16xi1>
      tpu.vector_store_idx %arg13[%select_n3A_415], %broadcast_in_dim3A_8 masked %and3A_488 {add = true} : memref<256xi32, #tpu.memory_space<vmem>>[vector<16xi32>], vector<16xi32>, vector<16xi1>
      %eq3A_490 = arith.constant 14 : i32
      %eq3A_491 = vector.broadcast %eq3A_490 : i32 to vector<16xi32>
      %eq3A_492 = arith.cmpi eq, %iota3A, %eq3A_491 : vector<16xi32>
      %and3A_493 = arith.andi %lt3A_405, %eq3A_492 : vector<16xi1>
      %gather3A_494 = tpu.vector_load_idx %arg13[%select_n3A_415] : memref<256xi32, #tpu.memory_space<vmem>>[vector<16xi32>], vector<16xi32>,
      tpu.vector_store_idx %arg10[%gather3A_494], %or3A masked %and3A_493 : memref<16384xi32, #tpu.memory_space<vmem>>[vector<16xi32>], vector<16xi32>, vector<16xi1>
      tpu.vector_store_idx %arg13[%select_n3A_415], %broadcast_in_dim3A_8 masked %and3A_493 {add = true} : memref<256xi32, #tpu.memory_space<vmem>>[vector<16xi32>], vector<16xi32>, vector<16xi1>
      %eq3A_495 = arith.constant 15 : i32
      %eq3A_496 = vector.broadcast %eq3A_495 : i32 to vector<16xi32>
      %eq3A_497 = arith.cmpi eq, %iota3A, %eq3A_496 : vector<16xi32>
      %and3A_498 = arith.andi %lt3A_405, %eq3A_497 : vector<16xi1>
      %gather3A_499 = tpu.vector_load_idx %arg13[%select_n3A_415] : memref<256xi32, #tpu.memory_space<vmem>>[vector<16xi32>], vector<16xi32>,
      tpu.vector_store_idx %arg10[%gather3A_499], %or3A masked %and3A_498 : memref<16384xi32, #tpu.memory_space<vmem>>[vector<16xi32>], vector<16xi32>, vector<16xi1>
      tpu.vector_store_idx %arg13[%select_n3A_415], %broadcast_in_dim3A_8 masked %and3A_498 {add = true} : memref<256xi32, #tpu.memory_space<vmem>>[vector<16xi32>], vector<16xi32>, vector<16xi1>
    }
    %scan3A_312 = arith.constant 0 : i32
    %scan3A_313 = arith.constant 0 : i32
    %scan3A_314 = arith.constant 16 : i32
    %scan3A_315 = arith.addi %scan3A_313, %scan3A_314 : i32
    %scan3A_316 = arith.constant 1 : i32
    %scan3A_317 = scf.for %scan3A_396 = %scan3A_313 to %scan3A_315 step %scan3A_316 iter_args(%scan3A_397 = %scan3A_312) -> (i32)  : i32 {
      %mul3A_398 = arith.constant 16 : i32
      %mul3A_399 = arith.muli %scan3A_396, %mul3A_398 : i32
      %add3A_400 = vector.broadcast %mul3A_399 : i32 to vector<16xi32>
      %add3A_401 = arith.addi %add3A_400, %iota3A : vector<16xi32>
      %mul3A_402 = arith.constant 16 : i32
      %mul3A_403 = arith.muli %scan3A_396, %mul3A_402 : i32
      %multiple_of3A = tpu.assume_multiple %mul3A_403, 16 : i32
      %get3A = arith.index_cast %multiple_of3A : i32 to index
      %get3A_404 = tpu.vector_load %arg11[%get3A] {strides = array<i32>} : memref<256xi32, #tpu.memory_space<vmem>>, vector<16xi32>,
      %gt3A_405 = arith.constant 0 : i32
      %gt3A_406 = vector.broadcast %gt3A_405 : i32 to vector<16xi32>
      %gt3A_407 = arith.cmpi sgt, %get3A_404, %gt3A_406 : vector<16xi32>
      %swap3A_408 = arith.index_cast %scan3A_397 : i32 to index
      %swap3A_409 = tpu.vector_load %arg14[%swap3A_408] masked %gt3A_407 {strides = array<i32>} : memref<256xi32, #tpu.memory_space<vmem>>, vector<16xi32>, vector<16xi1>
      tpu.vector_store %arg14[%swap3A_408], %add3A_401 masked %gt3A_407 {strides = array<i32>} : memref<256xi32, #tpu.memory_space<vmem>>, vector<16xi32>, vector<16xi1>
      %all_reduce_population_count3A = tpu.all_reduce %gt3A_407 {dim = 0 : i64, kind = #tpu.reduction_kind<sum>} : vector<16xi1> -> vector<16xi32>
      %slice3A = vector.extract_strided_slice %all_reduce_population_count3A {offsets = [0], sizes = [1], strides = [1]} : vector<16xi32> to vector<1xi32>
      %squeeze3A = vector.extract %slice3A[0] : i32 from vector<1xi32>
      %add3A_410 = arith.addi %scan3A_397, %squeeze3A : i32
      scf.yield %add3A_410 : i32
    }
    %scan3A_318 = arith.constant 16 : i32
    %gt3A_319 = arith.constant 0 : i32
    %gt3A_320 = arith.cmpi sgt, %scan3A_317, %gt3A_319 : i32
    %convert_element_type3A_321 = arith.extui %gt3A_320 : i1 to i32
    %cond3A_322 = arith.constant 0 : i32
    %cond3A_323 = arith.cmpi ne, %convert_element_type3A_321, %cond3A_322 : i32
    scf.if %cond3A_323 {
      %broadcast_in_dim3A_396 = arith.constant 0 : i32
      %broadcast_in_dim3A_397 = vector.broadcast %broadcast_in_dim3A_396 : i32 to vector<16xi32>
      %gather3A = tpu.vector_load_idx %arg14[%broadcast_in_dim3A_397] : memref<256xi32, #tpu.memory_space<vmem>>[vector<16xi32>], vector<16xi32>,
      %slice3A = vector.extract_strided_slice %gather3A {offsets = [0], sizes = [1], strides = [1]} : vector<16xi32> to vector<1xi32>
      %squeeze3A = vector.extract %slice3A[0] : i32 from vector<1xi32>
      %add3A_398 = arith.addi %add3A_4, %squeeze3A : i32
      %lt3A_399 = arith.constant 7812 : i32
      %lt3A_400 = arith.cmpi slt, %add3A_398, %lt3A_399 : i32
      %convert_element_type3A_401 = arith.extui %lt3A_400 : i1 to i32
      %cond3A_402 = arith.constant 0 : i32
      %cond3A_403 = arith.cmpi ne, %convert_element_type3A_401, %cond3A_402 : i32
      scf.if %cond3A_403 {
        %mul3A_408 = arith.constant 128 : i32
        %mul3A_409 = arith.muli %add3A_398, %mul3A_408 : i32
        %multiple_of3A = tpu.assume_multiple %mul3A_409, 128 : i32
        %dma_start3A = arith.constant 0 : i32
        %dma_start3A_410 = arith.constant 0 : i32
        %dma_start3A_411 = arith.constant 0 : i32
        %dma_start3A_412 = tpu.memref_slice %arg15[%dma_start3A, %dma_start3A_410, %dma_start3A_411] : memref<6x64x128xf32, #tpu.memory_space<vmem>> -> memref<1x64x128xf32, #tpu.memory_space<vmem>>
        %dma_start3A_413 = tpu.memref_squeeze %dma_start3A_412 : memref<1x64x128xf32, #tpu.memory_space<vmem>> -> memref<64x128xf32, #tpu.memory_space<vmem>>
        %dma_start3A_414 = arith.constant 0 : i32
        %dma_start3A_415 = tpu.memref_slice %arg5[%dma_start3A_414, %multiple_of3A] : memref<64x1000000xf32, #tpu.memory_space<hbm>> -> memref<64x128xf32, #tpu.memory_space<hbm>>
        %dma_start3A_416 = arith.constant 0 : i32
        %dma_start3A_417 = arith.constant 0 : i32
        %dma_start3A_418 = tpu.memref_slice %arg15[%dma_start3A, %dma_start3A_416, %dma_start3A_417] : memref<6x64x128xf32, #tpu.memory_space<vmem>> -> memref<1x64x128xf32, #tpu.memory_space<vmem>>
        %dma_start3A_419 = tpu.memref_squeeze %dma_start3A_418 : memref<1x64x128xf32, #tpu.memory_space<vmem>> -> memref<64x128xf32, #tpu.memory_space<vmem>>
        %dma_start3A_420 = arith.constant 0 : i32
        %dma_start3A_421 = tpu.memref_slice %arg5[%dma_start3A_420, %multiple_of3A] : memref<64x1000000xf32, #tpu.memory_space<hbm>> -> memref<64x128xf32, #tpu.memory_space<hbm>>
        tpu.enqueue_dma source(%dma_start3A_421 : memref<64x128xf32, #tpu.memory_space<hbm>>) target(%dma_start3A_419 : memref<64x128xf32, #tpu.memory_space<vmem>>) target_semaphore(%arg18 : memref<!tpu.dma_semaphore, #tpu.memory_space<semaphore_mem>>)
      } else {
      }
      %eq3A = arith.constant 7812 : i32
      %eq3A_404 = arith.cmpi eq, %add3A_398, %eq3A : i32
      %convert_element_type3A_405 = arith.extui %eq3A_404 : i1 to i32
      %cond3A_406 = arith.constant 0 : i32
      %cond3A_407 = arith.cmpi ne, %convert_element_type3A_405, %cond3A_406 : i32
      scf.if %cond3A_407 {
        %dma_start3A = arith.constant 0 : i32
        %dma_start3A_408 = arith.constant 999936 : i32
        %dma_start3A_409 = tpu.memref_slice %arg5[%dma_start3A, %dma_start3A_408] : memref<64x1000000xf32, #tpu.memory_space<hbm>> -> memref<64x64xf32, #tpu.memory_space<hbm>>
        %dma_start3A_410 = arith.constant 0 : i32
        %dma_start3A_411 = arith.constant 999936 : i32
        %dma_start3A_412 = tpu.memref_slice %arg5[%dma_start3A_410, %dma_start3A_411] : memref<64x1000000xf32, #tpu.memory_space<hbm>> -> memref<64x64xf32, #tpu.memory_space<hbm>>
        tpu.enqueue_dma source(%dma_start3A_412 : memref<64x64xf32, #tpu.memory_space<hbm>>) target(%arg16 : memref<64x64xf32, #tpu.memory_space<vmem>>) target_semaphore(%arg18 : memref<!tpu.dma_semaphore, #tpu.memory_space<semaphore_mem>>)
      } else {
      }
    } else {
    }
    %gt3A_324 = arith.constant 1 : i32
    %gt3A_325 = arith.cmpi sgt, %scan3A_317, %gt3A_324 : i32
    %convert_element_type3A_326 = arith.extui %gt3A_325 : i1 to i32
    %cond3A_327 = arith.constant 0 : i32
    %cond3A_328 = arith.cmpi ne, %convert_element_type3A_326, %cond3A_327 : i32
    scf.if %cond3A_328 {
      %broadcast_in_dim3A_396 = arith.constant 1 : i32
      %broadcast_in_dim3A_397 = vector.broadcast %broadcast_in_dim3A_396 : i32 to vector<16xi32>
      %gather3A = tpu.vector_load_idx %arg14[%broadcast_in_dim3A_397] : memref<256xi32, #tpu.memory_space<vmem>>[vector<16xi32>], vector<16xi32>,
      %slice3A = vector.extract_strided_slice %gather3A {offsets = [0], sizes = [1], strides = [1]} : vector<16xi32> to vector<1xi32>
      %squeeze3A = vector.extract %slice3A[0] : i32 from vector<1xi32>
      %add3A_398 = arith.addi %add3A_4, %squeeze3A : i32
      %lt3A_399 = arith.constant 7812 : i32
      %lt3A_400 = arith.cmpi slt, %add3A_398, %lt3A_399 : i32
      %convert_element_type3A_401 = arith.extui %lt3A_400 : i1 to i32
      %cond3A_402 = arith.constant 0 : i32
      %cond3A_403 = arith.cmpi ne, %convert_element_type3A_401, %cond3A_402 : i32
      scf.if %cond3A_403 {
        %mul3A_408 = arith.constant 128 : i32
        %mul3A_409 = arith.muli %add3A_398, %mul3A_408 : i32
        %multiple_of3A = tpu.assume_multiple %mul3A_409, 128 : i32
        %dma_start3A = arith.constant 1 : i32
        %dma_start3A_410 = arith.constant 0 : i32
        %dma_start3A_411 = arith.constant 0 : i32
        %dma_start3A_412 = tpu.memref_slice %arg15[%dma_start3A, %dma_start3A_410, %dma_start3A_411] : memref<6x64x128xf32, #tpu.memory_space<vmem>> -> memref<1x64x128xf32, #tpu.memory_space<vmem>>
        %dma_start3A_413 = tpu.memref_squeeze %dma_start3A_412 : memref<1x64x128xf32, #tpu.memory_space<vmem>> -> memref<64x128xf32, #tpu.memory_space<vmem>>
        %dma_start3A_414 = arith.constant 0 : i32
        %dma_start3A_415 = tpu.memref_slice %arg5[%dma_start3A_414, %multiple_of3A] : memref<64x1000000xf32, #tpu.memory_space<hbm>> -> memref<64x128xf32, #tpu.memory_space<hbm>>
        %dma_start3A_416 = arith.constant 0 : i32
        %dma_start3A_417 = arith.constant 0 : i32
        %dma_start3A_418 = tpu.memref_slice %arg15[%dma_start3A, %dma_start3A_416, %dma_start3A_417] : memref<6x64x128xf32, #tpu.memory_space<vmem>> -> memref<1x64x128xf32, #tpu.memory_space<vmem>>
        %dma_start3A_419 = tpu.memref_squeeze %dma_start3A_418 : memref<1x64x128xf32, #tpu.memory_space<vmem>> -> memref<64x128xf32, #tpu.memory_space<vmem>>
        %dma_start3A_420 = arith.constant 0 : i32
        %dma_start3A_421 = tpu.memref_slice %arg5[%dma_start3A_420, %multiple_of3A] : memref<64x1000000xf32, #tpu.memory_space<hbm>> -> memref<64x128xf32, #tpu.memory_space<hbm>>
        tpu.enqueue_dma source(%dma_start3A_421 : memref<64x128xf32, #tpu.memory_space<hbm>>) target(%dma_start3A_419 : memref<64x128xf32, #tpu.memory_space<vmem>>) target_semaphore(%arg18 : memref<!tpu.dma_semaphore, #tpu.memory_space<semaphore_mem>>)
      } else {
      }
      %eq3A = arith.constant 7812 : i32
      %eq3A_404 = arith.cmpi eq, %add3A_398, %eq3A : i32
      %convert_element_type3A_405 = arith.extui %eq3A_404 : i1 to i32
      %cond3A_406 = arith.constant 0 : i32
      %cond3A_407 = arith.cmpi ne, %convert_element_type3A_405, %cond3A_406 : i32
      scf.if %cond3A_407 {
        %dma_start3A = arith.constant 0 : i32
        %dma_start3A_408 = arith.constant 999936 : i32
        %dma_start3A_409 = tpu.memref_slice %arg5[%dma_start3A, %dma_start3A_408] : memref<64x1000000xf32, #tpu.memory_space<hbm>> -> memref<64x64xf32, #tpu.memory_space<hbm>>
        %dma_start3A_410 = arith.constant 0 : i32
        %dma_start3A_411 = arith.constant 999936 : i32
        %dma_start3A_412 = tpu.memref_slice %arg5[%dma_start3A_410, %dma_start3A_411] : memref<64x1000000xf32, #tpu.memory_space<hbm>> -> memref<64x64xf32, #tpu.memory_space<hbm>>
        tpu.enqueue_dma source(%dma_start3A_412 : memref<64x64xf32, #tpu.memory_space<hbm>>) target(%arg16 : memref<64x64xf32, #tpu.memory_space<vmem>>) target_semaphore(%arg18 : memref<!tpu.dma_semaphore, #tpu.memory_space<semaphore_mem>>)
      } else {
      }
    } else {
    }
    %gt3A_329 = arith.constant 2 : i32
    %gt3A_330 = arith.cmpi sgt, %scan3A_317, %gt3A_329 : i32
    %convert_element_type3A_331 = arith.extui %gt3A_330 : i1 to i32
    %cond3A_332 = arith.constant 0 : i32
    %cond3A_333 = arith.cmpi ne, %convert_element_type3A_331, %cond3A_332 : i32
    scf.if %cond3A_333 {
      %broadcast_in_dim3A_396 = arith.constant 2 : i32
      %broadcast_in_dim3A_397 = vector.broadcast %broadcast_in_dim3A_396 : i32 to vector<16xi32>
      %gather3A = tpu.vector_load_idx %arg14[%broadcast_in_dim3A_397] : memref<256xi32, #tpu.memory_space<vmem>>[vector<16xi32>], vector<16xi32>,
      %slice3A = vector.extract_strided_slice %gather3A {offsets = [0], sizes = [1], strides = [1]} : vector<16xi32> to vector<1xi32>
      %squeeze3A = vector.extract %slice3A[0] : i32 from vector<1xi32>
      %add3A_398 = arith.addi %add3A_4, %squeeze3A : i32
      %lt3A_399 = arith.constant 7812 : i32
      %lt3A_400 = arith.cmpi slt, %add3A_398, %lt3A_399 : i32
      %convert_element_type3A_401 = arith.extui %lt3A_400 : i1 to i32
      %cond3A_402 = arith.constant 0 : i32
      %cond3A_403 = arith.cmpi ne, %convert_element_type3A_401, %cond3A_402 : i32
      scf.if %cond3A_403 {
        %mul3A_408 = arith.constant 128 : i32
        %mul3A_409 = arith.muli %add3A_398, %mul3A_408 : i32
        %multiple_of3A = tpu.assume_multiple %mul3A_409, 128 : i32
        %dma_start3A = arith.constant 2 : i32
        %dma_start3A_410 = arith.constant 0 : i32
        %dma_start3A_411 = arith.constant 0 : i32
        %dma_start3A_412 = tpu.memref_slice %arg15[%dma_start3A, %dma_start3A_410, %dma_start3A_411] : memref<6x64x128xf32, #tpu.memory_space<vmem>> -> memref<1x64x128xf32, #tpu.memory_space<vmem>>
        %dma_start3A_413 = tpu.memref_squeeze %dma_start3A_412 : memref<1x64x128xf32, #tpu.memory_space<vmem>> -> memref<64x128xf32, #tpu.memory_space<vmem>>
        %dma_start3A_414 = arith.constant 0 : i32
        %dma_start3A_415 = tpu.memref_slice %arg5[%dma_start3A_414, %multiple_of3A] : memref<64x1000000xf32, #tpu.memory_space<hbm>> -> memref<64x128xf32, #tpu.memory_space<hbm>>
        %dma_start3A_416 = arith.constant 0 : i32
        %dma_start3A_417 = arith.constant 0 : i32
        %dma_start3A_418 = tpu.memref_slice %arg15[%dma_start3A, %dma_start3A_416, %dma_start3A_417] : memref<6x64x128xf32, #tpu.memory_space<vmem>> -> memref<1x64x128xf32, #tpu.memory_space<vmem>>
        %dma_start3A_419 = tpu.memref_squeeze %dma_start3A_418 : memref<1x64x128xf32, #tpu.memory_space<vmem>> -> memref<64x128xf32, #tpu.memory_space<vmem>>
        %dma_start3A_420 = arith.constant 0 : i32
        %dma_start3A_421 = tpu.memref_slice %arg5[%dma_start3A_420, %multiple_of3A] : memref<64x1000000xf32, #tpu.memory_space<hbm>> -> memref<64x128xf32, #tpu.memory_space<hbm>>
        tpu.enqueue_dma source(%dma_start3A_421 : memref<64x128xf32, #tpu.memory_space<hbm>>) target(%dma_start3A_419 : memref<64x128xf32, #tpu.memory_space<vmem>>) target_semaphore(%arg18 : memref<!tpu.dma_semaphore, #tpu.memory_space<semaphore_mem>>)
      } else {
      }
      %eq3A = arith.constant 7812 : i32
      %eq3A_404 = arith.cmpi eq, %add3A_398, %eq3A : i32
      %convert_element_type3A_405 = arith.extui %eq3A_404 : i1 to i32
      %cond3A_406 = arith.constant 0 : i32
      %cond3A_407 = arith.cmpi ne, %convert_element_type3A_405, %cond3A_406 : i32
      scf.if %cond3A_407 {
        %dma_start3A = arith.constant 0 : i32
        %dma_start3A_408 = arith.constant 999936 : i32
        %dma_start3A_409 = tpu.memref_slice %arg5[%dma_start3A, %dma_start3A_408] : memref<64x1000000xf32, #tpu.memory_space<hbm>> -> memref<64x64xf32, #tpu.memory_space<hbm>>
        %dma_start3A_410 = arith.constant 0 : i32
        %dma_start3A_411 = arith.constant 999936 : i32
        %dma_start3A_412 = tpu.memref_slice %arg5[%dma_start3A_410, %dma_start3A_411] : memref<64x1000000xf32, #tpu.memory_space<hbm>> -> memref<64x64xf32, #tpu.memory_space<hbm>>
        tpu.enqueue_dma source(%dma_start3A_412 : memref<64x64xf32, #tpu.memory_space<hbm>>) target(%arg16 : memref<64x64xf32, #tpu.memory_space<vmem>>) target_semaphore(%arg18 : memref<!tpu.dma_semaphore, #tpu.memory_space<semaphore_mem>>)
      } else {
      }
    } else {
    }
    %gt3A_334 = arith.constant 3 : i32
    %gt3A_335 = arith.cmpi sgt, %scan3A_317, %gt3A_334 : i32
    %convert_element_type3A_336 = arith.extui %gt3A_335 : i1 to i32
    %cond3A_337 = arith.constant 0 : i32
    %cond3A_338 = arith.cmpi ne, %convert_element_type3A_336, %cond3A_337 : i32
    scf.if %cond3A_338 {
      %broadcast_in_dim3A_396 = arith.constant 3 : i32
      %broadcast_in_dim3A_397 = vector.broadcast %broadcast_in_dim3A_396 : i32 to vector<16xi32>
      %gather3A = tpu.vector_load_idx %arg14[%broadcast_in_dim3A_397] : memref<256xi32, #tpu.memory_space<vmem>>[vector<16xi32>], vector<16xi32>,
      %slice3A = vector.extract_strided_slice %gather3A {offsets = [0], sizes = [1], strides = [1]} : vector<16xi32> to vector<1xi32>
      %squeeze3A = vector.extract %slice3A[0] : i32 from vector<1xi32>
      %add3A_398 = arith.addi %add3A_4, %squeeze3A : i32
      %lt3A_399 = arith.constant 7812 : i32
      %lt3A_400 = arith.cmpi slt, %add3A_398, %lt3A_399 : i32
      %convert_element_type3A_401 = arith.extui %lt3A_400 : i1 to i32
      %cond3A_402 = arith.constant 0 : i32
      %cond3A_403 = arith.cmpi ne, %convert_element_type3A_401, %cond3A_402 : i32
      scf.if %cond3A_403 {
        %mul3A_408 = arith.constant 128 : i32
        %mul3A_409 = arith.muli %add3A_398, %mul3A_408 : i32
        %multiple_of3A = tpu.assume_multiple %mul3A_409, 128 : i32
        %dma_start3A = arith.constant 3 : i32
        %dma_start3A_410 = arith.constant 0 : i32
        %dma_start3A_411 = arith.constant 0 : i32
        %dma_start3A_412 = tpu.memref_slice %arg15[%dma_start3A, %dma_start3A_410, %dma_start3A_411] : memref<6x64x128xf32, #tpu.memory_space<vmem>> -> memref<1x64x128xf32, #tpu.memory_space<vmem>>
        %dma_start3A_413 = tpu.memref_squeeze %dma_start3A_412 : memref<1x64x128xf32, #tpu.memory_space<vmem>> -> memref<64x128xf32, #tpu.memory_space<vmem>>
        %dma_start3A_414 = arith.constant 0 : i32
        %dma_start3A_415 = tpu.memref_slice %arg5[%dma_start3A_414, %multiple_of3A] : memref<64x1000000xf32, #tpu.memory_space<hbm>> -> memref<64x128xf32, #tpu.memory_space<hbm>>
        %dma_start3A_416 = arith.constant 0 : i32
        %dma_start3A_417 = arith.constant 0 : i32
        %dma_start3A_418 = tpu.memref_slice %arg15[%dma_start3A, %dma_start3A_416, %dma_start3A_417] : memref<6x64x128xf32, #tpu.memory_space<vmem>> -> memref<1x64x128xf32, #tpu.memory_space<vmem>>
        %dma_start3A_419 = tpu.memref_squeeze %dma_start3A_418 : memref<1x64x128xf32, #tpu.memory_space<vmem>> -> memref<64x128xf32, #tpu.memory_space<vmem>>
        %dma_start3A_420 = arith.constant 0 : i32
        %dma_start3A_421 = tpu.memref_slice %arg5[%dma_start3A_420, %multiple_of3A] : memref<64x1000000xf32, #tpu.memory_space<hbm>> -> memref<64x128xf32, #tpu.memory_space<hbm>>
        tpu.enqueue_dma source(%dma_start3A_421 : memref<64x128xf32, #tpu.memory_space<hbm>>) target(%dma_start3A_419 : memref<64x128xf32, #tpu.memory_space<vmem>>) target_semaphore(%arg18 : memref<!tpu.dma_semaphore, #tpu.memory_space<semaphore_mem>>)
      } else {
      }
      %eq3A = arith.constant 7812 : i32
      %eq3A_404 = arith.cmpi eq, %add3A_398, %eq3A : i32
      %convert_element_type3A_405 = arith.extui %eq3A_404 : i1 to i32
      %cond3A_406 = arith.constant 0 : i32
      %cond3A_407 = arith.cmpi ne, %convert_element_type3A_405, %cond3A_406 : i32
      scf.if %cond3A_407 {
        %dma_start3A = arith.constant 0 : i32
        %dma_start3A_408 = arith.constant 999936 : i32
        %dma_start3A_409 = tpu.memref_slice %arg5[%dma_start3A, %dma_start3A_408] : memref<64x1000000xf32, #tpu.memory_space<hbm>> -> memref<64x64xf32, #tpu.memory_space<hbm>>
        %dma_start3A_410 = arith.constant 0 : i32
        %dma_start3A_411 = arith.constant 999936 : i32
        %dma_start3A_412 = tpu.memref_slice %arg5[%dma_start3A_410, %dma_start3A_411] : memref<64x1000000xf32, #tpu.memory_space<hbm>> -> memref<64x64xf32, #tpu.memory_space<hbm>>
        tpu.enqueue_dma source(%dma_start3A_412 : memref<64x64xf32, #tpu.memory_space<hbm>>) target(%arg16 : memref<64x64xf32, #tpu.memory_space<vmem>>) target_semaphore(%arg18 : memref<!tpu.dma_semaphore, #tpu.memory_space<semaphore_mem>>)
      } else {
      }
    } else {
    }
    %gt3A_339 = arith.constant 4 : i32
    %gt3A_340 = arith.cmpi sgt, %scan3A_317, %gt3A_339 : i32
    %convert_element_type3A_341 = arith.extui %gt3A_340 : i1 to i32
    %cond3A_342 = arith.constant 0 : i32
    %cond3A_343 = arith.cmpi ne, %convert_element_type3A_341, %cond3A_342 : i32
    scf.if %cond3A_343 {
      %broadcast_in_dim3A_396 = arith.constant 4 : i32
      %broadcast_in_dim3A_397 = vector.broadcast %broadcast_in_dim3A_396 : i32 to vector<16xi32>
      %gather3A = tpu.vector_load_idx %arg14[%broadcast_in_dim3A_397] : memref<256xi32, #tpu.memory_space<vmem>>[vector<16xi32>], vector<16xi32>,
      %slice3A = vector.extract_strided_slice %gather3A {offsets = [0], sizes = [1], strides = [1]} : vector<16xi32> to vector<1xi32>
      %squeeze3A = vector.extract %slice3A[0] : i32 from vector<1xi32>
      %add3A_398 = arith.addi %add3A_4, %squeeze3A : i32
      %lt3A_399 = arith.constant 7812 : i32
      %lt3A_400 = arith.cmpi slt, %add3A_398, %lt3A_399 : i32
      %convert_element_type3A_401 = arith.extui %lt3A_400 : i1 to i32
      %cond3A_402 = arith.constant 0 : i32
      %cond3A_403 = arith.cmpi ne, %convert_element_type3A_401, %cond3A_402 : i32
      scf.if %cond3A_403 {
        %mul3A_408 = arith.constant 128 : i32
        %mul3A_409 = arith.muli %add3A_398, %mul3A_408 : i32
        %multiple_of3A = tpu.assume_multiple %mul3A_409, 128 : i32
        %dma_start3A = arith.constant 4 : i32
        %dma_start3A_410 = arith.constant 0 : i32
        %dma_start3A_411 = arith.constant 0 : i32
        %dma_start3A_412 = tpu.memref_slice %arg15[%dma_start3A, %dma_start3A_410, %dma_start3A_411] : memref<6x64x128xf32, #tpu.memory_space<vmem>> -> memref<1x64x128xf32, #tpu.memory_space<vmem>>
        %dma_start3A_413 = tpu.memref_squeeze %dma_start3A_412 : memref<1x64x128xf32, #tpu.memory_space<vmem>> -> memref<64x128xf32, #tpu.memory_space<vmem>>
        %dma_start3A_414 = arith.constant 0 : i32
        %dma_start3A_415 = tpu.memref_slice %arg5[%dma_start3A_414, %multiple_of3A] : memref<64x1000000xf32, #tpu.memory_space<hbm>> -> memref<64x128xf32, #tpu.memory_space<hbm>>
        %dma_start3A_416 = arith.constant 0 : i32
        %dma_start3A_417 = arith.constant 0 : i32
        %dma_start3A_418 = tpu.memref_slice %arg15[%dma_start3A, %dma_start3A_416, %dma_start3A_417] : memref<6x64x128xf32, #tpu.memory_space<vmem>> -> memref<1x64x128xf32, #tpu.memory_space<vmem>>
        %dma_start3A_419 = tpu.memref_squeeze %dma_start3A_418 : memref<1x64x128xf32, #tpu.memory_space<vmem>> -> memref<64x128xf32, #tpu.memory_space<vmem>>
        %dma_start3A_420 = arith.constant 0 : i32
        %dma_start3A_421 = tpu.memref_slice %arg5[%dma_start3A_420, %multiple_of3A] : memref<64x1000000xf32, #tpu.memory_space<hbm>> -> memref<64x128xf32, #tpu.memory_space<hbm>>
        tpu.enqueue_dma source(%dma_start3A_421 : memref<64x128xf32, #tpu.memory_space<hbm>>) target(%dma_start3A_419 : memref<64x128xf32, #tpu.memory_space<vmem>>) target_semaphore(%arg18 : memref<!tpu.dma_semaphore, #tpu.memory_space<semaphore_mem>>)
      } else {
      }
      %eq3A = arith.constant 7812 : i32
      %eq3A_404 = arith.cmpi eq, %add3A_398, %eq3A : i32
      %convert_element_type3A_405 = arith.extui %eq3A_404 : i1 to i32
      %cond3A_406 = arith.constant 0 : i32
      %cond3A_407 = arith.cmpi ne, %convert_element_type3A_405, %cond3A_406 : i32
      scf.if %cond3A_407 {
        %dma_start3A = arith.constant 0 : i32
        %dma_start3A_408 = arith.constant 999936 : i32
        %dma_start3A_409 = tpu.memref_slice %arg5[%dma_start3A, %dma_start3A_408] : memref<64x1000000xf32, #tpu.memory_space<hbm>> -> memref<64x64xf32, #tpu.memory_space<hbm>>
        %dma_start3A_410 = arith.constant 0 : i32
        %dma_start3A_411 = arith.constant 999936 : i32
        %dma_start3A_412 = tpu.memref_slice %arg5[%dma_start3A_410, %dma_start3A_411] : memref<64x1000000xf32, #tpu.memory_space<hbm>> -> memref<64x64xf32, #tpu.memory_space<hbm>>
        tpu.enqueue_dma source(%dma_start3A_412 : memref<64x64xf32, #tpu.memory_space<hbm>>) target(%arg16 : memref<64x64xf32, #tpu.memory_space<vmem>>) target_semaphore(%arg18 : memref<!tpu.dma_semaphore, #tpu.memory_space<semaphore_mem>>)
      } else {
      }
    } else {
    }
    %while3A_344 = arith.constant 0 : i32
    %while3A_345 = arith.constant 0 : i32
    %while3A_346 = arith.subi %scan3A_317, %while3A_344 : i32
    %while3A_347 = arith.addi %while3A_344, %while3A_346 : i32
    %while3A_348 = arith.constant 1 : i32
    %while3A_349 = arith.divsi %while3A_346, %while3A_348 : i32
    %while3A_350 = arith.muli %while3A_349, %while3A_348 : i32
    %while3A_351 = arith.addi %while3A_344, %while3A_350 : i32
    %while3A_352 = arith.constant 1 : i32
    %while3A_353 = scf.for %while3A_396 = %while3A_344 to %while3A_351 step %while3A_352 iter_args(%while3A_397 = %while3A_345) -> (i32)  : i32 {
      %broadcast_in_dim3A_398 = vector.broadcast %while3A_396 : i32 to vector<16xi32>
      %gather3A = tpu.vector_load_idx %arg14[%broadcast_in_dim3A_398] : memref<256xi32, #tpu.memory_space<vmem>>[vector<16xi32>], vector<16xi32>,
      %slice3A = vector.extract_strided_slice %gather3A {offsets = [0], sizes = [1], strides = [1]} : vector<16xi32> to vector<1xi32>
      %squeeze3A = vector.extract %slice3A[0] : i32 from vector<1xi32>
      %rem3A_399 = arith.constant 6 : i32
      %rem3A_400 = arith.remsi %while3A_396, %rem3A_399 : i32
      %add3A_401 = arith.constant 5 : i32
      %add3A_402 = arith.addi %while3A_396, %add3A_401 : i32
      %lt3A_403 = arith.cmpi slt, %add3A_402, %scan3A_317 : i32
      %convert_element_type3A_404 = arith.extui %lt3A_403 : i1 to i32
      %cond3A_405 = arith.constant 0 : i32
      %cond3A_406 = arith.cmpi ne, %convert_element_type3A_404, %cond3A_405 : i32
      scf.if %cond3A_406 {
        %add3A_440 = arith.constant 5 : i32
        %add3A_441 = arith.addi %while3A_396, %add3A_440 : i32
        %broadcast_in_dim3A_442 = vector.broadcast %add3A_441 : i32 to vector<16xi32>
        %gather3A_443 = tpu.vector_load_idx %arg14[%broadcast_in_dim3A_442] : memref<256xi32, #tpu.memory_space<vmem>>[vector<16xi32>], vector<16xi32>,
        %slice3A_444 = vector.extract_strided_slice %gather3A_443 {offsets = [0], sizes = [1], strides = [1]} : vector<16xi32> to vector<1xi32>
        %squeeze3A_445 = vector.extract %slice3A_444[0] : i32 from vector<1xi32>
        %add3A_446 = arith.constant 5 : i32
        %add3A_447 = arith.addi %while3A_396, %add3A_446 : i32
        %rem3A_448 = arith.constant 6 : i32
        %rem3A_449 = arith.remsi %add3A_447, %rem3A_448 : i32
        %add3A_450 = arith.addi %add3A_4, %squeeze3A_445 : i32
        %lt3A_451 = arith.constant 7812 : i32
        %lt3A_452 = arith.cmpi slt, %add3A_450, %lt3A_451 : i32
        %convert_element_type3A_453 = arith.extui %lt3A_452 : i1 to i32
        %cond3A_454 = arith.constant 0 : i32
        %cond3A_455 = arith.cmpi ne, %convert_element_type3A_453, %cond3A_454 : i32
        scf.if %cond3A_455 {
          %mul3A_461 = arith.constant 128 : i32
          %mul3A_462 = arith.muli %add3A_450, %mul3A_461 : i32
          %multiple_of3A = tpu.assume_multiple %mul3A_462, 128 : i32
          %dma_start3A = arith.constant 0 : i32
          %dma_start3A_463 = arith.constant 0 : i32
          %dma_start3A_464 = tpu.memref_slice %arg15[%rem3A_449, %dma_start3A, %dma_start3A_463] : memref<6x64x128xf32, #tpu.memory_space<vmem>> -> memref<1x64x128xf32, #tpu.memory_space<vmem>>
          %dma_start3A_465 = tpu.memref_squeeze %dma_start3A_464 : memref<1x64x128xf32, #tpu.memory_space<vmem>> -> memref<64x128xf32, #tpu.memory_space<vmem>>
          %dma_start3A_466 = arith.constant 0 : i32
          %dma_start3A_467 = tpu.memref_slice %arg5[%dma_start3A_466, %multiple_of3A] : memref<64x1000000xf32, #tpu.memory_space<hbm>> -> memref<64x128xf32, #tpu.memory_space<hbm>>
          %dma_start3A_468 = arith.constant 0 : i32
          %dma_start3A_469 = arith.constant 0 : i32
          %dma_start3A_470 = tpu.memref_slice %arg15[%rem3A_449, %dma_start3A_468, %dma_start3A_469] : memref<6x64x128xf32, #tpu.memory_space<vmem>> -> memref<1x64x128xf32, #tpu.memory_space<vmem>>
          %dma_start3A_471 = tpu.memref_squeeze %dma_start3A_470 : memref<1x64x128xf32, #tpu.memory_space<vmem>> -> memref<64x128xf32, #tpu.memory_space<vmem>>
          %dma_start3A_472 = arith.constant 0 : i32
          %dma_start3A_473 = tpu.memref_slice %arg5[%dma_start3A_472, %multiple_of3A] : memref<64x1000000xf32, #tpu.memory_space<hbm>> -> memref<64x128xf32, #tpu.memory_space<hbm>>
          tpu.enqueue_dma source(%dma_start3A_473 : memref<64x128xf32, #tpu.memory_space<hbm>>) target(%dma_start3A_471 : memref<64x128xf32, #tpu.memory_space<vmem>>) target_semaphore(%arg18 : memref<!tpu.dma_semaphore, #tpu.memory_space<semaphore_mem>>)
        } else {
        }
        %eq3A_456 = arith.constant 7812 : i32
        %eq3A_457 = arith.cmpi eq, %add3A_450, %eq3A_456 : i32
        %convert_element_type3A_458 = arith.extui %eq3A_457 : i1 to i32
        %cond3A_459 = arith.constant 0 : i32
        %cond3A_460 = arith.cmpi ne, %convert_element_type3A_458, %cond3A_459 : i32
        scf.if %cond3A_460 {
          %dma_start3A = arith.constant 0 : i32
          %dma_start3A_461 = arith.constant 999936 : i32
          %dma_start3A_462 = tpu.memref_slice %arg5[%dma_start3A, %dma_start3A_461] : memref<64x1000000xf32, #tpu.memory_space<hbm>> -> memref<64x64xf32, #tpu.memory_space<hbm>>
          %dma_start3A_463 = arith.constant 0 : i32
          %dma_start3A_464 = arith.constant 999936 : i32
          %dma_start3A_465 = tpu.memref_slice %arg5[%dma_start3A_463, %dma_start3A_464] : memref<64x1000000xf32, #tpu.memory_space<hbm>> -> memref<64x64xf32, #tpu.memory_space<hbm>>
          tpu.enqueue_dma source(%dma_start3A_465 : memref<64x64xf32, #tpu.memory_space<hbm>>) target(%arg16 : memref<64x64xf32, #tpu.memory_space<vmem>>) target_semaphore(%arg18 : memref<!tpu.dma_semaphore, #tpu.memory_space<semaphore_mem>>)
        } else {
        }
      } else {
      }
      %add3A_407 = arith.addi %add3A_4, %squeeze3A : i32
      %lt3A_408 = arith.constant 7812 : i32
      %lt3A_409 = arith.cmpi slt, %add3A_407, %lt3A_408 : i32
      %convert_element_type3A_410 = arith.extui %lt3A_409 : i1 to i32
      %cond3A_411 = arith.constant 0 : i32
      %cond3A_412 = arith.cmpi ne, %convert_element_type3A_410, %cond3A_411 : i32
      scf.if %cond3A_412 {
        %dma_wait3A = arith.constant 0 : i32
        %dma_wait3A_440 = arith.constant 0 : i32
        %dma_wait3A_441 = tpu.memref_slice %arg15[%rem3A_400, %dma_wait3A, %dma_wait3A_440] : memref<6x64x128xf32, #tpu.memory_space<vmem>> -> memref<1x64x128xf32, #tpu.memory_space<vmem>>
        %dma_wait3A_442 = tpu.memref_squeeze %dma_wait3A_441 : memref<1x64x128xf32, #tpu.memory_space<vmem>> -> memref<64x128xf32, #tpu.memory_space<vmem>>
        %dma_wait3A_443 = arith.constant 0 : i32
        %dma_wait3A_444 = arith.constant 0 : i32
        %dma_wait3A_445 = tpu.memref_slice %arg5[%dma_wait3A_443, %dma_wait3A_444] : memref<64x1000000xf32, #tpu.memory_space<hbm>> -> memref<64x128xf32, #tpu.memory_space<hbm>>
        %dma_wait3A_446 = arith.constant 0 : i32
        %dma_wait3A_447 = arith.constant 0 : i32
        %dma_wait3A_448 = tpu.memref_slice %arg15[%rem3A_400, %dma_wait3A_446, %dma_wait3A_447] : memref<6x64x128xf32, #tpu.memory_space<vmem>> -> memref<1x64x128xf32, #tpu.memory_space<vmem>>
        %dma_wait3A_449 = tpu.memref_squeeze %dma_wait3A_448 : memref<1x64x128xf32, #tpu.memory_space<vmem>> -> memref<64x128xf32, #tpu.memory_space<vmem>>
        %dma_wait3A_450 = arith.constant 0 : i32
        %dma_wait3A_451 = arith.constant 0 : i32
        %dma_wait3A_452 = tpu.memref_slice %arg5[%dma_wait3A_450, %dma_wait3A_451] : memref<64x1000000xf32, #tpu.memory_space<hbm>> -> memref<64x128xf32, #tpu.memory_space<hbm>>
        tpu.wait_dma2 semaphore(%arg18 : memref<!tpu.dma_semaphore, #tpu.memory_space<semaphore_mem>>) src(%dma_wait3A_452 : memref<64x128xf32, #tpu.memory_space<hbm>>) dst(%dma_wait3A_449 : memref<64x128xf32, #tpu.memory_space<vmem>>)
      } else {
      }
      %eq3A = arith.constant 7812 : i32
      %eq3A_413 = arith.cmpi eq, %add3A_407, %eq3A : i32
      %convert_element_type3A_414 = arith.extui %eq3A_413 : i1 to i32
      %cond3A_415 = arith.constant 0 : i32
      %cond3A_416 = arith.cmpi ne, %convert_element_type3A_414, %cond3A_415 : i32
      scf.if %cond3A_416 {
        %dma_wait3A = arith.constant 0 : i32
        %dma_wait3A_440 = arith.constant 999936 : i32
        %dma_wait3A_441 = tpu.memref_slice %arg5[%dma_wait3A, %dma_wait3A_440] : memref<64x1000000xf32, #tpu.memory_space<hbm>> -> memref<64x64xf32, #tpu.memory_space<hbm>>
        %dma_wait3A_442 = arith.constant 0 : i32
        %dma_wait3A_443 = arith.constant 999936 : i32
        %dma_wait3A_444 = tpu.memref_slice %arg5[%dma_wait3A_442, %dma_wait3A_443] : memref<64x1000000xf32, #tpu.memory_space<hbm>> -> memref<64x64xf32, #tpu.memory_space<hbm>>
        tpu.wait_dma2 semaphore(%arg18 : memref<!tpu.dma_semaphore, #tpu.memory_space<semaphore_mem>>) src(%dma_wait3A_444 : memref<64x64xf32, #tpu.memory_space<hbm>>) dst(%arg16 : memref<64x64xf32, #tpu.memory_space<vmem>>)
      } else {
      }
      %broadcast_in_dim3A_417 = vector.broadcast %squeeze3A : i32 to vector<16xi32>
      %gather3A_418 = tpu.vector_load_idx %arg12[%broadcast_in_dim3A_417] : memref<256xi32, #tpu.memory_space<vmem>>[vector<16xi32>], vector<16xi32>,
      %broadcast_in_dim3A_419 = vector.broadcast %squeeze3A : i32 to vector<16xi32>
      %gather3A_420 = tpu.vector_load_idx %arg11[%broadcast_in_dim3A_419] : memref<256xi32, #tpu.memory_space<vmem>>[vector<16xi32>], vector<16xi32>,
      %slice3A_421 = vector.extract_strided_slice %gather3A_418 {offsets = [0], sizes = [1], strides = [1]} : vector<16xi32> to vector<1xi32>
      %squeeze3A_422 = vector.extract %slice3A_421[0] : i32 from vector<1xi32>
      %slice3A_423 = vector.extract_strided_slice %gather3A_420 {offsets = [0], sizes = [1], strides = [1]} : vector<16xi32> to vector<1xi32>
      %squeeze3A_424 = vector.extract %slice3A_423[0] : i32 from vector<1xi32>
      %add3A_425 = arith.addi %squeeze3A_422, %squeeze3A_424 : i32
      %add3A_426 = arith.addi %add3A_4, %squeeze3A : i32
      %eq3A_427 = arith.constant 7812 : i32
      %eq3A_428 = arith.cmpi eq, %add3A_426, %eq3A_427 : i32
      %broadcast_in_dim3A_429 = vector.broadcast %rem3A_400 : i32 to vector<16xi32>
      %while3A_430 = arith.subi %add3A_425, %squeeze3A_422 : i32
      %while3A_431 = arith.addi %squeeze3A_422, %while3A_430 : i32
      %while3A_432 = arith.constant 1 : i32
      %while3A_433 = arith.divsi %while3A_430, %while3A_432 : i32
      %while3A_434 = arith.muli %while3A_433, %while3A_432 : i32
      %while3A_435 = arith.addi %squeeze3A_422, %while3A_434 : i32
      %while3A_436 = arith.constant 1 : i32
      %while3A_437 = scf.for %while3A_440 = %squeeze3A_422 to %while3A_435 step %while3A_436 iter_args(%while3A_441 = %while3A_397) -> (i32)  : i32 {
        %broadcast_in_dim3A_442 = vector.broadcast %while3A_440 : i32 to vector<16xi32>
        %gather3A_443 = tpu.vector_load_idx %arg10[%broadcast_in_dim3A_442] : memref<16384xi32, #tpu.memory_space<vmem>>[vector<16xi32>], vector<16xi32>,
        %slice3A_444 = vector.extract_strided_slice %gather3A_443 {offsets = [0], sizes = [1], strides = [1]} : vector<16xi32> to vector<1xi32>
        %squeeze3A_445 = vector.extract %slice3A_444[0] : i32 from vector<1xi32>
        %and3A_446 = arith.constant 16383 : i32
        %and3A_447 = arith.andi %squeeze3A_445, %and3A_446 : i32
        %shift_right_logical3A = arith.constant 14 : i32
        %shift_right_logical3A_448 = arith.shrui %squeeze3A_445, %shift_right_logical3A : i32
        %broadcast_in_dim3A_449 = vector.broadcast %shift_right_logical3A_448 : i32 to vector<16xi32>
        %and3A_450 = arith.constant 7 : i32
        %and3A_451 = arith.andi %while3A_441, %and3A_450 : i32
        %ge3A = arith.constant 8 : i32
        %ge3A_452 = arith.cmpi sge, %while3A_441, %ge3A : i32
        %convert_element_type3A_453 = arith.extui %ge3A_452 : i1 to i32
        %cond3A_454 = arith.constant 0 : i32
        %cond3A_455 = arith.cmpi ne, %convert_element_type3A_453, %cond3A_454 : i32
        scf.if %cond3A_455 {
          %dma_wait3A = arith.constant 0 : i32
          %dma_wait3A_474 = arith.constant 0 : i32
          %dma_wait3A_475 = tpu.memref_slice %arg17[%and3A_451, %dma_wait3A_474] : memref<8x64xf32, #tpu.memory_space<vmem>> -> memref<1x64xf32, #tpu.memory_space<vmem>>
          %dma_wait3A_476 = tpu.memref_squeeze %dma_wait3A_475 : memref<1x64xf32, #tpu.memory_space<vmem>> -> memref<64xf32, #tpu.memory_space<vmem>>
          %dma_wait3A_477 = arith.constant 0 : i32
          %dma_wait3A_478 = tpu.memref_slice %arg5[%dma_wait3A, %dma_wait3A_477] : memref<64x1000000xf32, #tpu.memory_space<hbm>> -> memref<1x64xf32, #tpu.memory_space<hbm>>
          %dma_wait3A_479 = tpu.memref_squeeze %dma_wait3A_478 : memref<1x64xf32, #tpu.memory_space<hbm>> -> memref<64xf32, #tpu.memory_space<hbm>>
          %dma_wait3A_480 = arith.constant 0 : i32
          %dma_wait3A_481 = tpu.memref_slice %arg17[%and3A_451, %dma_wait3A_480] : memref<8x64xf32, #tpu.memory_space<vmem>> -> memref<1x64xf32, #tpu.memory_space<vmem>>
          %dma_wait3A_482 = tpu.memref_squeeze %dma_wait3A_481 : memref<1x64xf32, #tpu.memory_space<vmem>> -> memref<64xf32, #tpu.memory_space<vmem>>
          %dma_wait3A_483 = arith.constant 0 : i32
          %dma_wait3A_484 = tpu.memref_slice %arg5[%dma_wait3A, %dma_wait3A_483] : memref<64x1000000xf32, #tpu.memory_space<hbm>> -> memref<1x64xf32, #tpu.memory_space<hbm>>
          %dma_wait3A_485 = tpu.memref_squeeze %dma_wait3A_484 : memref<1x64xf32, #tpu.memory_space<hbm>> -> memref<64xf32, #tpu.memory_space<hbm>>
          tpu.wait_dma2 semaphore(%arg19 : memref<!tpu.dma_semaphore, #tpu.memory_space<semaphore_mem>>) src(%dma_wait3A_485 : memref<64xf32, #tpu.memory_space<hbm>>) dst(%dma_wait3A_482 : memref<64xf32, #tpu.memory_space<vmem>>)
        } else {
        }
        %not3A = arith.constant true
        %not3A_456 = arith.xori %eq3A_428, %not3A : i1
        %convert_element_type3A_457 = arith.extui %not3A_456 : i1 to i32
        %cond3A_458 = arith.constant 0 : i32
        %cond3A_459 = arith.cmpi ne, %convert_element_type3A_457, %cond3A_458 : i32
        scf.if %cond3A_459 {
          %add3A_474 = arith.constant 0 : i32
          %add3A_475 = vector.broadcast %add3A_474 : i32 to vector<16xi32>
          %add3A_476 = arith.addi %iota3A, %add3A_475 : vector<16xi32>
          %gather3A_477 = tpu.vector_load_idx %arg15[%broadcast_in_dim3A_429, %add3A_476, %broadcast_in_dim3A_449] : memref<6x64x128xf32, #tpu.memory_space<vmem>>[vector<16xi32>, vector<16xi32>, vector<16xi32>], vector<16xf32>,
          %swap3A_478 = arith.index_cast %and3A_451 : i32 to index
          %swap3A_479 = arith.constant 0 : index
          %swap3A_480 = tpu.vector_load %arg17[%swap3A_478, %swap3A_479] {strides = array<i32>} : memref<8x64xf32, #tpu.memory_space<vmem>>, vector<16xf32>,
          tpu.vector_store %arg17[%swap3A_478, %swap3A_479], %gather3A_477 {strides = array<i32>} : memref<8x64xf32, #tpu.memory_space<vmem>>, vector<16xf32>,
          %add3A_481 = arith.constant 16 : i32
          %add3A_482 = vector.broadcast %add3A_481 : i32 to vector<16xi32>
          %add3A_483 = arith.addi %iota3A, %add3A_482 : vector<16xi32>
          %gather3A_484 = tpu.vector_load_idx %arg15[%broadcast_in_dim3A_429, %add3A_483, %broadcast_in_dim3A_449] : memref<6x64x128xf32, #tpu.memory_space<vmem>>[vector<16xi32>, vector<16xi32>, vector<16xi32>], vector<16xf32>,
          %swap3A_485 = arith.index_cast %and3A_451 : i32 to index
          %swap3A_486 = arith.constant 16 : index
          %swap3A_487 = tpu.vector_load %arg17[%swap3A_485, %swap3A_486] {strides = array<i32>} : memref<8x64xf32, #tpu.memory_space<vmem>>, vector<16xf32>,
          tpu.vector_store %arg17[%swap3A_485, %swap3A_486], %gather3A_484 {strides = array<i32>} : memref<8x64xf32, #tpu.memory_space<vmem>>, vector<16xf32>,
          %add3A_488 = arith.constant 32 : i32
          %add3A_489 = vector.broadcast %add3A_488 : i32 to vector<16xi32>
          %add3A_490 = arith.addi %iota3A, %add3A_489 : vector<16xi32>
          %gather3A_491 = tpu.vector_load_idx %arg15[%broadcast_in_dim3A_429, %add3A_490, %broadcast_in_dim3A_449] : memref<6x64x128xf32, #tpu.memory_space<vmem>>[vector<16xi32>, vector<16xi32>, vector<16xi32>], vector<16xf32>,
          %swap3A_492 = arith.index_cast %and3A_451 : i32 to index
          %swap3A_493 = arith.constant 32 : index
          %swap3A_494 = tpu.vector_load %arg17[%swap3A_492, %swap3A_493] {strides = array<i32>} : memref<8x64xf32, #tpu.memory_space<vmem>>, vector<16xf32>,
          tpu.vector_store %arg17[%swap3A_492, %swap3A_493], %gather3A_491 {strides = array<i32>} : memref<8x64xf32, #tpu.memory_space<vmem>>, vector<16xf32>,
          %add3A_495 = arith.constant 48 : i32
          %add3A_496 = vector.broadcast %add3A_495 : i32 to vector<16xi32>
          %add3A_497 = arith.addi %iota3A, %add3A_496 : vector<16xi32>
          %gather3A_498 = tpu.vector_load_idx %arg15[%broadcast_in_dim3A_429, %add3A_497, %broadcast_in_dim3A_449] : memref<6x64x128xf32, #tpu.memory_space<vmem>>[vector<16xi32>, vector<16xi32>, vector<16xi32>], vector<16xf32>,
          %swap3A_499 = arith.index_cast %and3A_451 : i32 to index
          %swap3A_500 = arith.constant 48 : index
          %swap3A_501 = tpu.vector_load %arg17[%swap3A_499, %swap3A_500] {strides = array<i32>} : memref<8x64xf32, #tpu.memory_space<vmem>>, vector<16xf32>,
          tpu.vector_store %arg17[%swap3A_499, %swap3A_500], %gather3A_498 {strides = array<i32>} : memref<8x64xf32, #tpu.memory_space<vmem>>, vector<16xf32>,
        } else {
        }
        %convert_element_type3A_460 = arith.extui %eq3A_428 : i1 to i32
        %cond3A_461 = arith.constant 0 : i32
        %cond3A_462 = arith.cmpi ne, %convert_element_type3A_460, %cond3A_461 : i32
        scf.if %cond3A_462 {
          %add3A_474 = arith.constant 0 : i32
          %add3A_475 = vector.broadcast %add3A_474 : i32 to vector<16xi32>
          %add3A_476 = arith.addi %iota3A, %add3A_475 : vector<16xi32>
          %gather3A_477 = tpu.vector_load_idx %arg16[%add3A_476, %broadcast_in_dim3A_449] : memref<64x64xf32, #tpu.memory_space<vmem>>[vector<16xi32>, vector<16xi32>], vector<16xf32>,
          %swap3A_478 = arith.index_cast %and3A_451 : i32 to index
          %swap3A_479 = arith.constant 0 : index
          %swap3A_480 = tpu.vector_load %arg17[%swap3A_478, %swap3A_479] {strides = array<i32>} : memref<8x64xf32, #tpu.memory_space<vmem>>, vector<16xf32>,
          tpu.vector_store %arg17[%swap3A_478, %swap3A_479], %gather3A_477 {strides = array<i32>} : memref<8x64xf32, #tpu.memory_space<vmem>>, vector<16xf32>,
          %add3A_481 = arith.constant 16 : i32
          %add3A_482 = vector.broadcast %add3A_481 : i32 to vector<16xi32>
          %add3A_483 = arith.addi %iota3A, %add3A_482 : vector<16xi32>
          %gather3A_484 = tpu.vector_load_idx %arg16[%add3A_483, %broadcast_in_dim3A_449] : memref<64x64xf32, #tpu.memory_space<vmem>>[vector<16xi32>, vector<16xi32>], vector<16xf32>,
          %swap3A_485 = arith.index_cast %and3A_451 : i32 to index
          %swap3A_486 = arith.constant 16 : index
          %swap3A_487 = tpu.vector_load %arg17[%swap3A_485, %swap3A_486] {strides = array<i32>} : memref<8x64xf32, #tpu.memory_space<vmem>>, vector<16xf32>,
          tpu.vector_store %arg17[%swap3A_485, %swap3A_486], %gather3A_484 {strides = array<i32>} : memref<8x64xf32, #tpu.memory_space<vmem>>, vector<16xf32>,
          %add3A_488 = arith.constant 32 : i32
          %add3A_489 = vector.broadcast %add3A_488 : i32 to vector<16xi32>
          %add3A_490 = arith.addi %iota3A, %add3A_489 : vector<16xi32>
          %gather3A_491 = tpu.vector_load_idx %arg16[%add3A_490, %broadcast_in_dim3A_449] : memref<64x64xf32, #tpu.memory_space<vmem>>[vector<16xi32>, vector<16xi32>], vector<16xf32>,
          %swap3A_492 = arith.index_cast %and3A_451 : i32 to index
          %swap3A_493 = arith.constant 32 : index
          %swap3A_494 = tpu.vector_load %arg17[%swap3A_492, %swap3A_493] {strides = array<i32>} : memref<8x64xf32, #tpu.memory_space<vmem>>, vector<16xf32>,
          tpu.vector_store %arg17[%swap3A_492, %swap3A_493], %gather3A_491 {strides = array<i32>} : memref<8x64xf32, #tpu.memory_space<vmem>>, vector<16xf32>,
          %add3A_495 = arith.constant 48 : i32
          %add3A_496 = vector.broadcast %add3A_495 : i32 to vector<16xi32>
          %add3A_497 = arith.addi %iota3A, %add3A_496 : vector<16xi32>
          %gather3A_498 = tpu.vector_load_idx %arg16[%add3A_497, %broadcast_in_dim3A_449] : memref<64x64xf32, #tpu.memory_space<vmem>>[vector<16xi32>, vector<16xi32>], vector<16xf32>,
          %swap3A_499 = arith.index_cast %and3A_451 : i32 to index
          %swap3A_500 = arith.constant 48 : index
          %swap3A_501 = tpu.vector_load %arg17[%swap3A_499, %swap3A_500] {strides = array<i32>} : memref<8x64xf32, #tpu.memory_space<vmem>>, vector<16xf32>,
          tpu.vector_store %arg17[%swap3A_499, %swap3A_500], %gather3A_498 {strides = array<i32>} : memref<8x64xf32, #tpu.memory_space<vmem>>, vector<16xf32>,
        } else {
        }
        %mul3A_463 = arith.constant 64 : i32
        %mul3A_464 = arith.muli %and3A_447, %mul3A_463 : i32
        %multiple_of3A = tpu.assume_multiple %mul3A_464, 8 : i32
        %dma_start3A = arith.constant 0 : i32
        %dma_start3A_465 = tpu.memref_slice %arg17[%and3A_451, %dma_start3A] : memref<8x64xf32, #tpu.memory_space<vmem>> -> memref<1x64xf32, #tpu.memory_space<vmem>>
        %dma_start3A_466 = tpu.memref_squeeze %dma_start3A_465 : memref<1x64xf32, #tpu.memory_space<vmem>> -> memref<64xf32, #tpu.memory_space<vmem>>
        %dma_start3A_467 = tpu.memref_slice %arg7[%multiple_of3A] : memref<1048576xf32, #tpu.memory_space<hbm>> -> memref<64xf32, #tpu.memory_space<hbm>>
        %dma_start3A_468 = tpu.memref_slice %arg7[%multiple_of3A] : memref<1048576xf32, #tpu.memory_space<hbm>> -> memref<64xf32, #tpu.memory_space<hbm>>
        %dma_start3A_469 = arith.constant 0 : i32
        %dma_start3A_470 = tpu.memref_slice %arg17[%and3A_451, %dma_start3A_469] : memref<8x64xf32, #tpu.memory_space<vmem>> -> memref<1x64xf32, #tpu.memory_space<vmem>>
        %dma_start3A_471 = tpu.memref_squeeze %dma_start3A_470 : memref<1x64xf32, #tpu.memory_space<vmem>> -> memref<64xf32, #tpu.memory_space<vmem>>
        tpu.enqueue_dma source(%dma_start3A_471 : memref<64xf32, #tpu.memory_space<vmem>>) target(%dma_start3A_468 : memref<64xf32, #tpu.memory_space<hbm>>) target_semaphore(%arg19 : memref<!tpu.dma_semaphore, #tpu.memory_space<semaphore_mem>>)
        %add3A_472 = arith.constant 1 : i32
        %add3A_473 = arith.addi %while3A_441, %add3A_472 : i32
        scf.yield %add3A_473 : i32
      }
      %while3A_438 = arith.constant 1 : i32
      %while3A_439 = scf.for %while3A_440 = %while3A_435 to %while3A_431 step %while3A_438 iter_args(%while3A_441 = %while3A_437) -> (i32)  : i32 {
        %broadcast_in_dim3A_442 = vector.broadcast %while3A_440 : i32 to vector<16xi32>
        %gather3A_443 = tpu.vector_load_idx %arg10[%broadcast_in_dim3A_442] : memref<16384xi32, #tpu.memory_space<vmem>>[vector<16xi32>], vector<16xi32>,
        %slice3A_444 = vector.extract_strided_slice %gather3A_443 {offsets = [0], sizes = [1], strides = [1]} : vector<16xi32> to vector<1xi32>
        %squeeze3A_445 = vector.extract %slice3A_444[0] : i32 from vector<1xi32>
        %and3A_446 = arith.constant 16383 : i32
        %and3A_447 = arith.andi %squeeze3A_445, %and3A_446 : i32
        %shift_right_logical3A = arith.constant 14 : i32
        %shift_right_logical3A_448 = arith.shrui %squeeze3A_445, %shift_right_logical3A : i32
        %broadcast_in_dim3A_449 = vector.broadcast %shift_right_logical3A_448 : i32 to vector<16xi32>
        %and3A_450 = arith.constant 7 : i32
        %and3A_451 = arith.andi %while3A_441, %and3A_450 : i32
        %ge3A = arith.constant 8 : i32
        %ge3A_452 = arith.cmpi sge, %while3A_441, %ge3A : i32
        %convert_element_type3A_453 = arith.extui %ge3A_452 : i1 to i32
        %cond3A_454 = arith.constant 0 : i32
        %cond3A_455 = arith.cmpi ne, %convert_element_type3A_453, %cond3A_454 : i32
        scf.if %cond3A_455 {
          %dma_wait3A = arith.constant 0 : i32
          %dma_wait3A_474 = arith.constant 0 : i32
          %dma_wait3A_475 = tpu.memref_slice %arg17[%and3A_451, %dma_wait3A_474] : memref<8x64xf32, #tpu.memory_space<vmem>> -> memref<1x64xf32, #tpu.memory_space<vmem>>
          %dma_wait3A_476 = tpu.memref_squeeze %dma_wait3A_475 : memref<1x64xf32, #tpu.memory_space<vmem>> -> memref<64xf32, #tpu.memory_space<vmem>>
          %dma_wait3A_477 = arith.constant 0 : i32
          %dma_wait3A_478 = tpu.memref_slice %arg5[%dma_wait3A, %dma_wait3A_477] : memref<64x1000000xf32, #tpu.memory_space<hbm>> -> memref<1x64xf32, #tpu.memory_space<hbm>>
          %dma_wait3A_479 = tpu.memref_squeeze %dma_wait3A_478 : memref<1x64xf32, #tpu.memory_space<hbm>> -> memref<64xf32, #tpu.memory_space<hbm>>
          %dma_wait3A_480 = arith.constant 0 : i32
          %dma_wait3A_481 = tpu.memref_slice %arg17[%and3A_451, %dma_wait3A_480] : memref<8x64xf32, #tpu.memory_space<vmem>> -> memref<1x64xf32, #tpu.memory_space<vmem>>
          %dma_wait3A_482 = tpu.memref_squeeze %dma_wait3A_481 : memref<1x64xf32, #tpu.memory_space<vmem>> -> memref<64xf32, #tpu.memory_space<vmem>>
          %dma_wait3A_483 = arith.constant 0 : i32
          %dma_wait3A_484 = tpu.memref_slice %arg5[%dma_wait3A, %dma_wait3A_483] : memref<64x1000000xf32, #tpu.memory_space<hbm>> -> memref<1x64xf32, #tpu.memory_space<hbm>>
          %dma_wait3A_485 = tpu.memref_squeeze %dma_wait3A_484 : memref<1x64xf32, #tpu.memory_space<hbm>> -> memref<64xf32, #tpu.memory_space<hbm>>
          tpu.wait_dma2 semaphore(%arg19 : memref<!tpu.dma_semaphore, #tpu.memory_space<semaphore_mem>>) src(%dma_wait3A_485 : memref<64xf32, #tpu.memory_space<hbm>>) dst(%dma_wait3A_482 : memref<64xf32, #tpu.memory_space<vmem>>)
        } else {
        }
        %not3A = arith.constant true
        %not3A_456 = arith.xori %eq3A_428, %not3A : i1
        %convert_element_type3A_457 = arith.extui %not3A_456 : i1 to i32
        %cond3A_458 = arith.constant 0 : i32
        %cond3A_459 = arith.cmpi ne, %convert_element_type3A_457, %cond3A_458 : i32
        scf.if %cond3A_459 {
          %add3A_474 = arith.constant 0 : i32
          %add3A_475 = vector.broadcast %add3A_474 : i32 to vector<16xi32>
          %add3A_476 = arith.addi %iota3A, %add3A_475 : vector<16xi32>
          %gather3A_477 = tpu.vector_load_idx %arg15[%broadcast_in_dim3A_429, %add3A_476, %broadcast_in_dim3A_449] : memref<6x64x128xf32, #tpu.memory_space<vmem>>[vector<16xi32>, vector<16xi32>, vector<16xi32>], vector<16xf32>,
          %swap3A_478 = arith.index_cast %and3A_451 : i32 to index
          %swap3A_479 = arith.constant 0 : index
          %swap3A_480 = tpu.vector_load %arg17[%swap3A_478, %swap3A_479] {strides = array<i32>} : memref<8x64xf32, #tpu.memory_space<vmem>>, vector<16xf32>,
          tpu.vector_store %arg17[%swap3A_478, %swap3A_479], %gather3A_477 {strides = array<i32>} : memref<8x64xf32, #tpu.memory_space<vmem>>, vector<16xf32>,
          %add3A_481 = arith.constant 16 : i32
          %add3A_482 = vector.broadcast %add3A_481 : i32 to vector<16xi32>
          %add3A_483 = arith.addi %iota3A, %add3A_482 : vector<16xi32>
          %gather3A_484 = tpu.vector_load_idx %arg15[%broadcast_in_dim3A_429, %add3A_483, %broadcast_in_dim3A_449] : memref<6x64x128xf32, #tpu.memory_space<vmem>>[vector<16xi32>, vector<16xi32>, vector<16xi32>], vector<16xf32>,
          %swap3A_485 = arith.index_cast %and3A_451 : i32 to index
          %swap3A_486 = arith.constant 16 : index
          %swap3A_487 = tpu.vector_load %arg17[%swap3A_485, %swap3A_486] {strides = array<i32>} : memref<8x64xf32, #tpu.memory_space<vmem>>, vector<16xf32>,
          tpu.vector_store %arg17[%swap3A_485, %swap3A_486], %gather3A_484 {strides = array<i32>} : memref<8x64xf32, #tpu.memory_space<vmem>>, vector<16xf32>,
          %add3A_488 = arith.constant 32 : i32
          %add3A_489 = vector.broadcast %add3A_488 : i32 to vector<16xi32>
          %add3A_490 = arith.addi %iota3A, %add3A_489 : vector<16xi32>
          %gather3A_491 = tpu.vector_load_idx %arg15[%broadcast_in_dim3A_429, %add3A_490, %broadcast_in_dim3A_449] : memref<6x64x128xf32, #tpu.memory_space<vmem>>[vector<16xi32>, vector<16xi32>, vector<16xi32>], vector<16xf32>,
          %swap3A_492 = arith.index_cast %and3A_451 : i32 to index
          %swap3A_493 = arith.constant 32 : index
          %swap3A_494 = tpu.vector_load %arg17[%swap3A_492, %swap3A_493] {strides = array<i32>} : memref<8x64xf32, #tpu.memory_space<vmem>>, vector<16xf32>,
          tpu.vector_store %arg17[%swap3A_492, %swap3A_493], %gather3A_491 {strides = array<i32>} : memref<8x64xf32, #tpu.memory_space<vmem>>, vector<16xf32>,
          %add3A_495 = arith.constant 48 : i32
          %add3A_496 = vector.broadcast %add3A_495 : i32 to vector<16xi32>
          %add3A_497 = arith.addi %iota3A, %add3A_496 : vector<16xi32>
          %gather3A_498 = tpu.vector_load_idx %arg15[%broadcast_in_dim3A_429, %add3A_497, %broadcast_in_dim3A_449] : memref<6x64x128xf32, #tpu.memory_space<vmem>>[vector<16xi32>, vector<16xi32>, vector<16xi32>], vector<16xf32>,
          %swap3A_499 = arith.index_cast %and3A_451 : i32 to index
          %swap3A_500 = arith.constant 48 : index
          %swap3A_501 = tpu.vector_load %arg17[%swap3A_499, %swap3A_500] {strides = array<i32>} : memref<8x64xf32, #tpu.memory_space<vmem>>, vector<16xf32>,
          tpu.vector_store %arg17[%swap3A_499, %swap3A_500], %gather3A_498 {strides = array<i32>} : memref<8x64xf32, #tpu.memory_space<vmem>>, vector<16xf32>,
        } else {
        }
        %convert_element_type3A_460 = arith.extui %eq3A_428 : i1 to i32
        %cond3A_461 = arith.constant 0 : i32
        %cond3A_462 = arith.cmpi ne, %convert_element_type3A_460, %cond3A_461 : i32
        scf.if %cond3A_462 {
          %add3A_474 = arith.constant 0 : i32
          %add3A_475 = vector.broadcast %add3A_474 : i32 to vector<16xi32>
          %add3A_476 = arith.addi %iota3A, %add3A_475 : vector<16xi32>
          %gather3A_477 = tpu.vector_load_idx %arg16[%add3A_476, %broadcast_in_dim3A_449] : memref<64x64xf32, #tpu.memory_space<vmem>>[vector<16xi32>, vector<16xi32>], vector<16xf32>,
          %swap3A_478 = arith.index_cast %and3A_451 : i32 to index
          %swap3A_479 = arith.constant 0 : index
          %swap3A_480 = tpu.vector_load %arg17[%swap3A_478, %swap3A_479] {strides = array<i32>} : memref<8x64xf32, #tpu.memory_space<vmem>>, vector<16xf32>,
          tpu.vector_store %arg17[%swap3A_478, %swap3A_479], %gather3A_477 {strides = array<i32>} : memref<8x64xf32, #tpu.memory_space<vmem>>, vector<16xf32>,
          %add3A_481 = arith.constant 16 : i32
          %add3A_482 = vector.broadcast %add3A_481 : i32 to vector<16xi32>
          %add3A_483 = arith.addi %iota3A, %add3A_482 : vector<16xi32>
          %gather3A_484 = tpu.vector_load_idx %arg16[%add3A_483, %broadcast_in_dim3A_449] : memref<64x64xf32, #tpu.memory_space<vmem>>[vector<16xi32>, vector<16xi32>], vector<16xf32>,
          %swap3A_485 = arith.index_cast %and3A_451 : i32 to index
          %swap3A_486 = arith.constant 16 : index
          %swap3A_487 = tpu.vector_load %arg17[%swap3A_485, %swap3A_486] {strides = array<i32>} : memref<8x64xf32, #tpu.memory_space<vmem>>, vector<16xf32>,
          tpu.vector_store %arg17[%swap3A_485, %swap3A_486], %gather3A_484 {strides = array<i32>} : memref<8x64xf32, #tpu.memory_space<vmem>>, vector<16xf32>,
          %add3A_488 = arith.constant 32 : i32
          %add3A_489 = vector.broadcast %add3A_488 : i32 to vector<16xi32>
          %add3A_490 = arith.addi %iota3A, %add3A_489 : vector<16xi32>
          %gather3A_491 = tpu.vector_load_idx %arg16[%add3A_490, %broadcast_in_dim3A_449] : memref<64x64xf32, #tpu.memory_space<vmem>>[vector<16xi32>, vector<16xi32>], vector<16xf32>,
          %swap3A_492 = arith.index_cast %and3A_451 : i32 to index
          %swap3A_493 = arith.constant 32 : index
          %swap3A_494 = tpu.vector_load %arg17[%swap3A_492, %swap3A_493] {strides = array<i32>} : memref<8x64xf32, #tpu.memory_space<vmem>>, vector<16xf32>,
          tpu.vector_store %arg17[%swap3A_492, %swap3A_493], %gather3A_491 {strides = array<i32>} : memref<8x64xf32, #tpu.memory_space<vmem>>, vector<16xf32>,
          %add3A_495 = arith.constant 48 : i32
          %add3A_496 = vector.broadcast %add3A_495 : i32 to vector<16xi32>
          %add3A_497 = arith.addi %iota3A, %add3A_496 : vector<16xi32>
          %gather3A_498 = tpu.vector_load_idx %arg16[%add3A_497, %broadcast_in_dim3A_449] : memref<64x64xf32, #tpu.memory_space<vmem>>[vector<16xi32>, vector<16xi32>], vector<16xf32>,
          %swap3A_499 = arith.index_cast %and3A_451 : i32 to index
          %swap3A_500 = arith.constant 48 : index
          %swap3A_501 = tpu.vector_load %arg17[%swap3A_499, %swap3A_500] {strides = array<i32>} : memref<8x64xf32, #tpu.memory_space<vmem>>, vector<16xf32>,
          tpu.vector_store %arg17[%swap3A_499, %swap3A_500], %gather3A_498 {strides = array<i32>} : memref<8x64xf32, #tpu.memory_space<vmem>>, vector<16xf32>,
        } else {
        }
        %mul3A_463 = arith.constant 64 : i32
        %mul3A_464 = arith.muli %and3A_447, %mul3A_463 : i32
        %multiple_of3A = tpu.assume_multiple %mul3A_464, 8 : i32
        %dma_start3A = arith.constant 0 : i32
        %dma_start3A_465 = tpu.memref_slice %arg17[%and3A_451, %dma_start3A] : memref<8x64xf32, #tpu.memory_space<vmem>> -> memref<1x64xf32, #tpu.memory_space<vmem>>
        %dma_start3A_466 = tpu.memref_squeeze %dma_start3A_465 : memref<1x64xf32, #tpu.memory_space<vmem>> -> memref<64xf32, #tpu.memory_space<vmem>>
        %dma_start3A_467 = tpu.memref_slice %arg7[%multiple_of3A] : memref<1048576xf32, #tpu.memory_space<hbm>> -> memref<64xf32, #tpu.memory_space<hbm>>
        %dma_start3A_468 = tpu.memref_slice %arg7[%multiple_of3A] : memref<1048576xf32, #tpu.memory_space<hbm>> -> memref<64xf32, #tpu.memory_space<hbm>>
        %dma_start3A_469 = arith.constant 0 : i32
        %dma_start3A_470 = tpu.memref_slice %arg17[%and3A_451, %dma_start3A_469] : memref<8x64xf32, #tpu.memory_space<vmem>> -> memref<1x64xf32, #tpu.memory_space<vmem>>
        %dma_start3A_471 = tpu.memref_squeeze %dma_start3A_470 : memref<1x64xf32, #tpu.memory_space<vmem>> -> memref<64xf32, #tpu.memory_space<vmem>>
        tpu.enqueue_dma source(%dma_start3A_471 : memref<64xf32, #tpu.memory_space<vmem>>) target(%dma_start3A_468 : memref<64xf32, #tpu.memory_space<hbm>>) target_semaphore(%arg19 : memref<!tpu.dma_semaphore, #tpu.memory_space<semaphore_mem>>)
        %add3A_472 = arith.constant 1 : i32
        %add3A_473 = arith.addi %while3A_441, %add3A_472 : i32
        scf.yield %add3A_473 : i32
      }
      scf.yield %while3A_439 : i32
    }
    %while3A_354 = arith.constant 1 : i32
    %while3A_355 = scf.for %while3A_396 = %while3A_351 to %while3A_347 step %while3A_354 iter_args(%while3A_397 = %while3A_353) -> (i32)  : i32 {
      %broadcast_in_dim3A_398 = vector.broadcast %while3A_396 : i32 to vector<16xi32>
      %gather3A = tpu.vector_load_idx %arg14[%broadcast_in_dim3A_398] : memref<256xi32, #tpu.memory_space<vmem>>[vector<16xi32>], vector<16xi32>,
      %slice3A = vector.extract_strided_slice %gather3A {offsets = [0], sizes = [1], strides = [1]} : vector<16xi32> to vector<1xi32>
      %squeeze3A = vector.extract %slice3A[0] : i32 from vector<1xi32>
      %rem3A_399 = arith.constant 6 : i32
      %rem3A_400 = arith.remsi %while3A_396, %rem3A_399 : i32
      %add3A_401 = arith.constant 5 : i32
      %add3A_402 = arith.addi %while3A_396, %add3A_401 : i32
      %lt3A_403 = arith.cmpi slt, %add3A_402, %scan3A_317 : i32
      %convert_element_type3A_404 = arith.extui %lt3A_403 : i1 to i32
      %cond3A_405 = arith.constant 0 : i32
      %cond3A_406 = arith.cmpi ne, %convert_element_type3A_404, %cond3A_405 : i32
      scf.if %cond3A_406 {
        %add3A_440 = arith.constant 5 : i32
        %add3A_441 = arith.addi %while3A_396, %add3A_440 : i32
        %broadcast_in_dim3A_442 = vector.broadcast %add3A_441 : i32 to vector<16xi32>
        %gather3A_443 = tpu.vector_load_idx %arg14[%broadcast_in_dim3A_442] : memref<256xi32, #tpu.memory_space<vmem>>[vector<16xi32>], vector<16xi32>,
        %slice3A_444 = vector.extract_strided_slice %gather3A_443 {offsets = [0], sizes = [1], strides = [1]} : vector<16xi32> to vector<1xi32>
        %squeeze3A_445 = vector.extract %slice3A_444[0] : i32 from vector<1xi32>
        %add3A_446 = arith.constant 5 : i32
        %add3A_447 = arith.addi %while3A_396, %add3A_446 : i32
        %rem3A_448 = arith.constant 6 : i32
        %rem3A_449 = arith.remsi %add3A_447, %rem3A_448 : i32
        %add3A_450 = arith.addi %add3A_4, %squeeze3A_445 : i32
        %lt3A_451 = arith.constant 7812 : i32
        %lt3A_452 = arith.cmpi slt, %add3A_450, %lt3A_451 : i32
        %convert_element_type3A_453 = arith.extui %lt3A_452 : i1 to i32
        %cond3A_454 = arith.constant 0 : i32
        %cond3A_455 = arith.cmpi ne, %convert_element_type3A_453, %cond3A_454 : i32
        scf.if %cond3A_455 {
          %mul3A_461 = arith.constant 128 : i32
          %mul3A_462 = arith.muli %add3A_450, %mul3A_461 : i32
          %multiple_of3A = tpu.assume_multiple %mul3A_462, 128 : i32
          %dma_start3A = arith.constant 0 : i32
          %dma_start3A_463 = arith.constant 0 : i32
          %dma_start3A_464 = tpu.memref_slice %arg15[%rem3A_449, %dma_start3A, %dma_start3A_463] : memref<6x64x128xf32, #tpu.memory_space<vmem>> -> memref<1x64x128xf32, #tpu.memory_space<vmem>>
          %dma_start3A_465 = tpu.memref_squeeze %dma_start3A_464 : memref<1x64x128xf32, #tpu.memory_space<vmem>> -> memref<64x128xf32, #tpu.memory_space<vmem>>
          %dma_start3A_466 = arith.constant 0 : i32
          %dma_start3A_467 = tpu.memref_slice %arg5[%dma_start3A_466, %multiple_of3A] : memref<64x1000000xf32, #tpu.memory_space<hbm>> -> memref<64x128xf32, #tpu.memory_space<hbm>>
          %dma_start3A_468 = arith.constant 0 : i32
          %dma_start3A_469 = arith.constant 0 : i32
          %dma_start3A_470 = tpu.memref_slice %arg15[%rem3A_449, %dma_start3A_468, %dma_start3A_469] : memref<6x64x128xf32, #tpu.memory_space<vmem>> -> memref<1x64x128xf32, #tpu.memory_space<vmem>>
          %dma_start3A_471 = tpu.memref_squeeze %dma_start3A_470 : memref<1x64x128xf32, #tpu.memory_space<vmem>> -> memref<64x128xf32, #tpu.memory_space<vmem>>
          %dma_start3A_472 = arith.constant 0 : i32
          %dma_start3A_473 = tpu.memref_slice %arg5[%dma_start3A_472, %multiple_of3A] : memref<64x1000000xf32, #tpu.memory_space<hbm>> -> memref<64x128xf32, #tpu.memory_space<hbm>>
          tpu.enqueue_dma source(%dma_start3A_473 : memref<64x128xf32, #tpu.memory_space<hbm>>) target(%dma_start3A_471 : memref<64x128xf32, #tpu.memory_space<vmem>>) target_semaphore(%arg18 : memref<!tpu.dma_semaphore, #tpu.memory_space<semaphore_mem>>)
        } else {
        }
        %eq3A_456 = arith.constant 7812 : i32
        %eq3A_457 = arith.cmpi eq, %add3A_450, %eq3A_456 : i32
        %convert_element_type3A_458 = arith.extui %eq3A_457 : i1 to i32
        %cond3A_459 = arith.constant 0 : i32
        %cond3A_460 = arith.cmpi ne, %convert_element_type3A_458, %cond3A_459 : i32
        scf.if %cond3A_460 {
          %dma_start3A = arith.constant 0 : i32
          %dma_start3A_461 = arith.constant 999936 : i32
          %dma_start3A_462 = tpu.memref_slice %arg5[%dma_start3A, %dma_start3A_461] : memref<64x1000000xf32, #tpu.memory_space<hbm>> -> memref<64x64xf32, #tpu.memory_space<hbm>>
          %dma_start3A_463 = arith.constant 0 : i32
          %dma_start3A_464 = arith.constant 999936 : i32
          %dma_start3A_465 = tpu.memref_slice %arg5[%dma_start3A_463, %dma_start3A_464] : memref<64x1000000xf32, #tpu.memory_space<hbm>> -> memref<64x64xf32, #tpu.memory_space<hbm>>
          tpu.enqueue_dma source(%dma_start3A_465 : memref<64x64xf32, #tpu.memory_space<hbm>>) target(%arg16 : memref<64x64xf32, #tpu.memory_space<vmem>>) target_semaphore(%arg18 : memref<!tpu.dma_semaphore, #tpu.memory_space<semaphore_mem>>)
        } else {
        }
      } else {
      }
      %add3A_407 = arith.addi %add3A_4, %squeeze3A : i32
      %lt3A_408 = arith.constant 7812 : i32
      %lt3A_409 = arith.cmpi slt, %add3A_407, %lt3A_408 : i32
      %convert_element_type3A_410 = arith.extui %lt3A_409 : i1 to i32
      %cond3A_411 = arith.constant 0 : i32
      %cond3A_412 = arith.cmpi ne, %convert_element_type3A_410, %cond3A_411 : i32
      scf.if %cond3A_412 {
        %dma_wait3A = arith.constant 0 : i32
        %dma_wait3A_440 = arith.constant 0 : i32
        %dma_wait3A_441 = tpu.memref_slice %arg15[%rem3A_400, %dma_wait3A, %dma_wait3A_440] : memref<6x64x128xf32, #tpu.memory_space<vmem>> -> memref<1x64x128xf32, #tpu.memory_space<vmem>>
        %dma_wait3A_442 = tpu.memref_squeeze %dma_wait3A_441 : memref<1x64x128xf32, #tpu.memory_space<vmem>> -> memref<64x128xf32, #tpu.memory_space<vmem>>
        %dma_wait3A_443 = arith.constant 0 : i32
        %dma_wait3A_444 = arith.constant 0 : i32
        %dma_wait3A_445 = tpu.memref_slice %arg5[%dma_wait3A_443, %dma_wait3A_444] : memref<64x1000000xf32, #tpu.memory_space<hbm>> -> memref<64x128xf32, #tpu.memory_space<hbm>>
        %dma_wait3A_446 = arith.constant 0 : i32
        %dma_wait3A_447 = arith.constant 0 : i32
        %dma_wait3A_448 = tpu.memref_slice %arg15[%rem3A_400, %dma_wait3A_446, %dma_wait3A_447] : memref<6x64x128xf32, #tpu.memory_space<vmem>> -> memref<1x64x128xf32, #tpu.memory_space<vmem>>
        %dma_wait3A_449 = tpu.memref_squeeze %dma_wait3A_448 : memref<1x64x128xf32, #tpu.memory_space<vmem>> -> memref<64x128xf32, #tpu.memory_space<vmem>>
        %dma_wait3A_450 = arith.constant 0 : i32
        %dma_wait3A_451 = arith.constant 0 : i32
        %dma_wait3A_452 = tpu.memref_slice %arg5[%dma_wait3A_450, %dma_wait3A_451] : memref<64x1000000xf32, #tpu.memory_space<hbm>> -> memref<64x128xf32, #tpu.memory_space<hbm>>
        tpu.wait_dma2 semaphore(%arg18 : memref<!tpu.dma_semaphore, #tpu.memory_space<semaphore_mem>>) src(%dma_wait3A_452 : memref<64x128xf32, #tpu.memory_space<hbm>>) dst(%dma_wait3A_449 : memref<64x128xf32, #tpu.memory_space<vmem>>)
      } else {
      }
      %eq3A = arith.constant 7812 : i32
      %eq3A_413 = arith.cmpi eq, %add3A_407, %eq3A : i32
      %convert_element_type3A_414 = arith.extui %eq3A_413 : i1 to i32
      %cond3A_415 = arith.constant 0 : i32
      %cond3A_416 = arith.cmpi ne, %convert_element_type3A_414, %cond3A_415 : i32
      scf.if %cond3A_416 {
        %dma_wait3A = arith.constant 0 : i32
        %dma_wait3A_440 = arith.constant 999936 : i32
        %dma_wait3A_441 = tpu.memref_slice %arg5[%dma_wait3A, %dma_wait3A_440] : memref<64x1000000xf32, #tpu.memory_space<hbm>> -> memref<64x64xf32, #tpu.memory_space<hbm>>
        %dma_wait3A_442 = arith.constant 0 : i32
        %dma_wait3A_443 = arith.constant 999936 : i32
        %dma_wait3A_444 = tpu.memref_slice %arg5[%dma_wait3A_442, %dma_wait3A_443] : memref<64x1000000xf32, #tpu.memory_space<hbm>> -> memref<64x64xf32, #tpu.memory_space<hbm>>
        tpu.wait_dma2 semaphore(%arg18 : memref<!tpu.dma_semaphore, #tpu.memory_space<semaphore_mem>>) src(%dma_wait3A_444 : memref<64x64xf32, #tpu.memory_space<hbm>>) dst(%arg16 : memref<64x64xf32, #tpu.memory_space<vmem>>)
      } else {
      }
      %broadcast_in_dim3A_417 = vector.broadcast %squeeze3A : i32 to vector<16xi32>
      %gather3A_418 = tpu.vector_load_idx %arg12[%broadcast_in_dim3A_417] : memref<256xi32, #tpu.memory_space<vmem>>[vector<16xi32>], vector<16xi32>,
      %broadcast_in_dim3A_419 = vector.broadcast %squeeze3A : i32 to vector<16xi32>
      %gather3A_420 = tpu.vector_load_idx %arg11[%broadcast_in_dim3A_419] : memref<256xi32, #tpu.memory_space<vmem>>[vector<16xi32>], vector<16xi32>,
      %slice3A_421 = vector.extract_strided_slice %gather3A_418 {offsets = [0], sizes = [1], strides = [1]} : vector<16xi32> to vector<1xi32>
      %squeeze3A_422 = vector.extract %slice3A_421[0] : i32 from vector<1xi32>
      %slice3A_423 = vector.extract_strided_slice %gather3A_420 {offsets = [0], sizes = [1], strides = [1]} : vector<16xi32> to vector<1xi32>
      %squeeze3A_424 = vector.extract %slice3A_423[0] : i32 from vector<1xi32>
      %add3A_425 = arith.addi %squeeze3A_422, %squeeze3A_424 : i32
      %add3A_426 = arith.addi %add3A_4, %squeeze3A : i32
      %eq3A_427 = arith.constant 7812 : i32
      %eq3A_428 = arith.cmpi eq, %add3A_426, %eq3A_427 : i32
      %broadcast_in_dim3A_429 = vector.broadcast %rem3A_400 : i32 to vector<16xi32>
      %while3A_430 = arith.subi %add3A_425, %squeeze3A_422 : i32
      %while3A_431 = arith.addi %squeeze3A_422, %while3A_430 : i32
      %while3A_432 = arith.constant 1 : i32
      %while3A_433 = arith.divsi %while3A_430, %while3A_432 : i32
      %while3A_434 = arith.muli %while3A_433, %while3A_432 : i32
      %while3A_435 = arith.addi %squeeze3A_422, %while3A_434 : i32
      %while3A_436 = arith.constant 1 : i32
      %while3A_437 = scf.for %while3A_440 = %squeeze3A_422 to %while3A_435 step %while3A_436 iter_args(%while3A_441 = %while3A_397) -> (i32)  : i32 {
        %broadcast_in_dim3A_442 = vector.broadcast %while3A_440 : i32 to vector<16xi32>
        %gather3A_443 = tpu.vector_load_idx %arg10[%broadcast_in_dim3A_442] : memref<16384xi32, #tpu.memory_space<vmem>>[vector<16xi32>], vector<16xi32>,
        %slice3A_444 = vector.extract_strided_slice %gather3A_443 {offsets = [0], sizes = [1], strides = [1]} : vector<16xi32> to vector<1xi32>
        %squeeze3A_445 = vector.extract %slice3A_444[0] : i32 from vector<1xi32>
        %and3A_446 = arith.constant 16383 : i32
        %and3A_447 = arith.andi %squeeze3A_445, %and3A_446 : i32
        %shift_right_logical3A = arith.constant 14 : i32
        %shift_right_logical3A_448 = arith.shrui %squeeze3A_445, %shift_right_logical3A : i32
        %broadcast_in_dim3A_449 = vector.broadcast %shift_right_logical3A_448 : i32 to vector<16xi32>
        %and3A_450 = arith.constant 7 : i32
        %and3A_451 = arith.andi %while3A_441, %and3A_450 : i32
        %ge3A = arith.constant 8 : i32
        %ge3A_452 = arith.cmpi sge, %while3A_441, %ge3A : i32
        %convert_element_type3A_453 = arith.extui %ge3A_452 : i1 to i32
        %cond3A_454 = arith.constant 0 : i32
        %cond3A_455 = arith.cmpi ne, %convert_element_type3A_453, %cond3A_454 : i32
        scf.if %cond3A_455 {
          %dma_wait3A = arith.constant 0 : i32
          %dma_wait3A_474 = arith.constant 0 : i32
          %dma_wait3A_475 = tpu.memref_slice %arg17[%and3A_451, %dma_wait3A_474] : memref<8x64xf32, #tpu.memory_space<vmem>> -> memref<1x64xf32, #tpu.memory_space<vmem>>
          %dma_wait3A_476 = tpu.memref_squeeze %dma_wait3A_475 : memref<1x64xf32, #tpu.memory_space<vmem>> -> memref<64xf32, #tpu.memory_space<vmem>>
          %dma_wait3A_477 = arith.constant 0 : i32
          %dma_wait3A_478 = tpu.memref_slice %arg5[%dma_wait3A, %dma_wait3A_477] : memref<64x1000000xf32, #tpu.memory_space<hbm>> -> memref<1x64xf32, #tpu.memory_space<hbm>>
          %dma_wait3A_479 = tpu.memref_squeeze %dma_wait3A_478 : memref<1x64xf32, #tpu.memory_space<hbm>> -> memref<64xf32, #tpu.memory_space<hbm>>
          %dma_wait3A_480 = arith.constant 0 : i32
          %dma_wait3A_481 = tpu.memref_slice %arg17[%and3A_451, %dma_wait3A_480] : memref<8x64xf32, #tpu.memory_space<vmem>> -> memref<1x64xf32, #tpu.memory_space<vmem>>
          %dma_wait3A_482 = tpu.memref_squeeze %dma_wait3A_481 : memref<1x64xf32, #tpu.memory_space<vmem>> -> memref<64xf32, #tpu.memory_space<vmem>>
          %dma_wait3A_483 = arith.constant 0 : i32
          %dma_wait3A_484 = tpu.memref_slice %arg5[%dma_wait3A, %dma_wait3A_483] : memref<64x1000000xf32, #tpu.memory_space<hbm>> -> memref<1x64xf32, #tpu.memory_space<hbm>>
          %dma_wait3A_485 = tpu.memref_squeeze %dma_wait3A_484 : memref<1x64xf32, #tpu.memory_space<hbm>> -> memref<64xf32, #tpu.memory_space<hbm>>
          tpu.wait_dma2 semaphore(%arg19 : memref<!tpu.dma_semaphore, #tpu.memory_space<semaphore_mem>>) src(%dma_wait3A_485 : memref<64xf32, #tpu.memory_space<hbm>>) dst(%dma_wait3A_482 : memref<64xf32, #tpu.memory_space<vmem>>)
        } else {
        }
        %not3A = arith.constant true
        %not3A_456 = arith.xori %eq3A_428, %not3A : i1
        %convert_element_type3A_457 = arith.extui %not3A_456 : i1 to i32
        %cond3A_458 = arith.constant 0 : i32
        %cond3A_459 = arith.cmpi ne, %convert_element_type3A_457, %cond3A_458 : i32
        scf.if %cond3A_459 {
          %add3A_474 = arith.constant 0 : i32
          %add3A_475 = vector.broadcast %add3A_474 : i32 to vector<16xi32>
          %add3A_476 = arith.addi %iota3A, %add3A_475 : vector<16xi32>
          %gather3A_477 = tpu.vector_load_idx %arg15[%broadcast_in_dim3A_429, %add3A_476, %broadcast_in_dim3A_449] : memref<6x64x128xf32, #tpu.memory_space<vmem>>[vector<16xi32>, vector<16xi32>, vector<16xi32>], vector<16xf32>,
          %swap3A_478 = arith.index_cast %and3A_451 : i32 to index
          %swap3A_479 = arith.constant 0 : index
          %swap3A_480 = tpu.vector_load %arg17[%swap3A_478, %swap3A_479] {strides = array<i32>} : memref<8x64xf32, #tpu.memory_space<vmem>>, vector<16xf32>,
          tpu.vector_store %arg17[%swap3A_478, %swap3A_479], %gather3A_477 {strides = array<i32>} : memref<8x64xf32, #tpu.memory_space<vmem>>, vector<16xf32>,
          %add3A_481 = arith.constant 16 : i32
          %add3A_482 = vector.broadcast %add3A_481 : i32 to vector<16xi32>
          %add3A_483 = arith.addi %iota3A, %add3A_482 : vector<16xi32>
          %gather3A_484 = tpu.vector_load_idx %arg15[%broadcast_in_dim3A_429, %add3A_483, %broadcast_in_dim3A_449] : memref<6x64x128xf32, #tpu.memory_space<vmem>>[vector<16xi32>, vector<16xi32>, vector<16xi32>], vector<16xf32>,
          %swap3A_485 = arith.index_cast %and3A_451 : i32 to index
          %swap3A_486 = arith.constant 16 : index
          %swap3A_487 = tpu.vector_load %arg17[%swap3A_485, %swap3A_486] {strides = array<i32>} : memref<8x64xf32, #tpu.memory_space<vmem>>, vector<16xf32>,
          tpu.vector_store %arg17[%swap3A_485, %swap3A_486], %gather3A_484 {strides = array<i32>} : memref<8x64xf32, #tpu.memory_space<vmem>>, vector<16xf32>,
          %add3A_488 = arith.constant 32 : i32
          %add3A_489 = vector.broadcast %add3A_488 : i32 to vector<16xi32>
          %add3A_490 = arith.addi %iota3A, %add3A_489 : vector<16xi32>
          %gather3A_491 = tpu.vector_load_idx %arg15[%broadcast_in_dim3A_429, %add3A_490, %broadcast_in_dim3A_449] : memref<6x64x128xf32, #tpu.memory_space<vmem>>[vector<16xi32>, vector<16xi32>, vector<16xi32>], vector<16xf32>,
          %swap3A_492 = arith.index_cast %and3A_451 : i32 to index
          %swap3A_493 = arith.constant 32 : index
          %swap3A_494 = tpu.vector_load %arg17[%swap3A_492, %swap3A_493] {strides = array<i32>} : memref<8x64xf32, #tpu.memory_space<vmem>>, vector<16xf32>,
          tpu.vector_store %arg17[%swap3A_492, %swap3A_493], %gather3A_491 {strides = array<i32>} : memref<8x64xf32, #tpu.memory_space<vmem>>, vector<16xf32>,
          %add3A_495 = arith.constant 48 : i32
          %add3A_496 = vector.broadcast %add3A_495 : i32 to vector<16xi32>
          %add3A_497 = arith.addi %iota3A, %add3A_496 : vector<16xi32>
          %gather3A_498 = tpu.vector_load_idx %arg15[%broadcast_in_dim3A_429, %add3A_497, %broadcast_in_dim3A_449] : memref<6x64x128xf32, #tpu.memory_space<vmem>>[vector<16xi32>, vector<16xi32>, vector<16xi32>], vector<16xf32>,
          %swap3A_499 = arith.index_cast %and3A_451 : i32 to index
          %swap3A_500 = arith.constant 48 : index
          %swap3A_501 = tpu.vector_load %arg17[%swap3A_499, %swap3A_500] {strides = array<i32>} : memref<8x64xf32, #tpu.memory_space<vmem>>, vector<16xf32>,
          tpu.vector_store %arg17[%swap3A_499, %swap3A_500], %gather3A_498 {strides = array<i32>} : memref<8x64xf32, #tpu.memory_space<vmem>>, vector<16xf32>,
        } else {
        }
        %convert_element_type3A_460 = arith.extui %eq3A_428 : i1 to i32
        %cond3A_461 = arith.constant 0 : i32
        %cond3A_462 = arith.cmpi ne, %convert_element_type3A_460, %cond3A_461 : i32
        scf.if %cond3A_462 {
          %add3A_474 = arith.constant 0 : i32
          %add3A_475 = vector.broadcast %add3A_474 : i32 to vector<16xi32>
          %add3A_476 = arith.addi %iota3A, %add3A_475 : vector<16xi32>
          %gather3A_477 = tpu.vector_load_idx %arg16[%add3A_476, %broadcast_in_dim3A_449] : memref<64x64xf32, #tpu.memory_space<vmem>>[vector<16xi32>, vector<16xi32>], vector<16xf32>,
          %swap3A_478 = arith.index_cast %and3A_451 : i32 to index
          %swap3A_479 = arith.constant 0 : index
          %swap3A_480 = tpu.vector_load %arg17[%swap3A_478, %swap3A_479] {strides = array<i32>} : memref<8x64xf32, #tpu.memory_space<vmem>>, vector<16xf32>,
          tpu.vector_store %arg17[%swap3A_478, %swap3A_479], %gather3A_477 {strides = array<i32>} : memref<8x64xf32, #tpu.memory_space<vmem>>, vector<16xf32>,
          %add3A_481 = arith.constant 16 : i32
          %add3A_482 = vector.broadcast %add3A_481 : i32 to vector<16xi32>
          %add3A_483 = arith.addi %iota3A, %add3A_482 : vector<16xi32>
          %gather3A_484 = tpu.vector_load_idx %arg16[%add3A_483, %broadcast_in_dim3A_449] : memref<64x64xf32, #tpu.memory_space<vmem>>[vector<16xi32>, vector<16xi32>], vector<16xf32>,
          %swap3A_485 = arith.index_cast %and3A_451 : i32 to index
          %swap3A_486 = arith.constant 16 : index
          %swap3A_487 = tpu.vector_load %arg17[%swap3A_485, %swap3A_486] {strides = array<i32>} : memref<8x64xf32, #tpu.memory_space<vmem>>, vector<16xf32>,
          tpu.vector_store %arg17[%swap3A_485, %swap3A_486], %gather3A_484 {strides = array<i32>} : memref<8x64xf32, #tpu.memory_space<vmem>>, vector<16xf32>,
          %add3A_488 = arith.constant 32 : i32
          %add3A_489 = vector.broadcast %add3A_488 : i32 to vector<16xi32>
          %add3A_490 = arith.addi %iota3A, %add3A_489 : vector<16xi32>
          %gather3A_491 = tpu.vector_load_idx %arg16[%add3A_490, %broadcast_in_dim3A_449] : memref<64x64xf32, #tpu.memory_space<vmem>>[vector<16xi32>, vector<16xi32>], vector<16xf32>,
          %swap3A_492 = arith.index_cast %and3A_451 : i32 to index
          %swap3A_493 = arith.constant 32 : index
          %swap3A_494 = tpu.vector_load %arg17[%swap3A_492, %swap3A_493] {strides = array<i32>} : memref<8x64xf32, #tpu.memory_space<vmem>>, vector<16xf32>,
          tpu.vector_store %arg17[%swap3A_492, %swap3A_493], %gather3A_491 {strides = array<i32>} : memref<8x64xf32, #tpu.memory_space<vmem>>, vector<16xf32>,
          %add3A_495 = arith.constant 48 : i32
          %add3A_496 = vector.broadcast %add3A_495 : i32 to vector<16xi32>
          %add3A_497 = arith.addi %iota3A, %add3A_496 : vector<16xi32>
          %gather3A_498 = tpu.vector_load_idx %arg16[%add3A_497, %broadcast_in_dim3A_449] : memref<64x64xf32, #tpu.memory_space<vmem>>[vector<16xi32>, vector<16xi32>], vector<16xf32>,
          %swap3A_499 = arith.index_cast %and3A_451 : i32 to index
          %swap3A_500 = arith.constant 48 : index
          %swap3A_501 = tpu.vector_load %arg17[%swap3A_499, %swap3A_500] {strides = array<i32>} : memref<8x64xf32, #tpu.memory_space<vmem>>, vector<16xf32>,
          tpu.vector_store %arg17[%swap3A_499, %swap3A_500], %gather3A_498 {strides = array<i32>} : memref<8x64xf32, #tpu.memory_space<vmem>>, vector<16xf32>,
        } else {
        }
        %mul3A_463 = arith.constant 64 : i32
        %mul3A_464 = arith.muli %and3A_447, %mul3A_463 : i32
        %multiple_of3A = tpu.assume_multiple %mul3A_464, 8 : i32
        %dma_start3A = arith.constant 0 : i32
        %dma_start3A_465 = tpu.memref_slice %arg17[%and3A_451, %dma_start3A] : memref<8x64xf32, #tpu.memory_space<vmem>> -> memref<1x64xf32, #tpu.memory_space<vmem>>
        %dma_start3A_466 = tpu.memref_squeeze %dma_start3A_465 : memref<1x64xf32, #tpu.memory_space<vmem>> -> memref<64xf32, #tpu.memory_space<vmem>>
        %dma_start3A_467 = tpu.memref_slice %arg7[%multiple_of3A] : memref<1048576xf32, #tpu.memory_space<hbm>> -> memref<64xf32, #tpu.memory_space<hbm>>
        %dma_start3A_468 = tpu.memref_slice %arg7[%multiple_of3A] : memref<1048576xf32, #tpu.memory_space<hbm>> -> memref<64xf32, #tpu.memory_space<hbm>>
        %dma_start3A_469 = arith.constant 0 : i32
        %dma_start3A_470 = tpu.memref_slice %arg17[%and3A_451, %dma_start3A_469] : memref<8x64xf32, #tpu.memory_space<vmem>> -> memref<1x64xf32, #tpu.memory_space<vmem>>
        %dma_start3A_471 = tpu.memref_squeeze %dma_start3A_470 : memref<1x64xf32, #tpu.memory_space<vmem>> -> memref<64xf32, #tpu.memory_space<vmem>>
        tpu.enqueue_dma source(%dma_start3A_471 : memref<64xf32, #tpu.memory_space<vmem>>) target(%dma_start3A_468 : memref<64xf32, #tpu.memory_space<hbm>>) target_semaphore(%arg19 : memref<!tpu.dma_semaphore, #tpu.memory_space<semaphore_mem>>)
        %add3A_472 = arith.constant 1 : i32
        %add3A_473 = arith.addi %while3A_441, %add3A_472 : i32
        scf.yield %add3A_473 : i32
      }
      %while3A_438 = arith.constant 1 : i32
      %while3A_439 = scf.for %while3A_440 = %while3A_435 to %while3A_431 step %while3A_438 iter_args(%while3A_441 = %while3A_437) -> (i32)  : i32 {
        %broadcast_in_dim3A_442 = vector.broadcast %while3A_440 : i32 to vector<16xi32>
        %gather3A_443 = tpu.vector_load_idx %arg10[%broadcast_in_dim3A_442] : memref<16384xi32, #tpu.memory_space<vmem>>[vector<16xi32>], vector<16xi32>,
        %slice3A_444 = vector.extract_strided_slice %gather3A_443 {offsets = [0], sizes = [1], strides = [1]} : vector<16xi32> to vector<1xi32>
        %squeeze3A_445 = vector.extract %slice3A_444[0] : i32 from vector<1xi32>
        %and3A_446 = arith.constant 16383 : i32
        %and3A_447 = arith.andi %squeeze3A_445, %and3A_446 : i32
        %shift_right_logical3A = arith.constant 14 : i32
        %shift_right_logical3A_448 = arith.shrui %squeeze3A_445, %shift_right_logical3A : i32
        %broadcast_in_dim3A_449 = vector.broadcast %shift_right_logical3A_448 : i32 to vector<16xi32>
        %and3A_450 = arith.constant 7 : i32
        %and3A_451 = arith.andi %while3A_441, %and3A_450 : i32
        %ge3A = arith.constant 8 : i32
        %ge3A_452 = arith.cmpi sge, %while3A_441, %ge3A : i32
        %convert_element_type3A_453 = arith.extui %ge3A_452 : i1 to i32
        %cond3A_454 = arith.constant 0 : i32
        %cond3A_455 = arith.cmpi ne, %convert_element_type3A_453, %cond3A_454 : i32
        scf.if %cond3A_455 {
          %dma_wait3A = arith.constant 0 : i32
          %dma_wait3A_474 = arith.constant 0 : i32
          %dma_wait3A_475 = tpu.memref_slice %arg17[%and3A_451, %dma_wait3A_474] : memref<8x64xf32, #tpu.memory_space<vmem>> -> memref<1x64xf32, #tpu.memory_space<vmem>>
          %dma_wait3A_476 = tpu.memref_squeeze %dma_wait3A_475 : memref<1x64xf32, #tpu.memory_space<vmem>> -> memref<64xf32, #tpu.memory_space<vmem>>
          %dma_wait3A_477 = arith.constant 0 : i32
          %dma_wait3A_478 = tpu.memref_slice %arg5[%dma_wait3A, %dma_wait3A_477] : memref<64x1000000xf32, #tpu.memory_space<hbm>> -> memref<1x64xf32, #tpu.memory_space<hbm>>
          %dma_wait3A_479 = tpu.memref_squeeze %dma_wait3A_478 : memref<1x64xf32, #tpu.memory_space<hbm>> -> memref<64xf32, #tpu.memory_space<hbm>>
          %dma_wait3A_480 = arith.constant 0 : i32
          %dma_wait3A_481 = tpu.memref_slice %arg17[%and3A_451, %dma_wait3A_480] : memref<8x64xf32, #tpu.memory_space<vmem>> -> memref<1x64xf32, #tpu.memory_space<vmem>>
          %dma_wait3A_482 = tpu.memref_squeeze %dma_wait3A_481 : memref<1x64xf32, #tpu.memory_space<vmem>> -> memref<64xf32, #tpu.memory_space<vmem>>
          %dma_wait3A_483 = arith.constant 0 : i32
          %dma_wait3A_484 = tpu.memref_slice %arg5[%dma_wait3A, %dma_wait3A_483] : memref<64x1000000xf32, #tpu.memory_space<hbm>> -> memref<1x64xf32, #tpu.memory_space<hbm>>
          %dma_wait3A_485 = tpu.memref_squeeze %dma_wait3A_484 : memref<1x64xf32, #tpu.memory_space<hbm>> -> memref<64xf32, #tpu.memory_space<hbm>>
          tpu.wait_dma2 semaphore(%arg19 : memref<!tpu.dma_semaphore, #tpu.memory_space<semaphore_mem>>) src(%dma_wait3A_485 : memref<64xf32, #tpu.memory_space<hbm>>) dst(%dma_wait3A_482 : memref<64xf32, #tpu.memory_space<vmem>>)
        } else {
        }
        %not3A = arith.constant true
        %not3A_456 = arith.xori %eq3A_428, %not3A : i1
        %convert_element_type3A_457 = arith.extui %not3A_456 : i1 to i32
        %cond3A_458 = arith.constant 0 : i32
        %cond3A_459 = arith.cmpi ne, %convert_element_type3A_457, %cond3A_458 : i32
        scf.if %cond3A_459 {
          %add3A_474 = arith.constant 0 : i32
          %add3A_475 = vector.broadcast %add3A_474 : i32 to vector<16xi32>
          %add3A_476 = arith.addi %iota3A, %add3A_475 : vector<16xi32>
          %gather3A_477 = tpu.vector_load_idx %arg15[%broadcast_in_dim3A_429, %add3A_476, %broadcast_in_dim3A_449] : memref<6x64x128xf32, #tpu.memory_space<vmem>>[vector<16xi32>, vector<16xi32>, vector<16xi32>], vector<16xf32>,
          %swap3A_478 = arith.index_cast %and3A_451 : i32 to index
          %swap3A_479 = arith.constant 0 : index
          %swap3A_480 = tpu.vector_load %arg17[%swap3A_478, %swap3A_479] {strides = array<i32>} : memref<8x64xf32, #tpu.memory_space<vmem>>, vector<16xf32>,
          tpu.vector_store %arg17[%swap3A_478, %swap3A_479], %gather3A_477 {strides = array<i32>} : memref<8x64xf32, #tpu.memory_space<vmem>>, vector<16xf32>,
          %add3A_481 = arith.constant 16 : i32
          %add3A_482 = vector.broadcast %add3A_481 : i32 to vector<16xi32>
          %add3A_483 = arith.addi %iota3A, %add3A_482 : vector<16xi32>
          %gather3A_484 = tpu.vector_load_idx %arg15[%broadcast_in_dim3A_429, %add3A_483, %broadcast_in_dim3A_449] : memref<6x64x128xf32, #tpu.memory_space<vmem>>[vector<16xi32>, vector<16xi32>, vector<16xi32>], vector<16xf32>,
          %swap3A_485 = arith.index_cast %and3A_451 : i32 to index
          %swap3A_486 = arith.constant 16 : index
          %swap3A_487 = tpu.vector_load %arg17[%swap3A_485, %swap3A_486] {strides = array<i32>} : memref<8x64xf32, #tpu.memory_space<vmem>>, vector<16xf32>,
          tpu.vector_store %arg17[%swap3A_485, %swap3A_486], %gather3A_484 {strides = array<i32>} : memref<8x64xf32, #tpu.memory_space<vmem>>, vector<16xf32>,
          %add3A_488 = arith.constant 32 : i32
          %add3A_489 = vector.broadcast %add3A_488 : i32 to vector<16xi32>
          %add3A_490 = arith.addi %iota3A, %add3A_489 : vector<16xi32>
          %gather3A_491 = tpu.vector_load_idx %arg15[%broadcast_in_dim3A_429, %add3A_490, %broadcast_in_dim3A_449] : memref<6x64x128xf32, #tpu.memory_space<vmem>>[vector<16xi32>, vector<16xi32>, vector<16xi32>], vector<16xf32>,
          %swap3A_492 = arith.index_cast %and3A_451 : i32 to index
          %swap3A_493 = arith.constant 32 : index
          %swap3A_494 = tpu.vector_load %arg17[%swap3A_492, %swap3A_493] {strides = array<i32>} : memref<8x64xf32, #tpu.memory_space<vmem>>, vector<16xf32>,
          tpu.vector_store %arg17[%swap3A_492, %swap3A_493], %gather3A_491 {strides = array<i32>} : memref<8x64xf32, #tpu.memory_space<vmem>>, vector<16xf32>,
          %add3A_495 = arith.constant 48 : i32
          %add3A_496 = vector.broadcast %add3A_495 : i32 to vector<16xi32>
          %add3A_497 = arith.addi %iota3A, %add3A_496 : vector<16xi32>
          %gather3A_498 = tpu.vector_load_idx %arg15[%broadcast_in_dim3A_429, %add3A_497, %broadcast_in_dim3A_449] : memref<6x64x128xf32, #tpu.memory_space<vmem>>[vector<16xi32>, vector<16xi32>, vector<16xi32>], vector<16xf32>,
          %swap3A_499 = arith.index_cast %and3A_451 : i32 to index
          %swap3A_500 = arith.constant 48 : index
          %swap3A_501 = tpu.vector_load %arg17[%swap3A_499, %swap3A_500] {strides = array<i32>} : memref<8x64xf32, #tpu.memory_space<vmem>>, vector<16xf32>,
          tpu.vector_store %arg17[%swap3A_499, %swap3A_500], %gather3A_498 {strides = array<i32>} : memref<8x64xf32, #tpu.memory_space<vmem>>, vector<16xf32>,
        } else {
        }
        %convert_element_type3A_460 = arith.extui %eq3A_428 : i1 to i32
        %cond3A_461 = arith.constant 0 : i32
        %cond3A_462 = arith.cmpi ne, %convert_element_type3A_460, %cond3A_461 : i32
        scf.if %cond3A_462 {
          %add3A_474 = arith.constant 0 : i32
          %add3A_475 = vector.broadcast %add3A_474 : i32 to vector<16xi32>
          %add3A_476 = arith.addi %iota3A, %add3A_475 : vector<16xi32>
          %gather3A_477 = tpu.vector_load_idx %arg16[%add3A_476, %broadcast_in_dim3A_449] : memref<64x64xf32, #tpu.memory_space<vmem>>[vector<16xi32>, vector<16xi32>], vector<16xf32>,
          %swap3A_478 = arith.index_cast %and3A_451 : i32 to index
          %swap3A_479 = arith.constant 0 : index
          %swap3A_480 = tpu.vector_load %arg17[%swap3A_478, %swap3A_479] {strides = array<i32>} : memref<8x64xf32, #tpu.memory_space<vmem>>, vector<16xf32>,
          tpu.vector_store %arg17[%swap3A_478, %swap3A_479], %gather3A_477 {strides = array<i32>} : memref<8x64xf32, #tpu.memory_space<vmem>>, vector<16xf32>,
          %add3A_481 = arith.constant 16 : i32
          %add3A_482 = vector.broadcast %add3A_481 : i32 to vector<16xi32>
          %add3A_483 = arith.addi %iota3A, %add3A_482 : vector<16xi32>
          %gather3A_484 = tpu.vector_load_idx %arg16[%add3A_483, %broadcast_in_dim3A_449] : memref<64x64xf32, #tpu.memory_space<vmem>>[vector<16xi32>, vector<16xi32>], vector<16xf32>,
          %swap3A_485 = arith.index_cast %and3A_451 : i32 to index
          %swap3A_486 = arith.constant 16 : index
          %swap3A_487 = tpu.vector_load %arg17[%swap3A_485, %swap3A_486] {strides = array<i32>} : memref<8x64xf32, #tpu.memory_space<vmem>>, vector<16xf32>,
          tpu.vector_store %arg17[%swap3A_485, %swap3A_486], %gather3A_484 {strides = array<i32>} : memref<8x64xf32, #tpu.memory_space<vmem>>, vector<16xf32>,
          %add3A_488 = arith.constant 32 : i32
          %add3A_489 = vector.broadcast %add3A_488 : i32 to vector<16xi32>
          %add3A_490 = arith.addi %iota3A, %add3A_489 : vector<16xi32>
          %gather3A_491 = tpu.vector_load_idx %arg16[%add3A_490, %broadcast_in_dim3A_449] : memref<64x64xf32, #tpu.memory_space<vmem>>[vector<16xi32>, vector<16xi32>], vector<16xf32>,
          %swap3A_492 = arith.index_cast %and3A_451 : i32 to index
          %swap3A_493 = arith.constant 32 : index
          %swap3A_494 = tpu.vector_load %arg17[%swap3A_492, %swap3A_493] {strides = array<i32>} : memref<8x64xf32, #tpu.memory_space<vmem>>, vector<16xf32>,
          tpu.vector_store %arg17[%swap3A_492, %swap3A_493], %gather3A_491 {strides = array<i32>} : memref<8x64xf32, #tpu.memory_space<vmem>>, vector<16xf32>,
          %add3A_495 = arith.constant 48 : i32
          %add3A_496 = vector.broadcast %add3A_495 : i32 to vector<16xi32>
          %add3A_497 = arith.addi %iota3A, %add3A_496 : vector<16xi32>
          %gather3A_498 = tpu.vector_load_idx %arg16[%add3A_497, %broadcast_in_dim3A_449] : memref<64x64xf32, #tpu.memory_space<vmem>>[vector<16xi32>, vector<16xi32>], vector<16xf32>,
          %swap3A_499 = arith.index_cast %and3A_451 : i32 to index
          %swap3A_500 = arith.constant 48 : index
          %swap3A_501 = tpu.vector_load %arg17[%swap3A_499, %swap3A_500] {strides = array<i32>} : memref<8x64xf32, #tpu.memory_space<vmem>>, vector<16xf32>,
          tpu.vector_store %arg17[%swap3A_499, %swap3A_500], %gather3A_498 {strides = array<i32>} : memref<8x64xf32, #tpu.memory_space<vmem>>, vector<16xf32>,
        } else {
        }
        %mul3A_463 = arith.constant 64 : i32
        %mul3A_464 = arith.muli %and3A_447, %mul3A_463 : i32
        %multiple_of3A = tpu.assume_multiple %mul3A_464, 8 : i32
        %dma_start3A = arith.constant 0 : i32
        %dma_start3A_465 = tpu.memref_slice %arg17[%and3A_451, %dma_start3A] : memref<8x64xf32, #tpu.memory_space<vmem>> -> memref<1x64xf32, #tpu.memory_space<vmem>>
        %dma_start3A_466 = tpu.memref_squeeze %dma_start3A_465 : memref<1x64xf32, #tpu.memory_space<vmem>> -> memref<64xf32, #tpu.memory_space<vmem>>
        %dma_start3A_467 = tpu.memref_slice %arg7[%multiple_of3A] : memref<1048576xf32, #tpu.memory_space<hbm>> -> memref<64xf32, #tpu.memory_space<hbm>>
        %dma_start3A_468 = tpu.memref_slice %arg7[%multiple_of3A] : memref<1048576xf32, #tpu.memory_space<hbm>> -> memref<64xf32, #tpu.memory_space<hbm>>
        %dma_start3A_469 = arith.constant 0 : i32
        %dma_start3A_470 = tpu.memref_slice %arg17[%and3A_451, %dma_start3A_469] : memref<8x64xf32, #tpu.memory_space<vmem>> -> memref<1x64xf32, #tpu.memory_space<vmem>>
        %dma_start3A_471 = tpu.memref_squeeze %dma_start3A_470 : memref<1x64xf32, #tpu.memory_space<vmem>> -> memref<64xf32, #tpu.memory_space<vmem>>
        tpu.enqueue_dma source(%dma_start3A_471 : memref<64xf32, #tpu.memory_space<vmem>>) target(%dma_start3A_468 : memref<64xf32, #tpu.memory_space<hbm>>) target_semaphore(%arg19 : memref<!tpu.dma_semaphore, #tpu.memory_space<semaphore_mem>>)
        %add3A_472 = arith.constant 1 : i32
        %add3A_473 = arith.addi %while3A_441, %add3A_472 : i32
        scf.yield %add3A_473 : i32
      }
      scf.yield %while3A_439 : i32
    }
    %gt3A_356 = arith.constant 0 : i32
    %gt3A_357 = arith.cmpi sgt, %while3A_355, %gt3A_356 : i32
    %convert_element_type3A_358 = arith.extui %gt3A_357 : i1 to i32
    %cond3A_359 = arith.constant 0 : i32
    %cond3A_360 = arith.cmpi ne, %convert_element_type3A_358, %cond3A_359 : i32
    scf.if %cond3A_360 {
      %dma_wait3A = arith.constant 0 : i32
      %dma_wait3A_396 = arith.constant 0 : i32
      %dma_wait3A_397 = arith.constant 0 : i32
      %dma_wait3A_398 = tpu.memref_slice %arg17[%dma_wait3A_396, %dma_wait3A_397] : memref<8x64xf32, #tpu.memory_space<vmem>> -> memref<1x64xf32, #tpu.memory_space<vmem>>
      %dma_wait3A_399 = tpu.memref_squeeze %dma_wait3A_398 : memref<1x64xf32, #tpu.memory_space<vmem>> -> memref<64xf32, #tpu.memory_space<vmem>>
      %dma_wait3A_400 = arith.constant 0 : i32
      %dma_wait3A_401 = tpu.memref_slice %arg5[%dma_wait3A, %dma_wait3A_400] : memref<64x1000000xf32, #tpu.memory_space<hbm>> -> memref<1x64xf32, #tpu.memory_space<hbm>>
      %dma_wait3A_402 = tpu.memref_squeeze %dma_wait3A_401 : memref<1x64xf32, #tpu.memory_space<hbm>> -> memref<64xf32, #tpu.memory_space<hbm>>
      %dma_wait3A_403 = arith.constant 0 : i32
      %dma_wait3A_404 = tpu.memref_slice %arg17[%dma_wait3A_396, %dma_wait3A_403] : memref<8x64xf32, #tpu.memory_space<vmem>> -> memref<1x64xf32, #tpu.memory_space<vmem>>
      %dma_wait3A_405 = tpu.memref_squeeze %dma_wait3A_404 : memref<1x64xf32, #tpu.memory_space<vmem>> -> memref<64xf32, #tpu.memory_space<vmem>>
      %dma_wait3A_406 = arith.constant 0 : i32
      %dma_wait3A_407 = tpu.memref_slice %arg5[%dma_wait3A, %dma_wait3A_406] : memref<64x1000000xf32, #tpu.memory_space<hbm>> -> memref<1x64xf32, #tpu.memory_space<hbm>>
      %dma_wait3A_408 = tpu.memref_squeeze %dma_wait3A_407 : memref<1x64xf32, #tpu.memory_space<hbm>> -> memref<64xf32, #tpu.memory_space<hbm>>
      tpu.wait_dma2 semaphore(%arg19 : memref<!tpu.dma_semaphore, #tpu.memory_space<semaphore_mem>>) src(%dma_wait3A_408 : memref<64xf32, #tpu.memory_space<hbm>>) dst(%dma_wait3A_405 : memref<64xf32, #tpu.memory_space<vmem>>)
    } else {
    }
    %gt3A_361 = arith.constant 1 : i32
    %gt3A_362 = arith.cmpi sgt, %while3A_355, %gt3A_361 : i32
    %convert_element_type3A_363 = arith.extui %gt3A_362 : i1 to i32
    %cond3A_364 = arith.constant 0 : i32
    %cond3A_365 = arith.cmpi ne, %convert_element_type3A_363, %cond3A_364 : i32
    scf.if %cond3A_365 {
      %dma_wait3A = arith.constant 0 : i32
      %dma_wait3A_396 = arith.constant 1 : i32
      %dma_wait3A_397 = arith.constant 0 : i32
      %dma_wait3A_398 = tpu.memref_slice %arg17[%dma_wait3A_396, %dma_wait3A_397] : memref<8x64xf32, #tpu.memory_space<vmem>> -> memref<1x64xf32, #tpu.memory_space<vmem>>
      %dma_wait3A_399 = tpu.memref_squeeze %dma_wait3A_398 : memref<1x64xf32, #tpu.memory_space<vmem>> -> memref<64xf32, #tpu.memory_space<vmem>>
      %dma_wait3A_400 = arith.constant 0 : i32
      %dma_wait3A_401 = tpu.memref_slice %arg5[%dma_wait3A, %dma_wait3A_400] : memref<64x1000000xf32, #tpu.memory_space<hbm>> -> memref<1x64xf32, #tpu.memory_space<hbm>>
      %dma_wait3A_402 = tpu.memref_squeeze %dma_wait3A_401 : memref<1x64xf32, #tpu.memory_space<hbm>> -> memref<64xf32, #tpu.memory_space<hbm>>
      %dma_wait3A_403 = arith.constant 0 : i32
      %dma_wait3A_404 = tpu.memref_slice %arg17[%dma_wait3A_396, %dma_wait3A_403] : memref<8x64xf32, #tpu.memory_space<vmem>> -> memref<1x64xf32, #tpu.memory_space<vmem>>
      %dma_wait3A_405 = tpu.memref_squeeze %dma_wait3A_404 : memref<1x64xf32, #tpu.memory_space<vmem>> -> memref<64xf32, #tpu.memory_space<vmem>>
      %dma_wait3A_406 = arith.constant 0 : i32
      %dma_wait3A_407 = tpu.memref_slice %arg5[%dma_wait3A, %dma_wait3A_406] : memref<64x1000000xf32, #tpu.memory_space<hbm>> -> memref<1x64xf32, #tpu.memory_space<hbm>>
      %dma_wait3A_408 = tpu.memref_squeeze %dma_wait3A_407 : memref<1x64xf32, #tpu.memory_space<hbm>> -> memref<64xf32, #tpu.memory_space<hbm>>
      tpu.wait_dma2 semaphore(%arg19 : memref<!tpu.dma_semaphore, #tpu.memory_space<semaphore_mem>>) src(%dma_wait3A_408 : memref<64xf32, #tpu.memory_space<hbm>>) dst(%dma_wait3A_405 : memref<64xf32, #tpu.memory_space<vmem>>)
    } else {
    }
    %gt3A_366 = arith.constant 2 : i32
    %gt3A_367 = arith.cmpi sgt, %while3A_355, %gt3A_366 : i32
    %convert_element_type3A_368 = arith.extui %gt3A_367 : i1 to i32
    %cond3A_369 = arith.constant 0 : i32
    %cond3A_370 = arith.cmpi ne, %convert_element_type3A_368, %cond3A_369 : i32
    scf.if %cond3A_370 {
      %dma_wait3A = arith.constant 0 : i32
      %dma_wait3A_396 = arith.constant 2 : i32
      %dma_wait3A_397 = arith.constant 0 : i32
      %dma_wait3A_398 = tpu.memref_slice %arg17[%dma_wait3A_396, %dma_wait3A_397] : memref<8x64xf32, #tpu.memory_space<vmem>> -> memref<1x64xf32, #tpu.memory_space<vmem>>
      %dma_wait3A_399 = tpu.memref_squeeze %dma_wait3A_398 : memref<1x64xf32, #tpu.memory_space<vmem>> -> memref<64xf32, #tpu.memory_space<vmem>>
      %dma_wait3A_400 = arith.constant 0 : i32
      %dma_wait3A_401 = tpu.memref_slice %arg5[%dma_wait3A, %dma_wait3A_400] : memref<64x1000000xf32, #tpu.memory_space<hbm>> -> memref<1x64xf32, #tpu.memory_space<hbm>>
      %dma_wait3A_402 = tpu.memref_squeeze %dma_wait3A_401 : memref<1x64xf32, #tpu.memory_space<hbm>> -> memref<64xf32, #tpu.memory_space<hbm>>
      %dma_wait3A_403 = arith.constant 0 : i32
      %dma_wait3A_404 = tpu.memref_slice %arg17[%dma_wait3A_396, %dma_wait3A_403] : memref<8x64xf32, #tpu.memory_space<vmem>> -> memref<1x64xf32, #tpu.memory_space<vmem>>
      %dma_wait3A_405 = tpu.memref_squeeze %dma_wait3A_404 : memref<1x64xf32, #tpu.memory_space<vmem>> -> memref<64xf32, #tpu.memory_space<vmem>>
      %dma_wait3A_406 = arith.constant 0 : i32
      %dma_wait3A_407 = tpu.memref_slice %arg5[%dma_wait3A, %dma_wait3A_406] : memref<64x1000000xf32, #tpu.memory_space<hbm>> -> memref<1x64xf32, #tpu.memory_space<hbm>>
      %dma_wait3A_408 = tpu.memref_squeeze %dma_wait3A_407 : memref<1x64xf32, #tpu.memory_space<hbm>> -> memref<64xf32, #tpu.memory_space<hbm>>
      tpu.wait_dma2 semaphore(%arg19 : memref<!tpu.dma_semaphore, #tpu.memory_space<semaphore_mem>>) src(%dma_wait3A_408 : memref<64xf32, #tpu.memory_space<hbm>>) dst(%dma_wait3A_405 : memref<64xf32, #tpu.memory_space<vmem>>)
    } else {
    }
    %gt3A_371 = arith.constant 3 : i32
    %gt3A_372 = arith.cmpi sgt, %while3A_355, %gt3A_371 : i32
    %convert_element_type3A_373 = arith.extui %gt3A_372 : i1 to i32
    %cond3A_374 = arith.constant 0 : i32
    %cond3A_375 = arith.cmpi ne, %convert_element_type3A_373, %cond3A_374 : i32
    scf.if %cond3A_375 {
      %dma_wait3A = arith.constant 0 : i32
      %dma_wait3A_396 = arith.constant 3 : i32
      %dma_wait3A_397 = arith.constant 0 : i32
      %dma_wait3A_398 = tpu.memref_slice %arg17[%dma_wait3A_396, %dma_wait3A_397] : memref<8x64xf32, #tpu.memory_space<vmem>> -> memref<1x64xf32, #tpu.memory_space<vmem>>
      %dma_wait3A_399 = tpu.memref_squeeze %dma_wait3A_398 : memref<1x64xf32, #tpu.memory_space<vmem>> -> memref<64xf32, #tpu.memory_space<vmem>>
      %dma_wait3A_400 = arith.constant 0 : i32
      %dma_wait3A_401 = tpu.memref_slice %arg5[%dma_wait3A, %dma_wait3A_400] : memref<64x1000000xf32, #tpu.memory_space<hbm>> -> memref<1x64xf32, #tpu.memory_space<hbm>>
      %dma_wait3A_402 = tpu.memref_squeeze %dma_wait3A_401 : memref<1x64xf32, #tpu.memory_space<hbm>> -> memref<64xf32, #tpu.memory_space<hbm>>
      %dma_wait3A_403 = arith.constant 0 : i32
      %dma_wait3A_404 = tpu.memref_slice %arg17[%dma_wait3A_396, %dma_wait3A_403] : memref<8x64xf32, #tpu.memory_space<vmem>> -> memref<1x64xf32, #tpu.memory_space<vmem>>
      %dma_wait3A_405 = tpu.memref_squeeze %dma_wait3A_404 : memref<1x64xf32, #tpu.memory_space<vmem>> -> memref<64xf32, #tpu.memory_space<vmem>>
      %dma_wait3A_406 = arith.constant 0 : i32
      %dma_wait3A_407 = tpu.memref_slice %arg5[%dma_wait3A, %dma_wait3A_406] : memref<64x1000000xf32, #tpu.memory_space<hbm>> -> memref<1x64xf32, #tpu.memory_space<hbm>>
      %dma_wait3A_408 = tpu.memref_squeeze %dma_wait3A_407 : memref<1x64xf32, #tpu.memory_space<hbm>> -> memref<64xf32, #tpu.memory_space<hbm>>
      tpu.wait_dma2 semaphore(%arg19 : memref<!tpu.dma_semaphore, #tpu.memory_space<semaphore_mem>>) src(%dma_wait3A_408 : memref<64xf32, #tpu.memory_space<hbm>>) dst(%dma_wait3A_405 : memref<64xf32, #tpu.memory_space<vmem>>)
    } else {
    }
    %gt3A_376 = arith.constant 4 : i32
    %gt3A_377 = arith.cmpi sgt, %while3A_355, %gt3A_376 : i32
    %convert_element_type3A_378 = arith.extui %gt3A_377 : i1 to i32
    %cond3A_379 = arith.constant 0 : i32
    %cond3A_380 = arith.cmpi ne, %convert_element_type3A_378, %cond3A_379 : i32
    scf.if %cond3A_380 {
      %dma_wait3A = arith.constant 0 : i32
      %dma_wait3A_396 = arith.constant 4 : i32
      %dma_wait3A_397 = arith.constant 0 : i32
      %dma_wait3A_398 = tpu.memref_slice %arg17[%dma_wait3A_396, %dma_wait3A_397] : memref<8x64xf32, #tpu.memory_space<vmem>> -> memref<1x64xf32, #tpu.memory_space<vmem>>
      %dma_wait3A_399 = tpu.memref_squeeze %dma_wait3A_398 : memref<1x64xf32, #tpu.memory_space<vmem>> -> memref<64xf32, #tpu.memory_space<vmem>>
      %dma_wait3A_400 = arith.constant 0 : i32
      %dma_wait3A_401 = tpu.memref_slice %arg5[%dma_wait3A, %dma_wait3A_400] : memref<64x1000000xf32, #tpu.memory_space<hbm>> -> memref<1x64xf32, #tpu.memory_space<hbm>>
      %dma_wait3A_402 = tpu.memref_squeeze %dma_wait3A_401 : memref<1x64xf32, #tpu.memory_space<hbm>> -> memref<64xf32, #tpu.memory_space<hbm>>
      %dma_wait3A_403 = arith.constant 0 : i32
      %dma_wait3A_404 = tpu.memref_slice %arg17[%dma_wait3A_396, %dma_wait3A_403] : memref<8x64xf32, #tpu.memory_space<vmem>> -> memref<1x64xf32, #tpu.memory_space<vmem>>
      %dma_wait3A_405 = tpu.memref_squeeze %dma_wait3A_404 : memref<1x64xf32, #tpu.memory_space<vmem>> -> memref<64xf32, #tpu.memory_space<vmem>>
      %dma_wait3A_406 = arith.constant 0 : i32
      %dma_wait3A_407 = tpu.memref_slice %arg5[%dma_wait3A, %dma_wait3A_406] : memref<64x1000000xf32, #tpu.memory_space<hbm>> -> memref<1x64xf32, #tpu.memory_space<hbm>>
      %dma_wait3A_408 = tpu.memref_squeeze %dma_wait3A_407 : memref<1x64xf32, #tpu.memory_space<hbm>> -> memref<64xf32, #tpu.memory_space<hbm>>
      tpu.wait_dma2 semaphore(%arg19 : memref<!tpu.dma_semaphore, #tpu.memory_space<semaphore_mem>>) src(%dma_wait3A_408 : memref<64xf32, #tpu.memory_space<hbm>>) dst(%dma_wait3A_405 : memref<64xf32, #tpu.memory_space<vmem>>)
    } else {
    }
    %gt3A_381 = arith.constant 5 : i32
    %gt3A_382 = arith.cmpi sgt, %while3A_355, %gt3A_381 : i32
    %convert_element_type3A_383 = arith.extui %gt3A_382 : i1 to i32
    %cond3A_384 = arith.constant 0 : i32
    %cond3A_385 = arith.cmpi ne, %convert_element_type3A_383, %cond3A_384 : i32
    scf.if %cond3A_385 {
      %dma_wait3A = arith.constant 0 : i32
      %dma_wait3A_396 = arith.constant 5 : i32
      %dma_wait3A_397 = arith.constant 0 : i32
      %dma_wait3A_398 = tpu.memref_slice %arg17[%dma_wait3A_396, %dma_wait3A_397] : memref<8x64xf32, #tpu.memory_space<vmem>> -> memref<1x64xf32, #tpu.memory_space<vmem>>
      %dma_wait3A_399 = tpu.memref_squeeze %dma_wait3A_398 : memref<1x64xf32, #tpu.memory_space<vmem>> -> memref<64xf32, #tpu.memory_space<vmem>>
      %dma_wait3A_400 = arith.constant 0 : i32
      %dma_wait3A_401 = tpu.memref_slice %arg5[%dma_wait3A, %dma_wait3A_400] : memref<64x1000000xf32, #tpu.memory_space<hbm>> -> memref<1x64xf32, #tpu.memory_space<hbm>>
      %dma_wait3A_402 = tpu.memref_squeeze %dma_wait3A_401 : memref<1x64xf32, #tpu.memory_space<hbm>> -> memref<64xf32, #tpu.memory_space<hbm>>
      %dma_wait3A_403 = arith.constant 0 : i32
      %dma_wait3A_404 = tpu.memref_slice %arg17[%dma_wait3A_396, %dma_wait3A_403] : memref<8x64xf32, #tpu.memory_space<vmem>> -> memref<1x64xf32, #tpu.memory_space<vmem>>
      %dma_wait3A_405 = tpu.memref_squeeze %dma_wait3A_404 : memref<1x64xf32, #tpu.memory_space<vmem>> -> memref<64xf32, #tpu.memory_space<vmem>>
      %dma_wait3A_406 = arith.constant 0 : i32
      %dma_wait3A_407 = tpu.memref_slice %arg5[%dma_wait3A, %dma_wait3A_406] : memref<64x1000000xf32, #tpu.memory_space<hbm>> -> memref<1x64xf32, #tpu.memory_space<hbm>>
      %dma_wait3A_408 = tpu.memref_squeeze %dma_wait3A_407 : memref<1x64xf32, #tpu.memory_space<hbm>> -> memref<64xf32, #tpu.memory_space<hbm>>
      tpu.wait_dma2 semaphore(%arg19 : memref<!tpu.dma_semaphore, #tpu.memory_space<semaphore_mem>>) src(%dma_wait3A_408 : memref<64xf32, #tpu.memory_space<hbm>>) dst(%dma_wait3A_405 : memref<64xf32, #tpu.memory_space<vmem>>)
    } else {
    }
    %gt3A_386 = arith.constant 6 : i32
    %gt3A_387 = arith.cmpi sgt, %while3A_355, %gt3A_386 : i32
    %convert_element_type3A_388 = arith.extui %gt3A_387 : i1 to i32
    %cond3A_389 = arith.constant 0 : i32
    %cond3A_390 = arith.cmpi ne, %convert_element_type3A_388, %cond3A_389 : i32
    scf.if %cond3A_390 {
      %dma_wait3A = arith.constant 0 : i32
      %dma_wait3A_396 = arith.constant 6 : i32
      %dma_wait3A_397 = arith.constant 0 : i32
      %dma_wait3A_398 = tpu.memref_slice %arg17[%dma_wait3A_396, %dma_wait3A_397] : memref<8x64xf32, #tpu.memory_space<vmem>> -> memref<1x64xf32, #tpu.memory_space<vmem>>
      %dma_wait3A_399 = tpu.memref_squeeze %dma_wait3A_398 : memref<1x64xf32, #tpu.memory_space<vmem>> -> memref<64xf32, #tpu.memory_space<vmem>>
      %dma_wait3A_400 = arith.constant 0 : i32
      %dma_wait3A_401 = tpu.memref_slice %arg5[%dma_wait3A, %dma_wait3A_400] : memref<64x1000000xf32, #tpu.memory_space<hbm>> -> memref<1x64xf32, #tpu.memory_space<hbm>>
      %dma_wait3A_402 = tpu.memref_squeeze %dma_wait3A_401 : memref<1x64xf32, #tpu.memory_space<hbm>> -> memref<64xf32, #tpu.memory_space<hbm>>
      %dma_wait3A_403 = arith.constant 0 : i32
      %dma_wait3A_404 = tpu.memref_slice %arg17[%dma_wait3A_396, %dma_wait3A_403] : memref<8x64xf32, #tpu.memory_space<vmem>> -> memref<1x64xf32, #tpu.memory_space<vmem>>
      %dma_wait3A_405 = tpu.memref_squeeze %dma_wait3A_404 : memref<1x64xf32, #tpu.memory_space<vmem>> -> memref<64xf32, #tpu.memory_space<vmem>>
      %dma_wait3A_406 = arith.constant 0 : i32
      %dma_wait3A_407 = tpu.memref_slice %arg5[%dma_wait3A, %dma_wait3A_406] : memref<64x1000000xf32, #tpu.memory_space<hbm>> -> memref<1x64xf32, #tpu.memory_space<hbm>>
      %dma_wait3A_408 = tpu.memref_squeeze %dma_wait3A_407 : memref<1x64xf32, #tpu.memory_space<hbm>> -> memref<64xf32, #tpu.memory_space<hbm>>
      tpu.wait_dma2 semaphore(%arg19 : memref<!tpu.dma_semaphore, #tpu.memory_space<semaphore_mem>>) src(%dma_wait3A_408 : memref<64xf32, #tpu.memory_space<hbm>>) dst(%dma_wait3A_405 : memref<64xf32, #tpu.memory_space<vmem>>)
    } else {
    }
    %gt3A_391 = arith.constant 7 : i32
    %gt3A_392 = arith.cmpi sgt, %while3A_355, %gt3A_391 : i32
    %convert_element_type3A_393 = arith.extui %gt3A_392 : i1 to i32
    %cond3A_394 = arith.constant 0 : i32
    %cond3A_395 = arith.cmpi ne, %convert_element_type3A_393, %cond3A_394 : i32
    scf.if %cond3A_395 {
      %dma_wait3A = arith.constant 0 : i32
      %dma_wait3A_396 = arith.constant 7 : i32
      %dma_wait3A_397 = arith.constant 0 : i32
      %dma_wait3A_398 = tpu.memref_slice %arg17[%dma_wait3A_396, %dma_wait3A_397] : memref<8x64xf32, #tpu.memory_space<vmem>> -> memref<1x64xf32, #tpu.memory_space<vmem>>
      %dma_wait3A_399 = tpu.memref_squeeze %dma_wait3A_398 : memref<1x64xf32, #tpu.memory_space<vmem>> -> memref<64xf32, #tpu.memory_space<vmem>>
      %dma_wait3A_400 = arith.constant 0 : i32
      %dma_wait3A_401 = tpu.memref_slice %arg5[%dma_wait3A, %dma_wait3A_400] : memref<64x1000000xf32, #tpu.memory_space<hbm>> -> memref<1x64xf32, #tpu.memory_space<hbm>>
      %dma_wait3A_402 = tpu.memref_squeeze %dma_wait3A_401 : memref<1x64xf32, #tpu.memory_space<hbm>> -> memref<64xf32, #tpu.memory_space<hbm>>
      %dma_wait3A_403 = arith.constant 0 : i32
      %dma_wait3A_404 = tpu.memref_slice %arg17[%dma_wait3A_396, %dma_wait3A_403] : memref<8x64xf32, #tpu.memory_space<vmem>> -> memref<1x64xf32, #tpu.memory_space<vmem>>
      %dma_wait3A_405 = tpu.memref_squeeze %dma_wait3A_404 : memref<1x64xf32, #tpu.memory_space<vmem>> -> memref<64xf32, #tpu.memory_space<vmem>>
      %dma_wait3A_406 = arith.constant 0 : i32
      %dma_wait3A_407 = tpu.memref_slice %arg5[%dma_wait3A, %dma_wait3A_406] : memref<64x1000000xf32, #tpu.memory_space<hbm>> -> memref<1x64xf32, #tpu.memory_space<hbm>>
      %dma_wait3A_408 = tpu.memref_squeeze %dma_wait3A_407 : memref<1x64xf32, #tpu.memory_space<hbm>> -> memref<64xf32, #tpu.memory_space<hbm>>
      tpu.wait_dma2 semaphore(%arg19 : memref<!tpu.dma_semaphore, #tpu.memory_space<semaphore_mem>>) src(%dma_wait3A_408 : memref<64xf32, #tpu.memory_space<hbm>>) dst(%dma_wait3A_405 : memref<64xf32, #tpu.memory_space<vmem>>)
    } else {
    }
    return
  }
}

#map = affine_map<(d0, d1) -> (0)>
module attributes {stable_mosaic.version = 14 : i64} {
  func.func @k(%arg0: i32, %arg1: i32, %arg2: memref<1048576xf32, #tpu.memory_space<hbm>>, %arg3: memref<1048576xf32, #tpu.memory_space<hbm>>, %arg4: memref<16384xf32, #tpu.memory_space<hbm>>, %arg5: memref<32768xf32, #tpu.memory_space<vmem>>, %arg6: memref<32768xf32, #tpu.memory_space<vmem>>, %arg7: memref<512xf32, #tpu.memory_space<vmem>>, %arg8: memref<256xf32, #tpu.memory_space<vmem>>) attributes {dimension_semantics = [#tpu.dimension_semantics<core_parallel>, #tpu.dimension_semantics<subcore_parallel>], iteration_bounds = array<i64: 2, 16>, scalar_prefetch = 0 : i64, scratch_operands = 4 : i64, tpu.core_type = #tpu.core_type<sc_vector_subcore>, window_params = [{transform_indices = #map}, {transform_indices = #map}, {transform_indices = #map}]} {
    %mul3A = arith.constant 2 : i32
    %mul3A_0 = arith.muli %arg1, %mul3A : i32
    %add3A = arith.addi %mul3A_0, %arg0 : i32
    %mul3A_1 = arith.constant 512 : i32
    %mul3A_2 = arith.muli %add3A, %mul3A_1 : i32
    %mul3A_3 = arith.constant 64 : i32
    %mul3A_4 = arith.muli %mul3A_2, %mul3A_3 : i32
    "tpu.region"() ({
      %run_scoped3A = tpu.sem_alloc : memref<!tpu.dma_semaphore, #tpu.memory_space<semaphore_mem>>
      %dma_start3A = tpu.memref_slice %arg2[%mul3A_4] : memref<1048576xf32, #tpu.memory_space<hbm>> -> memref<32768xf32, #tpu.memory_space<hbm>>
      %dma_start3A_15 = tpu.memref_slice %arg2[%mul3A_4] : memref<1048576xf32, #tpu.memory_space<hbm>> -> memref<32768xf32, #tpu.memory_space<hbm>>
      tpu.enqueue_dma source(%dma_start3A_15 : memref<32768xf32, #tpu.memory_space<hbm>>) target(%arg5 : memref<32768xf32, #tpu.memory_space<vmem>>) target_semaphore(%run_scoped3A : memref<!tpu.dma_semaphore, #tpu.memory_space<semaphore_mem>>)
      %dma_wait3A = tpu.memref_slice %arg2[%mul3A_4] : memref<1048576xf32, #tpu.memory_space<hbm>> -> memref<32768xf32, #tpu.memory_space<hbm>>
      %dma_wait3A_16 = tpu.memref_slice %arg2[%mul3A_4] : memref<1048576xf32, #tpu.memory_space<hbm>> -> memref<32768xf32, #tpu.memory_space<hbm>>
      tpu.wait_dma2 semaphore(%run_scoped3A : memref<!tpu.dma_semaphore, #tpu.memory_space<semaphore_mem>>) src(%dma_wait3A_16 : memref<32768xf32, #tpu.memory_space<hbm>>) dst(%arg5 : memref<32768xf32, #tpu.memory_space<vmem>>)
      tpu.yield
    }) : () -> ()
    %mul3A_5 = arith.constant 64 : i32
    %mul3A_6 = arith.muli %mul3A_2, %mul3A_5 : i32
    "tpu.region"() ({
      %run_scoped3A = tpu.sem_alloc : memref<!tpu.dma_semaphore, #tpu.memory_space<semaphore_mem>>
      %dma_start3A = tpu.memref_slice %arg3[%mul3A_6] : memref<1048576xf32, #tpu.memory_space<hbm>> -> memref<32768xf32, #tpu.memory_space<hbm>>
      %dma_start3A_15 = tpu.memref_slice %arg3[%mul3A_6] : memref<1048576xf32, #tpu.memory_space<hbm>> -> memref<32768xf32, #tpu.memory_space<hbm>>
      tpu.enqueue_dma source(%dma_start3A_15 : memref<32768xf32, #tpu.memory_space<hbm>>) target(%arg6 : memref<32768xf32, #tpu.memory_space<vmem>>) target_semaphore(%run_scoped3A : memref<!tpu.dma_semaphore, #tpu.memory_space<semaphore_mem>>)
      %dma_wait3A = tpu.memref_slice %arg3[%mul3A_6] : memref<1048576xf32, #tpu.memory_space<hbm>> -> memref<32768xf32, #tpu.memory_space<hbm>>
      %dma_wait3A_16 = tpu.memref_slice %arg3[%mul3A_6] : memref<1048576xf32, #tpu.memory_space<hbm>> -> memref<32768xf32, #tpu.memory_space<hbm>>
      tpu.wait_dma2 semaphore(%run_scoped3A : memref<!tpu.dma_semaphore, #tpu.memory_space<semaphore_mem>>) src(%dma_wait3A_16 : memref<32768xf32, #tpu.memory_space<hbm>>) dst(%arg6 : memref<32768xf32, #tpu.memory_space<vmem>>)
      tpu.yield
    }) : () -> ()
    %iota3A = tpu.iota {dimensions = array<i32: 0>} : vector<16xi32>
    %mul3A_7 = arith.constant 16 : i32
    %mul3A_8 = vector.broadcast %mul3A_7 : i32 to vector<16xi32>
    %mul3A_9 = arith.muli %iota3A, %mul3A_8 : vector<16xi32>
    %scan3A = arith.constant 0 : i32
    %scan3A_10 = arith.constant 0 : i32
    %scan3A_11 = arith.constant 32 : i32
    %scan3A_12 = arith.addi %scan3A_10, %scan3A_11 : i32
    %scan3A_13 = arith.constant 1 : i32
    scf.for %scan3A_15 = %scan3A_10 to %scan3A_12 step %scan3A_13  : i32 {
      %mul3A_16 = arith.constant 16 : i32
      %mul3A_17 = arith.muli %scan3A_15, %mul3A_16 : i32
      %add3A_18 = arith.constant 0 : i32
      %add3A_19 = arith.addi %mul3A_17, %add3A_18 : i32
      %mul3A_20 = arith.constant 64 : i32
      %mul3A_21 = arith.muli %add3A_19, %mul3A_20 : i32
      %get3A = arith.index_cast %mul3A_21 : i32 to index
      %get3A_22 = tpu.vector_load %arg5[%get3A] {strides = array<i32>} : memref<32768xf32, #tpu.memory_space<vmem>>, vector<16xf32>,
      %get3A_23 = arith.index_cast %mul3A_21 : i32 to index
      %get3A_24 = tpu.vector_load %arg6[%get3A_23] {strides = array<i32>} : memref<32768xf32, #tpu.memory_space<vmem>>, vector<16xf32>,
      %mul3A_25 = arith.mulf %get3A_22, %get3A_24 : vector<16xf32>
      %add3A_26 = arith.constant 16 : i32
      %add3A_27 = arith.addi %mul3A_21, %add3A_26 : i32
      %get3A_28 = arith.index_cast %add3A_27 : i32 to index
      %get3A_29 = tpu.vector_load %arg5[%get3A_28] {strides = array<i32>} : memref<32768xf32, #tpu.memory_space<vmem>>, vector<16xf32>,
      %add3A_30 = arith.constant 16 : i32
      %add3A_31 = arith.addi %mul3A_21, %add3A_30 : i32
      %get3A_32 = arith.index_cast %add3A_31 : i32 to index
      %get3A_33 = tpu.vector_load %arg6[%get3A_32] {strides = array<i32>} : memref<32768xf32, #tpu.memory_space<vmem>>, vector<16xf32>,
      %mul3A_34 = arith.mulf %get3A_29, %get3A_33 : vector<16xf32>
      %add3A_35 = arith.addf %mul3A_25, %mul3A_34 : vector<16xf32>
      %add3A_36 = arith.constant 32 : i32
      %add3A_37 = arith.addi %mul3A_21, %add3A_36 : i32
      %get3A_38 = arith.index_cast %add3A_37 : i32 to index
      %get3A_39 = tpu.vector_load %arg5[%get3A_38] {strides = array<i32>} : memref<32768xf32, #tpu.memory_space<vmem>>, vector<16xf32>,
      %add3A_40 = arith.constant 32 : i32
      %add3A_41 = arith.addi %mul3A_21, %add3A_40 : i32
      %get3A_42 = arith.index_cast %add3A_41 : i32 to index
      %get3A_43 = tpu.vector_load %arg6[%get3A_42] {strides = array<i32>} : memref<32768xf32, #tpu.memory_space<vmem>>, vector<16xf32>,
      %mul3A_44 = arith.mulf %get3A_39, %get3A_43 : vector<16xf32>
      %add3A_45 = arith.addf %add3A_35, %mul3A_44 : vector<16xf32>
      %add3A_46 = arith.constant 48 : i32
      %add3A_47 = arith.addi %mul3A_21, %add3A_46 : i32
      %get3A_48 = arith.index_cast %add3A_47 : i32 to index
      %get3A_49 = tpu.vector_load %arg5[%get3A_48] {strides = array<i32>} : memref<32768xf32, #tpu.memory_space<vmem>>, vector<16xf32>,
      %add3A_50 = arith.constant 48 : i32
      %add3A_51 = arith.addi %mul3A_21, %add3A_50 : i32
      %get3A_52 = arith.index_cast %add3A_51 : i32 to index
      %get3A_53 = tpu.vector_load %arg6[%get3A_52] {strides = array<i32>} : memref<32768xf32, #tpu.memory_space<vmem>>, vector<16xf32>,
      %mul3A_54 = arith.mulf %get3A_49, %get3A_53 : vector<16xf32>
      %add3A_55 = arith.addf %add3A_45, %mul3A_54 : vector<16xf32>
      %add3A_56 = arith.constant 0 : i32
      %add3A_57 = vector.broadcast %add3A_56 : i32 to vector<16xi32>
      %add3A_58 = arith.addi %mul3A_9, %add3A_57 : vector<16xi32>
      tpu.vector_store_idx %arg8[%add3A_58], %add3A_55 : memref<256xf32, #tpu.memory_space<vmem>>[vector<16xi32>], vector<16xf32>,
      %mul3A_59 = arith.constant 16 : i32
      %mul3A_60 = arith.muli %scan3A_15, %mul3A_59 : i32
      %add3A_61 = arith.constant 1 : i32
      %add3A_62 = arith.addi %mul3A_60, %add3A_61 : i32
      %mul3A_63 = arith.constant 64 : i32
      %mul3A_64 = arith.muli %add3A_62, %mul3A_63 : i32
      %get3A_65 = arith.index_cast %mul3A_64 : i32 to index
      %get3A_66 = tpu.vector_load %arg5[%get3A_65] {strides = array<i32>} : memref<32768xf32, #tpu.memory_space<vmem>>, vector<16xf32>,
      %get3A_67 = arith.index_cast %mul3A_64 : i32 to index
      %get3A_68 = tpu.vector_load %arg6[%get3A_67] {strides = array<i32>} : memref<32768xf32, #tpu.memory_space<vmem>>, vector<16xf32>,
      %mul3A_69 = arith.mulf %get3A_66, %get3A_68 : vector<16xf32>
      %add3A_70 = arith.constant 16 : i32
      %add3A_71 = arith.addi %mul3A_64, %add3A_70 : i32
      %get3A_72 = arith.index_cast %add3A_71 : i32 to index
      %get3A_73 = tpu.vector_load %arg5[%get3A_72] {strides = array<i32>} : memref<32768xf32, #tpu.memory_space<vmem>>, vector<16xf32>,
      %add3A_74 = arith.constant 16 : i32
      %add3A_75 = arith.addi %mul3A_64, %add3A_74 : i32
      %get3A_76 = arith.index_cast %add3A_75 : i32 to index
      %get3A_77 = tpu.vector_load %arg6[%get3A_76] {strides = array<i32>} : memref<32768xf32, #tpu.memory_space<vmem>>, vector<16xf32>,
      %mul3A_78 = arith.mulf %get3A_73, %get3A_77 : vector<16xf32>
      %add3A_79 = arith.addf %mul3A_69, %mul3A_78 : vector<16xf32>
      %add3A_80 = arith.constant 32 : i32
      %add3A_81 = arith.addi %mul3A_64, %add3A_80 : i32
      %get3A_82 = arith.index_cast %add3A_81 : i32 to index
      %get3A_83 = tpu.vector_load %arg5[%get3A_82] {strides = array<i32>} : memref<32768xf32, #tpu.memory_space<vmem>>, vector<16xf32>,
      %add3A_84 = arith.constant 32 : i32
      %add3A_85 = arith.addi %mul3A_64, %add3A_84 : i32
      %get3A_86 = arith.index_cast %add3A_85 : i32 to index
      %get3A_87 = tpu.vector_load %arg6[%get3A_86] {strides = array<i32>} : memref<32768xf32, #tpu.memory_space<vmem>>, vector<16xf32>,
      %mul3A_88 = arith.mulf %get3A_83, %get3A_87 : vector<16xf32>
      %add3A_89 = arith.addf %add3A_79, %mul3A_88 : vector<16xf32>
      %add3A_90 = arith.constant 48 : i32
      %add3A_91 = arith.addi %mul3A_64, %add3A_90 : i32
      %get3A_92 = arith.index_cast %add3A_91 : i32 to index
      %get3A_93 = tpu.vector_load %arg5[%get3A_92] {strides = array<i32>} : memref<32768xf32, #tpu.memory_space<vmem>>, vector<16xf32>,
      %add3A_94 = arith.constant 48 : i32
      %add3A_95 = arith.addi %mul3A_64, %add3A_94 : i32
      %get3A_96 = arith.index_cast %add3A_95 : i32 to index
      %get3A_97 = tpu.vector_load %arg6[%get3A_96] {strides = array<i32>} : memref<32768xf32, #tpu.memory_space<vmem>>, vector<16xf32>,
      %mul3A_98 = arith.mulf %get3A_93, %get3A_97 : vector<16xf32>
      %add3A_99 = arith.addf %add3A_89, %mul3A_98 : vector<16xf32>
      %add3A_100 = arith.constant 1 : i32
      %add3A_101 = vector.broadcast %add3A_100 : i32 to vector<16xi32>
      %add3A_102 = arith.addi %mul3A_9, %add3A_101 : vector<16xi32>
      tpu.vector_store_idx %arg8[%add3A_102], %add3A_99 : memref<256xf32, #tpu.memory_space<vmem>>[vector<16xi32>], vector<16xf32>,
      %mul3A_103 = arith.constant 16 : i32
      %mul3A_104 = arith.muli %scan3A_15, %mul3A_103 : i32
      %add3A_105 = arith.constant 2 : i32
      %add3A_106 = arith.addi %mul3A_104, %add3A_105 : i32
      %mul3A_107 = arith.constant 64 : i32
      %mul3A_108 = arith.muli %add3A_106, %mul3A_107 : i32
      %get3A_109 = arith.index_cast %mul3A_108 : i32 to index
      %get3A_110 = tpu.vector_load %arg5[%get3A_109] {strides = array<i32>} : memref<32768xf32, #tpu.memory_space<vmem>>, vector<16xf32>,
      %get3A_111 = arith.index_cast %mul3A_108 : i32 to index
      %get3A_112 = tpu.vector_load %arg6[%get3A_111] {strides = array<i32>} : memref<32768xf32, #tpu.memory_space<vmem>>, vector<16xf32>,
      %mul3A_113 = arith.mulf %get3A_110, %get3A_112 : vector<16xf32>
      %add3A_114 = arith.constant 16 : i32
      %add3A_115 = arith.addi %mul3A_108, %add3A_114 : i32
      %get3A_116 = arith.index_cast %add3A_115 : i32 to index
      %get3A_117 = tpu.vector_load %arg5[%get3A_116] {strides = array<i32>} : memref<32768xf32, #tpu.memory_space<vmem>>, vector<16xf32>,
      %add3A_118 = arith.constant 16 : i32
      %add3A_119 = arith.addi %mul3A_108, %add3A_118 : i32
      %get3A_120 = arith.index_cast %add3A_119 : i32 to index
      %get3A_121 = tpu.vector_load %arg6[%get3A_120] {strides = array<i32>} : memref<32768xf32, #tpu.memory_space<vmem>>, vector<16xf32>,
      %mul3A_122 = arith.mulf %get3A_117, %get3A_121 : vector<16xf32>
      %add3A_123 = arith.addf %mul3A_113, %mul3A_122 : vector<16xf32>
      %add3A_124 = arith.constant 32 : i32
      %add3A_125 = arith.addi %mul3A_108, %add3A_124 : i32
      %get3A_126 = arith.index_cast %add3A_125 : i32 to index
      %get3A_127 = tpu.vector_load %arg5[%get3A_126] {strides = array<i32>} : memref<32768xf32, #tpu.memory_space<vmem>>, vector<16xf32>,
      %add3A_128 = arith.constant 32 : i32
      %add3A_129 = arith.addi %mul3A_108, %add3A_128 : i32
      %get3A_130 = arith.index_cast %add3A_129 : i32 to index
      %get3A_131 = tpu.vector_load %arg6[%get3A_130] {strides = array<i32>} : memref<32768xf32, #tpu.memory_space<vmem>>, vector<16xf32>,
      %mul3A_132 = arith.mulf %get3A_127, %get3A_131 : vector<16xf32>
      %add3A_133 = arith.addf %add3A_123, %mul3A_132 : vector<16xf32>
      %add3A_134 = arith.constant 48 : i32
      %add3A_135 = arith.addi %mul3A_108, %add3A_134 : i32
      %get3A_136 = arith.index_cast %add3A_135 : i32 to index
      %get3A_137 = tpu.vector_load %arg5[%get3A_136] {strides = array<i32>} : memref<32768xf32, #tpu.memory_space<vmem>>, vector<16xf32>,
      %add3A_138 = arith.constant 48 : i32
      %add3A_139 = arith.addi %mul3A_108, %add3A_138 : i32
      %get3A_140 = arith.index_cast %add3A_139 : i32 to index
      %get3A_141 = tpu.vector_load %arg6[%get3A_140] {strides = array<i32>} : memref<32768xf32, #tpu.memory_space<vmem>>, vector<16xf32>,
      %mul3A_142 = arith.mulf %get3A_137, %get3A_141 : vector<16xf32>
      %add3A_143 = arith.addf %add3A_133, %mul3A_142 : vector<16xf32>
      %add3A_144 = arith.constant 2 : i32
      %add3A_145 = vector.broadcast %add3A_144 : i32 to vector<16xi32>
      %add3A_146 = arith.addi %mul3A_9, %add3A_145 : vector<16xi32>
      tpu.vector_store_idx %arg8[%add3A_146], %add3A_143 : memref<256xf32, #tpu.memory_space<vmem>>[vector<16xi32>], vector<16xf32>,
      %mul3A_147 = arith.constant 16 : i32
      %mul3A_148 = arith.muli %scan3A_15, %mul3A_147 : i32
      %add3A_149 = arith.constant 3 : i32
      %add3A_150 = arith.addi %mul3A_148, %add3A_149 : i32
      %mul3A_151 = arith.constant 64 : i32
      %mul3A_152 = arith.muli %add3A_150, %mul3A_151 : i32
      %get3A_153 = arith.index_cast %mul3A_152 : i32 to index
      %get3A_154 = tpu.vector_load %arg5[%get3A_153] {strides = array<i32>} : memref<32768xf32, #tpu.memory_space<vmem>>, vector<16xf32>,
      %get3A_155 = arith.index_cast %mul3A_152 : i32 to index
      %get3A_156 = tpu.vector_load %arg6[%get3A_155] {strides = array<i32>} : memref<32768xf32, #tpu.memory_space<vmem>>, vector<16xf32>,
      %mul3A_157 = arith.mulf %get3A_154, %get3A_156 : vector<16xf32>
      %add3A_158 = arith.constant 16 : i32
      %add3A_159 = arith.addi %mul3A_152, %add3A_158 : i32
      %get3A_160 = arith.index_cast %add3A_159 : i32 to index
      %get3A_161 = tpu.vector_load %arg5[%get3A_160] {strides = array<i32>} : memref<32768xf32, #tpu.memory_space<vmem>>, vector<16xf32>,
      %add3A_162 = arith.constant 16 : i32
      %add3A_163 = arith.addi %mul3A_152, %add3A_162 : i32
      %get3A_164 = arith.index_cast %add3A_163 : i32 to index
      %get3A_165 = tpu.vector_load %arg6[%get3A_164] {strides = array<i32>} : memref<32768xf32, #tpu.memory_space<vmem>>, vector<16xf32>,
      %mul3A_166 = arith.mulf %get3A_161, %get3A_165 : vector<16xf32>
      %add3A_167 = arith.addf %mul3A_157, %mul3A_166 : vector<16xf32>
      %add3A_168 = arith.constant 32 : i32
      %add3A_169 = arith.addi %mul3A_152, %add3A_168 : i32
      %get3A_170 = arith.index_cast %add3A_169 : i32 to index
      %get3A_171 = tpu.vector_load %arg5[%get3A_170] {strides = array<i32>} : memref<32768xf32, #tpu.memory_space<vmem>>, vector<16xf32>,
      %add3A_172 = arith.constant 32 : i32
      %add3A_173 = arith.addi %mul3A_152, %add3A_172 : i32
      %get3A_174 = arith.index_cast %add3A_173 : i32 to index
      %get3A_175 = tpu.vector_load %arg6[%get3A_174] {strides = array<i32>} : memref<32768xf32, #tpu.memory_space<vmem>>, vector<16xf32>,
      %mul3A_176 = arith.mulf %get3A_171, %get3A_175 : vector<16xf32>
      %add3A_177 = arith.addf %add3A_167, %mul3A_176 : vector<16xf32>
      %add3A_178 = arith.constant 48 : i32
      %add3A_179 = arith.addi %mul3A_152, %add3A_178 : i32
      %get3A_180 = arith.index_cast %add3A_179 : i32 to index
      %get3A_181 = tpu.vector_load %arg5[%get3A_180] {strides = array<i32>} : memref<32768xf32, #tpu.memory_space<vmem>>, vector<16xf32>,
      %add3A_182 = arith.constant 48 : i32
      %add3A_183 = arith.addi %mul3A_152, %add3A_182 : i32
      %get3A_184 = arith.index_cast %add3A_183 : i32 to index
      %get3A_185 = tpu.vector_load %arg6[%get3A_184] {strides = array<i32>} : memref<32768xf32, #tpu.memory_space<vmem>>, vector<16xf32>,
      %mul3A_186 = arith.mulf %get3A_181, %get3A_185 : vector<16xf32>
      %add3A_187 = arith.addf %add3A_177, %mul3A_186 : vector<16xf32>
      %add3A_188 = arith.constant 3 : i32
      %add3A_189 = vector.broadcast %add3A_188 : i32 to vector<16xi32>
      %add3A_190 = arith.addi %mul3A_9, %add3A_189 : vector<16xi32>
      tpu.vector_store_idx %arg8[%add3A_190], %add3A_187 : memref<256xf32, #tpu.memory_space<vmem>>[vector<16xi32>], vector<16xf32>,
      %mul3A_191 = arith.constant 16 : i32
      %mul3A_192 = arith.muli %scan3A_15, %mul3A_191 : i32
      %add3A_193 = arith.constant 4 : i32
      %add3A_194 = arith.addi %mul3A_192, %add3A_193 : i32
      %mul3A_195 = arith.constant 64 : i32
      %mul3A_196 = arith.muli %add3A_194, %mul3A_195 : i32
      %get3A_197 = arith.index_cast %mul3A_196 : i32 to index
      %get3A_198 = tpu.vector_load %arg5[%get3A_197] {strides = array<i32>} : memref<32768xf32, #tpu.memory_space<vmem>>, vector<16xf32>,
      %get3A_199 = arith.index_cast %mul3A_196 : i32 to index
      %get3A_200 = tpu.vector_load %arg6[%get3A_199] {strides = array<i32>} : memref<32768xf32, #tpu.memory_space<vmem>>, vector<16xf32>,
      %mul3A_201 = arith.mulf %get3A_198, %get3A_200 : vector<16xf32>
      %add3A_202 = arith.constant 16 : i32
      %add3A_203 = arith.addi %mul3A_196, %add3A_202 : i32
      %get3A_204 = arith.index_cast %add3A_203 : i32 to index
      %get3A_205 = tpu.vector_load %arg5[%get3A_204] {strides = array<i32>} : memref<32768xf32, #tpu.memory_space<vmem>>, vector<16xf32>,
      %add3A_206 = arith.constant 16 : i32
      %add3A_207 = arith.addi %mul3A_196, %add3A_206 : i32
      %get3A_208 = arith.index_cast %add3A_207 : i32 to index
      %get3A_209 = tpu.vector_load %arg6[%get3A_208] {strides = array<i32>} : memref<32768xf32, #tpu.memory_space<vmem>>, vector<16xf32>,
      %mul3A_210 = arith.mulf %get3A_205, %get3A_209 : vector<16xf32>
      %add3A_211 = arith.addf %mul3A_201, %mul3A_210 : vector<16xf32>
      %add3A_212 = arith.constant 32 : i32
      %add3A_213 = arith.addi %mul3A_196, %add3A_212 : i32
      %get3A_214 = arith.index_cast %add3A_213 : i32 to index
      %get3A_215 = tpu.vector_load %arg5[%get3A_214] {strides = array<i32>} : memref<32768xf32, #tpu.memory_space<vmem>>, vector<16xf32>,
      %add3A_216 = arith.constant 32 : i32
      %add3A_217 = arith.addi %mul3A_196, %add3A_216 : i32
      %get3A_218 = arith.index_cast %add3A_217 : i32 to index
      %get3A_219 = tpu.vector_load %arg6[%get3A_218] {strides = array<i32>} : memref<32768xf32, #tpu.memory_space<vmem>>, vector<16xf32>,
      %mul3A_220 = arith.mulf %get3A_215, %get3A_219 : vector<16xf32>
      %add3A_221 = arith.addf %add3A_211, %mul3A_220 : vector<16xf32>
      %add3A_222 = arith.constant 48 : i32
      %add3A_223 = arith.addi %mul3A_196, %add3A_222 : i32
      %get3A_224 = arith.index_cast %add3A_223 : i32 to index
      %get3A_225 = tpu.vector_load %arg5[%get3A_224] {strides = array<i32>} : memref<32768xf32, #tpu.memory_space<vmem>>, vector<16xf32>,
      %add3A_226 = arith.constant 48 : i32
      %add3A_227 = arith.addi %mul3A_196, %add3A_226 : i32
      %get3A_228 = arith.index_cast %add3A_227 : i32 to index
      %get3A_229 = tpu.vector_load %arg6[%get3A_228] {strides = array<i32>} : memref<32768xf32, #tpu.memory_space<vmem>>, vector<16xf32>,
      %mul3A_230 = arith.mulf %get3A_225, %get3A_229 : vector<16xf32>
      %add3A_231 = arith.addf %add3A_221, %mul3A_230 : vector<16xf32>
      %add3A_232 = arith.constant 4 : i32
      %add3A_233 = vector.broadcast %add3A_232 : i32 to vector<16xi32>
      %add3A_234 = arith.addi %mul3A_9, %add3A_233 : vector<16xi32>
      tpu.vector_store_idx %arg8[%add3A_234], %add3A_231 : memref<256xf32, #tpu.memory_space<vmem>>[vector<16xi32>], vector<16xf32>,
      %mul3A_235 = arith.constant 16 : i32
      %mul3A_236 = arith.muli %scan3A_15, %mul3A_235 : i32
      %add3A_237 = arith.constant 5 : i32
      %add3A_238 = arith.addi %mul3A_236, %add3A_237 : i32
      %mul3A_239 = arith.constant 64 : i32
      %mul3A_240 = arith.muli %add3A_238, %mul3A_239 : i32
      %get3A_241 = arith.index_cast %mul3A_240 : i32 to index
      %get3A_242 = tpu.vector_load %arg5[%get3A_241] {strides = array<i32>} : memref<32768xf32, #tpu.memory_space<vmem>>, vector<16xf32>,
      %get3A_243 = arith.index_cast %mul3A_240 : i32 to index
      %get3A_244 = tpu.vector_load %arg6[%get3A_243] {strides = array<i32>} : memref<32768xf32, #tpu.memory_space<vmem>>, vector<16xf32>,
      %mul3A_245 = arith.mulf %get3A_242, %get3A_244 : vector<16xf32>
      %add3A_246 = arith.constant 16 : i32
      %add3A_247 = arith.addi %mul3A_240, %add3A_246 : i32
      %get3A_248 = arith.index_cast %add3A_247 : i32 to index
      %get3A_249 = tpu.vector_load %arg5[%get3A_248] {strides = array<i32>} : memref<32768xf32, #tpu.memory_space<vmem>>, vector<16xf32>,
      %add3A_250 = arith.constant 16 : i32
      %add3A_251 = arith.addi %mul3A_240, %add3A_250 : i32
      %get3A_252 = arith.index_cast %add3A_251 : i32 to index
      %get3A_253 = tpu.vector_load %arg6[%get3A_252] {strides = array<i32>} : memref<32768xf32, #tpu.memory_space<vmem>>, vector<16xf32>,
      %mul3A_254 = arith.mulf %get3A_249, %get3A_253 : vector<16xf32>
      %add3A_255 = arith.addf %mul3A_245, %mul3A_254 : vector<16xf32>
      %add3A_256 = arith.constant 32 : i32
      %add3A_257 = arith.addi %mul3A_240, %add3A_256 : i32
      %get3A_258 = arith.index_cast %add3A_257 : i32 to index
      %get3A_259 = tpu.vector_load %arg5[%get3A_258] {strides = array<i32>} : memref<32768xf32, #tpu.memory_space<vmem>>, vector<16xf32>,
      %add3A_260 = arith.constant 32 : i32
      %add3A_261 = arith.addi %mul3A_240, %add3A_260 : i32
      %get3A_262 = arith.index_cast %add3A_261 : i32 to index
      %get3A_263 = tpu.vector_load %arg6[%get3A_262] {strides = array<i32>} : memref<32768xf32, #tpu.memory_space<vmem>>, vector<16xf32>,
      %mul3A_264 = arith.mulf %get3A_259, %get3A_263 : vector<16xf32>
      %add3A_265 = arith.addf %add3A_255, %mul3A_264 : vector<16xf32>
      %add3A_266 = arith.constant 48 : i32
      %add3A_267 = arith.addi %mul3A_240, %add3A_266 : i32
      %get3A_268 = arith.index_cast %add3A_267 : i32 to index
      %get3A_269 = tpu.vector_load %arg5[%get3A_268] {strides = array<i32>} : memref<32768xf32, #tpu.memory_space<vmem>>, vector<16xf32>,
      %add3A_270 = arith.constant 48 : i32
      %add3A_271 = arith.addi %mul3A_240, %add3A_270 : i32
      %get3A_272 = arith.index_cast %add3A_271 : i32 to index
      %get3A_273 = tpu.vector_load %arg6[%get3A_272] {strides = array<i32>} : memref<32768xf32, #tpu.memory_space<vmem>>, vector<16xf32>,
      %mul3A_274 = arith.mulf %get3A_269, %get3A_273 : vector<16xf32>
      %add3A_275 = arith.addf %add3A_265, %mul3A_274 : vector<16xf32>
      %add3A_276 = arith.constant 5 : i32
      %add3A_277 = vector.broadcast %add3A_276 : i32 to vector<16xi32>
      %add3A_278 = arith.addi %mul3A_9, %add3A_277 : vector<16xi32>
      tpu.vector_store_idx %arg8[%add3A_278], %add3A_275 : memref<256xf32, #tpu.memory_space<vmem>>[vector<16xi32>], vector<16xf32>,
      %mul3A_279 = arith.constant 16 : i32
      %mul3A_280 = arith.muli %scan3A_15, %mul3A_279 : i32
      %add3A_281 = arith.constant 6 : i32
      %add3A_282 = arith.addi %mul3A_280, %add3A_281 : i32
      %mul3A_283 = arith.constant 64 : i32
      %mul3A_284 = arith.muli %add3A_282, %mul3A_283 : i32
      %get3A_285 = arith.index_cast %mul3A_284 : i32 to index
      %get3A_286 = tpu.vector_load %arg5[%get3A_285] {strides = array<i32>} : memref<32768xf32, #tpu.memory_space<vmem>>, vector<16xf32>,
      %get3A_287 = arith.index_cast %mul3A_284 : i32 to index
      %get3A_288 = tpu.vector_load %arg6[%get3A_287] {strides = array<i32>} : memref<32768xf32, #tpu.memory_space<vmem>>, vector<16xf32>,
      %mul3A_289 = arith.mulf %get3A_286, %get3A_288 : vector<16xf32>
      %add3A_290 = arith.constant 16 : i32
      %add3A_291 = arith.addi %mul3A_284, %add3A_290 : i32
      %get3A_292 = arith.index_cast %add3A_291 : i32 to index
      %get3A_293 = tpu.vector_load %arg5[%get3A_292] {strides = array<i32>} : memref<32768xf32, #tpu.memory_space<vmem>>, vector<16xf32>,
      %add3A_294 = arith.constant 16 : i32
      %add3A_295 = arith.addi %mul3A_284, %add3A_294 : i32
      %get3A_296 = arith.index_cast %add3A_295 : i32 to index
      %get3A_297 = tpu.vector_load %arg6[%get3A_296] {strides = array<i32>} : memref<32768xf32, #tpu.memory_space<vmem>>, vector<16xf32>,
      %mul3A_298 = arith.mulf %get3A_293, %get3A_297 : vector<16xf32>
      %add3A_299 = arith.addf %mul3A_289, %mul3A_298 : vector<16xf32>
      %add3A_300 = arith.constant 32 : i32
      %add3A_301 = arith.addi %mul3A_284, %add3A_300 : i32
      %get3A_302 = arith.index_cast %add3A_301 : i32 to index
      %get3A_303 = tpu.vector_load %arg5[%get3A_302] {strides = array<i32>} : memref<32768xf32, #tpu.memory_space<vmem>>, vector<16xf32>,
      %add3A_304 = arith.constant 32 : i32
      %add3A_305 = arith.addi %mul3A_284, %add3A_304 : i32
      %get3A_306 = arith.index_cast %add3A_305 : i32 to index
      %get3A_307 = tpu.vector_load %arg6[%get3A_306] {strides = array<i32>} : memref<32768xf32, #tpu.memory_space<vmem>>, vector<16xf32>,
      %mul3A_308 = arith.mulf %get3A_303, %get3A_307 : vector<16xf32>
      %add3A_309 = arith.addf %add3A_299, %mul3A_308 : vector<16xf32>
      %add3A_310 = arith.constant 48 : i32
      %add3A_311 = arith.addi %mul3A_284, %add3A_310 : i32
      %get3A_312 = arith.index_cast %add3A_311 : i32 to index
      %get3A_313 = tpu.vector_load %arg5[%get3A_312] {strides = array<i32>} : memref<32768xf32, #tpu.memory_space<vmem>>, vector<16xf32>,
      %add3A_314 = arith.constant 48 : i32
      %add3A_315 = arith.addi %mul3A_284, %add3A_314 : i32
      %get3A_316 = arith.index_cast %add3A_315 : i32 to index
      %get3A_317 = tpu.vector_load %arg6[%get3A_316] {strides = array<i32>} : memref<32768xf32, #tpu.memory_space<vmem>>, vector<16xf32>,
      %mul3A_318 = arith.mulf %get3A_313, %get3A_317 : vector<16xf32>
      %add3A_319 = arith.addf %add3A_309, %mul3A_318 : vector<16xf32>
      %add3A_320 = arith.constant 6 : i32
      %add3A_321 = vector.broadcast %add3A_320 : i32 to vector<16xi32>
      %add3A_322 = arith.addi %mul3A_9, %add3A_321 : vector<16xi32>
      tpu.vector_store_idx %arg8[%add3A_322], %add3A_319 : memref<256xf32, #tpu.memory_space<vmem>>[vector<16xi32>], vector<16xf32>,
      %mul3A_323 = arith.constant 16 : i32
      %mul3A_324 = arith.muli %scan3A_15, %mul3A_323 : i32
      %add3A_325 = arith.constant 7 : i32
      %add3A_326 = arith.addi %mul3A_324, %add3A_325 : i32
      %mul3A_327 = arith.constant 64 : i32
      %mul3A_328 = arith.muli %add3A_326, %mul3A_327 : i32
      %get3A_329 = arith.index_cast %mul3A_328 : i32 to index
      %get3A_330 = tpu.vector_load %arg5[%get3A_329] {strides = array<i32>} : memref<32768xf32, #tpu.memory_space<vmem>>, vector<16xf32>,
      %get3A_331 = arith.index_cast %mul3A_328 : i32 to index
      %get3A_332 = tpu.vector_load %arg6[%get3A_331] {strides = array<i32>} : memref<32768xf32, #tpu.memory_space<vmem>>, vector<16xf32>,
      %mul3A_333 = arith.mulf %get3A_330, %get3A_332 : vector<16xf32>
      %add3A_334 = arith.constant 16 : i32
      %add3A_335 = arith.addi %mul3A_328, %add3A_334 : i32
      %get3A_336 = arith.index_cast %add3A_335 : i32 to index
      %get3A_337 = tpu.vector_load %arg5[%get3A_336] {strides = array<i32>} : memref<32768xf32, #tpu.memory_space<vmem>>, vector<16xf32>,
      %add3A_338 = arith.constant 16 : i32
      %add3A_339 = arith.addi %mul3A_328, %add3A_338 : i32
      %get3A_340 = arith.index_cast %add3A_339 : i32 to index
      %get3A_341 = tpu.vector_load %arg6[%get3A_340] {strides = array<i32>} : memref<32768xf32, #tpu.memory_space<vmem>>, vector<16xf32>,
      %mul3A_342 = arith.mulf %get3A_337, %get3A_341 : vector<16xf32>
      %add3A_343 = arith.addf %mul3A_333, %mul3A_342 : vector<16xf32>
      %add3A_344 = arith.constant 32 : i32
      %add3A_345 = arith.addi %mul3A_328, %add3A_344 : i32
      %get3A_346 = arith.index_cast %add3A_345 : i32 to index
      %get3A_347 = tpu.vector_load %arg5[%get3A_346] {strides = array<i32>} : memref<32768xf32, #tpu.memory_space<vmem>>, vector<16xf32>,
      %add3A_348 = arith.constant 32 : i32
      %add3A_349 = arith.addi %mul3A_328, %add3A_348 : i32
      %get3A_350 = arith.index_cast %add3A_349 : i32 to index
      %get3A_351 = tpu.vector_load %arg6[%get3A_350] {strides = array<i32>} : memref<32768xf32, #tpu.memory_space<vmem>>, vector<16xf32>,
      %mul3A_352 = arith.mulf %get3A_347, %get3A_351 : vector<16xf32>
      %add3A_353 = arith.addf %add3A_343, %mul3A_352 : vector<16xf32>
      %add3A_354 = arith.constant 48 : i32
      %add3A_355 = arith.addi %mul3A_328, %add3A_354 : i32
      %get3A_356 = arith.index_cast %add3A_355 : i32 to index
      %get3A_357 = tpu.vector_load %arg5[%get3A_356] {strides = array<i32>} : memref<32768xf32, #tpu.memory_space<vmem>>, vector<16xf32>,
      %add3A_358 = arith.constant 48 : i32
      %add3A_359 = arith.addi %mul3A_328, %add3A_358 : i32
      %get3A_360 = arith.index_cast %add3A_359 : i32 to index
      %get3A_361 = tpu.vector_load %arg6[%get3A_360] {strides = array<i32>} : memref<32768xf32, #tpu.memory_space<vmem>>, vector<16xf32>,
      %mul3A_362 = arith.mulf %get3A_357, %get3A_361 : vector<16xf32>
      %add3A_363 = arith.addf %add3A_353, %mul3A_362 : vector<16xf32>
      %add3A_364 = arith.constant 7 : i32
      %add3A_365 = vector.broadcast %add3A_364 : i32 to vector<16xi32>
      %add3A_366 = arith.addi %mul3A_9, %add3A_365 : vector<16xi32>
      tpu.vector_store_idx %arg8[%add3A_366], %add3A_363 : memref<256xf32, #tpu.memory_space<vmem>>[vector<16xi32>], vector<16xf32>,
      %mul3A_367 = arith.constant 16 : i32
      %mul3A_368 = arith.muli %scan3A_15, %mul3A_367 : i32
      %add3A_369 = arith.constant 8 : i32
      %add3A_370 = arith.addi %mul3A_368, %add3A_369 : i32
      %mul3A_371 = arith.constant 64 : i32
      %mul3A_372 = arith.muli %add3A_370, %mul3A_371 : i32
      %get3A_373 = arith.index_cast %mul3A_372 : i32 to index
      %get3A_374 = tpu.vector_load %arg5[%get3A_373] {strides = array<i32>} : memref<32768xf32, #tpu.memory_space<vmem>>, vector<16xf32>,
      %get3A_375 = arith.index_cast %mul3A_372 : i32 to index
      %get3A_376 = tpu.vector_load %arg6[%get3A_375] {strides = array<i32>} : memref<32768xf32, #tpu.memory_space<vmem>>, vector<16xf32>,
      %mul3A_377 = arith.mulf %get3A_374, %get3A_376 : vector<16xf32>
      %add3A_378 = arith.constant 16 : i32
      %add3A_379 = arith.addi %mul3A_372, %add3A_378 : i32
      %get3A_380 = arith.index_cast %add3A_379 : i32 to index
      %get3A_381 = tpu.vector_load %arg5[%get3A_380] {strides = array<i32>} : memref<32768xf32, #tpu.memory_space<vmem>>, vector<16xf32>,
      %add3A_382 = arith.constant 16 : i32
      %add3A_383 = arith.addi %mul3A_372, %add3A_382 : i32
      %get3A_384 = arith.index_cast %add3A_383 : i32 to index
      %get3A_385 = tpu.vector_load %arg6[%get3A_384] {strides = array<i32>} : memref<32768xf32, #tpu.memory_space<vmem>>, vector<16xf32>,
      %mul3A_386 = arith.mulf %get3A_381, %get3A_385 : vector<16xf32>
      %add3A_387 = arith.addf %mul3A_377, %mul3A_386 : vector<16xf32>
      %add3A_388 = arith.constant 32 : i32
      %add3A_389 = arith.addi %mul3A_372, %add3A_388 : i32
      %get3A_390 = arith.index_cast %add3A_389 : i32 to index
      %get3A_391 = tpu.vector_load %arg5[%get3A_390] {strides = array<i32>} : memref<32768xf32, #tpu.memory_space<vmem>>, vector<16xf32>,
      %add3A_392 = arith.constant 32 : i32
      %add3A_393 = arith.addi %mul3A_372, %add3A_392 : i32
      %get3A_394 = arith.index_cast %add3A_393 : i32 to index
      %get3A_395 = tpu.vector_load %arg6[%get3A_394] {strides = array<i32>} : memref<32768xf32, #tpu.memory_space<vmem>>, vector<16xf32>,
      %mul3A_396 = arith.mulf %get3A_391, %get3A_395 : vector<16xf32>
      %add3A_397 = arith.addf %add3A_387, %mul3A_396 : vector<16xf32>
      %add3A_398 = arith.constant 48 : i32
      %add3A_399 = arith.addi %mul3A_372, %add3A_398 : i32
      %get3A_400 = arith.index_cast %add3A_399 : i32 to index
      %get3A_401 = tpu.vector_load %arg5[%get3A_400] {strides = array<i32>} : memref<32768xf32, #tpu.memory_space<vmem>>, vector<16xf32>,
      %add3A_402 = arith.constant 48 : i32
      %add3A_403 = arith.addi %mul3A_372, %add3A_402 : i32
      %get3A_404 = arith.index_cast %add3A_403 : i32 to index
      %get3A_405 = tpu.vector_load %arg6[%get3A_404] {strides = array<i32>} : memref<32768xf32, #tpu.memory_space<vmem>>, vector<16xf32>,
      %mul3A_406 = arith.mulf %get3A_401, %get3A_405 : vector<16xf32>
      %add3A_407 = arith.addf %add3A_397, %mul3A_406 : vector<16xf32>
      %add3A_408 = arith.constant 8 : i32
      %add3A_409 = vector.broadcast %add3A_408 : i32 to vector<16xi32>
      %add3A_410 = arith.addi %mul3A_9, %add3A_409 : vector<16xi32>
      tpu.vector_store_idx %arg8[%add3A_410], %add3A_407 : memref<256xf32, #tpu.memory_space<vmem>>[vector<16xi32>], vector<16xf32>,
      %mul3A_411 = arith.constant 16 : i32
      %mul3A_412 = arith.muli %scan3A_15, %mul3A_411 : i32
      %add3A_413 = arith.constant 9 : i32
      %add3A_414 = arith.addi %mul3A_412, %add3A_413 : i32
      %mul3A_415 = arith.constant 64 : i32
      %mul3A_416 = arith.muli %add3A_414, %mul3A_415 : i32
      %get3A_417 = arith.index_cast %mul3A_416 : i32 to index
      %get3A_418 = tpu.vector_load %arg5[%get3A_417] {strides = array<i32>} : memref<32768xf32, #tpu.memory_space<vmem>>, vector<16xf32>,
      %get3A_419 = arith.index_cast %mul3A_416 : i32 to index
      %get3A_420 = tpu.vector_load %arg6[%get3A_419] {strides = array<i32>} : memref<32768xf32, #tpu.memory_space<vmem>>, vector<16xf32>,
      %mul3A_421 = arith.mulf %get3A_418, %get3A_420 : vector<16xf32>
      %add3A_422 = arith.constant 16 : i32
      %add3A_423 = arith.addi %mul3A_416, %add3A_422 : i32
      %get3A_424 = arith.index_cast %add3A_423 : i32 to index
      %get3A_425 = tpu.vector_load %arg5[%get3A_424] {strides = array<i32>} : memref<32768xf32, #tpu.memory_space<vmem>>, vector<16xf32>,
      %add3A_426 = arith.constant 16 : i32
      %add3A_427 = arith.addi %mul3A_416, %add3A_426 : i32
      %get3A_428 = arith.index_cast %add3A_427 : i32 to index
      %get3A_429 = tpu.vector_load %arg6[%get3A_428] {strides = array<i32>} : memref<32768xf32, #tpu.memory_space<vmem>>, vector<16xf32>,
      %mul3A_430 = arith.mulf %get3A_425, %get3A_429 : vector<16xf32>
      %add3A_431 = arith.addf %mul3A_421, %mul3A_430 : vector<16xf32>
      %add3A_432 = arith.constant 32 : i32
      %add3A_433 = arith.addi %mul3A_416, %add3A_432 : i32
      %get3A_434 = arith.index_cast %add3A_433 : i32 to index
      %get3A_435 = tpu.vector_load %arg5[%get3A_434] {strides = array<i32>} : memref<32768xf32, #tpu.memory_space<vmem>>, vector<16xf32>,
      %add3A_436 = arith.constant 32 : i32
      %add3A_437 = arith.addi %mul3A_416, %add3A_436 : i32
      %get3A_438 = arith.index_cast %add3A_437 : i32 to index
      %get3A_439 = tpu.vector_load %arg6[%get3A_438] {strides = array<i32>} : memref<32768xf32, #tpu.memory_space<vmem>>, vector<16xf32>,
      %mul3A_440 = arith.mulf %get3A_435, %get3A_439 : vector<16xf32>
      %add3A_441 = arith.addf %add3A_431, %mul3A_440 : vector<16xf32>
      %add3A_442 = arith.constant 48 : i32
      %add3A_443 = arith.addi %mul3A_416, %add3A_442 : i32
      %get3A_444 = arith.index_cast %add3A_443 : i32 to index
      %get3A_445 = tpu.vector_load %arg5[%get3A_444] {strides = array<i32>} : memref<32768xf32, #tpu.memory_space<vmem>>, vector<16xf32>,
      %add3A_446 = arith.constant 48 : i32
      %add3A_447 = arith.addi %mul3A_416, %add3A_446 : i32
      %get3A_448 = arith.index_cast %add3A_447 : i32 to index
      %get3A_449 = tpu.vector_load %arg6[%get3A_448] {strides = array<i32>} : memref<32768xf32, #tpu.memory_space<vmem>>, vector<16xf32>,
      %mul3A_450 = arith.mulf %get3A_445, %get3A_449 : vector<16xf32>
      %add3A_451 = arith.addf %add3A_441, %mul3A_450 : vector<16xf32>
      %add3A_452 = arith.constant 9 : i32
      %add3A_453 = vector.broadcast %add3A_452 : i32 to vector<16xi32>
      %add3A_454 = arith.addi %mul3A_9, %add3A_453 : vector<16xi32>
      tpu.vector_store_idx %arg8[%add3A_454], %add3A_451 : memref<256xf32, #tpu.memory_space<vmem>>[vector<16xi32>], vector<16xf32>,
      %mul3A_455 = arith.constant 16 : i32
      %mul3A_456 = arith.muli %scan3A_15, %mul3A_455 : i32
      %add3A_457 = arith.constant 10 : i32
      %add3A_458 = arith.addi %mul3A_456, %add3A_457 : i32
      %mul3A_459 = arith.constant 64 : i32
      %mul3A_460 = arith.muli %add3A_458, %mul3A_459 : i32
      %get3A_461 = arith.index_cast %mul3A_460 : i32 to index
      %get3A_462 = tpu.vector_load %arg5[%get3A_461] {strides = array<i32>} : memref<32768xf32, #tpu.memory_space<vmem>>, vector<16xf32>,
      %get3A_463 = arith.index_cast %mul3A_460 : i32 to index
      %get3A_464 = tpu.vector_load %arg6[%get3A_463] {strides = array<i32>} : memref<32768xf32, #tpu.memory_space<vmem>>, vector<16xf32>,
      %mul3A_465 = arith.mulf %get3A_462, %get3A_464 : vector<16xf32>
      %add3A_466 = arith.constant 16 : i32
      %add3A_467 = arith.addi %mul3A_460, %add3A_466 : i32
      %get3A_468 = arith.index_cast %add3A_467 : i32 to index
      %get3A_469 = tpu.vector_load %arg5[%get3A_468] {strides = array<i32>} : memref<32768xf32, #tpu.memory_space<vmem>>, vector<16xf32>,
      %add3A_470 = arith.constant 16 : i32
      %add3A_471 = arith.addi %mul3A_460, %add3A_470 : i32
      %get3A_472 = arith.index_cast %add3A_471 : i32 to index
      %get3A_473 = tpu.vector_load %arg6[%get3A_472] {strides = array<i32>} : memref<32768xf32, #tpu.memory_space<vmem>>, vector<16xf32>,
      %mul3A_474 = arith.mulf %get3A_469, %get3A_473 : vector<16xf32>
      %add3A_475 = arith.addf %mul3A_465, %mul3A_474 : vector<16xf32>
      %add3A_476 = arith.constant 32 : i32
      %add3A_477 = arith.addi %mul3A_460, %add3A_476 : i32
      %get3A_478 = arith.index_cast %add3A_477 : i32 to index
      %get3A_479 = tpu.vector_load %arg5[%get3A_478] {strides = array<i32>} : memref<32768xf32, #tpu.memory_space<vmem>>, vector<16xf32>,
      %add3A_480 = arith.constant 32 : i32
      %add3A_481 = arith.addi %mul3A_460, %add3A_480 : i32
      %get3A_482 = arith.index_cast %add3A_481 : i32 to index
      %get3A_483 = tpu.vector_load %arg6[%get3A_482] {strides = array<i32>} : memref<32768xf32, #tpu.memory_space<vmem>>, vector<16xf32>,
      %mul3A_484 = arith.mulf %get3A_479, %get3A_483 : vector<16xf32>
      %add3A_485 = arith.addf %add3A_475, %mul3A_484 : vector<16xf32>
      %add3A_486 = arith.constant 48 : i32
      %add3A_487 = arith.addi %mul3A_460, %add3A_486 : i32
      %get3A_488 = arith.index_cast %add3A_487 : i32 to index
      %get3A_489 = tpu.vector_load %arg5[%get3A_488] {strides = array<i32>} : memref<32768xf32, #tpu.memory_space<vmem>>, vector<16xf32>,
      %add3A_490 = arith.constant 48 : i32
      %add3A_491 = arith.addi %mul3A_460, %add3A_490 : i32
      %get3A_492 = arith.index_cast %add3A_491 : i32 to index
      %get3A_493 = tpu.vector_load %arg6[%get3A_492] {strides = array<i32>} : memref<32768xf32, #tpu.memory_space<vmem>>, vector<16xf32>,
      %mul3A_494 = arith.mulf %get3A_489, %get3A_493 : vector<16xf32>
      %add3A_495 = arith.addf %add3A_485, %mul3A_494 : vector<16xf32>
      %add3A_496 = arith.constant 10 : i32
      %add3A_497 = vector.broadcast %add3A_496 : i32 to vector<16xi32>
      %add3A_498 = arith.addi %mul3A_9, %add3A_497 : vector<16xi32>
      tpu.vector_store_idx %arg8[%add3A_498], %add3A_495 : memref<256xf32, #tpu.memory_space<vmem>>[vector<16xi32>], vector<16xf32>,
      %mul3A_499 = arith.constant 16 : i32
      %mul3A_500 = arith.muli %scan3A_15, %mul3A_499 : i32
      %add3A_501 = arith.constant 11 : i32
      %add3A_502 = arith.addi %mul3A_500, %add3A_501 : i32
      %mul3A_503 = arith.constant 64 : i32
      %mul3A_504 = arith.muli %add3A_502, %mul3A_503 : i32
      %get3A_505 = arith.index_cast %mul3A_504 : i32 to index
      %get3A_506 = tpu.vector_load %arg5[%get3A_505] {strides = array<i32>} : memref<32768xf32, #tpu.memory_space<vmem>>, vector<16xf32>,
      %get3A_507 = arith.index_cast %mul3A_504 : i32 to index
      %get3A_508 = tpu.vector_load %arg6[%get3A_507] {strides = array<i32>} : memref<32768xf32, #tpu.memory_space<vmem>>, vector<16xf32>,
      %mul3A_509 = arith.mulf %get3A_506, %get3A_508 : vector<16xf32>
      %add3A_510 = arith.constant 16 : i32
      %add3A_511 = arith.addi %mul3A_504, %add3A_510 : i32
      %get3A_512 = arith.index_cast %add3A_511 : i32 to index
      %get3A_513 = tpu.vector_load %arg5[%get3A_512] {strides = array<i32>} : memref<32768xf32, #tpu.memory_space<vmem>>, vector<16xf32>,
      %add3A_514 = arith.constant 16 : i32
      %add3A_515 = arith.addi %mul3A_504, %add3A_514 : i32
      %get3A_516 = arith.index_cast %add3A_515 : i32 to index
      %get3A_517 = tpu.vector_load %arg6[%get3A_516] {strides = array<i32>} : memref<32768xf32, #tpu.memory_space<vmem>>, vector<16xf32>,
      %mul3A_518 = arith.mulf %get3A_513, %get3A_517 : vector<16xf32>
      %add3A_519 = arith.addf %mul3A_509, %mul3A_518 : vector<16xf32>
      %add3A_520 = arith.constant 32 : i32
      %add3A_521 = arith.addi %mul3A_504, %add3A_520 : i32
      %get3A_522 = arith.index_cast %add3A_521 : i32 to index
      %get3A_523 = tpu.vector_load %arg5[%get3A_522] {strides = array<i32>} : memref<32768xf32, #tpu.memory_space<vmem>>, vector<16xf32>,
      %add3A_524 = arith.constant 32 : i32
      %add3A_525 = arith.addi %mul3A_504, %add3A_524 : i32
      %get3A_526 = arith.index_cast %add3A_525 : i32 to index
      %get3A_527 = tpu.vector_load %arg6[%get3A_526] {strides = array<i32>} : memref<32768xf32, #tpu.memory_space<vmem>>, vector<16xf32>,
      %mul3A_528 = arith.mulf %get3A_523, %get3A_527 : vector<16xf32>
      %add3A_529 = arith.addf %add3A_519, %mul3A_528 : vector<16xf32>
      %add3A_530 = arith.constant 48 : i32
      %add3A_531 = arith.addi %mul3A_504, %add3A_530 : i32
      %get3A_532 = arith.index_cast %add3A_531 : i32 to index
      %get3A_533 = tpu.vector_load %arg5[%get3A_532] {strides = array<i32>} : memref<32768xf32, #tpu.memory_space<vmem>>, vector<16xf32>,
      %add3A_534 = arith.constant 48 : i32
      %add3A_535 = arith.addi %mul3A_504, %add3A_534 : i32
      %get3A_536 = arith.index_cast %add3A_535 : i32 to index
      %get3A_537 = tpu.vector_load %arg6[%get3A_536] {strides = array<i32>} : memref<32768xf32, #tpu.memory_space<vmem>>, vector<16xf32>,
      %mul3A_538 = arith.mulf %get3A_533, %get3A_537 : vector<16xf32>
      %add3A_539 = arith.addf %add3A_529, %mul3A_538 : vector<16xf32>
      %add3A_540 = arith.constant 11 : i32
      %add3A_541 = vector.broadcast %add3A_540 : i32 to vector<16xi32>
      %add3A_542 = arith.addi %mul3A_9, %add3A_541 : vector<16xi32>
      tpu.vector_store_idx %arg8[%add3A_542], %add3A_539 : memref<256xf32, #tpu.memory_space<vmem>>[vector<16xi32>], vector<16xf32>,
      %mul3A_543 = arith.constant 16 : i32
      %mul3A_544 = arith.muli %scan3A_15, %mul3A_543 : i32
      %add3A_545 = arith.constant 12 : i32
      %add3A_546 = arith.addi %mul3A_544, %add3A_545 : i32
      %mul3A_547 = arith.constant 64 : i32
      %mul3A_548 = arith.muli %add3A_546, %mul3A_547 : i32
      %get3A_549 = arith.index_cast %mul3A_548 : i32 to index
      %get3A_550 = tpu.vector_load %arg5[%get3A_549] {strides = array<i32>} : memref<32768xf32, #tpu.memory_space<vmem>>, vector<16xf32>,
      %get3A_551 = arith.index_cast %mul3A_548 : i32 to index
      %get3A_552 = tpu.vector_load %arg6[%get3A_551] {strides = array<i32>} : memref<32768xf32, #tpu.memory_space<vmem>>, vector<16xf32>,
      %mul3A_553 = arith.mulf %get3A_550, %get3A_552 : vector<16xf32>
      %add3A_554 = arith.constant 16 : i32
      %add3A_555 = arith.addi %mul3A_548, %add3A_554 : i32
      %get3A_556 = arith.index_cast %add3A_555 : i32 to index
      %get3A_557 = tpu.vector_load %arg5[%get3A_556] {strides = array<i32>} : memref<32768xf32, #tpu.memory_space<vmem>>, vector<16xf32>,
      %add3A_558 = arith.constant 16 : i32
      %add3A_559 = arith.addi %mul3A_548, %add3A_558 : i32
      %get3A_560 = arith.index_cast %add3A_559 : i32 to index
      %get3A_561 = tpu.vector_load %arg6[%get3A_560] {strides = array<i32>} : memref<32768xf32, #tpu.memory_space<vmem>>, vector<16xf32>,
      %mul3A_562 = arith.mulf %get3A_557, %get3A_561 : vector<16xf32>
      %add3A_563 = arith.addf %mul3A_553, %mul3A_562 : vector<16xf32>
      %add3A_564 = arith.constant 32 : i32
      %add3A_565 = arith.addi %mul3A_548, %add3A_564 : i32
      %get3A_566 = arith.index_cast %add3A_565 : i32 to index
      %get3A_567 = tpu.vector_load %arg5[%get3A_566] {strides = array<i32>} : memref<32768xf32, #tpu.memory_space<vmem>>, vector<16xf32>,
      %add3A_568 = arith.constant 32 : i32
      %add3A_569 = arith.addi %mul3A_548, %add3A_568 : i32
      %get3A_570 = arith.index_cast %add3A_569 : i32 to index
      %get3A_571 = tpu.vector_load %arg6[%get3A_570] {strides = array<i32>} : memref<32768xf32, #tpu.memory_space<vmem>>, vector<16xf32>,
      %mul3A_572 = arith.mulf %get3A_567, %get3A_571 : vector<16xf32>
      %add3A_573 = arith.addf %add3A_563, %mul3A_572 : vector<16xf32>
      %add3A_574 = arith.constant 48 : i32
      %add3A_575 = arith.addi %mul3A_548, %add3A_574 : i32
      %get3A_576 = arith.index_cast %add3A_575 : i32 to index
      %get3A_577 = tpu.vector_load %arg5[%get3A_576] {strides = array<i32>} : memref<32768xf32, #tpu.memory_space<vmem>>, vector<16xf32>,
      %add3A_578 = arith.constant 48 : i32
      %add3A_579 = arith.addi %mul3A_548, %add3A_578 : i32
      %get3A_580 = arith.index_cast %add3A_579 : i32 to index
      %get3A_581 = tpu.vector_load %arg6[%get3A_580] {strides = array<i32>} : memref<32768xf32, #tpu.memory_space<vmem>>, vector<16xf32>,
      %mul3A_582 = arith.mulf %get3A_577, %get3A_581 : vector<16xf32>
      %add3A_583 = arith.addf %add3A_573, %mul3A_582 : vector<16xf32>
      %add3A_584 = arith.constant 12 : i32
      %add3A_585 = vector.broadcast %add3A_584 : i32 to vector<16xi32>
      %add3A_586 = arith.addi %mul3A_9, %add3A_585 : vector<16xi32>
      tpu.vector_store_idx %arg8[%add3A_586], %add3A_583 : memref<256xf32, #tpu.memory_space<vmem>>[vector<16xi32>], vector<16xf32>,
      %mul3A_587 = arith.constant 16 : i32
      %mul3A_588 = arith.muli %scan3A_15, %mul3A_587 : i32
      %add3A_589 = arith.constant 13 : i32
      %add3A_590 = arith.addi %mul3A_588, %add3A_589 : i32
      %mul3A_591 = arith.constant 64 : i32
      %mul3A_592 = arith.muli %add3A_590, %mul3A_591 : i32
      %get3A_593 = arith.index_cast %mul3A_592 : i32 to index
      %get3A_594 = tpu.vector_load %arg5[%get3A_593] {strides = array<i32>} : memref<32768xf32, #tpu.memory_space<vmem>>, vector<16xf32>,
      %get3A_595 = arith.index_cast %mul3A_592 : i32 to index
      %get3A_596 = tpu.vector_load %arg6[%get3A_595] {strides = array<i32>} : memref<32768xf32, #tpu.memory_space<vmem>>, vector<16xf32>,
      %mul3A_597 = arith.mulf %get3A_594, %get3A_596 : vector<16xf32>
      %add3A_598 = arith.constant 16 : i32
      %add3A_599 = arith.addi %mul3A_592, %add3A_598 : i32
      %get3A_600 = arith.index_cast %add3A_599 : i32 to index
      %get3A_601 = tpu.vector_load %arg5[%get3A_600] {strides = array<i32>} : memref<32768xf32, #tpu.memory_space<vmem>>, vector<16xf32>,
      %add3A_602 = arith.constant 16 : i32
      %add3A_603 = arith.addi %mul3A_592, %add3A_602 : i32
      %get3A_604 = arith.index_cast %add3A_603 : i32 to index
      %get3A_605 = tpu.vector_load %arg6[%get3A_604] {strides = array<i32>} : memref<32768xf32, #tpu.memory_space<vmem>>, vector<16xf32>,
      %mul3A_606 = arith.mulf %get3A_601, %get3A_605 : vector<16xf32>
      %add3A_607 = arith.addf %mul3A_597, %mul3A_606 : vector<16xf32>
      %add3A_608 = arith.constant 32 : i32
      %add3A_609 = arith.addi %mul3A_592, %add3A_608 : i32
      %get3A_610 = arith.index_cast %add3A_609 : i32 to index
      %get3A_611 = tpu.vector_load %arg5[%get3A_610] {strides = array<i32>} : memref<32768xf32, #tpu.memory_space<vmem>>, vector<16xf32>,
      %add3A_612 = arith.constant 32 : i32
      %add3A_613 = arith.addi %mul3A_592, %add3A_612 : i32
      %get3A_614 = arith.index_cast %add3A_613 : i32 to index
      %get3A_615 = tpu.vector_load %arg6[%get3A_614] {strides = array<i32>} : memref<32768xf32, #tpu.memory_space<vmem>>, vector<16xf32>,
      %mul3A_616 = arith.mulf %get3A_611, %get3A_615 : vector<16xf32>
      %add3A_617 = arith.addf %add3A_607, %mul3A_616 : vector<16xf32>
      %add3A_618 = arith.constant 48 : i32
      %add3A_619 = arith.addi %mul3A_592, %add3A_618 : i32
      %get3A_620 = arith.index_cast %add3A_619 : i32 to index
      %get3A_621 = tpu.vector_load %arg5[%get3A_620] {strides = array<i32>} : memref<32768xf32, #tpu.memory_space<vmem>>, vector<16xf32>,
      %add3A_622 = arith.constant 48 : i32
      %add3A_623 = arith.addi %mul3A_592, %add3A_622 : i32
      %get3A_624 = arith.index_cast %add3A_623 : i32 to index
      %get3A_625 = tpu.vector_load %arg6[%get3A_624] {strides = array<i32>} : memref<32768xf32, #tpu.memory_space<vmem>>, vector<16xf32>,
      %mul3A_626 = arith.mulf %get3A_621, %get3A_625 : vector<16xf32>
      %add3A_627 = arith.addf %add3A_617, %mul3A_626 : vector<16xf32>
      %add3A_628 = arith.constant 13 : i32
      %add3A_629 = vector.broadcast %add3A_628 : i32 to vector<16xi32>
      %add3A_630 = arith.addi %mul3A_9, %add3A_629 : vector<16xi32>
      tpu.vector_store_idx %arg8[%add3A_630], %add3A_627 : memref<256xf32, #tpu.memory_space<vmem>>[vector<16xi32>], vector<16xf32>,
      %mul3A_631 = arith.constant 16 : i32
      %mul3A_632 = arith.muli %scan3A_15, %mul3A_631 : i32
      %add3A_633 = arith.constant 14 : i32
      %add3A_634 = arith.addi %mul3A_632, %add3A_633 : i32
      %mul3A_635 = arith.constant 64 : i32
      %mul3A_636 = arith.muli %add3A_634, %mul3A_635 : i32
      %get3A_637 = arith.index_cast %mul3A_636 : i32 to index
      %get3A_638 = tpu.vector_load %arg5[%get3A_637] {strides = array<i32>} : memref<32768xf32, #tpu.memory_space<vmem>>, vector<16xf32>,
      %get3A_639 = arith.index_cast %mul3A_636 : i32 to index
      %get3A_640 = tpu.vector_load %arg6[%get3A_639] {strides = array<i32>} : memref<32768xf32, #tpu.memory_space<vmem>>, vector<16xf32>,
      %mul3A_641 = arith.mulf %get3A_638, %get3A_640 : vector<16xf32>
      %add3A_642 = arith.constant 16 : i32
      %add3A_643 = arith.addi %mul3A_636, %add3A_642 : i32
      %get3A_644 = arith.index_cast %add3A_643 : i32 to index
      %get3A_645 = tpu.vector_load %arg5[%get3A_644] {strides = array<i32>} : memref<32768xf32, #tpu.memory_space<vmem>>, vector<16xf32>,
      %add3A_646 = arith.constant 16 : i32
      %add3A_647 = arith.addi %mul3A_636, %add3A_646 : i32
      %get3A_648 = arith.index_cast %add3A_647 : i32 to index
      %get3A_649 = tpu.vector_load %arg6[%get3A_648] {strides = array<i32>} : memref<32768xf32, #tpu.memory_space<vmem>>, vector<16xf32>,
      %mul3A_650 = arith.mulf %get3A_645, %get3A_649 : vector<16xf32>
      %add3A_651 = arith.addf %mul3A_641, %mul3A_650 : vector<16xf32>
      %add3A_652 = arith.constant 32 : i32
      %add3A_653 = arith.addi %mul3A_636, %add3A_652 : i32
      %get3A_654 = arith.index_cast %add3A_653 : i32 to index
      %get3A_655 = tpu.vector_load %arg5[%get3A_654] {strides = array<i32>} : memref<32768xf32, #tpu.memory_space<vmem>>, vector<16xf32>,
      %add3A_656 = arith.constant 32 : i32
      %add3A_657 = arith.addi %mul3A_636, %add3A_656 : i32
      %get3A_658 = arith.index_cast %add3A_657 : i32 to index
      %get3A_659 = tpu.vector_load %arg6[%get3A_658] {strides = array<i32>} : memref<32768xf32, #tpu.memory_space<vmem>>, vector<16xf32>,
      %mul3A_660 = arith.mulf %get3A_655, %get3A_659 : vector<16xf32>
      %add3A_661 = arith.addf %add3A_651, %mul3A_660 : vector<16xf32>
      %add3A_662 = arith.constant 48 : i32
      %add3A_663 = arith.addi %mul3A_636, %add3A_662 : i32
      %get3A_664 = arith.index_cast %add3A_663 : i32 to index
      %get3A_665 = tpu.vector_load %arg5[%get3A_664] {strides = array<i32>} : memref<32768xf32, #tpu.memory_space<vmem>>, vector<16xf32>,
      %add3A_666 = arith.constant 48 : i32
      %add3A_667 = arith.addi %mul3A_636, %add3A_666 : i32
      %get3A_668 = arith.index_cast %add3A_667 : i32 to index
      %get3A_669 = tpu.vector_load %arg6[%get3A_668] {strides = array<i32>} : memref<32768xf32, #tpu.memory_space<vmem>>, vector<16xf32>,
      %mul3A_670 = arith.mulf %get3A_665, %get3A_669 : vector<16xf32>
      %add3A_671 = arith.addf %add3A_661, %mul3A_670 : vector<16xf32>
      %add3A_672 = arith.constant 14 : i32
      %add3A_673 = vector.broadcast %add3A_672 : i32 to vector<16xi32>
      %add3A_674 = arith.addi %mul3A_9, %add3A_673 : vector<16xi32>
      tpu.vector_store_idx %arg8[%add3A_674], %add3A_671 : memref<256xf32, #tpu.memory_space<vmem>>[vector<16xi32>], vector<16xf32>,
      %mul3A_675 = arith.constant 16 : i32
      %mul3A_676 = arith.muli %scan3A_15, %mul3A_675 : i32
      %add3A_677 = arith.constant 15 : i32
      %add3A_678 = arith.addi %mul3A_676, %add3A_677 : i32
      %mul3A_679 = arith.constant 64 : i32
      %mul3A_680 = arith.muli %add3A_678, %mul3A_679 : i32
      %get3A_681 = arith.index_cast %mul3A_680 : i32 to index
      %get3A_682 = tpu.vector_load %arg5[%get3A_681] {strides = array<i32>} : memref<32768xf32, #tpu.memory_space<vmem>>, vector<16xf32>,
      %get3A_683 = arith.index_cast %mul3A_680 : i32 to index
      %get3A_684 = tpu.vector_load %arg6[%get3A_683] {strides = array<i32>} : memref<32768xf32, #tpu.memory_space<vmem>>, vector<16xf32>,
      %mul3A_685 = arith.mulf %get3A_682, %get3A_684 : vector<16xf32>
      %add3A_686 = arith.constant 16 : i32
      %add3A_687 = arith.addi %mul3A_680, %add3A_686 : i32
      %get3A_688 = arith.index_cast %add3A_687 : i32 to index
      %get3A_689 = tpu.vector_load %arg5[%get3A_688] {strides = array<i32>} : memref<32768xf32, #tpu.memory_space<vmem>>, vector<16xf32>,
      %add3A_690 = arith.constant 16 : i32
      %add3A_691 = arith.addi %mul3A_680, %add3A_690 : i32
      %get3A_692 = arith.index_cast %add3A_691 : i32 to index
      %get3A_693 = tpu.vector_load %arg6[%get3A_692] {strides = array<i32>} : memref<32768xf32, #tpu.memory_space<vmem>>, vector<16xf32>,
      %mul3A_694 = arith.mulf %get3A_689, %get3A_693 : vector<16xf32>
      %add3A_695 = arith.addf %mul3A_685, %mul3A_694 : vector<16xf32>
      %add3A_696 = arith.constant 32 : i32
      %add3A_697 = arith.addi %mul3A_680, %add3A_696 : i32
      %get3A_698 = arith.index_cast %add3A_697 : i32 to index
      %get3A_699 = tpu.vector_load %arg5[%get3A_698] {strides = array<i32>} : memref<32768xf32, #tpu.memory_space<vmem>>, vector<16xf32>,
      %add3A_700 = arith.constant 32 : i32
      %add3A_701 = arith.addi %mul3A_680, %add3A_700 : i32
      %get3A_702 = arith.index_cast %add3A_701 : i32 to index
      %get3A_703 = tpu.vector_load %arg6[%get3A_702] {strides = array<i32>} : memref<32768xf32, #tpu.memory_space<vmem>>, vector<16xf32>,
      %mul3A_704 = arith.mulf %get3A_699, %get3A_703 : vector<16xf32>
      %add3A_705 = arith.addf %add3A_695, %mul3A_704 : vector<16xf32>
      %add3A_706 = arith.constant 48 : i32
      %add3A_707 = arith.addi %mul3A_680, %add3A_706 : i32
      %get3A_708 = arith.index_cast %add3A_707 : i32 to index
      %get3A_709 = tpu.vector_load %arg5[%get3A_708] {strides = array<i32>} : memref<32768xf32, #tpu.memory_space<vmem>>, vector<16xf32>,
      %add3A_710 = arith.constant 48 : i32
      %add3A_711 = arith.addi %mul3A_680, %add3A_710 : i32
      %get3A_712 = arith.index_cast %add3A_711 : i32 to index
      %get3A_713 = tpu.vector_load %arg6[%get3A_712] {strides = array<i32>} : memref<32768xf32, #tpu.memory_space<vmem>>, vector<16xf32>,
      %mul3A_714 = arith.mulf %get3A_709, %get3A_713 : vector<16xf32>
      %add3A_715 = arith.addf %add3A_705, %mul3A_714 : vector<16xf32>
      %add3A_716 = arith.constant 15 : i32
      %add3A_717 = vector.broadcast %add3A_716 : i32 to vector<16xi32>
      %add3A_718 = arith.addi %mul3A_9, %add3A_717 : vector<16xi32>
      tpu.vector_store_idx %arg8[%add3A_718], %add3A_715 : memref<256xf32, #tpu.memory_space<vmem>>[vector<16xi32>], vector<16xf32>,
      %get3A_719 = arith.constant 0 : index
      %get3A_720 = tpu.vector_load %arg8[%get3A_719] {strides = array<i32>} : memref<256xf32, #tpu.memory_space<vmem>>, vector<16xf32>,
      %get3A_721 = arith.constant 16 : index
      %get3A_722 = tpu.vector_load %arg8[%get3A_721] {strides = array<i32>} : memref<256xf32, #tpu.memory_space<vmem>>, vector<16xf32>,
      %add3A_723 = arith.addf %get3A_720, %get3A_722 : vector<16xf32>
      %get3A_724 = arith.constant 32 : index
      %get3A_725 = tpu.vector_load %arg8[%get3A_724] {strides = array<i32>} : memref<256xf32, #tpu.memory_space<vmem>>, vector<16xf32>,
      %add3A_726 = arith.addf %add3A_723, %get3A_725 : vector<16xf32>
      %get3A_727 = arith.constant 48 : index
      %get3A_728 = tpu.vector_load %arg8[%get3A_727] {strides = array<i32>} : memref<256xf32, #tpu.memory_space<vmem>>, vector<16xf32>,
      %add3A_729 = arith.addf %add3A_726, %get3A_728 : vector<16xf32>
      %get3A_730 = arith.constant 64 : index
      %get3A_731 = tpu.vector_load %arg8[%get3A_730] {strides = array<i32>} : memref<256xf32, #tpu.memory_space<vmem>>, vector<16xf32>,
      %add3A_732 = arith.addf %add3A_729, %get3A_731 : vector<16xf32>
      %get3A_733 = arith.constant 80 : index
      %get3A_734 = tpu.vector_load %arg8[%get3A_733] {strides = array<i32>} : memref<256xf32, #tpu.memory_space<vmem>>, vector<16xf32>,
      %add3A_735 = arith.addf %add3A_732, %get3A_734 : vector<16xf32>
      %get3A_736 = arith.constant 96 : index
      %get3A_737 = tpu.vector_load %arg8[%get3A_736] {strides = array<i32>} : memref<256xf32, #tpu.memory_space<vmem>>, vector<16xf32>,
      %add3A_738 = arith.addf %add3A_735, %get3A_737 : vector<16xf32>
      %get3A_739 = arith.constant 112 : index
      %get3A_740 = tpu.vector_load %arg8[%get3A_739] {strides = array<i32>} : memref<256xf32, #tpu.memory_space<vmem>>, vector<16xf32>,
      %add3A_741 = arith.addf %add3A_738, %get3A_740 : vector<16xf32>
      %get3A_742 = arith.constant 128 : index
      %get3A_743 = tpu.vector_load %arg8[%get3A_742] {strides = array<i32>} : memref<256xf32, #tpu.memory_space<vmem>>, vector<16xf32>,
      %add3A_744 = arith.addf %add3A_741, %get3A_743 : vector<16xf32>
      %get3A_745 = arith.constant 144 : index
      %get3A_746 = tpu.vector_load %arg8[%get3A_745] {strides = array<i32>} : memref<256xf32, #tpu.memory_space<vmem>>, vector<16xf32>,
      %add3A_747 = arith.addf %add3A_744, %get3A_746 : vector<16xf32>
      %get3A_748 = arith.constant 160 : index
      %get3A_749 = tpu.vector_load %arg8[%get3A_748] {strides = array<i32>} : memref<256xf32, #tpu.memory_space<vmem>>, vector<16xf32>,
      %add3A_750 = arith.addf %add3A_747, %get3A_749 : vector<16xf32>
      %get3A_751 = arith.constant 176 : index
      %get3A_752 = tpu.vector_load %arg8[%get3A_751] {strides = array<i32>} : memref<256xf32, #tpu.memory_space<vmem>>, vector<16xf32>,
      %add3A_753 = arith.addf %add3A_750, %get3A_752 : vector<16xf32>
      %get3A_754 = arith.constant 192 : index
      %get3A_755 = tpu.vector_load %arg8[%get3A_754] {strides = array<i32>} : memref<256xf32, #tpu.memory_space<vmem>>, vector<16xf32>,
      %add3A_756 = arith.addf %add3A_753, %get3A_755 : vector<16xf32>
      %get3A_757 = arith.constant 208 : index
      %get3A_758 = tpu.vector_load %arg8[%get3A_757] {strides = array<i32>} : memref<256xf32, #tpu.memory_space<vmem>>, vector<16xf32>,
      %add3A_759 = arith.addf %add3A_756, %get3A_758 : vector<16xf32>
      %get3A_760 = arith.constant 224 : index
      %get3A_761 = tpu.vector_load %arg8[%get3A_760] {strides = array<i32>} : memref<256xf32, #tpu.memory_space<vmem>>, vector<16xf32>,
      %add3A_762 = arith.addf %add3A_759, %get3A_761 : vector<16xf32>
      %get3A_763 = arith.constant 240 : index
      %get3A_764 = tpu.vector_load %arg8[%get3A_763] {strides = array<i32>} : memref<256xf32, #tpu.memory_space<vmem>>, vector<16xf32>,
      %add3A_765 = arith.addf %add3A_762, %get3A_764 : vector<16xf32>
      %mul3A_766 = arith.constant 16 : i32
      %mul3A_767 = arith.muli %scan3A_15, %mul3A_766 : i32
      %multiple_of3A = tpu.assume_multiple %mul3A_767, 16 : i32
      %swap3A = arith.index_cast %multiple_of3A : i32 to index
      %swap3A_768 = tpu.vector_load %arg7[%swap3A] {strides = array<i32>} : memref<512xf32, #tpu.memory_space<vmem>>, vector<16xf32>,
      tpu.vector_store %arg7[%swap3A], %add3A_765 {strides = array<i32>} : memref<512xf32, #tpu.memory_space<vmem>>, vector<16xf32>,
    }
    %scan3A_14 = arith.constant 32 : i32
    "tpu.region"() ({
      %run_scoped3A = tpu.sem_alloc : memref<!tpu.dma_semaphore, #tpu.memory_space<semaphore_mem>>
      %dma_start3A = tpu.memref_slice %arg4[%mul3A_2] : memref<16384xf32, #tpu.memory_space<hbm>> -> memref<512xf32, #tpu.memory_space<hbm>>
      %dma_start3A_15 = tpu.memref_slice %arg4[%mul3A_2] : memref<16384xf32, #tpu.memory_space<hbm>> -> memref<512xf32, #tpu.memory_space<hbm>>
      tpu.enqueue_dma source(%arg7 : memref<512xf32, #tpu.memory_space<vmem>>) target(%dma_start3A_15 : memref<512xf32, #tpu.memory_space<hbm>>) target_semaphore(%run_scoped3A : memref<!tpu.dma_semaphore, #tpu.memory_space<semaphore_mem>>)
      %dma_wait3A = tpu.memref_slice %arg4[%mul3A_2] : memref<16384xf32, #tpu.memory_space<hbm>> -> memref<512xf32, #tpu.memory_space<hbm>>
      %dma_wait3A_16 = tpu.memref_slice %arg4[%mul3A_2] : memref<16384xf32, #tpu.memory_space<hbm>> -> memref<512xf32, #tpu.memory_space<hbm>>
      tpu.wait_dma2 semaphore(%run_scoped3A : memref<!tpu.dma_semaphore, #tpu.memory_space<semaphore_mem>>) src(%arg7 : memref<512xf32, #tpu.memory_space<vmem>>) dst(%dma_wait3A_16 : memref<512xf32, #tpu.memory_space<hbm>>)
      tpu.yield
    }) : () -> ()
    return
  }
}

module attributes {stable_mosaic.version = 14 : i64} {
  func.func @k(%arg0: memref<128x128xf32, #tpu.memory_space<vmem>>, %arg1: memref<128x128xf32, #tpu.memory_space<vmem>>, %arg2: memref<1x1xf32, #tpu.memory_space<smem>>) attributes {dimension_semantics = [], scalar_prefetch = 0 : i64, scratch_operands = 0 : i64, tpu.core_type = #tpu.core_type<tc>} {
    %get3A = arith.constant 0 : index
    %get3A_0 = arith.constant 0 : index
    %get3A_1 = vector.load %arg1[%get3A, %get3A_0] : memref<128x128xf32, #tpu.memory_space<vmem>>, vector<128x128xf32>
    %get3A_2 = arith.constant 0 : index
    %get3A_3 = arith.constant 0 : index
    %get3A_4 = vector.load %arg0[%get3A_2, %get3A_3] : memref<128x128xf32, #tpu.memory_space<vmem>>, vector<128x128xf32>
    %mul3A = arith.mulf %get3A_1, %get3A_4 : vector<128x128xf32>
    %min3A = arith.constant 0.000000e+00 : f32
    %min3A_5 = vector.broadcast %min3A : f32 to vector<128x128xf32>
    %min3A_6 = arith.minimumf %mul3A, %min3A_5 : vector<128x128xf32>
    %abs3A = math.absf %mul3A : vector<128x128xf32>
    %neg3A = arith.constant 0.000000e+00 : f32
    %neg3A_7 = vector.broadcast %neg3A : f32 to vector<128x128xf32>
    %neg3A_8 = arith.subf %neg3A_7, %abs3A : vector<128x128xf32>
    %exp3A = math.exp %neg3A_8 : vector<128x128xf32>
    %log1p3A = math.log1p %exp3A : vector<128x128xf32>
    %sub3A = arith.subf %min3A_6, %log1p3A : vector<128x128xf32>
    %reduce_sum3A = vector.shape_cast %sub3A : vector<128x128xf32> to vector<1x128x128xf32>
    %reduce_sum3A_9 = arith.constant dense<0.000000e+00> : vector<1xf32>
    %reduce_sum3A_10 = vector.multi_reduction <add>, %reduce_sum3A, %reduce_sum3A_9 [1, 2] : vector<1x128x128xf32> to vector<1xf32>
    %reduce_sum3A_11 = vector.shape_cast %reduce_sum3A_10 : vector<1xf32> to vector<1x1x1xf32>
    %reduce_sum3A_12 = vector.extract %reduce_sum3A_11[0, 0, 0] : f32 from vector<1x1x1xf32>
    %neg3A_13 = arith.constant 0.000000e+00 : f32
    %neg3A_14 = arith.subf %neg3A_13, %reduce_sum3A_12 : f32
    %mul3A_15 = arith.constant 6.10351563E-5 : f32
    %mul3A_16 = arith.mulf %neg3A_14, %mul3A_15 : f32
    %swap3A = arith.constant 0 : index
    %swap3A_17 = arith.constant 0 : index
    %swap3A_18 = memref.load %arg2[%swap3A, %swap3A_17] : memref<1x1xf32, #tpu.memory_space<smem>>
    memref.store %mul3A_16, %arg2[%swap3A, %swap3A_17] : memref<1x1xf32, #tpu.memory_space<smem>>
    return
  }
}

</mosaic_0001>

<sc_bundles>
// kernel: kernel.5.cloned.1.call-start
scs
__scs_entry_jumppad:
0x0: {  	(pc) =	sbr.rel $0x88, $3  }
0x1: {  	(tag) =	ssettag $0x0;
	lr =	simm.s32 $0x1  }
0x2: {  	[smem:$0x3F9C] =	sst lr;
	_ =	strace $0xD0000000  }
0x3: {  	_ = 	snop  }
0x4: {  	_ = 	snop  }
0x5: {  	_ = 	snop  }
0x6: {  	_ = 	snop  }
0x7: {  	_ = 	snop  }
__scs_overlays_trampoline_lowered:
0x8: {  	[smem:$0x3FAB] =	sst s0  }
0x9: {  	[smem:$0x3FAC] =	sst s1  }
0xa: {  	[smem:$0x3FAD] =	sst s2  }
0xb: {  	[smem:$0x3FAE] =	sst s3  }
0xc: {  	[smem:$0x3FAF] =	sst s4  }
0xd: {  	[smem:$0x3FB0] =	sst s5  }
0xe: {  	[smem:$0x3FB1] =	sst s6  }
0xf: {  	[smem:$0x3FB2] =	sst s7  }
0x10: {  	[smem:$0x3FB3] =	sst s8  }
0x11: {  	[smem:$0x3FB4] =	sst s9;
	s0 =	simm.s32 @!p0 $0x0  }
0x12: {  	s1 =	sld [smem:$0x3F9A];
	s0 =	simm.s32 @p0 $0x1  }
0x13: {  	[smem:$0x3FB5] =	sst s0;
	s0 =	simm.s32 @!p1 $0x0  }
0x14: {  	s2 =	sld [smem:$0x3F99];
	s0 =	simm.s32 @p1 $0x1  }
0x15: {  	[smem:$0x3FB6] =	sst s0;
	s0 =	simm.s32 @!p2 $0x0  }
0x16: {  	s3 =	sld [smem:$0x3FDB];
	s0 =	simm.s32 @p2 $0x1  }
0x17: {  	s4 =	simm.s32 $0x1BF5;
	[smem:$0x3FB8] =	sst s0  }
0x18: {  	s0 =	sld [smem:$0x3F9B];
	_ =	swait.ge [sflag:s4], $0x0  }
0x19: {  	s7 =	sld [smem:$0x3F9C]  }
0x1a: {  	s8 =	sadd.s32 $0xFFFFE003, lr  }
0x1b: {  	s9 =	sadd.s32 $0xFFFFFEF7, lr;
	s5 =	simm.s32 $0xFFFFFFFF;
	p2 =	slt.u32 s8, $0xFFFFF086  }
0x1c: {  	p1 =	slt.u32 s9, $0xF7A;
	s5 =	simm.s32 @!p2 $0x0  }
0x1d: {  	s5 =	simm.s32 @p1 $0x1;
	p0 =	seq.s32 s7, s2  }
0x1e: {  	s7 =	smul.u32 @!p0 $0xF7A, s2;
	p2 =	seq.s32 @!p0 s5, $0x0  }
0x1f: {  	s9 =	smul.u32 $0xF7A, s1;
	s8 =	simm.s32 @!p0 $0x1BF5;
	p2 =	por !p2, p0  }
0x20: {  	[sflag:s8] =	ssyncset.s32 @!p0 $0xFFFFF086;
	s6 =	sadd.s32 @!p0 s3, s7;
	s7 =	simm.s32 @!p0 $0x108  }
0x21: {  	s3 =	sadd.s32 s3, s9;
	s6 =	sadd.s32 @!p0 $0x88, s6;
	s7 =	simm.s32 @p2 $0x1082  }
0x22: {  	[simem:s7], [sflag:s8] =	dma.local @!p0 [hbm:s6], $0xF7A  }
0x23: {  	s9 =	sor.u32 $0xD0000000, s2;
	s6 =	simm.s32 $0x108;
	_ =	swait.ge @!p0 [sflag:s8], $0x0  }
0x24: {  	s3 =	sadd.s32 $0x88, s3;
	s6 =	simm.s32 @!p1 $0x1082;
	[sflag:s4] =	ssyncset.s32 $0xFFFFF086  }
0x25: {  	[simem:s6], [sflag:s4] =	dma.local [hbm:s3], $0xF7A  }
0x26: {  	[smem:$0x3F9C] =	sst s1;
	(tag) =	ssettag s2;
	_ =	strace s9  }
0x27: {  	s1 =	sld [smem:$0x3FAC]  }
0x28: {  	s2 =	sld [smem:$0x3FAD]  }
0x29: {  	s4 =	sld [smem:$0x3FAF]  }
0x2a: {  	p0 =	seq.s32 s5, $0x0;
	s5 =	sld [smem:$0x3FB0]  }
0x2b: {  	s6 =	sld [smem:$0x3FB1]  }
0x2c: {  	s7 =	sld [smem:$0x3FB2]  }
0x2d: {  	s3 =	simm.s32 $0x108;
	s8 =	sld [smem:$0x3FB3]  }
0x2e: {  	s3 =	simm.s32 @!p0 $0x1082;
	s9 =	sld [smem:$0x3FB4]  }
0x2f: {  	lr =	sadd.s32 s0, s3;
	s0 =	sld [smem:$0x3FAB]  }
0x30: {  	s3 =	sld [smem:$0x3FAE]  }
0x31: {  	[smem:$0x3FB7] =	sst s10  }
0x32: {  	s10 =	sld [smem:$0x3FB5];
	_ =	sdelay $0x3  }
0x33: {  	p0 =	seq.s32 s10, $0x1;
	s10 =	sld [smem:$0x3FB7];
	_ =	sdelay $0x3  }
0x34: {  	[smem:$0x3FB7] =	sst s10  }
0x35: {  	s10 =	sld [smem:$0x3FB6];
	_ =	sdelay $0x3  }
0x36: {  	p1 =	seq.s32 s10, $0x1;
	s10 =	sld [smem:$0x3FB7];
	_ =	sdelay $0x3  }
0x37: {  	[smem:$0x3FB7] =	sst s10  }
0x38: {  	s10 =	sld [smem:$0x3FB8]  }
0x39: {  	_ = 	snop;
	(pc) =	sbr.ind lr, $3  }
0x3a: {  	_ = 	snop  }
0x3b: {  	_ = 	snop  }
0x3c: {  	p2 =	seq.s32 s10, $0x1;
	s10 =	sld [smem:$0x3FB7]  }
0x3d: {  	_ =	shalt  }
0x3e: {  	_ =	shalt  }
0x3f: {  	_ =	shalt  }
0x40: {  	_ =	shalt  }
0x41: {  	_ =	shalt  }
0x42: {  	_ =	shalt  }
0x43: {  	_ =	shalt  }
0x44: {  	_ =	shalt  }
0x45: {  	_ =	shalt  }
0x46: {  	_ =	shalt  }
0x47: {  	_ =	shalt  }
0x48: {  	_ =	shalt  }
0x49: {  	_ =	shalt  }
0x4a: {  	_ =	shalt  }
0x4b: {  	_ =	shalt  }
0x4c: {  	_ =	shalt  }
0x4d: {  	_ =	shalt  }
0x4e: {  	_ =	shalt  }
0x4f: {  	_ =	shalt  }
0x50: {  	_ =	shalt  }
0x51: {  	_ =	shalt  }
0x52: {  	_ =	shalt  }
0x53: {  	_ =	shalt  }
0x54: {  	_ =	shalt  }
0x55: {  	_ =	shalt  }
0x56: {  	_ =	shalt  }
0x57: {  	_ =	shalt  }
0x58: {  	_ =	shalt  }
0x59: {  	_ =	shalt  }
0x5a: {  	_ =	shalt  }
0x5b: {  	_ =	shalt  }
0x5c: {  	_ =	shalt  }
0x5d: {  	_ =	shalt  }
0x5e: {  	_ =	shalt  }
0x5f: {  	_ =	shalt  }
0x60: {  	_ =	shalt  }
0x61: {  	_ =	shalt  }
0x62: {  	_ =	shalt  }
0x63: {  	_ =	shalt  }
0x64: {  	_ =	shalt  }
0x65: {  	_ =	shalt  }
0x66: {  	_ =	shalt  }
0x67: {  	_ =	shalt  }
0x68: {  	_ =	shalt  }
0x69: {  	_ =	shalt  }
0x6a: {  	_ =	shalt  }
0x6b: {  	_ =	shalt  }
0x6c: {  	_ =	shalt  }
0x6d: {  	_ =	shalt  }
0x6e: {  	_ =	shalt  }
0x6f: {  	_ =	shalt  }
0x70: {  	_ =	shalt  }
0x71: {  	_ =	shalt  }
0x72: {  	_ =	shalt  }
0x73: {  	_ =	shalt  }
0x74: {  	_ =	shalt  }
0x75: {  	_ =	shalt  }
0x76: {  	_ =	shalt  }
0x77: {  	_ =	shalt  }
0x78: {  	_ =	shalt  }
0x79: {  	_ =	shalt  }
0x7a: {  	_ =	shalt  }
0x7b: {  	_ =	shalt  }
0x7c: {  	_ =	shalt  }
0x7d: {  	_ =	shalt  }
0x7e: {  	_ =	shalt  }
0x7f: {  	_ =	shalt  }
0x80: {  	_ =	shalt  }
0x81: {  	_ =	shalt  }
0x82: {  	_ =	shalt  }
0x83: {  	_ =	shalt  }
0x84: {  	_ =	shalt  }
0x85: {  	_ =	shalt  }
0x86: {  	_ =	shalt  }
0x87: {  	_ =	shalt  }
.Lfunc_end0:
.L_simem_size_0:
called_computation_lowered:
.L_overlay_start_0:
0x88: {  	s2 =	sld [smem:$0x3FD9]  }
0x89: {  	s3 =	sld [smem:$0x3FFE];
	_ =	sdelay $0x1  }
0x8a: {  	s1 =	srdreg.scid  }
0x8b: {  	s0 =	sand.u32 $0x1, s1  }
0x8c: {  	s17 =	sshll.u32 s0, $0xA;
	s2 =	sadd.s32 s3, s2  }
0x8d: {  	s2 =	sadd.s32 s2, s17  }
0x8e: {  	[smem:$0x3FC3] =	sst s2  }
0x8f: {  	_ = 	snop  }
0x90: {  	s2 =	sld [smem:$0x3FC9]  }
0x91: {  	s18 =	sld [smem:$0x3FC8]  }
0x92: {  	s4 =	sld [smem:$0x3FC6]  }
0x93: {  	s5 =	sld [smem:$0x3FC5];
	(tm) =	ssettm $0x1  }
0x94: {  	s6 =	sld [smem:$0x3FFB];
	_ =	sdelay $0x3  }
0x95: {  	_ =	strace s6  }
0x96: {  	s6 =	sld [smem:$0x3FFC];
	_ =	sdelay $0x3  }
0x97: {  	_ =	strace s6  }
0x98: {  	s6 =	sld [smem:$0x3FFD];
	_ =	sdelay $0x3  }
0x99: {  	_ =	strace s6  }
0x9a: {  	_ =	strace $0x8FFFFFFF  }
0x9b: {  	s19 =	sld [smem:$0x3FDB];
	_ =	sdelay $0x1  }
0x9c: {  	s7 =	simm.s32 $_scs_section_size  }
0x9d: {  	s8 =	simm.s32 $_size__tile_overlayer_lowered;
	s9 =	simm.s32 $_tile_overlayer_lowered  }
0x9e: {  	s22 =	simm.s32 $0x1BFF;
	s21 =	sshll.u32 s9, $0x1;
	s6 =	sadd.s32 s7, s19  }
0x9f: {  	s10 =	simm.s32 $0x0;
	s20 =	sshll.u32 s8, $0x1;
	s8 =	sadd.s32 s21, s6  }
0xa0: {  	[timem:s10], [sflag:s22] =	dma.local [hbm:s8], s20  }
0xa1: {  	_ =	swait.ge [sflag:s22], s20  }
0xa2: {  	s7 =	ssub.s32 $0x0, s20;
	[sflag:s22] =	ssyncset.done $0x0  }
0xa3: {  	[sflag:s22] =	ssyncadd.s32 s7;
	_ =	sdelay $0x1  }
0xa4: {  	s23 =	simm.s32 $0x1B8B  }
0xa5: {  	_ =	swait.ge [sflag:s23], $0x1  }
0xa6: {  	[sflag:s23] =	ssyncset.done $0x0  }
0xa7: {  	s25 =	simm.s32 $0x1B8E;
	s24 =	sld [smem:$0x3FFE];
	[sflag:s23] =	ssyncadd.s32 $0xFFFFFFFF  }
0xa8: {  	s26 =	simm.s32 $execute0_lowered;
	[smem:$0x3FD2] =	sst s25  }
0xa9: {  	s8 =	sshll.u32 s26, $0x1;
	_ =	strace $0x80000046;
	[dreg:$0x1] =	wrdreg $0xFFFFFFFF  }
0xaa: {  	s28 =	simm.s32 $_size_execute0_lowered;
	s6 =	sadd.s32 s6, s8;
	[dreg:$0x0] =	wrdreg $0x0  }
0xab: {  	s8 =	sshll.u32 s28, $0x1;
	[dreg:$0x2] =	wrdreg s6  }
0xac: {  	[dreg:$0x3] =	wrdreg s8  }
0xad: {  	[dreg:$0x4] =	wrdreg $0xC0  }
0xae: {  	_ =	task [dreg:s10], $0x5FFFF  }
0xaf: {  	[dreg:$0x1] =	wrdreg $0xFFFFFFFF  }
0xb0: {  	[dreg:$0x0] =	wrdreg $0x60  }
0xb1: {  	[dreg:$0x2] =	wrdreg s2  }
0xb2: {  	[dreg:$0x3] =	wrdreg s18  }
0xb3: {  	[dreg:$0x4] =	wrdreg s4  }
0xb4: {  	[dreg:$0x5] =	wrdreg s5  }
0xb5: {  	[dreg:$0x6] =	wrdreg s24  }
0xb6: {  	[dreg:$0x7] =	wrdreg $0x9  }
0xb7: {  	_ =	task.clear_ibuf [dreg:s10], $0x8FFFF;
	_ =	strace $0x90000046  }
0xb8: {  	s29 =	simm.s32 $0x9;
	_ =	strace $0x80000048  }
0xb9: {  	_ =	swait.ge [sflag:s29], $0x1  }
0xba: {  	[sflag:s29] =	ssyncadd.s32 $0xFFFFFFFF  }
0xbb: {  	_ =	strace $0x90000048  }
0xbc: {  	_ =	sfence  }
0xbd: {  	s30 =	sld [smem:$0x0];
	_ =	sdelay $0x2  }
0xbe: {  	s31 =	sshll.u32 s1, $0xD;
	s1 =	sshrl.u32 s1, $0x2  }
0xbf: {  	s3 =	sand.u32 $0x4000, s31;
	s1 =	sadd.s32 s1, s30  }
0xc0: {  	s0 =	sor.u32 s3, s0;
	s1 =	sshll.u32 s1, $0x11  }
0xc1: {  	s0 =	sor.u32 s1, s0  }
0xc2: {  	s0 =	sadd.s32 $0x8F2B, s0  }
0xc3: {  	[sflag:s0] =	ssyncadd.remote.s32 $0x1  }
0xc4: {  	_ =	sfence.sel $0xFFFF  }
0xc5: {  	[dreg:$0x0] =	wrdreg $0xFFFFFFFF;
	(pc) =	sbr.abs _section_cstart, $3  }
0xc6: {  	[dreg:$0x1] =	wrdreg $0xFFFFFFFF  }
0xc7: {  	_ =	task.clear_ibuf [dreg:s10], $0x2FFFF;
	_ =	strace $0x9FFFFFFF  }
0xc8: {  	(tm) =	ssettm $0x7FFFFFFF  }
0xc9: {  	_ =	shalt  }
tec
execute0_lowered:
.L_overlay_start_1:
0x0: {  	(tag) =	ssettag $0x1  }
0x1: {  	s3 =	rddreg [dreg:$0x2]  }
0x2: {  	s0 =	srdreg.scid;
	s5 =	rddreg [dreg:$0x3]  }
0x3: {  	s1 =	stileid.u32;
	s30 =	rddreg [dreg:$0x4];
	s7 =	simm.s32 $0x0  }
0x4: {  	s13 =	simm.s32 $0xC000;
	s14 =	simm.s32 $0xC200;
	s15 =	simm.s32 $0x8000  }
0x5: {  	s16 =	simm.s32 $0xC300;
	s17 =	simm.s32 $0x3;
	s18 =	simm.s32 $0x400  }
0x6: {  	v2 =	vimm.s32 $0x0;
	v3 =	vlaneseq.u32;
	s19 =	simm.s32 $0x7A1400;
	s0 =	sand.u32 $0x1, s0;
	s1 =	sshll.u32 s1, $0x1  }
0x7: {  	vm11 =	vmmov $0x1;
	v4 =	vimm.s32 $0x1;
	vm10 =	vcmask $0xB08;
	s20 =	simm.s32 $0xC100;
	s22 =	simm.s32 $0x0;
	s1 =	sor.u32 s0, s1  }
0x8: {  	vm9 =	vcmask $0xF0C;
	vm13 =	vcmask $0x1714;
	vm12 =	vcmask $0x1B18;
	[smem:$0x7FF] =	sst s7;
	s8 =	sadd.s32 $0x1000, s30;
	s2 =	smul.u32 $0xF4, s1  }
.Ltmp0:
0x9: {  	vm1 =	vcmask $0x2320;
	vm2 =	vcmask $0x2724;
	vm6 =	vcmask $0x3734;
	s9 =	sadd.s32 $0x21000, s30;
	s0 =	ssub.s32 $0x2, s0;
	(pc) =	sbr.rel .LBB2_1-.Ltmp0, $4  }
0xa: {  	vm7 =	vcmask $0x3B38;
	v9 =	vimm.s32 $0x2;
	v5 =	vmul.u32 $0x80, v3;
	s4 =	smin.u32 s1, $0x5;
	p0 =	slt.u32 s1, $0x5;
	s1 =	simm.s32 $0xF5  }
0xb: {  	v10 =	vimm.s32 $0x3;
	v11 =	vimm.s32 $0x4;
	v12 =	vimm.s32 $0x0;
	s31 =	sshrl.u32 s0, $0x1;
	s1 =	simm.s32 @!p0 $0xF4;
	s4 =	sadd.s32 s4, s2  }
0xc: {  	s10 =	sadd.s32 $0xF4200, s3;
	v12 =	vsel vm11, $0xFFFFFFFF, v12;
	v6 =	vor.u32 $0x800, v5;
	v7 =	vor.u32 $0x1000, v5;
	s0 =	ssub.s32 s0, s31;
	s1 =	sadd.s32 s1, s4  }
0xd: {  	s11 =	sadd.s32 $0xF4200, s5;
	_ =	strace $0x80000047;
	[tilespmem:$0x1FFF0] =	vst v12;
	v8 =	vor.u32 $0x1800, v5;
	s12 =	smax.u32 s0, $0x1;
	v0 =	vmov s4;
	v1 =	vmov s1  }
.LBB2_101:
0xe: {  	s22 =	sadd.s32 $0x1, s22  }
0xf: {  	p0 =	sne.s32 s22, s12  }
.Ltmp1:
0x10: {  	_ = 	snop;
	(pc) =	sbr.rel @!p0 .LBB2_102-.Ltmp1, $1  }
0x11: {  	_ =	sdelay $0x3  }
.LBB2_1:
0x12: {  	s0 =	rddreg [dreg:$0x0]  }
0x13: {  	[tilespmem:s7], [sflag:$0x3] =	stream.linear.gather [hbm4b:s0+s7], $0x4000, $0x38;
	[tilespmem:$0x1A800] =	vst v63  }
0x14: {  	_ =	swait.ge [sflag:s17], $0x4000  }
0x15: {  	[sflag:s17] =	ssyncset.done $0x0  }
0x16: {  	[sflag:s17] =	ssyncadd.s32 $0xFFFFC000  }
0x17: {  	[tilespmem:$0xC000] =	vst v2  }
0x18: {  	[tilespmem:$0xC010] =	vst v2  }
0x19: {  	[tilespmem:$0xC020] =	vst v2  }
0x1a: {  	[tilespmem:$0xC030] =	vst v2  }
0x1b: {  	[tilespmem:$0xC040] =	vst v2  }
0x1c: {  	[tilespmem:$0xC050] =	vst v2  }
0x1d: {  	[tilespmem:$0xC060] =	vst v2  }
0x1e: {  	[tilespmem:$0xC070] =	vst v2  }
0x1f: {  	[tilespmem:$0xC080] =	vst v2  }
0x20: {  	[tilespmem:$0xC090] =	vst v2  }
0x21: {  	[tilespmem:$0xC0A0] =	vst v2  }
0x22: {  	[tilespmem:$0xC0B0] =	vst v2  }
0x23: {  	[tilespmem:$0xC0C0] =	vst v2  }
0x24: {  	vm14 =	vmmov vm6;
	[tilespmem:$0xC0D0] =	vst v2  }
0x25: {  	vm11 =	vmmov vm9;
	vm15 =	vmmov vm12;
	vm8 =	vmmov vm7;
	[tilespmem:$0xC0E0] =	vst v2  }
0x26: {  	s1 =	simm.s32 $0x0;
	s6 =	simm.s32 $0x0;
	vm0 =	vcmask $0x1F1C;
	vm9 =	vmmov vm1;
	vm12 =	vmmov vm2;
	s0 =	simm.s32 $0x0;
	[tilespmem:$0xC0F0] =	vst v2  }
.LBB2_2:
0x27: {  	v12 =	vld [tilespmem:s0+$0x0];
	_ =	sdelay $0x1  }
0x28: {  	v13 =	vld [tilespmem:$0x1FFF0];
	_ =	sdelay $0x2  }
0x29: {  	v12 =	vshrl.u32 v12, $0x7  }
0x2a: {  	vm1 =	vge.u32 v12, v0;
	vm2 =	vlt.u32 v12, v1  }
0x2b: {  	vm1 =	vmand vm1, vm2;
	vm2 =	vnez.u8 v13  }
0x2c: {  	vm3 =	vcmask $0x704;
	v12 =	vsub.s32 v12, v0;
	vm2 =	vmand vm1, vm2  }
0x2d: {  	v12 =	vnsel vm1, $0x0, v12;
	vm3 =	vmand vm1, vm3  }
0x2e: {  	vm4 =	vmand vm1, vm10  }
0x2f: {  	vm6 =	vcmask $0x1310;
	vm5 =	vmand vm1, vm11  }
0x30: {  	v14 =	vor.u32 s1, v3;
	v63 =	vmpcnt.ones.xlane vm1;
	vm6 =	vmand vm1, vm6  }
0x31: {  	[tilespmem:s6+$0x4000] =	vst.msk vm1, v14;
	vm7 =	vmand vm1, vm13  }
0x32: {  	(v2sf) =	vpush v63, $0x0;
	[tilespmem:v12+s13+$0x0] =	vst.idx.add.s32.msk vm2, v4;
	vm2 =	vmand vm1, vm15  }
0x33: {  	[tilespmem:v12+s13+$0x0] =	vst.idx.add.s32.msk vm3, v4;
	vm3 =	vmand vm1, vm0  }
0x34: {  	[tilespmem:v12+s13+$0x0] =	vst.idx.add.s32.msk vm4, v4;
	vm4 =	vmand vm1, vm9  }
0x35: {  	[tilespmem:v12+s13+$0x0] =	vst.idx.add.s32.msk vm5, v4;
	vm5 =	vmand vm1, vm12  }
0x36: {  	[tilespmem:v12+s13+$0x0] =	vst.idx.add.s32.msk vm6, v4;
	vm6 =	vcmask $0x2B28  }
0x37: {  	vm6 =	vmand vm1, vm6;
	[tilespmem:v12+s13+$0x0] =	vst.idx.add.s32.msk vm7, v4;
	vm7 =	vcmask $0x2F2C  }
0x38: {  	vm7 =	vmand vm1, vm7;
	[tilespmem:v12+s13+$0x0] =	vst.idx.add.s32.msk vm2, v4;
	vm2 =	vcmask $0x3330  }
0x39: {  	vm2 =	vmand vm1, vm2;
	[tilespmem:v12+s13+$0x0] =	vst.idx.add.s32.msk vm3, v4  }
0x3a: {  	vm3 =	vmand vm1, vm14;
	[tilespmem:v12+s13+$0x0] =	vst.idx.add.s32.msk vm4, v4  }
0x3b: {  	vm4 =	vmand vm1, vm8;
	[tilespmem:v12+s13+$0x0] =	vst.idx.add.s32.msk vm5, v4;
	vm5 =	vcmask $0x3F3C  }
0x3c: {  	vm1 =	vmand vm1, vm5  }
0x3d: {  	p0 =	sne.s32 s1, $0x3FF0;
	[tilespmem:v12+s13+$0x0] =	vst.idx.add.s32.msk vm6, v4  }
.Ltmp2:
0x3e: {  	[tilespmem:v12+s13+$0x0] =	vst.idx.add.s32.msk vm7, v4;
	(pc) =	sbr.rel @p0 .LBB2_2-.Ltmp2, $4  }
0x3f: {  	[tilespmem:v12+s13+$0x0] =	vst.idx.add.s32.msk vm2, v4  }
0x40: {  	[tilespmem:v12+s13+$0x0] =	vst.idx.add.s32.msk vm3, v4  }
0x41: {  	s2 =	spop (v2sf);
	[tilespmem:v12+s13+$0x0] =	vst.idx.add.s32.msk vm4, v4  }
0x42: {  	s0 =	sadd.s32 $0x10, s0;
	s1 =	sadd.s32 $0x10, s1;
	s6 =	sadd.s32 s6, s2;
	[tilespmem:v12+s13+$0x0] =	vst.idx.add.s32.msk vm1, v4  }
0x43: {  	v12 =	vld [tilespmem:$0x1FFF0];
	_ =	sdelay $0x3  }
0x44: {  	s24 =	simm.s32 $0x0  }
0x45: {  	vm3 =	vmmov vm10;
	s23 =	simm.s32 $0x10;
	vm10 =	vnez.u8 v12;
	v12 =	vld [tilespmem:s24+$0xC000]  }
0x46: {  	v14 =	vld [tilespmem:s23+$0xC000];
	_ =	sdelay $0x3  }
0x47: {  	(xrf0) =	vadd.scan.msk.s32 $0xffff, v12  }
0x48: {  	(xrf0) =	vadd.scan.msk.s32 $0xffff, v14;
	_ =	sdelay $0x4  }
0x49: {  	s0 =	simm.s32 $0x20;
	v15, _, _ =	vpop (xrf0)  }
0x4a: {  	v13 =	vld [tilespmem:s0+$0xC000];
	(v2sf) =	vpush v15, $0xF;
	v16, _, _ =	vpop (xrf0)  }
0x4b: {  	(v2sf) =	vpush v16, $0xF;
	_ =	sdelay $0x3  }
0x4c: {  	s1 =	simm.s32 $0x30;
	(xrf0) =	vadd.scan.msk.s32 $0xffff, v13  }
0x4d: {  	v15 =	vsub.s32 v15, v12;
	v12 =	vld [tilespmem:s1+$0xC000];
	_ =	sdelay $0x3  }
0x4e: {  	vm12 =	vcmask $0x1310;
	s25 =	simm.s32 $0x0;
	s26 =	simm.s32 $0x100;
	v14 =	vsub.s32 v16, v14  }
.LBB2_4:
0x4f: {  	s2 =	sshra.s32 s26, $0x2;
	p0 =	sne.s32 s26, $0x3C0;
	s26 =	sadd.s32 $0x40, s26;
	(xrf0) =	vadd.scan.msk.s32 $0xffff, v12;
	v16, _, _ =	vpop (xrf0);
	v17 =	vadd.s32 s25, v15;
	v15 =	vmov v14  }
.Ltmp3:
0x50: {  	v14 =	vsub.s32 v16, v13;
	(v2sf) =	vpush v16, $0xF;
	[tilespmem:s24+$0xC100] =	vst v17;
	v13 =	vmov v12;
	v12 =	vld [tilespmem:s2+$0xC000];
	(pc) =	sbr.rel @p0 .LBB2_4-.Ltmp3, $4  }
0x51: {  	[tilespmem:s24+$0xC200] =	vst v17;
	s24 =	smov.u32 s23;
	s23 =	smov.u32 s0;
	s0 =	smov.u32 s1  }
0x52: {  	s1 =	smov.u32 s2  }
0x53: {  	s2 =	spop (v2sf)  }
0x54: {  	s25 =	sadd.s32 s25, s2  }
0x55: {  	(xrf0) =	vadd.scan.msk.s32 $0xffff, v12;
	_ =	sdelay $0x1  }
0x56: {  	v16, _, _ =	vpop (xrf0)  }
0x57: {  	(v2sf) =	vpush v16, $0xF;
	_ =	sdelay $0x2  }
0x58: {  	v17, _, _ =	vpop (xrf0)  }
0x59: {  	(v2sf) =	vpush v17, $0xF;
	_ =	sdelay $0x1  }
0x5a: {  	s2 =	spop (v2sf)  }
0x5b: {  	v15 =	vadd.s32 s25, v15;
	s26 =	sadd.s32 $0xF, s6;
	s2 =	sadd.s32 s25, s2;
	s28 =	spop (v2sf)  }
0x5c: {  	[tilespmem:s24+$0xC100] =	vst v15;
	s25 =	sadd.s32 s2, s28;
	s28 =	sand.u32 $0xF, s26  }
0x5d: {  	[tilespmem:s24+$0xC200] =	vst v15;
	s29 =	sshra.s32 s26, $0x1F;
	p0 =	slt.s32 s26, $0x1;
	v14 =	vadd.s32 s2, v14;
	p1 =	sne.s32 s28, $0x0  }
0x5e: {  	v13 =	vsub.s32 v16, v13;
	[tilespmem:s23+$0xC100] =	vst v14;
	s2 =	sshrl.u32 s29, $0x1C;
	p0 =	por !p0, !p1  }
0x5f: {  	[tilespmem:s23+$0xC200] =	vst v14;
	s23 =	simm.s32 $0x1;
	v13 =	vadd.s32 s25, v13;
	s2 =	sadd.s32 s2, s26;
	p0 =	por !p0, !p0  }
0x60: {  	[tilespmem:s0+$0xC100] =	vst v13;
	s2 =	sshra.s32 s2, $0x4;
	s23 =	simm.s32 @!p0 $0x0  }
0x61: {  	[tilespmem:s0+$0xC200] =	vst v13;
	s0 =	ssub.s32 s2, s23  }
0x62: {  	p0 =	slt.s32 s0, $0x1  }
.Ltmp4:
0x63: {  	s30 =	spop (v2sf);
	(pc) =	sbr.rel @p0 .LBB2_8-.Ltmp4, $4  }
0x64: {  	vm5 =	vcmask $0x2F2C;
	v63 =	vsub.s32 v17, v12;
	s24 =	sadd.s32 s25, s30  }
0x65: {  	vm0 =	vcmask $0x3330;
	vm6 =	vcmask $0x3734;
	v12 =	vadd.s32 s24, v63  }
0x66: {  	vm7 =	vcmask $0x3B38;
	vm8 =	vcmask $0x3F3C;
	vm14 =	vmmov vm13;
	[tilespmem:s1+$0xC100] =	vst v12  }
0x67: {  	vm13 =	vcmask $0x1F1C;
	vm4 =	vcmask $0x2320;
	vm9 =	vcmask $0x2724;
	[tilespmem:s1+$0xC200] =	vst v12;
	s31 =	spop (v2sf)  }
0x68: {  	v12 =	vmov s6;
	s1 =	simm.s32 $0x4000;
	s6 =	simm.s32 $0x0  }
.LBB2_7:
0x69: {  	v13 =	vld [tilespmem:s1+$0x0];
	_ =	sdelay $0x2  }
0x6a: {  	v14 =	vor.u32 s6, v3  }
0x6b: {  	vm1 =	vlt.s32 v14, v12  }
0x6c: {  	v13 =	vnsel vm1, $0x0, v13;
	_ =	sdelay $0x4  }
0x6d: {  	v14 =	vld.idx.msk [tilespmem:v13+s7+$0x0], $0xffff;
	_ =	sdelay $0x4  }
0x6e: {  	v15 =	vshrl.u32 v14, $0x7  }
0x6f: {  	v15 =	vsub.s32 v15, v0  }
0x70: {  	v15 =	vnsel vm1, $0x0, v15;
	_ =	sdelay $0x4  }
0x71: {  	v16 =	vld.idx.msk [tilespmem:v15+s14+$0x0], $0xffff;
	_ =	sdelay $0x1  }
0x72: {  	vm2 =	vmand vm1, vm10;
	_ =	sdelay $0x2  }
0x73: {  	v14 =	vshll.u32 v14, $0xE  }
0x74: {  	v14 =	vand.u32 $0x1FC000, v14  }
0x75: {  	v13 =	vor.u32 v13, v14  }
0x76: {  	[tilespmem:v16+s15+$0x0] =	vst.idx.msk vm2, v13  }
0x77: {  	[tilespmem:v15+s14+$0x0] =	vst.idx.add.s32.msk vm2, v4  }
0x78: {  	v14 =	vld.idx.msk [tilespmem:v15+s14+$0x0], $0xffff  }
0x79: {  	vm2 =	vcmask $0x704  }
0x7a: {  	vm2 =	vmand vm1, vm2;
	_ =	sdelay $0x5  }
0x7b: {  	[tilespmem:v14+s15+$0x0] =	vst.idx.msk vm2, v13  }
0x7c: {  	[tilespmem:v15+s14+$0x0] =	vst.idx.add.s32.msk vm2, v4  }
0x7d: {  	v14 =	vld.idx.msk [tilespmem:v15+s14+$0x0], $0xffff;
	_ =	sdelay $0x1  }
0x7e: {  	vm2 =	vmand vm1, vm3;
	_ =	sdelay $0x5  }
0x7f: {  	[tilespmem:v14+s15+$0x0] =	vst.idx.msk vm2, v13  }
0x80: {  	[tilespmem:v15+s14+$0x0] =	vst.idx.add.s32.msk vm2, v4  }
0x81: {  	v14 =	vld.idx.msk [tilespmem:v15+s14+$0x0], $0xffff;
	_ =	sdelay $0x1  }
0x82: {  	vm2 =	vmand vm1, vm11;
	_ =	sdelay $0x5  }
0x83: {  	[tilespmem:v14+s15+$0x0] =	vst.idx.msk vm2, v13  }
0x84: {  	[tilespmem:v15+s14+$0x0] =	vst.idx.add.s32.msk vm2, v4  }
0x85: {  	v14 =	vld.idx.msk [tilespmem:v15+s14+$0x0], $0xffff;
	_ =	sdelay $0x1  }
0x86: {  	vm2 =	vmand vm1, vm12;
	_ =	sdelay $0x5  }
0x87: {  	[tilespmem:v14+s15+$0x0] =	vst.idx.msk vm2, v13  }
0x88: {  	[tilespmem:v15+s14+$0x0] =	vst.idx.add.s32.msk vm2, v4  }
0x89: {  	v14 =	vld.idx.msk [tilespmem:v15+s14+$0x0], $0xffff;
	_ =	sdelay $0x1  }
0x8a: {  	vm2 =	vmand vm1, vm14;
	_ =	sdelay $0x5  }
0x8b: {  	[tilespmem:v14+s15+$0x0] =	vst.idx.msk vm2, v13  }
0x8c: {  	[tilespmem:v15+s14+$0x0] =	vst.idx.add.s32.msk vm2, v4  }
0x8d: {  	v14 =	vld.idx.msk [tilespmem:v15+s14+$0x0], $0xffff;
	_ =	sdelay $0x1  }
0x8e: {  	vm2 =	vmand vm1, vm15;
	_ =	sdelay $0x5  }
0x8f: {  	[tilespmem:v14+s15+$0x0] =	vst.idx.msk vm2, v13  }
0x90: {  	[tilespmem:v15+s14+$0x0] =	vst.idx.add.s32.msk vm2, v4  }
0x91: {  	v14 =	vld.idx.msk [tilespmem:v15+s14+$0x0], $0xffff;
	_ =	sdelay $0x1  }
0x92: {  	vm2 =	vmand vm1, vm13;
	_ =	sdelay $0x5  }
0x93: {  	[tilespmem:v14+s15+$0x0] =	vst.idx.msk vm2, v13  }
0x94: {  	[tilespmem:v15+s14+$0x0] =	vst.idx.add.s32.msk vm2, v4  }
0x95: {  	v14 =	vld.idx.msk [tilespmem:v15+s14+$0x0], $0xffff;
	_ =	sdelay $0x1  }
0x96: {  	vm2 =	vmand vm1, vm4;
	_ =	sdelay $0x5  }
0x97: {  	[tilespmem:v14+s15+$0x0] =	vst.idx.msk vm2, v13  }
0x98: {  	[tilespmem:v15+s14+$0x0] =	vst.idx.add.s32.msk vm2, v4  }
0x99: {  	v14 =	vld.idx.msk [tilespmem:v15+s14+$0x0], $0xffff;
	_ =	sdelay $0x1  }
0x9a: {  	vm2 =	vmand vm1, vm9;
	_ =	sdelay $0x5  }
0x9b: {  	[tilespmem:v14+s15+$0x0] =	vst.idx.msk vm2, v13  }
0x9c: {  	[tilespmem:v15+s14+$0x0] =	vst.idx.add.s32.msk vm2, v4  }
0x9d: {  	v14 =	vld.idx.msk [tilespmem:v15+s14+$0x0], $0xffff  }
0x9e: {  	vm2 =	vcmask $0x2B28  }
0x9f: {  	vm2 =	vmand vm1, vm2;
	_ =	sdelay $0x5  }
0xa0: {  	[tilespmem:v14+s15+$0x0] =	vst.idx.msk vm2, v13  }
0xa1: {  	[tilespmem:v15+s14+$0x0] =	vst.idx.add.s32.msk vm2, v4  }
0xa2: {  	v14 =	vld.idx.msk [tilespmem:v15+s14+$0x0], $0xffff;
	_ =	sdelay $0x1  }
0xa3: {  	vm2 =	vmand vm1, vm5;
	_ =	sdelay $0x5  }
0xa4: {  	[tilespmem:v14+s15+$0x0] =	vst.idx.msk vm2, v13  }
0xa5: {  	[tilespmem:v15+s14+$0x0] =	vst.idx.add.s32.msk vm2, v4  }
0xa6: {  	v14 =	vld.idx.msk [tilespmem:v15+s14+$0x0], $0xffff;
	_ =	sdelay $0x1  }
0xa7: {  	vm2 =	vmand vm1, vm0;
	_ =	sdelay $0x5  }
0xa8: {  	[tilespmem:v14+s15+$0x0] =	vst.idx.msk vm2, v13  }
0xa9: {  	[tilespmem:v15+s14+$0x0] =	vst.idx.add.s32.msk vm2, v4  }
0xaa: {  	v14 =	vld.idx.msk [tilespmem:v15+s14+$0x0], $0xffff;
	_ =	sdelay $0x1  }
0xab: {  	vm2 =	vmand vm1, vm6;
	_ =	sdelay $0x5  }
0xac: {  	[tilespmem:v14+s15+$0x0] =	vst.idx.msk vm2, v13  }
0xad: {  	[tilespmem:v15+s14+$0x0] =	vst.idx.add.s32.msk vm2, v4  }
0xae: {  	v14 =	vld.idx.msk [tilespmem:v15+s14+$0x0], $0xffff;
	_ =	sdelay $0x1  }
0xaf: {  	vm2 =	vmand vm1, vm7;
	_ =	sdelay $0x5  }
0xb0: {  	[tilespmem:v14+s15+$0x0] =	vst.idx.msk vm2, v13  }
0xb1: {  	[tilespmem:v15+s14+$0x0] =	vst.idx.add.s32.msk vm2, v4  }
0xb2: {  	v14 =	vld.idx.msk [tilespmem:v15+s14+$0x0], $0xffff;
	_ =	sdelay $0x1  }
0xb3: {  	vm1 =	vmand vm1, vm8;
	_ =	sdelay $0x1  }
0xb4: {  	p0 =	sne.s32 s0, $0x1  }
.Ltmp5:
0xb5: {  	_ = 	snop;
	(pc) =	sbr.rel @p0 .LBB2_7-.Ltmp5, $3  }
0xb6: {  	_ =	sdelay $0x1  }
0xb7: {  	[tilespmem:v14+s15+$0x0] =	vst.idx.msk vm1, v13  }
0xb8: {  	s1 =	sadd.s32 $0x10, s1;
	s6 =	sadd.s32 $0x10, s6;
	s0 =	sadd.s32 $0xFFFFFFFF, s0;
	[tilespmem:v15+s14+$0x0] =	vst.idx.add.s32.msk vm1, v4  }
.LBB2_8:
0xb9: {  	s0 =	simm.s32 $0xC000  }
0xba: {  	v12 =	vld [tilespmem:s0+$0x0];
	_ =	sdelay $0x4  }
0xbb: {  	vm1 =	vgt.s32 v12, $0x0  }
0xbc: {  	v12 =	vmpcnt.ones.xlane vm1;
	_ =	sdelay $0x1  }
0xbd: {  	(v2sf) =	vpush v12, $0x0;
	_ =	sdelay $0x4  }
0xbe: {  	s0 =	simm.s32 $0x0  }
0xbf: {  	v13 =	vor.u32 s0, v3  }
0xc0: {  	s6 =	simm.s32 $0xC010;
	[tilespmem:s0+$0xC300] =	vst.msk vm1, v13  }
0xc1: {  	s1 =	simm.s32 $0x10;
	s23 =	simm.s32 $0x20;
	v12 =	vld [tilespmem:s6+$0x0]  }
.LBB2_9:
0xc2: {  	p0 =	sne.s32 s23, $0xF0;
	_ =	sdelay $0x3  }
0xc3: {  	vm1 =	vgt.s32 v12, $0x0  }
0xc4: {  	v12 =	vmpcnt.ones.xlane vm1  }
0xc5: {  	s2 =	spop (v2sf)  }
0xc6: {  	v13 =	vor.u32 s1, v3;
	s1 =	smov.u32 s23;
	(v2sf) =	vpush v12, $0x0;
	s0 =	sadd.s32 s0, s2  }
0xc7: {  	[tilespmem:s0+$0xC300] =	vst.msk vm1, v13;
	_ =	sdelay $0x2  }
.Ltmp6:
0xc8: {  	(pc) =	sbr.rel @p0 .LBB2_9-.Ltmp6, $3  }
0xc9: {  	_ =	sdelay $0x1  }
0xca: {  	s6 =	sadd.s32 $0x10, s6  }
0xcb: {  	s23 =	sadd.s32 $0x10, s23;
	v12 =	vld [tilespmem:s6+$0x0]  }
0xcc: {  	_ =	sdelay $0x3  }
0xcd: {  	vm1 =	vgt.s32 v12, $0x0  }
0xce: {  	v12 =	vmpcnt.ones.xlane vm1;
	_ =	sdelay $0x1  }
0xcf: {  	(v2sf) =	vpush v12, $0x0;
	_ =	sdelay $0xd  }
0xd0: {  	s2 =	spop (v2sf)  }
0xd1: {  	s0 =	sadd.s32 s0, s2;
	s31 =	spop (v2sf)  }
0xd2: {  	s23 =	sadd.s32 s0, s31  }
0xd3: {  	p0 =	slt.s32 s23, $0x1  }
.Ltmp7:
0xd4: {  	_ = 	snop;
	(pc) =	sbr.rel @p0 .LBB2_51-.Ltmp7, $3  }
0xd5: {  	_ =	sdelay $0x1  }
0xd6: {  	v63 =	vor.u32 s1, v3  }
0xd7: {  	vm0 =	vcmask $0x704;
	[tilespmem:s0+$0xC300] =	vst.msk vm1, v63  }
0xd8: {  	v12 =	vld.msk [tilespmem:s16+$0x0], $0xffff;
	_ =	sdelay $0x4  }
0xd9: {  	(v2sf) =	vpush v12, $0x0;
	_ =	sdelay $0xe  }
0xda: {  	s0 =	spop (v2sf)  }
0xdb: {  	s0 =	sadd.s32 s4, s0  }
0xdc: {  	p0 =	sgt.s32 s0, $0x1E83  }
.Ltmp8:
0xdd: {  	_ = 	snop;
	(pc) =	sbr.rel @p0 .LBB2_13-.Ltmp8, $1  }
0xde: {  	_ =	sdelay $0x3  }
.Ltmp9:
0xdf: {  	(pc) =	sbr.rel .LBB2_14-.Ltmp9, $4  }
0xe0: {  	_ = 	snop  }
0xe1: {  	s0 =	sshll.u32 s0, $0x7  }
0xe2: {  	s0 =	sand.u32 $0x1FFFFF80, s0  }
0xe3: {  	s1 =	simm.s32 $0xC400;
	s0 =	sadd.s32 s3, s0  }
.LBB2_13:
0xe4: {  	p0 =	sne.s32 s0, $0x1E84  }
.Ltmp10:
0xe5: {  	_ = 	snop;
	(pc) =	sbr.rel @p0 .LBB2_15-.Ltmp10, $2  }
0xe6: {  	_ =	sdelay $0x2  }
0xe7: {  	s1 =	simm.s32 $0x18400;
	s0 =	smov.u32 s10  }
.LBB2_14:
0xe8: {  	[tilespmem:s1], [sflag:$0x1] =	stream.strided.gather [hbm4b:s0+s18], $0x2000, s19, s18, $0x38;
	[tilespmem:$0x1A800] =	vst v63  }
.LBB2_15:
0xe9: {  	p0 =	seq.s32 s23, $0x1  }
.Ltmp11:
0xea: {  	_ = 	snop;
	(pc) =	sbr.rel @p0 .LBB2_35-.Ltmp11, $1  }
0xeb: {  	_ =	sdelay $0x3  }
0xec: {  	_ =	sdelay $0x3  }
0xed: {  	v12 =	vld.idx.msk [tilespmem:v4+s16+$0x0], $0xffff;
	_ =	sdelay $0x4  }
0xee: {  	(v2sf) =	vpush v12, $0x0;
	_ =	sdelay $0xe  }
0xef: {  	s0 =	spop (v2sf)  }
0xf0: {  	s0 =	sadd.s32 s4, s0  }
0xf1: {  	p0 =	sgt.s32 s0, $0x1E83  }
.Ltmp12:
0xf2: {  	_ = 	snop;
	(pc) =	sbr.rel @p0 .LBB2_18-.Ltmp12, $1  }
0xf3: {  	_ =	sdelay $0x3  }
.Ltmp13:
0xf4: {  	(pc) =	sbr.rel .LBB2_19-.Ltmp13, $4  }
0xf5: {  	_ = 	snop  }
0xf6: {  	s0 =	sshll.u32 s0, $0x7  }
0xf7: {  	s0 =	sand.u32 $0x1FFFFF80, s0  }
0xf8: {  	s1 =	simm.s32 $0xE400;
	s0 =	sadd.s32 s3, s0  }
.LBB2_18:
0xf9: {  	p0 =	sne.s32 s0, $0x1E84  }
.Ltmp14:
0xfa: {  	_ = 	snop;
	(pc) =	sbr.rel @p0 .LBB2_20-.Ltmp14, $2  }
0xfb: {  	_ =	sdelay $0x2  }
0xfc: {  	s1 =	simm.s32 $0x18400;
	s0 =	smov.u32 s10  }
.LBB2_19:
0xfd: {  	[tilespmem:s1], [sflag:$0x1] =	stream.strided.gather [hbm4b:s0+s18], $0x2000, s19, s18, $0x38;
	[tilespmem:$0x1A800] =	vst v63  }
.LBB2_20:
0xfe: {  	p0 =	slt.u32 s23, $0x3  }
.Ltmp15:
0xff: {  	_ = 	snop;
	(pc) =	sbr.rel @p0 .LBB2_35-.Ltmp15, $1  }
0x100: {  	_ =	sdelay $0x3  }
0x101: {  	_ =	sdelay $0x3  }
0x102: {  	v12 =	vld.idx.msk [tilespmem:v9+s16+$0x0], $0xffff;
	_ =	sdelay $0x4  }
0x103: {  	(v2sf) =	vpush v12, $0x0;
	_ =	sdelay $0xe  }
0x104: {  	s0 =	spop (v2sf)  }
0x105: {  	s0 =	sadd.s32 s4, s0  }
0x106: {  	p0 =	sgt.s32 s0, $0x1E83  }
.Ltmp16:
0x107: {  	_ = 	snop;
	(pc) =	sbr.rel @p0 .LBB2_23-.Ltmp16, $1  }
0x108: {  	_ =	sdelay $0x3  }
.Ltmp17:
0x109: {  	(pc) =	sbr.rel .LBB2_24-.Ltmp17, $4  }
0x10a: {  	_ = 	snop  }
0x10b: {  	s0 =	sshll.u32 s0, $0x7  }
0x10c: {  	s0 =	sand.u32 $0x1FFFFF80, s0  }
0x10d: {  	s1 =	simm.s32 $0x10400;
	s0 =	sadd.s32 s3, s0  }
.LBB2_23:
0x10e: {  	p0 =	sne.s32 s0, $0x1E84  }
.Ltmp18:
0x10f: {  	_ = 	snop;
	(pc) =	sbr.rel @p0 .LBB2_25-.Ltmp18, $2  }
0x110: {  	_ =	sdelay $0x2  }
0x111: {  	s1 =	simm.s32 $0x18400;
	s0 =	smov.u32 s10  }
.LBB2_24:
0x112: {  	[tilespmem:s1], [sflag:$0x1] =	stream.strided.gather [hbm4b:s0+s18], $0x2000, s19, s18, $0x38;
	[tilespmem:$0x1A800] =	vst v63  }
.LBB2_25:
0x113: {  	p0 =	seq.s32 s23, $0x3  }
.Ltmp19:
0x114: {  	_ = 	snop;
	(pc) =	sbr.rel @p0 .LBB2_35-.Ltmp19, $1  }
0x115: {  	_ =	sdelay $0x3  }
0x116: {  	_ =	sdelay $0x3  }
0x117: {  	v12 =	vld.idx.msk [tilespmem:v10+s16+$0x0], $0xffff;
	_ =	sdelay $0x4  }
0x118: {  	(v2sf) =	vpush v12, $0x0;
	_ =	sdelay $0xe  }
0x119: {  	s0 =	spop (v2sf)  }
0x11a: {  	s0 =	sadd.s32 s4, s0  }
0x11b: {  	p0 =	sgt.s32 s0, $0x1E83  }
.Ltmp20:
0x11c: {  	_ = 	snop;
	(pc) =	sbr.rel @p0 .LBB2_28-.Ltmp20, $1  }
0x11d: {  	_ =	sdelay $0x3  }
.Ltmp21:
0x11e: {  	(pc) =	sbr.rel .LBB2_29-.Ltmp21, $4  }
0x11f: {  	_ = 	snop  }
0x120: {  	s0 =	sshll.u32 s0, $0x7  }
0x121: {  	s0 =	sand.u32 $0x1FFFFF80, s0  }
0x122: {  	s1 =	simm.s32 $0x12400;
	s0 =	sadd.s32 s3, s0  }
.LBB2_28:
0x123: {  	p0 =	sne.s32 s0, $0x1E84  }
.Ltmp22:
0x124: {  	_ = 	snop;
	(pc) =	sbr.rel @p0 .LBB2_30-.Ltmp22, $2  }
0x125: {  	_ =	sdelay $0x2  }
0x126: {  	s1 =	simm.s32 $0x18400;
	s0 =	smov.u32 s10  }
.LBB2_29:
0x127: {  	[tilespmem:s1], [sflag:$0x1] =	stream.strided.gather [hbm4b:s0+s18], $0x2000, s19, s18, $0x38;
	[tilespmem:$0x1A800] =	vst v63  }
.LBB2_30:
0x128: {  	p0 =	slt.u32 s23, $0x5  }
.Ltmp23:
0x129: {  	_ = 	snop;
	(pc) =	sbr.rel @p0 .LBB2_35-.Ltmp23, $1  }
0x12a: {  	_ =	sdelay $0x3  }
0x12b: {  	_ =	sdelay $0x3  }
0x12c: {  	v12 =	vld.idx.msk [tilespmem:v11+s16+$0x0], $0xffff;
	_ =	sdelay $0x4  }
0x12d: {  	(v2sf) =	vpush v12, $0x0;
	_ =	sdelay $0xe  }
0x12e: {  	s0 =	spop (v2sf)  }
0x12f: {  	s0 =	sadd.s32 s4, s0  }
0x130: {  	p0 =	sgt.s32 s0, $0x1E83  }
.Ltmp24:
0x131: {  	_ = 	snop;
	(pc) =	sbr.rel @p0 .LBB2_33-.Ltmp24, $1  }
0x132: {  	_ =	sdelay $0x3  }
.Ltmp25:
0x133: {  	(pc) =	sbr.rel .LBB2_34-.Ltmp25, $4  }
0x134: {  	_ = 	snop  }
0x135: {  	s0 =	sshll.u32 s0, $0x7  }
0x136: {  	s0 =	sand.u32 $0x1FFFFF80, s0  }
0x137: {  	s1 =	simm.s32 $0x14400;
	s0 =	sadd.s32 s3, s0  }
.LBB2_33:
0x138: {  	p0 =	sne.s32 s0, $0x1E84  }
.Ltmp26:
0x139: {  	_ = 	snop;
	(pc) =	sbr.rel @p0 .LBB2_35-.Ltmp26, $2  }
0x13a: {  	_ =	sdelay $0x2  }
0x13b: {  	s1 =	simm.s32 $0x18400;
	s0 =	smov.u32 s10  }
.LBB2_34:
0x13c: {  	[tilespmem:s1], [sflag:$0x1] =	stream.strided.gather [hbm4b:s0+s18], $0x2000, s19, s18, $0x38;
	[tilespmem:$0x1A800] =	vst v63  }
.LBB2_35:
.Ltmp27:
0x13d: {  	(pc) =	sbr.rel .LBB2_36-.Ltmp27, $2  }
0x13e: {  	_ =	sdelay $0x2  }
0x13f: {  	s26 =	simm.s32 $0x0;
	s24 =	simm.s32 $0x0  }
.LBB2_42:
0x140: {  	s25 =	smov.u32 s26  }
.LBB2_48:
0x141: {  	s24 =	sadd.s32 $0x1, s24  }
0x142: {  	p0 =	sne.s32 s24, s23  }
.Ltmp28:
0x143: {  	_ = 	snop;
	(pc) =	sbr.rel @!p0 .LBB2_49-.Ltmp28, $1  }
0x144: {  	_ =	sdelay $0x3  }
.LBB2_36:
0x145: {  	v12 =	vmov s24;
	_ =	sdelay $0x4  }
0x146: {  	v12 =	vld.idx.msk [tilespmem:v12+s16+$0x0], $0xffff;
	_ =	sdelay $0x4  }
0x147: {  	(v2sf) =	vpush v12, $0x0;
	_ =	sdelay $0x8  }
0x148: {  	s1 =	sadd.s32 $0x5, s24  }
0x149: {  	p0 =	sge.s32 s1, s23  }
.Ltmp29:
0x14a: {  	_ = 	snop;
	(pc) =	sbr.rel @p0 .LBB2_41-.Ltmp29, $2  }
0x14b: {  	_ =	sdelay $0x2  }
0x14c: {  	s0 =	spop (v2sf)  }
0x14d: {  	v13 =	vmov s1;
	_ =	sdelay $0x4  }
0x14e: {  	v13 =	vld.idx.msk [tilespmem:v13+s16+$0x0], $0xffff;
	_ =	sdelay $0x4  }
0x14f: {  	(v2sf) =	vpush v13, $0x0;
	_ =	sdelay $0xe  }
0x150: {  	s2 =	spop (v2sf)  }
0x151: {  	s2 =	sadd.s32 s4, s2  }
0x152: {  	p0 =	sgt.s32 s2, $0x1E83  }
.Ltmp30:
0x153: {  	_ = 	snop;
	(pc) =	sbr.rel @p0 .LBB2_39-.Ltmp30, $1  }
0x154: {  	_ =	sdelay $0x3  }
0x155: {  	s6 =	smulhi.u32 $0x2AAAAAAB, s1;
	s25 =	sshra.s32 s1, $0x1F  }
0x156: {  	s25 =	smul.u32 $0x2AAAAAAB, s25;
	_ =	sdelay $0x1  }
0x157: {  	s6 =	sadd.s32 s25, s6  }
0x158: {  	s25 =	sshrl.u32 s6, $0x1F  }
0x159: {  	s6 =	sadd.s32 s25, s6  }
0x15a: {  	s6 =	smul.u32 $0x6, s6  }
.Ltmp31:
0x15b: {  	_ = 	snop;
	(pc) =	sbr.rel .LBB2_40-.Ltmp31, $4  }
0x15c: {  	s31 =	ssub.s32 s1, s6  }
0x15d: {  	s2 =	sshll.u32 s2, $0x7;
	s1 =	sshll.u32 s31, $0xF  }
0x15e: {  	s2 =	sand.u32 $0x1FFFFF80, s2;
	s1 =	sshra.s32 s1, $0x2  }
0x15f: {  	s2 =	sadd.s32 s3, s2;
	s1 =	sadd.s32 $0xC400, s1  }
.LBB2_39:
0x160: {  	p0 =	sne.s32 s2, $0x1E84  }
.Ltmp32:
0x161: {  	_ = 	snop;
	(pc) =	sbr.rel @p0 .LBB2_41-.Ltmp32, $2  }
0x162: {  	_ =	sdelay $0x2  }
0x163: {  	s1 =	simm.s32 $0x18400;
	s2 =	smov.u32 s10  }
.LBB2_40:
0x164: {  	[tilespmem:s1], [sflag:$0x1] =	stream.strided.gather [hbm4b:s2+s18], $0x2000, s19, s18, $0x38;
	[tilespmem:$0x1A800] =	vst v63  }
.LBB2_41:
0x165: {  	s1 =	sadd.s32 s4, s0;
	v12 =	vbroadcast v12, $0x0  }
0x166: {  	p1 =	sgt.s32 s1, $0x1E84  }
0x167: {  	s0 =	simm.s32 @!p1 $0x1  }
0x168: {  	_ =	swait.ge @!p1 [sflag:s0], $0x2000  }
0x169: {  	[sflag:s0] =	ssyncset.done @!p1 $0x0  }
0x16a: {  	[sflag:s0] =	ssyncadd.s32 @!p1 $0xFFFFE000  }
0x16b: {  	v13 =	vld.idx.msk [tilespmem:v12+s20+$0x0], $0xffff  }
0x16c: {  	v12 =	vld.idx.msk [tilespmem:v12+s13+$0x0], $0xffff;
	_ =	sdelay $0x3  }
0x16d: {  	(v2sf) =	vpush v13, $0x0  }
0x16e: {  	(v2sf) =	vpush v12, $0x0;
	_ =	sdelay $0xd  }
0x16f: {  	s0 =	spop (v2sf)  }
0x170: {  	s2 =	spop (v2sf)  }
0x171: {  	s6 =	sadd.s32 s0, s2  }
0x172: {  	p0 =	sge.s32 s0, s6  }
.Ltmp33:
0x173: {  	_ = 	snop;
	(pc) =	sbr.rel @p0 .LBB2_42-.Ltmp33, $1  }
0x174: {  	_ =	sdelay $0x3  }
0x175: {  	s6 =	smulhi.u32 $0xAAAAAAAB, s24  }
0x176: {  	p2 =	seq.s32 @!p1 s1, $0x1E84  }
0x177: {  	p0 =	por $0x0, $0x0;
	s1 =	sadd.s32 $0xFFFFFFFF, s2;
	s6 =	sshrl.u32 s6, $0x2  }
0x178: {  	p0 =	por @!p1 p2, p2;
	p2 =	sne.s32 s1, $0x0;
	s6 =	smul.u32 $0x6, s6  }
.Ltmp34:
0x179: {  	_ = 	snop;
	(pc) =	sbr.rel @!p2 .LBB2_44-.Ltmp34, $4  }
0x17a: {  	s6 =	ssub.s32 s24, s6  }
0x17b: {  	s6 =	sshll.u32 s6, $0xD  }
0x17c: {  	v20 =	vmov s0;
	v15 =	vor.u32 s6, v5  }
0x17d: {  	s25 =	sadd.s32 s26, s2;
	s28 =	sshll.u32 s26, $0x9;
	p1 =	por $0x0, $0x0;
	v14 =	vor.u32 s6, v6;
	v13 =	vor.u32 s6, v7;
	v12 =	vor.u32 s6, v8  }
0x17e: {  	_ =	sdelay $0x3  }
0x17f: {  	v16 =	vld.idx.msk [tilespmem:v20+s15+$0x0], $0xffff;
	_ =	sdelay $0x4  }
0x180: {  	(v2sf) =	vpush v16, $0x0;
	_ =	sdelay $0xe  }
0x181: {  	s2 =	spop (v2sf)  }
0x182: {  	s6 =	sshrl.u32 s2, $0xE  }
0x183: {  	v17 =	vlaneseq.u32 @p0;
	v16 =	vmov s6  }
0x184: {  	v20 =	vand.u32 $0x3FF80, v16;
	v21 =	vand.u32 $0x7F, v16;
	v16 =	vmul.u32 @p0 $0x80, v17  }
0x185: {  	v19 =	vadd.s32 @p0 v21, v20  }
0x186: {  	p1 =	slt.s32 s26, $0x8;
	v17 =	vadd.s32 @p0 v16, v19  }
0x187: {  	s6 =	simm.s32 @!p1 $0x2  }
0x188: {  	_ =	swait.ge @!p1 [sflag:s6], $0x40  }
0x189: {  	[sflag:s6] =	ssyncset.done @!p1 $0x0  }
0x18a: {  	s29 =	simm.s32 @p0 $0x18400;
	[sflag:s6] =	ssyncadd.s32 @!p1 $0xFFFFFFC0  }
0x18b: {  	v18 =	vld.idx.msk @p0 [tilespmem:v17+s29+$0x0], $0xffff;
	v17 =	vor.u32 @p0 $0x800, v16  }
0x18c: {  	v22 =	vadd.s32 @p0 v17, v19;
	_ =	sdelay $0x1  }
0x18d: {  	s21 =	sshrl.u32 s28, $0x2  }
0x18e: {  	s21 =	sand.u32 $0x380, s21  }
0x18f: {  	[tilespmem:s21+$0x1A400] =	vst @p0 v18  }
0x190: {  	v18 =	vor.u32 @p0 $0x1000, v16;
	v22 =	vld.idx.msk @p0 [tilespmem:v22+s29+$0x0], $0xffff  }
0x191: {  	v19 =	vadd.s32 @p0 v18, v19;
	_ =	sdelay $0x3  }
0x192: {  	[tilespmem:s21+$0x1A410] =	vst @p0 v22  }
0x193: {  	v22 =	vadd.s32 @!p0 v20, v15;
	v19 =	vld.idx.msk @p0 [tilespmem:v19+s29+$0x0], $0xffff  }
0x194: {  	v22 =	vor.u32 @!p0 v21, v22;
	_ =	sdelay $0x3  }
0x195: {  	s30 =	simm.s32 @!p0 $0xC400;
	[tilespmem:s21+$0x1A420] =	vst @p0 v19  }
0x196: {  	v19 =	vadd.s32 @!p0 v20, v14;
	v22 =	vld.idx.msk @!p0 [tilespmem:v22+s30+$0x0], $0xffff  }
0x197: {  	v19 =	vor.u32 @!p0 v21, v19;
	_ =	sdelay $0x3  }
0x198: {  	[tilespmem:s21+$0x1A400] =	vst @!p0 v22  }
0x199: {  	v22 =	vadd.s32 @!p0 v20, v13;
	v23 =	vld.idx.msk @!p0 [tilespmem:v19+s30+$0x0], $0xffff  }
0x19a: {  	v22 =	vor.u32 @!p0 v21, v22;
	_ =	sdelay $0x2  }
0x19b: {  	v19 =	vor.u32 @p0 $0x1800, v16  }
0x19c: {  	v24 =	vadd.s32 @p0 v19, v20;
	v20 =	vadd.s32 @!p0 v20, v12;
	[tilespmem:s21+$0x1A410] =	vst @!p0 v23  }
0x19d: {  	v20 =	vpsel p0, v24, v20;
	v22 =	vld.idx.msk @!p0 [tilespmem:v22+s30+$0x0], $0xffff  }
0x19e: {  	v20 =	vor.u32 v21, v20;
	_ =	sdelay $0x2  }
0x19f: {  	s31 =	simm.s32 @!p0 $0xC400  }
0x1a0: {  	s31 =	simm.s32 @p0 $0x18400;
	s6 =	sadd.s32 $0xFFFFFFFF, s1;
	[tilespmem:s21+$0x1A420] =	vst @!p0 v22  }
0x1a1: {  	p2 =	sne.s32 s6, $0x0;
	v21 =	vld.idx.msk [tilespmem:v20+s31+$0x0], $0xffff  }
.Ltmp35:
0x1a2: {  	s0 =	sadd.s32 $0x1, s0;
	(pc) =	sbr.rel @!p2 .LBB2_47-.Ltmp35, $4  }
0x1a3: {  	v20 =	vmov s0  }
0x1a4: {  	s2 =	sshll.u32 s2, $0x3  }
0x1a5: {  	s28 =	sadd.s32 $0x200, s28;
	s26 =	sadd.s32 $0x1, s26;
	s1 =	sand.u32 $0x1FFF8, s2  }
0x1a6: {  	s2 =	sor.u32 $0x1A400, s21;
	p1 =	por $0x1, $0x1;
	s1 =	sadd.s32 s8, s1;
	[tilespmem:s21+$0x1A430] =	vst v21  }
.LBB2_46:
0x1a7: {  	[hbm4b:s1+s7] =	stream.linear.scatter [tilespmem:s2], [sflag:$0x2], $0x40, $0x38;
	[tilespmem:$0x1A800] =	vst v63  }
0x1a8: {  	s6 =	sadd.s32 $0xFFFFFFFF, s6;
	v20 =	vld.idx.msk [tilespmem:v20+s15+$0x0], $0xffff  }
0x1a9: {  	p2 =	sne.s32 s6, $0x0;
	_ =	sdelay $0x4  }
0x1aa: {  	(v2sf) =	vpush v20, $0x0;
	_ =	sdelay $0xe  }
0x1ab: {  	s1 =	spop (v2sf)  }
0x1ac: {  	s2 =	sshrl.u32 s1, $0xE;
	s1 =	sshll.u32 s1, $0x3  }
0x1ad: {  	v20 =	vmov s2;
	s1 =	sand.u32 $0x1FFF8, s1  }
0x1ae: {  	v21 =	vand.u32 $0x3FF80, v20;
	v20 =	vand.u32 $0x7F, v20  }
0x1af: {  	v22 =	vadd.s32 @p0 v20, v21;
	v23 =	vadd.s32 @!p0 v21, v15;
	v24 =	vadd.s32 @!p0 v21, v14  }
0x1b0: {  	p3 =	slt.s32 s26, $0x8;
	v25 =	vadd.s32 @p0 v16, v22;
	v23 =	vor.u32 @!p0 v20, v23  }
0x1b1: {  	s2 =	simm.s32 @!p3 $0x2;
	v26 =	vadd.s32 @p0 v19, v21;
	v27 =	vadd.s32 @!p0 v21, v13;
	v21 =	vadd.s32 @!p0 v21, v12  }
0x1b2: {  	v24 =	vor.u32 @!p0 v20, v24;
	v27 =	vor.u32 @!p0 v20, v27;
	v21 =	vpsel p0, v26, v21;
	_ =	swait.ge @!p3 [sflag:s2], $0x40  }
0x1b3: {  	v20 =	vor.u32 v20, v21;
	[sflag:s2] =	ssyncset.done @!p3 $0x0  }
0x1b4: {  	[sflag:s2] =	ssyncadd.s32 @!p3 $0xFFFFFFC0  }
0x1b5: {  	v21 =	vld.idx.msk @p0 [tilespmem:v25+s29+$0x0], $0xffff;
	_ =	sdelay $0x1  }
0x1b6: {  	v25 =	vadd.s32 @p0 v17, v22;
	_ =	sdelay $0x1  }
0x1b7: {  	s2 =	sshrl.u32 s28, $0x2  }
0x1b8: {  	s21 =	sand.u32 $0x380, s2  }
0x1b9: {  	[tilespmem:s21+$0x1A400] =	vst @p0 v21  }
0x1ba: {  	v21 =	vld.idx.msk @p0 [tilespmem:v25+s29+$0x0], $0xffff;
	_ =	sdelay $0x1  }
0x1bb: {  	v22 =	vadd.s32 @p0 v18, v22;
	_ =	sdelay $0x3  }
0x1bc: {  	[tilespmem:s21+$0x1A410] =	vst @p0 v21  }
0x1bd: {  	v21 =	vld.idx.msk @p0 [tilespmem:v22+s29+$0x0], $0xffff;
	_ =	sdelay $0x5  }
0x1be: {  	[tilespmem:s21+$0x1A420] =	vst @p0 v21  }
0x1bf: {  	v21 =	vld.idx.msk @!p0 [tilespmem:v23+s30+$0x0], $0xffff;
	_ =	sdelay $0x5  }
0x1c0: {  	[tilespmem:s21+$0x1A400] =	vst @!p0 v21  }
0x1c1: {  	v21 =	vld.idx.msk @!p0 [tilespmem:v24+s30+$0x0], $0xffff;
	_ =	sdelay $0x5  }
0x1c2: {  	[tilespmem:s21+$0x1A410] =	vst @!p0 v21  }
0x1c3: {  	v21 =	vld.idx.msk @!p0 [tilespmem:v27+s30+$0x0], $0xffff;
	_ =	sdelay $0x5  }
0x1c4: {  	[tilespmem:s21+$0x1A420] =	vst @!p0 v21  }
0x1c5: {  	v21 =	vld.idx.msk [tilespmem:v20+s31+$0x0], $0xffff;
	_ =	sdelay $0x1  }
.Ltmp36:
0x1c6: {  	s0 =	sadd.s32 $0x1, s0;
	(pc) =	sbr.rel @p2 .LBB2_46-.Ltmp36, $3  }
0x1c7: {  	v20 =	vmov s0;
	_ =	sdelay $0x1  }
0x1c8: {  	s28 =	sadd.s32 $0x200, s28  }
0x1c9: {  	s26 =	sadd.s32 $0x1, s26;
	s1 =	sadd.s32 s8, s1;
	s2 =	sor.u32 $0x1A400, s21;
	[tilespmem:s21+$0x1A430] =	vst v21  }
.LBB2_47:
0x1ca: {  	_ =	sdelay $0x2  }
0x1cb: {  	[hbm4b:s1+s7] =	stream.linear.scatter @p1 [tilespmem:s2], [sflag:$0x2], $0x40, $0x38;
	[tilespmem:$0x1A800] =	vst v63  }
0x1cc: {  	v16 =	vld.idx.msk [tilespmem:v20+s15+$0x0], $0xffff;
	_ =	sdelay $0x4  }
0x1cd: {  	(v2sf) =	vpush v16, $0x0;
	_ =	sdelay $0xe  }
0x1ce: {  	s0 =	spop (v2sf)  }
0x1cf: {  	s29 =	sshrl.u32 s0, $0xE  }
0x1d0: {  	v17 =	vlaneseq.u32 @p0;
	v63 =	vmov s29  }
0x1d1: {  	v17 =	vmul.u32 @p0 $0x80, v17;
	v18 =	vand.u32 $0x3FF80, v63;
	v16 =	vand.u32 $0x7F, v63  }
0x1d2: {  	v19 =	vadd.s32 @p0 v16, v18  }
0x1d3: {  	p1 =	slt.s32 s26, $0x8;
	v20 =	vadd.s32 @p0 v17, v19  }
0x1d4: {  	s1 =	simm.s32 @!p1 $0x2  }
0x1d5: {  	_ =	swait.ge @!p1 [sflag:s1], $0x40  }
0x1d6: {  	[sflag:s1] =	ssyncset.done @!p1 $0x0  }
0x1d7: {  	[sflag:s1] =	ssyncadd.s32 @!p1 $0xFFFFFFC0;
	s1 =	simm.s32 @p0 $0x18400  }
0x1d8: {  	v21 =	vor.u32 @p0 $0x800, v17;
	v20 =	vld.idx.msk @p0 [tilespmem:v20+s1+$0x0], $0xffff  }
0x1d9: {  	v21 =	vadd.s32 @p0 v21, v19;
	_ =	sdelay $0x1  }
0x1da: {  	s30 =	sshrl.u32 s28, $0x2  }
0x1db: {  	s2 =	sand.u32 $0x380, s30  }
0x1dc: {  	[tilespmem:s2+$0x1A400] =	vst @p0 v20  }
0x1dd: {  	v20 =	vld.idx.msk @p0 [tilespmem:v21+s1+$0x0], $0xffff;
	v21 =	vor.u32 @p0 $0x1000, v17  }
0x1de: {  	v19 =	vadd.s32 @p0 v21, v19;
	_ =	sdelay $0x3  }
0x1df: {  	[tilespmem:s2+$0x1A410] =	vst @p0 v20  }
0x1e0: {  	v15 =	vadd.s32 @!p0 v18, v15;
	v19 =	vld.idx.msk @p0 [tilespmem:v19+s1+$0x0], $0xffff  }
0x1e1: {  	v15 =	vor.u32 @!p0 v16, v15;
	_ =	sdelay $0x3  }
0x1e2: {  	s1 =	simm.s32 @!p0 $0xC400;
	[tilespmem:s2+$0x1A420] =	vst @p0 v19  }
0x1e3: {  	v14 =	vadd.s32 @!p0 v18, v14;
	v15 =	vld.idx.msk @!p0 [tilespmem:v15+s1+$0x0], $0xffff  }
0x1e4: {  	v14 =	vor.u32 @!p0 v16, v14;
	_ =	sdelay $0x3  }
0x1e5: {  	[tilespmem:s2+$0x1A400] =	vst @!p0 v15  }
0x1e6: {  	v13 =	vadd.s32 @!p0 v18, v13;
	v14 =	vld.idx.msk @!p0 [tilespmem:v14+s1+$0x0], $0xffff  }
0x1e7: {  	v13 =	vor.u32 @!p0 v16, v13;
	_ =	sdelay $0x2  }
0x1e8: {  	v15 =	vor.u32 @p0 $0x1800, v17  }
0x1e9: {  	v12 =	vadd.s32 @!p0 v18, v12;
	v15 =	vadd.s32 @p0 v15, v18;
	[tilespmem:s2+$0x1A410] =	vst @!p0 v14  }
0x1ea: {  	v12 =	vpsel p0, v15, v12;
	v13 =	vld.idx.msk @!p0 [tilespmem:v13+s1+$0x0], $0xffff  }
0x1eb: {  	v12 =	vor.u32 v16, v12;
	_ =	sdelay $0x3  }
0x1ec: {  	s1 =	simm.s32 @p0 $0x18400;
	[tilespmem:s2+$0x1A420] =	vst @!p0 v13  }
0x1ed: {  	v12 =	vld.idx.msk [tilespmem:v12+s1+$0x0], $0xffff;
	_ =	sdelay $0x1  }
.Ltmp37:
0x1ee: {  	_ = 	snop;
	(pc) =	sbr.rel .LBB2_48-.Ltmp37, $4  }
0x1ef: {  	s0 =	sshll.u32 s0, $0x3  }
0x1f0: {  	s0 =	sand.u32 $0x1FFF8, s0  }
0x1f1: {  	s26 =	smov.u32 s25;
	s31 =	sor.u32 $0x1A400, s2;
	s0 =	sadd.s32 s8, s0;
	[tilespmem:s2+$0x1A430] =	vst v12  }
0x1f2: {  	[hbm4b:s0+s7] =	stream.linear.scatter [tilespmem:s31], [sflag:$0x2], $0x40, $0x38;
	[tilespmem:$0x1A800] =	vst v63  }
.LBB2_44:
.Ltmp38:
0x1f3: {  	(pc) =	sbr.rel .LBB2_47-.Ltmp38, $2  }
0x1f4: {  	_ =	sdelay $0x2  }
0x1f5: {  	_ = 	snop  }
.LBB2_49:
0x1f6: {  	p0 =	slt.s32 s25, $0x1  }
0x1f7: {  	s0 =	simm.s32 @!p0 $0x2  }
0x1f8: {  	p1 =	seq.s32 @!p0 s25, $0x1;
	_ =	swait.ge @!p0 [sflag:s0], $0x40  }
0x1f9: {  	p1 =	por p0, p1;
	[sflag:s0] =	ssyncset.done @!p0 $0x0  }
0x1fa: {  	[sflag:s0] =	ssyncadd.s32 @!p0 $0xFFFFFFC0;
	p0 =	slt.u32 @!p1 s25, $0x3  }
0x1fb: {  	p0 =	por p1, p0  }
.Ltmp39:
0x1fc: {  	_ = 	snop;
	(pc) =	sbr.rel @p0 .LBB2_51-.Ltmp39, $4  }
0x1fd: {  	s0 =	simm.s32 @!p1 $0x2  }
0x1fe: {  	_ =	swait.ge @!p1 [sflag:s0], $0x40  }
0x1ff: {  	[sflag:s0] =	ssyncset.done @!p1 $0x0  }
0x200: {  	[sflag:s0] =	ssyncadd.s32 @!p1 $0xFFFFFFC0  }
0x201: {  	p0 =	seq.s32 s25, $0x3  }
0x202: {  	p1 =	slt.u32 @!p0 s25, $0x5  }
0x203: {  	s0 =	simm.s32 $0x2;
	p2 =	por p1, p0  }
0x204: {  	_ =	swait.ge [sflag:s0], $0x40;
	p3 =	seq.s32 @!p2 s25, $0x5  }
0x205: {  	[sflag:s0] =	ssyncset.done $0x0;
	s1 =	simm.s32 @!p3 $0x0;
	p4 =	por @!p0 p3, p1  }
0x206: {  	[sflag:s0] =	ssyncadd.s32 $0xFFFFFFC0;
	s1 =	simm.s32 @p3 $0x1;
	p4 =	por p4, p0  }
0x207: {  	s0 =	simm.s32 @!p0 $0x2;
	[smem:$0x7FD] =	sst s1;
	p5 =	slt.u32 @!p4 s25, $0x7  }
0x208: {  	_ =	swait.ge @!p0 [sflag:s0], $0x40;
	s1 =	simm.s32 @!p5 $0x0  }
0x209: {  	[sflag:s0] =	ssyncset.done @!p0 $0x0;
	s1 =	simm.s32 @p5 $0x1  }
0x20a: {  	[sflag:s0] =	ssyncadd.s32 @!p0 $0xFFFFFFC0;
	s0 =	simm.s32 @!p2 $0x2;
	[smem:$0x7FC] =	sst s1  }
0x20b: {  	_ =	swait.ge @!p2 [sflag:s0], $0x40  }
0x20c: {  	[sflag:s0] =	ssyncset.done @!p2 $0x0  }
0x20d: {  	[sflag:s0] =	ssyncadd.s32 @!p2 $0xFFFFFFC0;
	s0 =	simm.s32 @!p4 $0x2  }
0x20e: {  	_ =	swait.ge @!p4 [sflag:s0], $0x40  }
0x20f: {  	p6 =	por @!p2 p5, p3;
	s30 =	sld [smem:$0x7FC]  }
0x210: {  	p6 =	por @!p0 p6, p1;
	s31 =	sld [smem:$0x7FD]  }
0x211: {  	p6 =	por p6, p0  }
0x212: {  	p5 =	seq.s32 @!p6 s25, $0x7;
	p3 =	seq.s32 s30, $0x1  }
0x213: {  	[sflag:s0] =	ssyncset.done @!p4 $0x0;
	p5 =	por @!p4 p5, p3;
	p3 =	seq.s32 s31, $0x1  }
0x214: {  	[sflag:s0] =	ssyncadd.s32 @!p4 $0xFFFFFFC0;
	s0 =	simm.s32 @!p6 $0x2;
	p2 =	por @!p2 p5, p3  }
0x215: {  	_ =	swait.ge @!p6 [sflag:s0], $0x40;
	p1 =	por @!p0 p2, p1  }
0x216: {  	[sflag:s0] =	ssyncset.done @!p6 $0x0;
	p0 =	por p1, p0  }
0x217: {  	[sflag:s0] =	ssyncadd.s32 @!p6 $0xFFFFFFC0;
	s0 =	simm.s32 @!p0 $0x2  }
0x218: {  	_ =	swait.ge @!p0 [sflag:s0], $0x40  }
0x219: {  	[sflag:s0] =	ssyncset.done @!p0 $0x0  }
0x21a: {  	[sflag:s0] =	ssyncadd.s32 @!p0 $0xFFFFFFC0  }
.LBB2_51:
0x21b: {  	s23 =	simm.s32 $0x0;
	s0 =	rddreg [dreg:$0x1]  }
0x21c: {  	[tilespmem:s23], [sflag:$0x3] =	stream.linear.gather [hbm4b:s0+s23], $0x4000, $0x38;
	[tilespmem:$0x1A800] =	vst v63  }
0x21d: {  	_ =	swait.ge [sflag:s17], $0x4000  }
0x21e: {  	[sflag:s17] =	ssyncset.done $0x0  }
0x21f: {  	[sflag:s17] =	ssyncadd.s32 $0xFFFFC000  }
0x220: {  	[tilespmem:$0xC000] =	vst v2  }
0x221: {  	[tilespmem:$0xC010] =	vst v2  }
0x222: {  	[tilespmem:$0xC020] =	vst v2  }
0x223: {  	[tilespmem:$0xC030] =	vst v2  }
0x224: {  	[tilespmem:$0xC040] =	vst v2  }
0x225: {  	[tilespmem:$0xC050] =	vst v2  }
0x226: {  	[tilespmem:$0xC060] =	vst v2  }
0x227: {  	[tilespmem:$0xC070] =	vst v2  }
0x228: {  	[tilespmem:$0xC080] =	vst v2  }
0x229: {  	[tilespmem:$0xC090] =	vst v2  }
0x22a: {  	[tilespmem:$0xC0A0] =	vst v2  }
0x22b: {  	[tilespmem:$0xC0B0] =	vst v2  }
0x22c: {  	[tilespmem:$0xC0C0] =	vst v2  }
0x22d: {  	[tilespmem:$0xC0D0] =	vst v2  }
0x22e: {  	[tilespmem:$0xC0E0] =	vst v2  }
0x22f: {  	[tilespmem:$0xC0F0] =	vst v2  }
0x230: {  	v12 =	vld [tilespmem:s23+$0x0];
	_ =	sdelay $0x4  }
0x231: {  	v12 =	vshrl.u32 v12, $0x7  }
0x232: {  	vm1 =	vge.u32 v12, v0;
	vm2 =	vlt.u32 v12, v1  }
0x233: {  	vm1 =	vmand vm1, vm2  }
0x234: {  	vm8 =	vmmov vm10;
	v12 =	vsub.s32 v12, v0;
	vm2 =	vmand vm1, vm10  }
0x235: {  	vm9 =	vcmask $0xB08;
	v12 =	vnsel vm1, $0x0, v12;
	vm3 =	vmand vm1, vm0  }
0x236: {  	v13 =	vmpcnt.ones.xlane vm1;
	vm4 =	vmand vm1, vm9;
	vm10 =	vcmask $0xF0C  }
0x237: {  	vm11 =	vcmask $0x1310;
	vm12 =	vcmask $0x1714;
	vm5 =	vmand vm1, vm10  }
0x238: {  	vm6 =	vmand vm1, vm11;
	(v2sf) =	vpush v13, $0x0;
	v13 =	vor.u32 s23, v3  }
0x239: {  	vm13 =	vcmask $0x1B18;
	vm7 =	vmand vm1, vm12;
	[tilespmem:s23+$0x4000] =	vst.msk vm1, v13  }
0x23a: {  	vm14 =	vcmask $0x1F1C;
	[tilespmem:v12+s13+$0x0] =	vst.idx.add.s32.msk vm2, v4;
	vm2 =	vmand vm1, vm13  }
0x23b: {  	vm15 =	vcmask $0x2320;
	[tilespmem:v12+s13+$0x0] =	vst.idx.add.s32.msk vm3, v4;
	vm3 =	vmand vm1, vm14  }
0x23c: {  	vm0 =	vcmask $0x2724;
	[tilespmem:v12+s13+$0x0] =	vst.idx.add.s32.msk vm4, v4;
	vm4 =	vmand vm1, vm15  }
0x23d: {  	vm9 =	vcmask $0x2B28;
	[tilespmem:v12+s13+$0x0] =	vst.idx.add.s32.msk vm5, v4;
	vm5 =	vmand vm1, vm0  }
0x23e: {  	vm10 =	vcmask $0x2F2C;
	[tilespmem:v12+s13+$0x0] =	vst.idx.add.s32.msk vm6, v4;
	vm6 =	vmand vm1, vm9  }
0x23f: {  	vm11 =	vcmask $0x3330;
	[tilespmem:v12+s13+$0x0] =	vst.idx.add.s32.msk vm7, v4;
	vm7 =	vmand vm1, vm10  }
0x240: {  	vm12 =	vcmask $0x3734;
	[tilespmem:v12+s13+$0x0] =	vst.idx.add.s32.msk vm2, v4;
	vm2 =	vmand vm1, vm11  }
0x241: {  	vm13 =	vcmask $0x3B38;
	[tilespmem:v12+s13+$0x0] =	vst.idx.add.s32.msk vm3, v4;
	vm3 =	vmand vm1, vm12  }
0x242: {  	[tilespmem:v12+s13+$0x0] =	vst.idx.add.s32.msk vm4, v4;
	vm4 =	vmand vm1, vm13  }
0x243: {  	vm14 =	vcmask $0x3F3C;
	[tilespmem:v12+s13+$0x0] =	vst.idx.add.s32.msk vm5, v4  }
0x244: {  	vm1 =	vmand vm1, vm14;
	[tilespmem:v12+s13+$0x0] =	vst.idx.add.s32.msk vm6, v4  }
0x245: {  	[tilespmem:v12+s13+$0x0] =	vst.idx.add.s32.msk vm7, v4  }
0x246: {  	[tilespmem:v12+s13+$0x0] =	vst.idx.add.s32.msk vm2, v4  }
0x247: {  	s1 =	spop (v2sf);
	[tilespmem:v12+s13+$0x0] =	vst.idx.add.s32.msk vm3, v4  }
0x248: {  	s0 =	simm.s32 $0x10;
	s24 =	sadd.s32 $0x0, s1;
	s1 =	simm.s32 $0x0;
	[tilespmem:v12+s13+$0x0] =	vst.idx.add.s32.msk vm4, v4  }
.LBB2_52:
0x249: {  	p0 =	sne.s32 s0, $0x3FF0  }
0x24a: {  	[tilespmem:v12+s13+$0x0] =	vst.idx.add.s32.msk vm1, v4;
	s1 =	sadd.s32 $0x10, s1;
	s2 =	smov.u32 s0;
	s0 =	sadd.s32 $0x10, s0  }
0x24b: {  	v12 =	vld [tilespmem:s1+$0x0];
	_ =	sdelay $0x4  }
0x24c: {  	v12 =	vshrl.u32 v12, $0x7  }
0x24d: {  	vm1 =	vge.u32 v12, v0;
	vm2 =	vlt.u32 v12, v1  }
0x24e: {  	vm3 =	vcmask $0x704;
	vm1 =	vmand vm1, vm2  }
0x24f: {  	v12 =	vsub.s32 v12, v0;
	vm2 =	vmand vm1, vm8;
	v13 =	vmpcnt.ones.xlane vm1  }
0x250: {  	vm4 =	vcmask $0xB08;
	v12 =	vnsel vm1, $0x0, v12;
	vm3 =	vmand vm1, vm3  }
0x251: {  	vm5 =	vcmask $0xF0C;
	vm4 =	vmand vm1, vm4;
	(v2sf) =	vpush v13, $0x0  }
0x252: {  	vm6 =	vcmask $0x1310;
	vm5 =	vmand vm1, vm5  }
0x253: {  	vm7 =	vcmask $0x1714;
	vm6 =	vmand vm1, vm6;
	v13 =	vor.u32 s2, v3  }
0x254: {  	vm7 =	vmand vm1, vm7;
	[tilespmem:s24+$0x4000] =	vst.msk vm1, v13  }
0x255: {  	[tilespmem:v12+s13+$0x0] =	vst.idx.add.s32.msk vm2, v4;
	vm2 =	vcmask $0x1B18  }
0x256: {  	vm2 =	vmand vm1, vm2  }
0x257: {  	[tilespmem:v12+s13+$0x0] =	vst.idx.add.s32.msk vm3, v4;
	vm3 =	vcmask $0x1F1C  }
0x258: {  	vm3 =	vmand vm1, vm3  }
0x259: {  	[tilespmem:v12+s13+$0x0] =	vst.idx.add.s32.msk vm4, v4;
	vm4 =	vmand vm1, vm15  }
0x25a: {  	[tilespmem:v12+s13+$0x0] =	vst.idx.add.s32.msk vm5, v4;
	vm5 =	vmand vm1, vm0  }
0x25b: {  	[tilespmem:v12+s13+$0x0] =	vst.idx.add.s32.msk vm6, v4;
	vm6 =	vmand vm1, vm9  }
0x25c: {  	[tilespmem:v12+s13+$0x0] =	vst.idx.add.s32.msk vm7, v4;
	vm7 =	vmand vm1, vm10  }
0x25d: {  	[tilespmem:v12+s13+$0x0] =	vst.idx.add.s32.msk vm2, v4;
	vm2 =	vmand vm1, vm11  }
0x25e: {  	[tilespmem:v12+s13+$0x0] =	vst.idx.add.s32.msk vm3, v4;
	vm3 =	vmand vm1, vm12  }
0x25f: {  	[tilespmem:v12+s13+$0x0] =	vst.idx.add.s32.msk vm4, v4;
	vm4 =	vmand vm1, vm13  }
0x260: {  	vm1 =	vmand vm1, vm14;
	[tilespmem:v12+s13+$0x0] =	vst.idx.add.s32.msk vm5, v4  }
.Ltmp40:
0x261: {  	[tilespmem:v12+s13+$0x0] =	vst.idx.add.s32.msk vm6, v4;
	(pc) =	sbr.rel @p0 .LBB2_52-.Ltmp40, $4  }
0x262: {  	[tilespmem:v12+s13+$0x0] =	vst.idx.add.s32.msk vm7, v4;
	s2 =	spop (v2sf)  }
0x263: {  	[tilespmem:v12+s13+$0x0] =	vst.idx.add.s32.msk vm2, v4;
	s24 =	sadd.s32 s24, s2  }
0x264: {  	[tilespmem:v12+s13+$0x0] =	vst.idx.add.s32.msk vm3, v4  }
0x265: {  	[tilespmem:v12+s13+$0x0] =	vst.idx.add.s32.msk vm4, v4  }
0x266: {  	_ =	sdelay $0x4  }
0x267: {  	[tilespmem:v12+s13+$0x0] =	vst.idx.add.s32.msk vm1, v4;
	s25 =	simm.s32 $0x0  }
0x268: {  	s6 =	simm.s32 $0x10;
	v12 =	vld [tilespmem:s25+$0xC000]  }
0x269: {  	v14 =	vld [tilespmem:s6+$0xC000];
	_ =	sdelay $0x3  }
0x26a: {  	(xrf0) =	vadd.scan.msk.s32 $0xffff, v12  }
0x26b: {  	(xrf0) =	vadd.scan.msk.s32 $0xffff, v14;
	_ =	sdelay $0x4  }
0x26c: {  	s0 =	simm.s32 $0x20;
	v15, _, _ =	vpop (xrf0)  }
0x26d: {  	v13 =	vld [tilespmem:s0+$0xC000];
	(v2sf) =	vpush v15, $0xF;
	v16, _, _ =	vpop (xrf0)  }
0x26e: {  	(v2sf) =	vpush v16, $0xF;
	_ =	sdelay $0x3  }
0x26f: {  	s1 =	simm.s32 $0x30;
	(xrf0) =	vadd.scan.msk.s32 $0xffff, v13  }
0x270: {  	v15 =	vsub.s32 v15, v12;
	v12 =	vld [tilespmem:s1+$0xC000];
	_ =	sdelay $0x3  }
0x271: {  	s26 =	simm.s32 $0x100;
	v14 =	vsub.s32 v16, v14  }
.LBB2_54:
0x272: {  	s2 =	sshra.s32 s26, $0x2;
	p0 =	sne.s32 s26, $0x3C0;
	s26 =	sadd.s32 $0x40, s26;
	(xrf0) =	vadd.scan.msk.s32 $0xffff, v12;
	v16, _, _ =	vpop (xrf0);
	v17 =	vadd.s32 s23, v15;
	v15 =	vmov v14  }
.Ltmp41:
0x273: {  	v14 =	vsub.s32 v16, v13;
	(v2sf) =	vpush v16, $0xF;
	[tilespmem:s25+$0xC100] =	vst v17;
	v13 =	vmov v12;
	v12 =	vld [tilespmem:s2+$0xC000];
	(pc) =	sbr.rel @p0 .LBB2_54-.Ltmp41, $4  }
0x274: {  	[tilespmem:s25+$0xC200] =	vst v17;
	s25 =	smov.u32 s6;
	s6 =	smov.u32 s0;
	s0 =	smov.u32 s1  }
0x275: {  	s1 =	smov.u32 s2  }
0x276: {  	s2 =	spop (v2sf)  }
0x277: {  	s23 =	sadd.s32 s23, s2  }
0x278: {  	(xrf0) =	vadd.scan.msk.s32 $0xffff, v12;
	_ =	sdelay $0x1  }
0x279: {  	v16, _, _ =	vpop (xrf0)  }
0x27a: {  	(v2sf) =	vpush v16, $0xF;
	_ =	sdelay $0x2  }
0x27b: {  	v17, _, _ =	vpop (xrf0)  }
0x27c: {  	(v2sf) =	vpush v17, $0xF;
	_ =	sdelay $0x2  }
0x27d: {  	s2 =	spop (v2sf);
	v15 =	vadd.s32 s23, v15;
	s28 =	sadd.s32 $0xF, s24  }
0x27e: {  	s2 =	sadd.s32 s23, s2;
	[tilespmem:s25+$0xC100] =	vst v15;
	s26 =	sand.u32 $0xF, s28;
	s29 =	sshra.s32 s28, $0x1F  }
0x27f: {  	[tilespmem:s25+$0xC200] =	vst v15;
	p0 =	slt.s32 s28, $0x1;
	v14 =	vadd.s32 s2, v14;
	p1 =	sne.s32 s26, $0x0;
	s21 =	spop (v2sf)  }
0x280: {  	v13 =	vsub.s32 v16, v13;
	[tilespmem:s6+$0xC100] =	vst v14;
	p0 =	por !p0, !p1;
	s21 =	sadd.s32 s2, s21;
	s2 =	sshrl.u32 s29, $0x1C  }
0x281: {  	[tilespmem:s6+$0xC200] =	vst v14;
	s6 =	simm.s32 $0x1;
	p0 =	por !p0, !p0;
	v13 =	vadd.s32 s21, v13;
	s2 =	sadd.s32 s2, s28  }
0x282: {  	s6 =	simm.s32 @!p0 $0x0;
	[tilespmem:s0+$0xC100] =	vst v13;
	s2 =	sshra.s32 s2, $0x4  }
0x283: {  	[tilespmem:s0+$0xC200] =	vst v13;
	s0 =	ssub.s32 s2, s6  }
0x284: {  	vm9 =	vcmask $0xF0C;
	p0 =	slt.s32 s0, $0x1  }
.Ltmp42:
0x285: {  	vm12 =	vcmask $0x1310;
	vm10 =	vcmask $0x1714;
	vm3 =	vcmask $0x1B18;
	s30 =	spop (v2sf);
	(pc) =	sbr.rel @p0 .LBB2_58-.Ltmp42, $4  }
0x286: {  	vm13 =	vcmask $0x1F1C;
	vm14 =	vcmask $0x2320;
	v63 =	vsub.s32 v17, v12;
	s21 =	sadd.s32 s21, s30  }
0x287: {  	vm15 =	vcmask $0x2724;
	vm11 =	vmmov vm8;
	v12 =	vadd.s32 s21, v63  }
0x288: {  	vm4 =	vcmask $0x2B28;
	vm5 =	vcmask $0x2F2C;
	vm0 =	vcmask $0x3330;
	[tilespmem:s1+$0xC100] =	vst v12  }
0x289: {  	vm6 =	vcmask $0x3734;
	vm7 =	vcmask $0x3B38;
	vm8 =	vcmask $0x3F3C;
	[tilespmem:s1+$0xC200] =	vst v12;
	s31 =	spop (v2sf)  }
0x28a: {  	v12 =	vmov s24;
	s1 =	simm.s32 $0x4000;
	s6 =	simm.s32 $0x0  }
.LBB2_57:
0x28b: {  	v13 =	vld [tilespmem:s1+$0x0];
	_ =	sdelay $0x2  }
0x28c: {  	v14 =	vor.u32 s6, v3  }
0x28d: {  	vm1 =	vlt.s32 v14, v12  }
0x28e: {  	v13 =	vnsel vm1, $0x0, v13;
	_ =	sdelay $0x4  }
0x28f: {  	v14 =	vld.idx.msk [tilespmem:v13+s7+$0x0], $0xffff;
	_ =	sdelay $0x4  }
0x290: {  	v15 =	vshrl.u32 v14, $0x7  }
0x291: {  	v15 =	vsub.s32 v15, v0  }
0x292: {  	v15 =	vnsel vm1, $0x0, v15;
	_ =	sdelay $0x4  }
0x293: {  	v16 =	vld.idx.msk [tilespmem:v15+s14+$0x0], $0xffff;
	_ =	sdelay $0x1  }
0x294: {  	vm2 =	vmand vm1, vm11;
	_ =	sdelay $0x2  }
0x295: {  	v14 =	vshll.u32 v14, $0xE  }
0x296: {  	v14 =	vand.u32 $0x1FC000, v14  }
0x297: {  	v13 =	vor.u32 v13, v14  }
0x298: {  	[tilespmem:v16+s15+$0x0] =	vst.idx.msk vm2, v13  }
0x299: {  	[tilespmem:v15+s14+$0x0] =	vst.idx.add.s32.msk vm2, v4  }
0x29a: {  	v14 =	vld.idx.msk [tilespmem:v15+s14+$0x0], $0xffff  }
0x29b: {  	vm2 =	vcmask $0x704  }
0x29c: {  	vm2 =	vmand vm1, vm2;
	_ =	sdelay $0x5  }
0x29d: {  	[tilespmem:v14+s15+$0x0] =	vst.idx.msk vm2, v13  }
0x29e: {  	[tilespmem:v15+s14+$0x0] =	vst.idx.add.s32.msk vm2, v4  }
0x29f: {  	v14 =	vld.idx.msk [tilespmem:v15+s14+$0x0], $0xffff  }
0x2a0: {  	vm2 =	vcmask $0xB08  }
0x2a1: {  	vm2 =	vmand vm1, vm2;
	_ =	sdelay $0x5  }
0x2a2: {  	[tilespmem:v14+s15+$0x0] =	vst.idx.msk vm2, v13  }
0x2a3: {  	[tilespmem:v15+s14+$0x0] =	vst.idx.add.s32.msk vm2, v4  }
0x2a4: {  	v14 =	vld.idx.msk [tilespmem:v15+s14+$0x0], $0xffff;
	_ =	sdelay $0x1  }
0x2a5: {  	vm2 =	vmand vm1, vm9;
	_ =	sdelay $0x5  }
0x2a6: {  	[tilespmem:v14+s15+$0x0] =	vst.idx.msk vm2, v13  }
0x2a7: {  	[tilespmem:v15+s14+$0x0] =	vst.idx.add.s32.msk vm2, v4  }
0x2a8: {  	v14 =	vld.idx.msk [tilespmem:v15+s14+$0x0], $0xffff;
	_ =	sdelay $0x1  }
0x2a9: {  	vm2 =	vmand vm1, vm12;
	_ =	sdelay $0x5  }
0x2aa: {  	[tilespmem:v14+s15+$0x0] =	vst.idx.msk vm2, v13  }
0x2ab: {  	[tilespmem:v15+s14+$0x0] =	vst.idx.add.s32.msk vm2, v4  }
0x2ac: {  	v14 =	vld.idx.msk [tilespmem:v15+s14+$0x0], $0xffff;
	_ =	sdelay $0x1  }
0x2ad: {  	vm2 =	vmand vm1, vm10;
	_ =	sdelay $0x5  }
0x2ae: {  	[tilespmem:v14+s15+$0x0] =	vst.idx.msk vm2, v13  }
0x2af: {  	[tilespmem:v15+s14+$0x0] =	vst.idx.add.s32.msk vm2, v4  }
0x2b0: {  	v14 =	vld.idx.msk [tilespmem:v15+s14+$0x0], $0xffff;
	_ =	sdelay $0x1  }
0x2b1: {  	vm2 =	vmand vm1, vm3;
	_ =	sdelay $0x5  }
0x2b2: {  	[tilespmem:v14+s15+$0x0] =	vst.idx.msk vm2, v13  }
0x2b3: {  	[tilespmem:v15+s14+$0x0] =	vst.idx.add.s32.msk vm2, v4  }
0x2b4: {  	v14 =	vld.idx.msk [tilespmem:v15+s14+$0x0], $0xffff;
	_ =	sdelay $0x1  }
0x2b5: {  	vm2 =	vmand vm1, vm13;
	_ =	sdelay $0x5  }
0x2b6: {  	[tilespmem:v14+s15+$0x0] =	vst.idx.msk vm2, v13  }
0x2b7: {  	[tilespmem:v15+s14+$0x0] =	vst.idx.add.s32.msk vm2, v4  }
0x2b8: {  	v14 =	vld.idx.msk [tilespmem:v15+s14+$0x0], $0xffff;
	_ =	sdelay $0x1  }
0x2b9: {  	vm2 =	vmand vm1, vm14;
	_ =	sdelay $0x5  }
0x2ba: {  	[tilespmem:v14+s15+$0x0] =	vst.idx.msk vm2, v13  }
0x2bb: {  	[tilespmem:v15+s14+$0x0] =	vst.idx.add.s32.msk vm2, v4  }
0x2bc: {  	v14 =	vld.idx.msk [tilespmem:v15+s14+$0x0], $0xffff;
	_ =	sdelay $0x1  }
0x2bd: {  	vm2 =	vmand vm1, vm15;
	_ =	sdelay $0x5  }
0x2be: {  	[tilespmem:v14+s15+$0x0] =	vst.idx.msk vm2, v13  }
0x2bf: {  	[tilespmem:v15+s14+$0x0] =	vst.idx.add.s32.msk vm2, v4  }
0x2c0: {  	v14 =	vld.idx.msk [tilespmem:v15+s14+$0x0], $0xffff;
	_ =	sdelay $0x1  }
0x2c1: {  	vm2 =	vmand vm1, vm4;
	_ =	sdelay $0x5  }
0x2c2: {  	[tilespmem:v14+s15+$0x0] =	vst.idx.msk vm2, v13  }
0x2c3: {  	[tilespmem:v15+s14+$0x0] =	vst.idx.add.s32.msk vm2, v4  }
0x2c4: {  	v14 =	vld.idx.msk [tilespmem:v15+s14+$0x0], $0xffff;
	_ =	sdelay $0x1  }
0x2c5: {  	vm2 =	vmand vm1, vm5;
	_ =	sdelay $0x5  }
0x2c6: {  	[tilespmem:v14+s15+$0x0] =	vst.idx.msk vm2, v13  }
0x2c7: {  	[tilespmem:v15+s14+$0x0] =	vst.idx.add.s32.msk vm2, v4  }
0x2c8: {  	v14 =	vld.idx.msk [tilespmem:v15+s14+$0x0], $0xffff;
	_ =	sdelay $0x1  }
0x2c9: {  	vm2 =	vmand vm1, vm0;
	_ =	sdelay $0x5  }
0x2ca: {  	[tilespmem:v14+s15+$0x0] =	vst.idx.msk vm2, v13  }
0x2cb: {  	[tilespmem:v15+s14+$0x0] =	vst.idx.add.s32.msk vm2, v4  }
0x2cc: {  	v14 =	vld.idx.msk [tilespmem:v15+s14+$0x0], $0xffff;
	_ =	sdelay $0x1  }
0x2cd: {  	vm2 =	vmand vm1, vm6;
	_ =	sdelay $0x5  }
0x2ce: {  	[tilespmem:v14+s15+$0x0] =	vst.idx.msk vm2, v13  }
0x2cf: {  	[tilespmem:v15+s14+$0x0] =	vst.idx.add.s32.msk vm2, v4  }
0x2d0: {  	v14 =	vld.idx.msk [tilespmem:v15+s14+$0x0], $0xffff;
	_ =	sdelay $0x1  }
0x2d1: {  	vm2 =	vmand vm1, vm7;
	_ =	sdelay $0x5  }
0x2d2: {  	[tilespmem:v14+s15+$0x0] =	vst.idx.msk vm2, v13  }
0x2d3: {  	[tilespmem:v15+s14+$0x0] =	vst.idx.add.s32.msk vm2, v4  }
0x2d4: {  	v14 =	vld.idx.msk [tilespmem:v15+s14+$0x0], $0xffff;
	_ =	sdelay $0x1  }
0x2d5: {  	vm1 =	vmand vm1, vm8;
	_ =	sdelay $0x1  }
0x2d6: {  	p0 =	sne.s32 s0, $0x1  }
.Ltmp43:
0x2d7: {  	_ = 	snop;
	(pc) =	sbr.rel @p0 .LBB2_57-.Ltmp43, $3  }
0x2d8: {  	_ =	sdelay $0x1  }
0x2d9: {  	[tilespmem:v14+s15+$0x0] =	vst.idx.msk vm1, v13  }
0x2da: {  	s1 =	sadd.s32 $0x10, s1;
	s6 =	sadd.s32 $0x10, s6;
	s0 =	sadd.s32 $0xFFFFFFFF, s0;
	[tilespmem:v15+s14+$0x0] =	vst.idx.add.s32.msk vm1, v4  }
.LBB2_58:
0x2db: {  	s0 =	simm.s32 $0xC000  }
0x2dc: {  	v12 =	vld [tilespmem:s0+$0x0];
	_ =	sdelay $0x4  }
0x2dd: {  	vm1 =	vgt.s32 v12, $0x0  }
0x2de: {  	v12 =	vmpcnt.ones.xlane vm1;
	_ =	sdelay $0x1  }
0x2df: {  	(v2sf) =	vpush v12, $0x0;
	_ =	sdelay $0x4  }
0x2e0: {  	s0 =	simm.s32 $0x0  }
0x2e1: {  	v13 =	vor.u32 s0, v3  }
0x2e2: {  	s6 =	simm.s32 $0xC010;
	[tilespmem:s0+$0xC300] =	vst.msk vm1, v13  }
0x2e3: {  	vm13 =	vmmov vm10;
	vm10 =	vcmask $0xB08;
	s1 =	simm.s32 $0x10;
	s23 =	simm.s32 $0x20;
	v12 =	vld [tilespmem:s6+$0x0]  }
.LBB2_59:
0x2e4: {  	p0 =	sne.s32 s23, $0xF0;
	_ =	sdelay $0x3  }
0x2e5: {  	vm1 =	vgt.s32 v12, $0x0  }
0x2e6: {  	v12 =	vmpcnt.ones.xlane vm1  }
0x2e7: {  	s2 =	spop (v2sf)  }
0x2e8: {  	v13 =	vor.u32 s1, v3;
	s1 =	smov.u32 s23;
	(v2sf) =	vpush v12, $0x0;
	s0 =	sadd.s32 s0, s2  }
0x2e9: {  	[tilespmem:s0+$0xC300] =	vst.msk vm1, v13;
	_ =	sdelay $0x2  }
.Ltmp44:
0x2ea: {  	(pc) =	sbr.rel @p0 .LBB2_59-.Ltmp44, $3  }
0x2eb: {  	_ =	sdelay $0x1  }
0x2ec: {  	s6 =	sadd.s32 $0x10, s6  }
0x2ed: {  	s23 =	sadd.s32 $0x10, s23;
	v12 =	vld [tilespmem:s6+$0x0]  }
0x2ee: {  	_ =	sdelay $0x3  }
0x2ef: {  	vm1 =	vgt.s32 v12, $0x0  }
0x2f0: {  	v12 =	vmpcnt.ones.xlane vm1;
	_ =	sdelay $0x1  }
0x2f1: {  	(v2sf) =	vpush v12, $0x0;
	_ =	sdelay $0xd  }
0x2f2: {  	s2 =	spop (v2sf)  }
0x2f3: {  	s0 =	sadd.s32 s0, s2;
	s31 =	spop (v2sf)  }
0x2f4: {  	s23 =	sadd.s32 s0, s31  }
0x2f5: {  	p0 =	slt.s32 s23, $0x1  }
.Ltmp45:
0x2f6: {  	_ = 	snop;
	(pc) =	sbr.rel @p0 .LBB2_101-.Ltmp45, $3  }
0x2f7: {  	_ =	sdelay $0x1  }
0x2f8: {  	v63 =	vor.u32 s1, v3  }
0x2f9: {  	vm2 =	vmmov vm15;
	vm12 =	vcmask $0x1B18;
	[tilespmem:s0+$0xC300] =	vst.msk vm1, v63;
	vm1 =	vmmov vm14  }
0x2fa: {  	v12 =	vld.msk [tilespmem:s16+$0x0], $0xffff;
	_ =	sdelay $0x4  }
0x2fb: {  	(v2sf) =	vpush v12, $0x0;
	_ =	sdelay $0xe  }
0x2fc: {  	s0 =	spop (v2sf)  }
0x2fd: {  	s0 =	sadd.s32 s4, s0  }
0x2fe: {  	p0 =	sgt.s32 s0, $0x1E83  }
.Ltmp46:
0x2ff: {  	_ = 	snop;
	(pc) =	sbr.rel @p0 .LBB2_63-.Ltmp46, $1  }
0x300: {  	_ =	sdelay $0x3  }
.Ltmp47:
0x301: {  	(pc) =	sbr.rel .LBB2_64-.Ltmp47, $4  }
0x302: {  	_ = 	snop  }
0x303: {  	s0 =	sshll.u32 s0, $0x7  }
0x304: {  	s0 =	sand.u32 $0x1FFFFF80, s0  }
0x305: {  	s1 =	simm.s32 $0xC400;
	s0 =	sadd.s32 s5, s0  }
.LBB2_63:
0x306: {  	p0 =	sne.s32 s0, $0x1E84  }
.Ltmp48:
0x307: {  	_ = 	snop;
	(pc) =	sbr.rel @p0 .LBB2_65-.Ltmp48, $2  }
0x308: {  	_ =	sdelay $0x2  }
0x309: {  	s1 =	simm.s32 $0x18400;
	s0 =	smov.u32 s11  }
.LBB2_64:
0x30a: {  	[tilespmem:s1], [sflag:$0x1] =	stream.strided.gather [hbm4b:s0+s18], $0x2000, s19, s18, $0x38;
	[tilespmem:$0x1A800] =	vst v63  }
.LBB2_65:
0x30b: {  	p0 =	seq.s32 s23, $0x1  }
.Ltmp49:
0x30c: {  	_ = 	snop;
	(pc) =	sbr.rel @p0 .LBB2_85-.Ltmp49, $1  }
0x30d: {  	_ =	sdelay $0x3  }
0x30e: {  	_ =	sdelay $0x3  }
0x30f: {  	v12 =	vld.idx.msk [tilespmem:v4+s16+$0x0], $0xffff;
	_ =	sdelay $0x4  }
0x310: {  	(v2sf) =	vpush v12, $0x0;
	_ =	sdelay $0xe  }
0x311: {  	s0 =	spop (v2sf)  }
0x312: {  	s0 =	sadd.s32 s4, s0  }
0x313: {  	p0 =	sgt.s32 s0, $0x1E83  }
.Ltmp50:
0x314: {  	_ = 	snop;
	(pc) =	sbr.rel @p0 .LBB2_68-.Ltmp50, $1  }
0x315: {  	_ =	sdelay $0x3  }
.Ltmp51:
0x316: {  	(pc) =	sbr.rel .LBB2_69-.Ltmp51, $4  }
0x317: {  	_ = 	snop  }
0x318: {  	s0 =	sshll.u32 s0, $0x7  }
0x319: {  	s0 =	sand.u32 $0x1FFFFF80, s0  }
0x31a: {  	s1 =	simm.s32 $0xE400;
	s0 =	sadd.s32 s5, s0  }
.LBB2_68:
0x31b: {  	p0 =	sne.s32 s0, $0x1E84  }
.Ltmp52:
0x31c: {  	_ = 	snop;
	(pc) =	sbr.rel @p0 .LBB2_70-.Ltmp52, $2  }
0x31d: {  	_ =	sdelay $0x2  }
0x31e: {  	s1 =	simm.s32 $0x18400;
	s0 =	smov.u32 s11  }
.LBB2_69:
0x31f: {  	[tilespmem:s1], [sflag:$0x1] =	stream.strided.gather [hbm4b:s0+s18], $0x2000, s19, s18, $0x38;
	[tilespmem:$0x1A800] =	vst v63  }
.LBB2_70:
0x320: {  	p0 =	slt.u32 s23, $0x3  }
.Ltmp53:
0x321: {  	_ = 	snop;
	(pc) =	sbr.rel @p0 .LBB2_85-.Ltmp53, $1  }
0x322: {  	_ =	sdelay $0x3  }
0x323: {  	_ =	sdelay $0x3  }
0x324: {  	v12 =	vld.idx.msk [tilespmem:v9+s16+$0x0], $0xffff;
	_ =	sdelay $0x4  }
0x325: {  	(v2sf) =	vpush v12, $0x0;
	_ =	sdelay $0xe  }
0x326: {  	s0 =	spop (v2sf)  }
0x327: {  	s0 =	sadd.s32 s4, s0  }
0x328: {  	p0 =	sgt.s32 s0, $0x1E83  }
.Ltmp54:
0x329: {  	_ = 	snop;
	(pc) =	sbr.rel @p0 .LBB2_73-.Ltmp54, $1  }
0x32a: {  	_ =	sdelay $0x3  }
.Ltmp55:
0x32b: {  	(pc) =	sbr.rel .LBB2_74-.Ltmp55, $4  }
0x32c: {  	_ = 	snop  }
0x32d: {  	s0 =	sshll.u32 s0, $0x7  }
0x32e: {  	s0 =	sand.u32 $0x1FFFFF80, s0  }
0x32f: {  	s1 =	simm.s32 $0x10400;
	s0 =	sadd.s32 s5, s0  }
.LBB2_73:
0x330: {  	p0 =	sne.s32 s0, $0x1E84  }
.Ltmp56:
0x331: {  	_ = 	snop;
	(pc) =	sbr.rel @p0 .LBB2_75-.Ltmp56, $2  }
0x332: {  	_ =	sdelay $0x2  }
0x333: {  	s1 =	simm.s32 $0x18400;
	s0 =	smov.u32 s11  }
.LBB2_74:
0x334: {  	[tilespmem:s1], [sflag:$0x1] =	stream.strided.gather [hbm4b:s0+s18], $0x2000, s19, s18, $0x38;
	[tilespmem:$0x1A800] =	vst v63  }
.LBB2_75:
0x335: {  	p0 =	seq.s32 s23, $0x3  }
.Ltmp57:
0x336: {  	_ = 	snop;
	(pc) =	sbr.rel @p0 .LBB2_85-.Ltmp57, $1  }
0x337: {  	_ =	sdelay $0x3  }
0x338: {  	_ =	sdelay $0x3  }
0x339: {  	v12 =	vld.idx.msk [tilespmem:v10+s16+$0x0], $0xffff;
	_ =	sdelay $0x4  }
0x33a: {  	(v2sf) =	vpush v12, $0x0;
	_ =	sdelay $0xe  }
0x33b: {  	s0 =	spop (v2sf)  }
0x33c: {  	s0 =	sadd.s32 s4, s0  }
0x33d: {  	p0 =	sgt.s32 s0, $0x1E83  }
.Ltmp58:
0x33e: {  	_ = 	snop;
	(pc) =	sbr.rel @p0 .LBB2_78-.Ltmp58, $1  }
0x33f: {  	_ =	sdelay $0x3  }
.Ltmp59:
0x340: {  	(pc) =	sbr.rel .LBB2_79-.Ltmp59, $4  }
0x341: {  	_ = 	snop  }
0x342: {  	s0 =	sshll.u32 s0, $0x7  }
0x343: {  	s0 =	sand.u32 $0x1FFFFF80, s0  }
0x344: {  	s1 =	simm.s32 $0x12400;
	s0 =	sadd.s32 s5, s0  }
.LBB2_78:
0x345: {  	p0 =	sne.s32 s0, $0x1E84  }
.Ltmp60:
0x346: {  	_ = 	snop;
	(pc) =	sbr.rel @p0 .LBB2_80-.Ltmp60, $2  }
0x347: {  	_ =	sdelay $0x2  }
0x348: {  	s1 =	simm.s32 $0x18400;
	s0 =	smov.u32 s11  }
.LBB2_79:
0x349: {  	[tilespmem:s1], [sflag:$0x1] =	stream.strided.gather [hbm4b:s0+s18], $0x2000, s19, s18, $0x38;
	[tilespmem:$0x1A800] =	vst v63  }
.LBB2_80:
0x34a: {  	p0 =	slt.u32 s23, $0x5  }
.Ltmp61:
0x34b: {  	_ = 	snop;
	(pc) =	sbr.rel @p0 .LBB2_85-.Ltmp61, $1  }
0x34c: {  	_ =	sdelay $0x3  }
0x34d: {  	_ =	sdelay $0x3  }
0x34e: {  	v12 =	vld.idx.msk [tilespmem:v11+s16+$0x0], $0xffff;
	_ =	sdelay $0x4  }
0x34f: {  	(v2sf) =	vpush v12, $0x0;
	_ =	sdelay $0xe  }
0x350: {  	s0 =	spop (v2sf)  }
0x351: {  	s0 =	sadd.s32 s4, s0  }
0x352: {  	p0 =	sgt.s32 s0, $0x1E83  }
.Ltmp62:
0x353: {  	_ = 	snop;
	(pc) =	sbr.rel @p0 .LBB2_83-.Ltmp62, $1  }
0x354: {  	_ =	sdelay $0x3  }
.Ltmp63:
0x355: {  	(pc) =	sbr.rel .LBB2_84-.Ltmp63, $4  }
0x356: {  	_ = 	snop  }
0x357: {  	s0 =	sshll.u32 s0, $0x7  }
0x358: {  	s0 =	sand.u32 $0x1FFFFF80, s0  }
0x359: {  	s1 =	simm.s32 $0x14400;
	s0 =	sadd.s32 s5, s0  }
.LBB2_83:
0x35a: {  	p0 =	sne.s32 s0, $0x1E84  }
.Ltmp64:
0x35b: {  	_ = 	snop;
	(pc) =	sbr.rel @p0 .LBB2_85-.Ltmp64, $2  }
0x35c: {  	_ =	sdelay $0x2  }
0x35d: {  	s1 =	simm.s32 $0x18400;
	s0 =	smov.u32 s11  }
.LBB2_84:
0x35e: {  	[tilespmem:s1], [sflag:$0x1] =	stream.strided.gather [hbm4b:s0+s18], $0x2000, s19, s18, $0x38;
	[tilespmem:$0x1A800] =	vst v63  }
.LBB2_85:
.Ltmp65:
0x35f: {  	(pc) =	sbr.rel .LBB2_86-.Ltmp65, $2  }
0x360: {  	_ =	sdelay $0x2  }
0x361: {  	s26 =	simm.s32 $0x0;
	s24 =	simm.s32 $0x0  }
.LBB2_92:
0x362: {  	s25 =	smov.u32 s26  }
.LBB2_98:
0x363: {  	s24 =	sadd.s32 $0x1, s24  }
0x364: {  	p0 =	sne.s32 s24, s23  }
.Ltmp66:
0x365: {  	_ = 	snop;
	(pc) =	sbr.rel @!p0 .LBB2_99-.Ltmp66, $1  }
0x366: {  	_ =	sdelay $0x3  }
.LBB2_86:
0x367: {  	v12 =	vmov s24;
	_ =	sdelay $0x4  }
0x368: {  	v12 =	vld.idx.msk [tilespmem:v12+s16+$0x0], $0xffff;
	_ =	sdelay $0x4  }
0x369: {  	(v2sf) =	vpush v12, $0x0;
	_ =	sdelay $0x8  }
0x36a: {  	s1 =	sadd.s32 $0x5, s24  }
0x36b: {  	p0 =	sge.s32 s1, s23  }
.Ltmp67:
0x36c: {  	_ = 	snop;
	(pc) =	sbr.rel @p0 .LBB2_91-.Ltmp67, $2  }
0x36d: {  	_ =	sdelay $0x2  }
0x36e: {  	s0 =	spop (v2sf)  }
0x36f: {  	v13 =	vmov s1;
	_ =	sdelay $0x4  }
0x370: {  	v13 =	vld.idx.msk [tilespmem:v13+s16+$0x0], $0xffff;
	_ =	sdelay $0x4  }
0x371: {  	(v2sf) =	vpush v13, $0x0;
	_ =	sdelay $0xe  }
0x372: {  	s2 =	spop (v2sf)  }
0x373: {  	s2 =	sadd.s32 s4, s2  }
0x374: {  	p0 =	sgt.s32 s2, $0x1E83  }
.Ltmp68:
0x375: {  	_ = 	snop;
	(pc) =	sbr.rel @p0 .LBB2_89-.Ltmp68, $1  }
0x376: {  	_ =	sdelay $0x3  }
0x377: {  	s6 =	smulhi.u32 $0x2AAAAAAB, s1;
	s21 =	sshra.s32 s1, $0x1F  }
0x378: {  	s21 =	smul.u32 $0x2AAAAAAB, s21;
	_ =	sdelay $0x1  }
0x379: {  	s6 =	sadd.s32 s21, s6  }
0x37a: {  	s21 =	sshrl.u32 s6, $0x1F  }
0x37b: {  	s6 =	sadd.s32 s21, s6  }
0x37c: {  	s6 =	smul.u32 $0x6, s6  }
.Ltmp69:
0x37d: {  	_ = 	snop;
	(pc) =	sbr.rel .LBB2_90-.Ltmp69, $4  }
0x37e: {  	s31 =	ssub.s32 s1, s6  }
0x37f: {  	s2 =	sshll.u32 s2, $0x7;
	s1 =	sshll.u32 s31, $0xF  }
0x380: {  	s2 =	sand.u32 $0x1FFFFF80, s2;
	s1 =	sshra.s32 s1, $0x2  }
0x381: {  	s2 =	sadd.s32 s5, s2;
	s1 =	sadd.s32 $0xC400, s1  }
.LBB2_89:
0x382: {  	p0 =	sne.s32 s2, $0x1E84  }
.Ltmp70:
0x383: {  	_ = 	snop;
	(pc) =	sbr.rel @p0 .LBB2_91-.Ltmp70, $2  }
0x384: {  	_ =	sdelay $0x2  }
0x385: {  	s1 =	simm.s32 $0x18400;
	s2 =	smov.u32 s11  }
.LBB2_90:
0x386: {  	[tilespmem:s1], [sflag:$0x1] =	stream.strided.gather [hbm4b:s2+s18], $0x2000, s19, s18, $0x38;
	[tilespmem:$0x1A800] =	vst v63  }
.LBB2_91:
0x387: {  	s1 =	sadd.s32 s4, s0;
	v12 =	vbroadcast v12, $0x0  }
0x388: {  	p1 =	sgt.s32 s1, $0x1E84  }
0x389: {  	s0 =	simm.s32 @!p1 $0x1  }
0x38a: {  	_ =	swait.ge @!p1 [sflag:s0], $0x2000  }
0x38b: {  	[sflag:s0] =	ssyncset.done @!p1 $0x0  }
0x38c: {  	[sflag:s0] =	ssyncadd.s32 @!p1 $0xFFFFE000  }
0x38d: {  	v13 =	vld.idx.msk [tilespmem:v12+s20+$0x0], $0xffff  }
0x38e: {  	v12 =	vld.idx.msk [tilespmem:v12+s13+$0x0], $0xffff;
	_ =	sdelay $0x3  }
0x38f: {  	(v2sf) =	vpush v13, $0x0  }
0x390: {  	(v2sf) =	vpush v12, $0x0;
	_ =	sdelay $0xd  }
0x391: {  	s0 =	spop (v2sf)  }
0x392: {  	s2 =	spop (v2sf)  }
0x393: {  	s6 =	sadd.s32 s0, s2  }
0x394: {  	p0 =	sge.s32 s0, s6  }
.Ltmp71:
0x395: {  	_ = 	snop;
	(pc) =	sbr.rel @p0 .LBB2_92-.Ltmp71, $1  }
0x396: {  	_ =	sdelay $0x3  }
0x397: {  	s6 =	smulhi.u32 $0xAAAAAAAB, s24  }
0x398: {  	p2 =	seq.s32 @!p1 s1, $0x1E84  }
0x399: {  	p0 =	por $0x0, $0x0;
	s1 =	sadd.s32 $0xFFFFFFFF, s2;
	s6 =	sshrl.u32 s6, $0x2  }
0x39a: {  	p0 =	por @!p1 p2, p2;
	p2 =	sne.s32 s1, $0x0;
	s6 =	smul.u32 $0x6, s6  }
.Ltmp72:
0x39b: {  	_ = 	snop;
	(pc) =	sbr.rel @!p2 .LBB2_94-.Ltmp72, $4  }
0x39c: {  	s6 =	ssub.s32 s24, s6  }
0x39d: {  	s6 =	sshll.u32 s6, $0xD  }
0x39e: {  	v20 =	vmov s0;
	v15 =	vor.u32 s6, v5  }
0x39f: {  	s25 =	sadd.s32 s26, s2;
	s28 =	sshll.u32 s26, $0x9;
	p1 =	por $0x0, $0x0;
	v14 =	vor.u32 s6, v6;
	v13 =	vor.u32 s6, v7;
	v12 =	vor.u32 s6, v8  }
0x3a0: {  	_ =	sdelay $0x3  }
0x3a1: {  	v16 =	vld.idx.msk [tilespmem:v20+s15+$0x0], $0xffff;
	_ =	sdelay $0x4  }
0x3a2: {  	(v2sf) =	vpush v16, $0x0;
	_ =	sdelay $0xe  }
0x3a3: {  	s2 =	spop (v2sf)  }
0x3a4: {  	s6 =	sshrl.u32 s2, $0xE  }
0x3a5: {  	v17 =	vlaneseq.u32 @p0;
	v16 =	vmov s6  }
0x3a6: {  	v20 =	vand.u32 $0x3FF80, v16;
	v21 =	vand.u32 $0x7F, v16;
	v16 =	vmul.u32 @p0 $0x80, v17  }
0x3a7: {  	v19 =	vadd.s32 @p0 v21, v20  }
0x3a8: {  	p1 =	slt.s32 s26, $0x8;
	v17 =	vadd.s32 @p0 v16, v19  }
0x3a9: {  	s6 =	simm.s32 @!p1 $0x2  }
0x3aa: {  	_ =	swait.ge @!p1 [sflag:s6], $0x40  }
0x3ab: {  	[sflag:s6] =	ssyncset.done @!p1 $0x0  }
0x3ac: {  	s29 =	simm.s32 @p0 $0x18400;
	[sflag:s6] =	ssyncadd.s32 @!p1 $0xFFFFFFC0  }
0x3ad: {  	v18 =	vld.idx.msk @p0 [tilespmem:v17+s29+$0x0], $0xffff;
	v17 =	vor.u32 @p0 $0x800, v16  }
0x3ae: {  	v22 =	vadd.s32 @p0 v17, v19;
	_ =	sdelay $0x1  }
0x3af: {  	s21 =	sshrl.u32 s28, $0x2  }
0x3b0: {  	s21 =	sand.u32 $0x380, s21  }
0x3b1: {  	[tilespmem:s21+$0x1A400] =	vst @p0 v18  }
0x3b2: {  	v18 =	vor.u32 @p0 $0x1000, v16;
	v22 =	vld.idx.msk @p0 [tilespmem:v22+s29+$0x0], $0xffff  }
0x3b3: {  	v19 =	vadd.s32 @p0 v18, v19;
	_ =	sdelay $0x3  }
0x3b4: {  	[tilespmem:s21+$0x1A410] =	vst @p0 v22  }
0x3b5: {  	v22 =	vadd.s32 @!p0 v20, v15;
	v19 =	vld.idx.msk @p0 [tilespmem:v19+s29+$0x0], $0xffff  }
0x3b6: {  	v22 =	vor.u32 @!p0 v21, v22;
	_ =	sdelay $0x3  }
0x3b7: {  	s30 =	simm.s32 @!p0 $0xC400;
	[tilespmem:s21+$0x1A420] =	vst @p0 v19  }
0x3b8: {  	v19 =	vadd.s32 @!p0 v20, v14;
	v22 =	vld.idx.msk @!p0 [tilespmem:v22+s30+$0x0], $0xffff  }
0x3b9: {  	v19 =	vor.u32 @!p0 v21, v19;
	_ =	sdelay $0x3  }
0x3ba: {  	[tilespmem:s21+$0x1A400] =	vst @!p0 v22  }
0x3bb: {  	v22 =	vadd.s32 @!p0 v20, v13;
	v23 =	vld.idx.msk @!p0 [tilespmem:v19+s30+$0x0], $0xffff  }
0x3bc: {  	v22 =	vor.u32 @!p0 v21, v22;
	_ =	sdelay $0x2  }
0x3bd: {  	v19 =	vor.u32 @p0 $0x1800, v16  }
0x3be: {  	v24 =	vadd.s32 @p0 v19, v20;
	v20 =	vadd.s32 @!p0 v20, v12;
	[tilespmem:s21+$0x1A410] =	vst @!p0 v23  }
0x3bf: {  	v20 =	vpsel p0, v24, v20;
	v22 =	vld.idx.msk @!p0 [tilespmem:v22+s30+$0x0], $0xffff  }
0x3c0: {  	v20 =	vor.u32 v21, v20;
	_ =	sdelay $0x2  }
0x3c1: {  	s31 =	simm.s32 @!p0 $0xC400  }
0x3c2: {  	s31 =	simm.s32 @p0 $0x18400;
	s6 =	sadd.s32 $0xFFFFFFFF, s1;
	[tilespmem:s21+$0x1A420] =	vst @!p0 v22  }
0x3c3: {  	p2 =	sne.s32 s6, $0x0;
	v21 =	vld.idx.msk [tilespmem:v20+s31+$0x0], $0xffff  }
.Ltmp73:
0x3c4: {  	s0 =	sadd.s32 $0x1, s0;
	(pc) =	sbr.rel @!p2 .LBB2_97-.Ltmp73, $4  }
0x3c5: {  	v20 =	vmov s0  }
0x3c6: {  	s2 =	sshll.u32 s2, $0x3  }
0x3c7: {  	s28 =	sadd.s32 $0x200, s28;
	s26 =	sadd.s32 $0x1, s26;
	s1 =	sand.u32 $0x1FFF8, s2  }
0x3c8: {  	s2 =	sor.u32 $0x1A400, s21;
	p1 =	por $0x1, $0x1;
	s1 =	sadd.s32 s9, s1;
	[tilespmem:s21+$0x1A430] =	vst v21  }
.LBB2_96:
0x3c9: {  	[hbm4b:s1+s7] =	stream.linear.scatter [tilespmem:s2], [sflag:$0x2], $0x40, $0x38;
	[tilespmem:$0x1A800] =	vst v63  }
0x3ca: {  	s6 =	sadd.s32 $0xFFFFFFFF, s6;
	v20 =	vld.idx.msk [tilespmem:v20+s15+$0x0], $0xffff  }
0x3cb: {  	p2 =	sne.s32 s6, $0x0;
	_ =	sdelay $0x4  }
0x3cc: {  	(v2sf) =	vpush v20, $0x0;
	_ =	sdelay $0xe  }
0x3cd: {  	s1 =	spop (v2sf)  }
0x3ce: {  	s2 =	sshrl.u32 s1, $0xE;
	s1 =	sshll.u32 s1, $0x3  }
0x3cf: {  	v20 =	vmov s2;
	s1 =	sand.u32 $0x1FFF8, s1  }
0x3d0: {  	v21 =	vand.u32 $0x3FF80, v20;
	v20 =	vand.u32 $0x7F, v20  }
0x3d1: {  	v22 =	vadd.s32 @p0 v20, v21;
	v23 =	vadd.s32 @!p0 v21, v15;
	v24 =	vadd.s32 @!p0 v21, v14  }
0x3d2: {  	p3 =	slt.s32 s26, $0x8;
	v25 =	vadd.s32 @p0 v16, v22;
	v23 =	vor.u32 @!p0 v20, v23  }
0x3d3: {  	s2 =	simm.s32 @!p3 $0x2;
	v26 =	vadd.s32 @p0 v19, v21;
	v27 =	vadd.s32 @!p0 v21, v13;
	v21 =	vadd.s32 @!p0 v21, v12  }
0x3d4: {  	v24 =	vor.u32 @!p0 v20, v24;
	v27 =	vor.u32 @!p0 v20, v27;
	v21 =	vpsel p0, v26, v21;
	_ =	swait.ge @!p3 [sflag:s2], $0x40  }
0x3d5: {  	v20 =	vor.u32 v20, v21;
	[sflag:s2] =	ssyncset.done @!p3 $0x0  }
0x3d6: {  	[sflag:s2] =	ssyncadd.s32 @!p3 $0xFFFFFFC0  }
0x3d7: {  	v21 =	vld.idx.msk @p0 [tilespmem:v25+s29+$0x0], $0xffff;
	_ =	sdelay $0x1  }
0x3d8: {  	v25 =	vadd.s32 @p0 v17, v22;
	_ =	sdelay $0x1  }
0x3d9: {  	s2 =	sshrl.u32 s28, $0x2  }
0x3da: {  	s21 =	sand.u32 $0x380, s2  }
0x3db: {  	[tilespmem:s21+$0x1A400] =	vst @p0 v21  }
0x3dc: {  	v21 =	vld.idx.msk @p0 [tilespmem:v25+s29+$0x0], $0xffff;
	_ =	sdelay $0x1  }
0x3dd: {  	v22 =	vadd.s32 @p0 v18, v22;
	_ =	sdelay $0x3  }
0x3de: {  	[tilespmem:s21+$0x1A410] =	vst @p0 v21  }
0x3df: {  	v21 =	vld.idx.msk @p0 [tilespmem:v22+s29+$0x0], $0xffff;
	_ =	sdelay $0x5  }
0x3e0: {  	[tilespmem:s21+$0x1A420] =	vst @p0 v21  }
0x3e1: {  	v21 =	vld.idx.msk @!p0 [tilespmem:v23+s30+$0x0], $0xffff;
	_ =	sdelay $0x5  }
0x3e2: {  	[tilespmem:s21+$0x1A400] =	vst @!p0 v21  }
0x3e3: {  	v21 =	vld.idx.msk @!p0 [tilespmem:v24+s30+$0x0], $0xffff;
	_ =	sdelay $0x5  }
0x3e4: {  	[tilespmem:s21+$0x1A410] =	vst @!p0 v21  }
0x3e5: {  	v21 =	vld.idx.msk @!p0 [tilespmem:v27+s30+$0x0], $0xffff;
	_ =	sdelay $0x5  }
0x3e6: {  	[tilespmem:s21+$0x1A420] =	vst @!p0 v21  }
0x3e7: {  	v21 =	vld.idx.msk [tilespmem:v20+s31+$0x0], $0xffff;
	_ =	sdelay $0x1  }
.Ltmp74:
0x3e8: {  	s0 =	sadd.s32 $0x1, s0;
	(pc) =	sbr.rel @p2 .LBB2_96-.Ltmp74, $3  }
0x3e9: {  	v20 =	vmov s0;
	_ =	sdelay $0x1  }
0x3ea: {  	s28 =	sadd.s32 $0x200, s28  }
0x3eb: {  	s26 =	sadd.s32 $0x1, s26;
	s1 =	sadd.s32 s9, s1;
	s2 =	sor.u32 $0x1A400, s21;
	[tilespmem:s21+$0x1A430] =	vst v21  }
.LBB2_97:
0x3ec: {  	_ =	sdelay $0x2  }
0x3ed: {  	[hbm4b:s1+s7] =	stream.linear.scatter @p1 [tilespmem:s2], [sflag:$0x2], $0x40, $0x38;
	[tilespmem:$0x1A800] =	vst v63  }
0x3ee: {  	v16 =	vld.idx.msk [tilespmem:v20+s15+$0x0], $0xffff;
	_ =	sdelay $0x4  }
0x3ef: {  	(v2sf) =	vpush v16, $0x0;
	_ =	sdelay $0xe  }
0x3f0: {  	s0 =	spop (v2sf)  }
0x3f1: {  	s29 =	sshrl.u32 s0, $0xE  }
0x3f2: {  	v17 =	vlaneseq.u32 @p0;
	v63 =	vmov s29  }
0x3f3: {  	v17 =	vmul.u32 @p0 $0x80, v17;
	v18 =	vand.u32 $0x3FF80, v63;
	v16 =	vand.u32 $0x7F, v63  }
0x3f4: {  	v19 =	vadd.s32 @p0 v16, v18  }
0x3f5: {  	p1 =	slt.s32 s26, $0x8;
	v20 =	vadd.s32 @p0 v17, v19  }
0x3f6: {  	s1 =	simm.s32 @!p1 $0x2  }
0x3f7: {  	_ =	swait.ge @!p1 [sflag:s1], $0x40  }
0x3f8: {  	[sflag:s1] =	ssyncset.done @!p1 $0x0  }
0x3f9: {  	[sflag:s1] =	ssyncadd.s32 @!p1 $0xFFFFFFC0;
	s1 =	simm.s32 @p0 $0x18400  }
0x3fa: {  	v21 =	vor.u32 @p0 $0x800, v17;
	v20 =	vld.idx.msk @p0 [tilespmem:v20+s1+$0x0], $0xffff  }
0x3fb: {  	v21 =	vadd.s32 @p0 v21, v19;
	_ =	sdelay $0x1  }
0x3fc: {  	s30 =	sshrl.u32 s28, $0x2  }
0x3fd: {  	s2 =	sand.u32 $0x380, s30  }
0x3fe: {  	[tilespmem:s2+$0x1A400] =	vst @p0 v20  }
0x3ff: {  	v20 =	vld.idx.msk @p0 [tilespmem:v21+s1+$0x0], $0xffff;
	v21 =	vor.u32 @p0 $0x1000, v17  }
0x400: {  	v19 =	vadd.s32 @p0 v21, v19;
	_ =	sdelay $0x3  }
0x401: {  	[tilespmem:s2+$0x1A410] =	vst @p0 v20  }
0x402: {  	v15 =	vadd.s32 @!p0 v18, v15;
	v19 =	vld.idx.msk @p0 [tilespmem:v19+s1+$0x0], $0xffff  }
0x403: {  	v15 =	vor.u32 @!p0 v16, v15;
	_ =	sdelay $0x3  }
0x404: {  	s1 =	simm.s32 @!p0 $0xC400;
	[tilespmem:s2+$0x1A420] =	vst @p0 v19  }
0x405: {  	v14 =	vadd.s32 @!p0 v18, v14;
	v15 =	vld.idx.msk @!p0 [tilespmem:v15+s1+$0x0], $0xffff  }
0x406: {  	v14 =	vor.u32 @!p0 v16, v14;
	_ =	sdelay $0x3  }
0x407: {  	[tilespmem:s2+$0x1A400] =	vst @!p0 v15  }
0x408: {  	v13 =	vadd.s32 @!p0 v18, v13;
	v14 =	vld.idx.msk @!p0 [tilespmem:v14+s1+$0x0], $0xffff  }
0x409: {  	v13 =	vor.u32 @!p0 v16, v13;
	_ =	sdelay $0x2  }
0x40a: {  	v15 =	vor.u32 @p0 $0x1800, v17  }
0x40b: {  	v12 =	vadd.s32 @!p0 v18, v12;
	v15 =	vadd.s32 @p0 v15, v18;
	[tilespmem:s2+$0x1A410] =	vst @!p0 v14  }
0x40c: {  	v12 =	vpsel p0, v15, v12;
	v13 =	vld.idx.msk @!p0 [tilespmem:v13+s1+$0x0], $0xffff  }
0x40d: {  	v12 =	vor.u32 v16, v12;
	_ =	sdelay $0x3  }
0x40e: {  	s1 =	simm.s32 @p0 $0x18400;
	[tilespmem:s2+$0x1A420] =	vst @!p0 v13  }
0x40f: {  	v12 =	vld.idx.msk [tilespmem:v12+s1+$0x0], $0xffff;
	_ =	sdelay $0x1  }
.Ltmp75:
0x410: {  	_ = 	snop;
	(pc) =	sbr.rel .LBB2_98-.Ltmp75, $4  }
0x411: {  	s0 =	sshll.u32 s0, $0x3  }
0x412: {  	s0 =	sand.u32 $0x1FFF8, s0  }
0x413: {  	s26 =	smov.u32 s25;
	s31 =	sor.u32 $0x1A400, s2;
	s0 =	sadd.s32 s9, s0;
	[tilespmem:s2+$0x1A430] =	vst v12  }
0x414: {  	[hbm4b:s0+s7] =	stream.linear.scatter [tilespmem:s31], [sflag:$0x2], $0x40, $0x38;
	[tilespmem:$0x1A800] =	vst v63  }
.LBB2_94:
.Ltmp76:
0x415: {  	(pc) =	sbr.rel .LBB2_97-.Ltmp76, $2  }
0x416: {  	_ =	sdelay $0x2  }
0x417: {  	_ = 	snop  }
.LBB2_99:
0x418: {  	p0 =	slt.s32 s25, $0x1  }
0x419: {  	s0 =	simm.s32 @!p0 $0x2  }
0x41a: {  	p1 =	seq.s32 @!p0 s25, $0x1;
	_ =	swait.ge @!p0 [sflag:s0], $0x40  }
0x41b: {  	p1 =	por p0, p1;
	[sflag:s0] =	ssyncset.done @!p0 $0x0  }
0x41c: {  	[sflag:s0] =	ssyncadd.s32 @!p0 $0xFFFFFFC0;
	p0 =	slt.u32 @!p1 s25, $0x3  }
0x41d: {  	p0 =	por p1, p0  }
.Ltmp77:
0x41e: {  	_ = 	snop;
	(pc) =	sbr.rel @p0 .LBB2_101-.Ltmp77, $4  }
0x41f: {  	s0 =	simm.s32 @!p1 $0x2  }
0x420: {  	_ =	swait.ge @!p1 [sflag:s0], $0x40  }
0x421: {  	[sflag:s0] =	ssyncset.done @!p1 $0x0  }
0x422: {  	[sflag:s0] =	ssyncadd.s32 @!p1 $0xFFFFFFC0  }
0x423: {  	p0 =	seq.s32 s25, $0x3  }
0x424: {  	p1 =	slt.u32 @!p0 s25, $0x5  }
0x425: {  	s0 =	simm.s32 $0x2;
	p2 =	por p1, p0  }
0x426: {  	_ =	swait.ge [sflag:s0], $0x40;
	p3 =	seq.s32 @!p2 s25, $0x5  }
0x427: {  	[sflag:s0] =	ssyncset.done $0x0;
	s1 =	simm.s32 @!p3 $0x0;
	p4 =	por @!p0 p3, p1  }
0x428: {  	[sflag:s0] =	ssyncadd.s32 $0xFFFFFFC0;
	s1 =	simm.s32 @p3 $0x1;
	p4 =	por p4, p0  }
0x429: {  	s0 =	simm.s32 @!p0 $0x2;
	[smem:$0x7FB] =	sst s1;
	p5 =	slt.u32 @!p4 s25, $0x7  }
0x42a: {  	_ =	swait.ge @!p0 [sflag:s0], $0x40;
	s1 =	simm.s32 @!p5 $0x0  }
0x42b: {  	[sflag:s0] =	ssyncset.done @!p0 $0x0;
	s1 =	simm.s32 @p5 $0x1  }
0x42c: {  	[sflag:s0] =	ssyncadd.s32 @!p0 $0xFFFFFFC0;
	s0 =	simm.s32 @!p2 $0x2;
	[smem:$0x7FA] =	sst s1  }
0x42d: {  	_ =	swait.ge @!p2 [sflag:s0], $0x40  }
0x42e: {  	[sflag:s0] =	ssyncset.done @!p2 $0x0  }
0x42f: {  	[sflag:s0] =	ssyncadd.s32 @!p2 $0xFFFFFFC0;
	s0 =	simm.s32 @!p4 $0x2  }
0x430: {  	_ =	swait.ge @!p4 [sflag:s0], $0x40  }
0x431: {  	p6 =	por @!p2 p5, p3;
	s30 =	sld [smem:$0x7FA]  }
0x432: {  	p6 =	por @!p0 p6, p1;
	s31 =	sld [smem:$0x7FB]  }
0x433: {  	p6 =	por p6, p0  }
0x434: {  	p5 =	seq.s32 @!p6 s25, $0x7;
	p3 =	seq.s32 s30, $0x1  }
0x435: {  	[sflag:s0] =	ssyncset.done @!p4 $0x0;
	p5 =	por @!p4 p5, p3;
	p3 =	seq.s32 s31, $0x1  }
0x436: {  	[sflag:s0] =	ssyncadd.s32 @!p4 $0xFFFFFFC0;
	s0 =	simm.s32 @!p6 $0x2;
	p2 =	por @!p2 p5, p3  }
0x437: {  	_ =	swait.ge @!p6 [sflag:s0], $0x40;
	p1 =	por @!p0 p2, p1  }
.Ltmp78:
0x438: {  	[sflag:s0] =	ssyncset.done @!p6 $0x0;
	p0 =	por p1, p0;
	(pc) =	sbr.rel .LBB2_101-.Ltmp78, $4  }
0x439: {  	[sflag:s0] =	ssyncadd.s32 @!p6 $0xFFFFFFC0;
	s0 =	simm.s32 @!p0 $0x2  }
0x43a: {  	_ =	swait.ge @!p0 [sflag:s0], $0x40  }
0x43b: {  	[sflag:s0] =	ssyncset.done @!p0 $0x0  }
0x43c: {  	[sflag:s0] =	ssyncadd.s32 @!p0 $0xFFFFFFC0  }
.LBB2_102:
0x43d: {  	_ =	sfence.sel $0x180000  }
0x43e: {  	[bflag:$0x0] =	sbarrier.arrive $0xFFFF  }
0x43f: {  	_ =	strace $0x90000047  }
0x440: {  	s0 =	stileid.u32;
	[bflag:$0x2] =	sbarrier.arrive $0xFFFF  }
0x441: {  	p0 =	sne.s32 s0, $0x0;
	s0 =	rddreg [dreg:$0x5]  }
0x442: {  	s0 =	sadd.s32 @!p0 $0x100000, s0  }
0x443: {  	[sflag:s0] =	ssyncadd.tile.s32 @!p0 $0x1;
	_ =	shalt  }
.Lfunc_end2:
_tile_overlayer_lowered:
.L_overlay_start_2:
0x444: {  	(tag) =	ssettag $0x2  }
0x445: {  	s0 =	rddreg [dreg:$0x0];
	s2 =	stileid.u32  }
0x446: {  	s1 =	rddreg [dreg:$0x1];
	p0 =	sne.s32 s2, $0x0  }
0x447: {  	s3 =	rddreg [dreg:$0x2];
	[bflag:$0x3] =	sbarrier.arrive $0xFFFF;
	s2 =	simm.s32 @!p0 $0x1C03  }
0x448: {  	[timem:s3], [sflag:s2] =	dma.local @!p0 [hbm:s0], s1  }
0x449: {  	s0 =	simm.s32 @!p0 $0x3  }
0x44a: {  	_ =	swait.ge @!p0 [sflag:s0], s1  }
0x44b: {  	s1 =	ssub.s32 @!p0 $0x0, s1;
	[sflag:s0] =	ssyncset.done @!p0 $0x0  }
0x44c: {  	[sflag:s0] =	ssyncadd.s32 @!p0 s1  }
0x44d: {  	[bflag:$0x3] =	sbarrier.arrive $0xFFFF  }
0x44e: {  	_ =	shalt  }

// kernel: kernel.8.cloned.1.call-start
scs
__scs_entry_jumppad:
0x0: {  	(pc) =	sbr.rel $0x88, $3  }
0x1: {  	(tag) =	ssettag $0x0;
	lr =	simm.s32 $0x1  }
0x2: {  	[smem:$0x3F9C] =	sst lr;
	_ =	strace $0xD0000000  }
0x3: {  	_ = 	snop  }
0x4: {  	_ = 	snop  }
0x5: {  	_ = 	snop  }
0x6: {  	_ = 	snop  }
0x7: {  	_ = 	snop  }
__scs_overlays_trampoline_lowered:
0x8: {  	[smem:$0x3FAB] =	sst s0  }
0x9: {  	[smem:$0x3FAC] =	sst s1  }
0xa: {  	[smem:$0x3FAD] =	sst s2  }
0xb: {  	[smem:$0x3FAE] =	sst s3  }
0xc: {  	[smem:$0x3FAF] =	sst s4  }
0xd: {  	[smem:$0x3FB0] =	sst s5  }
0xe: {  	[smem:$0x3FB1] =	sst s6  }
0xf: {  	[smem:$0x3FB2] =	sst s7  }
0x10: {  	[smem:$0x3FB3] =	sst s8  }
0x11: {  	[smem:$0x3FB4] =	sst s9;
	s0 =	simm.s32 @!p0 $0x0  }
0x12: {  	s1 =	sld [smem:$0x3F9A];
	s0 =	simm.s32 @p0 $0x1  }
0x13: {  	[smem:$0x3FB5] =	sst s0;
	s0 =	simm.s32 @!p1 $0x0  }
0x14: {  	s2 =	sld [smem:$0x3F99];
	s0 =	simm.s32 @p1 $0x1  }
0x15: {  	[smem:$0x3FB6] =	sst s0;
	s0 =	simm.s32 @!p2 $0x0  }
0x16: {  	s3 =	sld [smem:$0x3FDB];
	s0 =	simm.s32 @p2 $0x1  }
0x17: {  	s4 =	simm.s32 $0x1BF5;
	[smem:$0x3FB8] =	sst s0  }
0x18: {  	s0 =	sld [smem:$0x3F9B];
	_ =	swait.ge [sflag:s4], $0x0  }
0x19: {  	s7 =	sld [smem:$0x3F9C]  }
0x1a: {  	s8 =	sadd.s32 $0xFFFFE003, lr  }
0x1b: {  	s9 =	sadd.s32 $0xFFFFFEF7, lr;
	s5 =	simm.s32 $0xFFFFFFFF;
	p2 =	slt.u32 s8, $0xFFFFF086  }
0x1c: {  	p1 =	slt.u32 s9, $0xF7A;
	s5 =	simm.s32 @!p2 $0x0  }
0x1d: {  	s5 =	simm.s32 @p1 $0x1;
	p0 =	seq.s32 s7, s2  }
0x1e: {  	s7 =	smul.u32 @!p0 $0xF7A, s2;
	p2 =	seq.s32 @!p0 s5, $0x0  }
0x1f: {  	s9 =	smul.u32 $0xF7A, s1;
	s8 =	simm.s32 @!p0 $0x1BF5;
	p2 =	por !p2, p0  }
0x20: {  	[sflag:s8] =	ssyncset.s32 @!p0 $0xFFFFF086;
	s6 =	sadd.s32 @!p0 s3, s7;
	s7 =	simm.s32 @!p0 $0x108  }
0x21: {  	s3 =	sadd.s32 s3, s9;
	s6 =	sadd.s32 @!p0 $0x88, s6;
	s7 =	simm.s32 @p2 $0x1082  }
0x22: {  	[simem:s7], [sflag:s8] =	dma.local @!p0 [hbm:s6], $0xF7A  }
0x23: {  	s9 =	sor.u32 $0xD0000000, s2;
	s6 =	simm.s32 $0x108;
	_ =	swait.ge @!p0 [sflag:s8], $0x0  }
0x24: {  	s3 =	sadd.s32 $0x88, s3;
	s6 =	simm.s32 @!p1 $0x1082;
	[sflag:s4] =	ssyncset.s32 $0xFFFFF086  }
0x25: {  	[simem:s6], [sflag:s4] =	dma.local [hbm:s3], $0xF7A  }
0x26: {  	[smem:$0x3F9C] =	sst s1;
	(tag) =	ssettag s2;
	_ =	strace s9  }
0x27: {  	s1 =	sld [smem:$0x3FAC]  }
0x28: {  	s2 =	sld [smem:$0x3FAD]  }
0x29: {  	s4 =	sld [smem:$0x3FAF]  }
0x2a: {  	p0 =	seq.s32 s5, $0x0;
	s5 =	sld [smem:$0x3FB0]  }
0x2b: {  	s6 =	sld [smem:$0x3FB1]  }
0x2c: {  	s7 =	sld [smem:$0x3FB2]  }
0x2d: {  	s3 =	simm.s32 $0x108;
	s8 =	sld [smem:$0x3FB3]  }
0x2e: {  	s3 =	simm.s32 @!p0 $0x1082;
	s9 =	sld [smem:$0x3FB4]  }
0x2f: {  	lr =	sadd.s32 s0, s3;
	s0 =	sld [smem:$0x3FAB]  }
0x30: {  	s3 =	sld [smem:$0x3FAE]  }
0x31: {  	[smem:$0x3FB7] =	sst s10  }
0x32: {  	s10 =	sld [smem:$0x3FB5];
	_ =	sdelay $0x3  }
0x33: {  	p0 =	seq.s32 s10, $0x1;
	s10 =	sld [smem:$0x3FB7];
	_ =	sdelay $0x3  }
0x34: {  	[smem:$0x3FB7] =	sst s10  }
0x35: {  	s10 =	sld [smem:$0x3FB6];
	_ =	sdelay $0x3  }
0x36: {  	p1 =	seq.s32 s10, $0x1;
	s10 =	sld [smem:$0x3FB7];
	_ =	sdelay $0x3  }
0x37: {  	[smem:$0x3FB7] =	sst s10  }
0x38: {  	s10 =	sld [smem:$0x3FB8]  }
0x39: {  	_ = 	snop;
	(pc) =	sbr.ind lr, $3  }
0x3a: {  	_ = 	snop  }
0x3b: {  	_ = 	snop  }
0x3c: {  	p2 =	seq.s32 s10, $0x1;
	s10 =	sld [smem:$0x3FB7]  }
0x3d: {  	_ =	shalt  }
0x3e: {  	_ =	shalt  }
0x3f: {  	_ =	shalt  }
0x40: {  	_ =	shalt  }
0x41: {  	_ =	shalt  }
0x42: {  	_ =	shalt  }
0x43: {  	_ =	shalt  }
0x44: {  	_ =	shalt  }
0x45: {  	_ =	shalt  }
0x46: {  	_ =	shalt  }
0x47: {  	_ =	shalt  }
0x48: {  	_ =	shalt  }
0x49: {  	_ =	shalt  }
0x4a: {  	_ =	shalt  }
0x4b: {  	_ =	shalt  }
0x4c: {  	_ =	shalt  }
0x4d: {  	_ =	shalt  }
0x4e: {  	_ =	shalt  }
0x4f: {  	_ =	shalt  }
0x50: {  	_ =	shalt  }
0x51: {  	_ =	shalt  }
0x52: {  	_ =	shalt  }
0x53: {  	_ =	shalt  }
0x54: {  	_ =	shalt  }
0x55: {  	_ =	shalt  }
0x56: {  	_ =	shalt  }
0x57: {  	_ =	shalt  }
0x58: {  	_ =	shalt  }
0x59: {  	_ =	shalt  }
0x5a: {  	_ =	shalt  }
0x5b: {  	_ =	shalt  }
0x5c: {  	_ =	shalt  }
0x5d: {  	_ =	shalt  }
0x5e: {  	_ =	shalt  }
0x5f: {  	_ =	shalt  }
0x60: {  	_ =	shalt  }
0x61: {  	_ =	shalt  }
0x62: {  	_ =	shalt  }
0x63: {  	_ =	shalt  }
0x64: {  	_ =	shalt  }
0x65: {  	_ =	shalt  }
0x66: {  	_ =	shalt  }
0x67: {  	_ =	shalt  }
0x68: {  	_ =	shalt  }
0x69: {  	_ =	shalt  }
0x6a: {  	_ =	shalt  }
0x6b: {  	_ =	shalt  }
0x6c: {  	_ =	shalt  }
0x6d: {  	_ =	shalt  }
0x6e: {  	_ =	shalt  }
0x6f: {  	_ =	shalt  }
0x70: {  	_ =	shalt  }
0x71: {  	_ =	shalt  }
0x72: {  	_ =	shalt  }
0x73: {  	_ =	shalt  }
0x74: {  	_ =	shalt  }
0x75: {  	_ =	shalt  }
0x76: {  	_ =	shalt  }
0x77: {  	_ =	shalt  }
0x78: {  	_ =	shalt  }
0x79: {  	_ =	shalt  }
0x7a: {  	_ =	shalt  }
0x7b: {  	_ =	shalt  }
0x7c: {  	_ =	shalt  }
0x7d: {  	_ =	shalt  }
0x7e: {  	_ =	shalt  }
0x7f: {  	_ =	shalt  }
0x80: {  	_ =	shalt  }
0x81: {  	_ =	shalt  }
0x82: {  	_ =	shalt  }
0x83: {  	_ =	shalt  }
0x84: {  	_ =	shalt  }
0x85: {  	_ =	shalt  }
0x86: {  	_ =	shalt  }
0x87: {  	_ =	shalt  }
.Lfunc_end0:
.L_simem_size_0:
called_computation.1_lowered:
.L_overlay_start_0:
0x88: {  	s2 =	sld [smem:$0x3FD9]  }
0x89: {  	s3 =	sld [smem:$0x3FFE];
	_ =	sdelay $0x1  }
0x8a: {  	s1 =	srdreg.scid  }
0x8b: {  	s0 =	sand.u32 $0x1, s1  }
0x8c: {  	s16 =	sshll.u32 s0, $0xA;
	s2 =	sadd.s32 s3, s2  }
0x8d: {  	s2 =	sadd.s32 s2, s16  }
0x8e: {  	[smem:$0x3FC3] =	sst s2  }
0x8f: {  	_ = 	snop  }
0x90: {  	(tm) =	ssettm $0x1  }
0x91: {  	s17 =	sld [smem:$0x3FFB];
	_ =	sdelay $0x3  }
0x92: {  	_ =	strace s17  }
0x93: {  	s2 =	sld [smem:$0x3FFC];
	_ =	sdelay $0x3  }
0x94: {  	_ =	strace s2  }
0x95: {  	s2 =	sld [smem:$0x3FFD];
	_ =	sdelay $0x3  }
0x96: {  	_ =	strace s2  }
0x97: {  	_ =	strace $0x8FFFFFFF  }
0x98: {  	s18 =	sld [smem:$0x3FDB];
	_ =	sdelay $0x1  }
0x99: {  	s19 =	simm.s32 $_scs_section_size  }
0x9a: {  	s4 =	simm.s32 $_size__tile_overlayer_lowered;
	s5 =	simm.s32 $_tile_overlayer_lowered  }
0x9b: {  	s22 =	simm.s32 $0x1BFF;
	s21 =	sshll.u32 s5, $0x1;
	s2 =	sadd.s32 s19, s18  }
0x9c: {  	s6 =	simm.s32 $0x0;
	s20 =	sshll.u32 s4, $0x1;
	s4 =	sadd.s32 s21, s2  }
0x9d: {  	[timem:s6], [sflag:s22] =	dma.local [hbm:s4], s20  }
0x9e: {  	_ =	swait.ge [sflag:s22], s20  }
0x9f: {  	s3 =	ssub.s32 $0x0, s20;
	[sflag:s22] =	ssyncset.done $0x0  }
0xa0: {  	[sflag:s22] =	ssyncadd.s32 s3;
	_ =	sdelay $0x1  }
0xa1: {  	s23 =	simm.s32 $0x1B8B  }
0xa2: {  	_ =	swait.ge [sflag:s23], $0x1  }
0xa3: {  	[sflag:s23] =	ssyncset.done $0x0  }
0xa4: {  	s25 =	simm.s32 $0x1B8E;
	s24 =	sld [smem:$0x3FFE];
	[sflag:s23] =	ssyncadd.s32 $0xFFFFFFFF  }
0xa5: {  	s26 =	simm.s32 $execute0_lowered;
	[smem:$0x3FD2] =	sst s25  }
0xa6: {  	s4 =	sshll.u32 s26, $0x1;
	_ =	strace $0x80000049;
	[dreg:$0x1] =	wrdreg $0xFFFFFFFF  }
0xa7: {  	s28 =	simm.s32 $_size_execute0_lowered;
	s2 =	sadd.s32 s2, s4;
	[dreg:$0x0] =	wrdreg $0x0  }
0xa8: {  	s4 =	sshll.u32 s28, $0x1;
	[dreg:$0x2] =	wrdreg s2  }
0xa9: {  	[dreg:$0x3] =	wrdreg s4  }
0xaa: {  	[dreg:$0x4] =	wrdreg $0xC0  }
0xab: {  	_ =	task [dreg:s6], $0x5FFFF  }
0xac: {  	[dreg:$0x1] =	wrdreg $0xFFFFFFFF  }
0xad: {  	[dreg:$0x0] =	wrdreg $0x60  }
0xae: {  	[dreg:$0x2] =	wrdreg s24  }
0xaf: {  	[dreg:$0x3] =	wrdreg $0x9  }
0xb0: {  	_ =	task.clear_ibuf [dreg:s6], $0x4FFFF;
	_ =	strace $0x90000049  }
0xb1: {  	s29 =	simm.s32 $0x9;
	_ =	strace $0x8000004B  }
0xb2: {  	_ =	swait.ge [sflag:s29], $0x1  }
0xb3: {  	[sflag:s29] =	ssyncadd.s32 $0xFFFFFFFF  }
0xb4: {  	_ =	strace $0x9000004B  }
0xb5: {  	_ =	sfence  }
0xb6: {  	s30 =	sld [smem:$0x0];
	_ =	sdelay $0x2  }
0xb7: {  	s31 =	sshll.u32 s1, $0xD;
	s1 =	sshrl.u32 s1, $0x2  }
0xb8: {  	s3 =	sand.u32 $0x4000, s31;
	s1 =	sadd.s32 s1, s30  }
0xb9: {  	s0 =	sor.u32 s3, s0;
	s1 =	sshll.u32 s1, $0x11  }
0xba: {  	s0 =	sor.u32 s1, s0  }
0xbb: {  	s0 =	sadd.s32 $0x8F2B, s0  }
0xbc: {  	[sflag:s0] =	ssyncadd.remote.s32 $0x1  }
0xbd: {  	_ =	sfence.sel $0xFFFF  }
0xbe: {  	[dreg:$0x0] =	wrdreg $0xFFFFFFFF;
	(pc) =	sbr.abs _section_cstart, $3  }
0xbf: {  	[dreg:$0x1] =	wrdreg $0xFFFFFFFF  }
0xc0: {  	_ =	task.clear_ibuf [dreg:s6], $0x2FFFF;
	_ =	strace $0x9FFFFFFF  }
0xc1: {  	(tm) =	ssettm $0x7FFFFFFF  }
tec
execute0_lowered:
.L_overlay_start_1:
0x0: {  	(tag) =	ssettag $0x1  }
0x1: {  	s3 =	rddreg [dreg:$0x0]  }
0x2: {  	s0 =	rddreg [dreg:$0x1]  }
0x3: {  	s2 =	simm.s32 $0x0;
	s4 =	srdreg.scid;
	s1 =	stileid.u32;
	v0 =	vlaneseq.u32  }
0x4: {  	s8 =	simm.s32 $0x8000;
	s9 =	simm.s32 $0x10200;
	s10 =	simm.s32 $0x10000;
	v0 =	vmul.u32 $0x10, v0  }
0x5: {  	[smem:$0x7FF] =	sst s2;
	s4 =	sand.u32 $0x1, s4;
	s5 =	sshll.u32 s1, $0x1  }
0x6: {  	s11 =	simm.s32 $0x0;
	_ =	strace $0x8000004A;
	s5 =	sor.u32 s4, s5;
	v1 =	vor.u32 $0x1, v0;
	v2 =	vor.u32 $0x2, v0;
	v3 =	vor.u32 $0x3, v0  }
0x7: {  	s4 =	ssub.s32 $0x2, s4;
	s6 =	sshll.u32 s5, $0xC;
	s5 =	sshll.u32 s5, $0x6;
	v4 =	vor.u32 $0x4, v0;
	v5 =	vor.u32 $0x5, v0;
	v6 =	vor.u32 $0x6, v0  }
0x8: {  	s7 =	sshrl.u32 s4, $0x1;
	v7 =	vor.u32 $0x7, v0;
	v8 =	vor.u32 $0x8, v0;
	v9 =	vor.u32 $0x9, v0;
	s6 =	sadd.s32 s6, s3;
	s5 =	sadd.s32 s5, s3  }
0x9: {  	v10 =	vor.u32 $0xA, v0;
	v11 =	vor.u32 $0xB, v0;
	v12 =	vor.u32 $0xC, v0;
	s7 =	ssub.s32 s4, s7;
	s3 =	sadd.s32 $0x1000, s6;
	s4 =	sadd.s32 $0x21000, s6  }
0xa: {  	v13 =	vor.u32 $0xD, v0;
	v14 =	vor.u32 $0xE, v0;
	v15 =	vor.u32 $0xF, v0;
	s5 =	sadd.s32 $0x41000, s5;
	s6 =	smax.u32 s7, $0x1;
	s7 =	simm.s32 $0x1  }
.LBB2_1:
0xb: {  	[tilespmem:s2], [sflag:$0x1] =	stream.linear.gather [hbm4b:s3+s2], $0x8000, $0x38;
	[tilespmem:$0x10300] =	vst v63  }
0xc: {  	_ =	swait.ge [sflag:s7], $0x8000  }
0xd: {  	[sflag:s7] =	ssyncset.done $0x0  }
0xe: {  	[sflag:s7] =	ssyncadd.s32 $0xFFFF8000  }
0xf: {  	[tilespmem:s8], [sflag:$0x1] =	stream.linear.gather [hbm4b:s4+s2], $0x8000, $0x38;
	[tilespmem:$0x10300] =	vst v63  }
0x10: {  	_ =	swait.ge [sflag:s7], $0x8000  }
0x11: {  	[sflag:s7] =	ssyncset.done $0x0  }
0x12: {  	s12 =	simm.s32 $0x0;
	[sflag:s7] =	ssyncadd.s32 $0xFFFF8000  }
0x13: {  	v16 =	vld [tilespmem:s12+$0x8010]  }
0x14: {  	v17 =	vld [tilespmem:s12+$0x0]  }
0x15: {  	v18 =	vld [tilespmem:s12+$0x10]  }
0x16: {  	v19 =	vld [tilespmem:s12+$0x8000]  }
0x17: {  	v20 =	vld [tilespmem:s12+$0x8020]  }
0x18: {  	v21 =	vld [tilespmem:s12+$0x20]  }
0x19: {  	v22 =	vld [tilespmem:s12+$0x8030]  }
0x1a: {  	v23 =	vld [tilespmem:s12+$0x30]  }
0x1b: {  	v16 =	vmul.f32 v16, v18;
	v17 =	vmul.f32 v19, v17;
	_ =	sdelay $0x1  }
0x1c: {  	v16 =	vadd.f32 v16, v17;
	v17 =	vmul.f32 v20, v21;
	_ =	sdelay $0x1  }
0x1d: {  	v16 =	vadd.f32 v17, v16;
	v17 =	vmul.f32 v22, v23;
	_ =	sdelay $0x1  }
0x1e: {  	v16 =	vadd.f32 v17, v16;
	_ =	sdelay $0x1  }
0x1f: {  	[tilespmem:v0+s9+$0x0] =	vst.idx.msk $0xffff, v16  }
0x20: {  	v16 =	vld [tilespmem:s12+$0x40]  }
0x21: {  	v17 =	vld [tilespmem:s12+$0x8040]  }
0x22: {  	v18 =	vld [tilespmem:s12+$0x50]  }
0x23: {  	v19 =	vld [tilespmem:s12+$0x8050]  }
0x24: {  	v20 =	vld [tilespmem:s12+$0x8060]  }
0x25: {  	v62 =	vld [tilespmem:s12+$0x60]  }
0x26: {  	v63 =	vld [tilespmem:s12+$0x8070]  }
0x27: {  	v24 =	vld [tilespmem:s12+$0x70]  }
0x28: {  	v16 =	vmul.f32 v17, v16;
	v17 =	vmul.f32 v19, v18;
	_ =	sdelay $0x1  }
0x29: {  	v16 =	vadd.f32 v17, v16;
	v17 =	vmul.f32 v20, v62;
	_ =	sdelay $0x1  }
0x2a: {  	v16 =	vadd.f32 v17, v16;
	v17 =	vmul.f32 v63, v24;
	_ =	sdelay $0x1  }
0x2b: {  	v16 =	vadd.f32 v17, v16;
	_ =	sdelay $0x1  }
0x2c: {  	[tilespmem:v1+s9+$0x0] =	vst.idx.msk $0xffff, v16  }
0x2d: {  	v16 =	vld [tilespmem:s12+$0x8090]  }
0x2e: {  	v17 =	vld [tilespmem:s12+$0x80]  }
0x2f: {  	v18 =	vld [tilespmem:s12+$0x8080]  }
0x30: {  	v19 =	vld [tilespmem:s12+$0x90]  }
0x31: {  	v20 =	vld [tilespmem:s12+$0x80A0]  }
0x32: {  	v25 =	vld [tilespmem:s12+$0xA0]  }
0x33: {  	v26 =	vld [tilespmem:s12+$0x80B0]  }
0x34: {  	v27 =	vld [tilespmem:s12+$0xB0]  }
0x35: {  	v17 =	vmul.f32 v18, v17;
	v16 =	vmul.f32 v16, v19;
	_ =	sdelay $0x1  }
0x36: {  	v16 =	vadd.f32 v16, v17;
	v17 =	vmul.f32 v20, v25;
	_ =	sdelay $0x1  }
0x37: {  	v16 =	vadd.f32 v17, v16;
	v17 =	vmul.f32 v26, v27;
	_ =	sdelay $0x1  }
0x38: {  	v16 =	vadd.f32 v17, v16;
	_ =	sdelay $0x1  }
0x39: {  	[tilespmem:v2+s9+$0x0] =	vst.idx.msk $0xffff, v16  }
0x3a: {  	v16 =	vld [tilespmem:s12+$0x80D0]  }
0x3b: {  	v17 =	vld [tilespmem:s12+$0xC0]  }
0x3c: {  	v18 =	vld [tilespmem:s12+$0x80C0]  }
0x3d: {  	v19 =	vld [tilespmem:s12+$0xD0]  }
0x3e: {  	v20 =	vld [tilespmem:s12+$0xE0]  }
0x3f: {  	v28 =	vld [tilespmem:s12+$0x80E0]  }
0x40: {  	v29 =	vld [tilespmem:s12+$0x80F0]  }
0x41: {  	v30 =	vld [tilespmem:s12+$0xF0]  }
0x42: {  	v17 =	vmul.f32 v18, v17;
	v16 =	vmul.f32 v16, v19;
	_ =	sdelay $0x1  }
0x43: {  	v16 =	vadd.f32 v16, v17;
	v17 =	vmul.f32 v28, v20;
	_ =	sdelay $0x1  }
0x44: {  	v16 =	vadd.f32 v17, v16;
	v17 =	vmul.f32 v29, v30;
	_ =	sdelay $0x1  }
0x45: {  	v16 =	vadd.f32 v17, v16;
	_ =	sdelay $0x1  }
0x46: {  	[tilespmem:v3+s9+$0x0] =	vst.idx.msk $0xffff, v16  }
0x47: {  	v16 =	vld [tilespmem:s12+$0x8100]  }
0x48: {  	v17 =	vld [tilespmem:s12+$0x8110]  }
0x49: {  	v18 =	vld [tilespmem:s12+$0x100]  }
0x4a: {  	v19 =	vld [tilespmem:s12+$0x110]  }
0x4b: {  	v20 =	vld [tilespmem:s12+$0x120]  }
0x4c: {  	v31 =	vld [tilespmem:s12+$0x8120]  }
0x4d: {  	v32 =	vld [tilespmem:s12+$0x8130]  }
0x4e: {  	v33 =	vld [tilespmem:s12+$0x130]  }
0x4f: {  	v16 =	vmul.f32 v16, v18;
	v17 =	vmul.f32 v17, v19;
	_ =	sdelay $0x1  }
0x50: {  	v16 =	vadd.f32 v17, v16;
	v17 =	vmul.f32 v31, v20;
	_ =	sdelay $0x1  }
0x51: {  	v16 =	vadd.f32 v17, v16;
	v17 =	vmul.f32 v32, v33;
	_ =	sdelay $0x1  }
0x52: {  	v16 =	vadd.f32 v17, v16;
	_ =	sdelay $0x1  }
0x53: {  	[tilespmem:v4+s9+$0x0] =	vst.idx.msk $0xffff, v16  }
0x54: {  	v16 =	vld [tilespmem:s12+$0x8140]  }
0x55: {  	v17 =	vld [tilespmem:s12+$0x8150]  }
0x56: {  	v18 =	vld [tilespmem:s12+$0x140]  }
0x57: {  	v19 =	vld [tilespmem:s12+$0x150]  }
0x58: {  	v20 =	vld [tilespmem:s12+$0x160]  }
0x59: {  	v34 =	vld [tilespmem:s12+$0x8160]  }
0x5a: {  	v35 =	vld [tilespmem:s12+$0x8170]  }
0x5b: {  	v36 =	vld [tilespmem:s12+$0x170]  }
0x5c: {  	v16 =	vmul.f32 v16, v18;
	v17 =	vmul.f32 v17, v19;
	_ =	sdelay $0x1  }
0x5d: {  	v16 =	vadd.f32 v17, v16;
	v17 =	vmul.f32 v34, v20;
	_ =	sdelay $0x1  }
0x5e: {  	v16 =	vadd.f32 v17, v16;
	v17 =	vmul.f32 v35, v36;
	_ =	sdelay $0x1  }
0x5f: {  	v16 =	vadd.f32 v17, v16;
	_ =	sdelay $0x1  }
0x60: {  	[tilespmem:v5+s9+$0x0] =	vst.idx.msk $0xffff, v16  }
0x61: {  	v16 =	vld [tilespmem:s12+$0x8180]  }
0x62: {  	v17 =	vld [tilespmem:s12+$0x8190]  }
0x63: {  	v18 =	vld [tilespmem:s12+$0x190]  }
0x64: {  	v19 =	vld [tilespmem:s12+$0x180]  }
0x65: {  	v20 =	vld [tilespmem:s12+$0x81A0]  }
0x66: {  	v37 =	vld [tilespmem:s12+$0x1A0]  }
0x67: {  	v38 =	vld [tilespmem:s12+$0x81B0]  }
0x68: {  	v39 =	vld [tilespmem:s12+$0x1B0]  }
0x69: {  	v17 =	vmul.f32 v17, v18;
	v16 =	vmul.f32 v16, v19;
	_ =	sdelay $0x1  }
0x6a: {  	v16 =	vadd.f32 v17, v16;
	v17 =	vmul.f32 v20, v37;
	_ =	sdelay $0x1  }
0x6b: {  	v16 =	vadd.f32 v17, v16;
	v17 =	vmul.f32 v38, v39;
	_ =	sdelay $0x1  }
0x6c: {  	v16 =	vadd.f32 v17, v16;
	_ =	sdelay $0x1  }
0x6d: {  	[tilespmem:v6+s9+$0x0] =	vst.idx.msk $0xffff, v16  }
0x6e: {  	v16 =	vld [tilespmem:s12+$0x1C0]  }
0x6f: {  	v17 =	vld [tilespmem:s12+$0x81C0]  }
0x70: {  	v18 =	vld [tilespmem:s12+$0x81D0]  }
0x71: {  	v19 =	vld [tilespmem:s12+$0x1D0]  }
0x72: {  	v20 =	vld [tilespmem:s12+$0x81E0]  }
0x73: {  	v40 =	vld [tilespmem:s12+$0x1E0]  }
0x74: {  	v41 =	vld [tilespmem:s12+$0x81F0]  }
0x75: {  	v42 =	vld [tilespmem:s12+$0x1F0]  }
0x76: {  	v16 =	vmul.f32 v17, v16;
	v17 =	vmul.f32 v18, v19;
	_ =	sdelay $0x1  }
0x77: {  	v16 =	vadd.f32 v17, v16;
	v17 =	vmul.f32 v20, v40;
	_ =	sdelay $0x1  }
0x78: {  	v16 =	vadd.f32 v17, v16;
	v17 =	vmul.f32 v41, v42;
	_ =	sdelay $0x1  }
0x79: {  	v16 =	vadd.f32 v17, v16;
	_ =	sdelay $0x1  }
0x7a: {  	[tilespmem:v7+s9+$0x0] =	vst.idx.msk $0xffff, v16  }
0x7b: {  	v16 =	vld [tilespmem:s12+$0x8200]  }
0x7c: {  	v17 =	vld [tilespmem:s12+$0x8210]  }
0x7d: {  	v18 =	vld [tilespmem:s12+$0x200]  }
0x7e: {  	v19 =	vld [tilespmem:s12+$0x210]  }
0x7f: {  	v20 =	vld [tilespmem:s12+$0x8220]  }
0x80: {  	v43 =	vld [tilespmem:s12+$0x220]  }
0x81: {  	v44 =	vld [tilespmem:s12+$0x8230]  }
0x82: {  	v45 =	vld [tilespmem:s12+$0x230]  }
0x83: {  	v16 =	vmul.f32 v16, v18;
	v17 =	vmul.f32 v17, v19;
	_ =	sdelay $0x1  }
0x84: {  	v16 =	vadd.f32 v17, v16;
	v17 =	vmul.f32 v20, v43;
	_ =	sdelay $0x1  }
0x85: {  	v16 =	vadd.f32 v17, v16;
	v17 =	vmul.f32 v44, v45;
	_ =	sdelay $0x1  }
0x86: {  	v16 =	vadd.f32 v17, v16;
	_ =	sdelay $0x1  }
0x87: {  	[tilespmem:v8+s9+$0x0] =	vst.idx.msk $0xffff, v16  }
0x88: {  	v16 =	vld [tilespmem:s12+$0x8240]  }
0x89: {  	v17 =	vld [tilespmem:s12+$0x8250]  }
0x8a: {  	v18 =	vld [tilespmem:s12+$0x250]  }
0x8b: {  	v19 =	vld [tilespmem:s12+$0x240]  }
0x8c: {  	v20 =	vld [tilespmem:s12+$0x260]  }
0x8d: {  	v46 =	vld [tilespmem:s12+$0x8260]  }
0x8e: {  	v47 =	vld [tilespmem:s12+$0x270]  }
0x8f: {  	v48 =	vld [tilespmem:s12+$0x8270]  }
0x90: {  	v17 =	vmul.f32 v17, v18;
	v16 =	vmul.f32 v16, v19;
	_ =	sdelay $0x1  }
0x91: {  	v16 =	vadd.f32 v17, v16;
	v17 =	vmul.f32 v46, v20;
	_ =	sdelay $0x1  }
0x92: {  	v16 =	vadd.f32 v17, v16;
	v17 =	vmul.f32 v48, v47;
	_ =	sdelay $0x1  }
0x93: {  	v16 =	vadd.f32 v17, v16;
	_ =	sdelay $0x1  }
0x94: {  	[tilespmem:v9+s9+$0x0] =	vst.idx.msk $0xffff, v16  }
0x95: {  	v16 =	vld [tilespmem:s12+$0x8290]  }
0x96: {  	v17 =	vld [tilespmem:s12+$0x8280]  }
0x97: {  	v18 =	vld [tilespmem:s12+$0x280]  }
0x98: {  	v19 =	vld [tilespmem:s12+$0x290]  }
0x99: {  	v20 =	vld [tilespmem:s12+$0x2A0]  }
0x9a: {  	v49 =	vld [tilespmem:s12+$0x82A0]  }
0x9b: {  	v50 =	vld [tilespmem:s12+$0x2B0]  }
0x9c: {  	v51 =	vld [tilespmem:s12+$0x82B0]  }
0x9d: {  	v17 =	vmul.f32 v17, v18;
	v16 =	vmul.f32 v16, v19;
	_ =	sdelay $0x1  }
0x9e: {  	v16 =	vadd.f32 v16, v17;
	v17 =	vmul.f32 v49, v20;
	_ =	sdelay $0x1  }
0x9f: {  	v16 =	vadd.f32 v17, v16;
	v17 =	vmul.f32 v51, v50;
	_ =	sdelay $0x1  }
0xa0: {  	v16 =	vadd.f32 v17, v16;
	_ =	sdelay $0x1  }
0xa1: {  	[tilespmem:v10+s9+$0x0] =	vst.idx.msk $0xffff, v16  }
0xa2: {  	v16 =	vld [tilespmem:s12+$0x82C0]  }
0xa3: {  	v17 =	vld [tilespmem:s12+$0x82D0]  }
0xa4: {  	v18 =	vld [tilespmem:s12+$0x2C0]  }
0xa5: {  	v19 =	vld [tilespmem:s12+$0x2D0]  }
0xa6: {  	v20 =	vld [tilespmem:s12+$0x2E0]  }
0xa7: {  	v52 =	vld [tilespmem:s12+$0x82E0]  }
0xa8: {  	v53 =	vld [tilespmem:s12+$0x2F0]  }
0xa9: {  	v54 =	vld [tilespmem:s12+$0x82F0]  }
0xaa: {  	v16 =	vmul.f32 v16, v18;
	v17 =	vmul.f32 v17, v19;
	_ =	sdelay $0x1  }
0xab: {  	v16 =	vadd.f32 v17, v16;
	v17 =	vmul.f32 v52, v20;
	_ =	sdelay $0x1  }
0xac: {  	v16 =	vadd.f32 v17, v16;
	v17 =	vmul.f32 v54, v53;
	_ =	sdelay $0x1  }
0xad: {  	v16 =	vadd.f32 v17, v16;
	_ =	sdelay $0x1  }
0xae: {  	[tilespmem:v11+s9+$0x0] =	vst.idx.msk $0xffff, v16  }
0xaf: {  	v16 =	vld [tilespmem:s12+$0x8300]  }
0xb0: {  	v17 =	vld [tilespmem:s12+$0x8310]  }
0xb1: {  	v18 =	vld [tilespmem:s12+$0x300]  }
0xb2: {  	v19 =	vld [tilespmem:s12+$0x310]  }
0xb3: {  	v20 =	vld [tilespmem:s12+$0x320]  }
0xb4: {  	v55 =	vld [tilespmem:s12+$0x8320]  }
0xb5: {  	v56 =	vld [tilespmem:s12+$0x330]  }
0xb6: {  	v57 =	vld [tilespmem:s12+$0x8330]  }
0xb7: {  	v16 =	vmul.f32 v16, v18;
	v17 =	vmul.f32 v17, v19;
	_ =	sdelay $0x1  }
0xb8: {  	v16 =	vadd.f32 v17, v16;
	v17 =	vmul.f32 v55, v20;
	_ =	sdelay $0x1  }
0xb9: {  	v16 =	vadd.f32 v17, v16;
	v17 =	vmul.f32 v57, v56;
	_ =	sdelay $0x1  }
0xba: {  	v16 =	vadd.f32 v17, v16;
	_ =	sdelay $0x1  }
0xbb: {  	[tilespmem:v12+s9+$0x0] =	vst.idx.msk $0xffff, v16  }
0xbc: {  	v16 =	vld [tilespmem:s12+$0x8340]  }
0xbd: {  	v17 =	vld [tilespmem:s12+$0x8350]  }
0xbe: {  	v18 =	vld [tilespmem:s12+$0x340]  }
0xbf: {  	v19 =	vld [tilespmem:s12+$0x350]  }
0xc0: {  	v20 =	vld [tilespmem:s12+$0x360]  }
0xc1: {  	v58 =	vld [tilespmem:s12+$0x8360]  }
0xc2: {  	v59 =	vld [tilespmem:s12+$0x370]  }
0xc3: {  	v60 =	vld [tilespmem:s12+$0x8370]  }
0xc4: {  	v16 =	vmul.f32 v16, v18;
	v17 =	vmul.f32 v17, v19;
	_ =	sdelay $0x1  }
0xc5: {  	v16 =	vadd.f32 v17, v16;
	v17 =	vmul.f32 v58, v20;
	_ =	sdelay $0x1  }
0xc6: {  	v16 =	vadd.f32 v17, v16;
	v17 =	vmul.f32 v60, v59;
	_ =	sdelay $0x1  }
0xc7: {  	v16 =	vadd.f32 v17, v16;
	_ =	sdelay $0x1  }
0xc8: {  	[tilespmem:v13+s9+$0x0] =	vst.idx.msk $0xffff, v16  }
0xc9: {  	v16 =	vld [tilespmem:s12+$0x8380]  }
0xca: {  	v17 =	vld [tilespmem:s12+$0x8390]  }
0xcb: {  	v18 =	vld [tilespmem:s12+$0x380]  }
0xcc: {  	v19 =	vld [tilespmem:s12+$0x390]  }
0xcd: {  	v20 =	vld [tilespmem:s12+$0x3A0]  }
0xce: {  	v61 =	vld [tilespmem:s12+$0x83A0]  }
0xcf: {  	v62 =	vld [tilespmem:s12+$0x3B0]  }
0xd0: {  	v63 =	vld [tilespmem:s12+$0x83B0]  }
0xd1: {  	v16 =	vmul.f32 v16, v18;
	v17 =	vmul.f32 v17, v19;
	_ =	sdelay $0x1  }
0xd2: {  	v16 =	vadd.f32 v17, v16;
	v17 =	vmul.f32 v61, v20;
	_ =	sdelay $0x1  }
0xd3: {  	v16 =	vadd.f32 v17, v16;
	v17 =	vmul.f32 v63, v62;
	_ =	sdelay $0x1  }
0xd4: {  	v16 =	vadd.f32 v17, v16;
	_ =	sdelay $0x1  }
0xd5: {  	[tilespmem:v14+s9+$0x0] =	vst.idx.msk $0xffff, v16  }
0xd6: {  	v16 =	vld [tilespmem:s12+$0x83C0]  }
0xd7: {  	v18 =	vld [tilespmem:s12+$0x3C0]  }
0xd8: {  	v17 =	vld [tilespmem:s12+$0x83D0]  }
0xd9: {  	s14 =	simm.s32 $0x1000;
	s15 =	simm.s32 $0x10000;
	s13 =	simm.s32 $0x10000;
	v19 =	vld [tilespmem:s12+$0x3D0]  }
.LBB2_2:
0xda: {  	p0 =	sne.s32 s14, $0x1F000  }
0xdb: {  	v20 =	vld [tilespmem:s12+$0x3E0];
	s15 =	sadd.s32 $0x10, s15;
	s16 =	smov.u32 s14;
	s14 =	sadd.s32 $0x1000, s14  }
0xdc: {  	v21 =	vld [tilespmem:s12+$0x83E0]  }
0xdd: {  	v16 =	vmul.f32 v16, v18;
	v18 =	vld [tilespmem:s12+$0x3F0]  }
0xde: {  	v22 =	vld [tilespmem:s12+$0x83F0]  }
0xdf: {  	v17 =	vmul.f32 v17, v19;
	_ =	sdelay $0x1  }
0xe0: {  	v16 =	vadd.f32 v17, v16;
	v17 =	vmul.f32 v21, v20;
	_ =	sdelay $0x1  }
0xe1: {  	v16 =	vadd.f32 v17, v16;
	v17 =	vmul.f32 v22, v18;
	_ =	sdelay $0x1  }
0xe2: {  	v16 =	vadd.f32 v17, v16;
	_ =	sdelay $0x1  }
0xe3: {  	[tilespmem:v15+s9+$0x0] =	vst.idx.msk $0xffff, v16  }
0xe4: {  	v16 =	vld [tilespmem:$0x10200]  }
0xe5: {  	v17 =	vld [tilespmem:$0x10210]  }
0xe6: {  	v18 =	vld [tilespmem:$0x10220]  }
0xe7: {  	v19 =	vld [tilespmem:$0x10230]  }
0xe8: {  	v20 =	vld [tilespmem:$0x10240]  }
0xe9: {  	v21 =	vld [tilespmem:$0x10250]  }
0xea: {  	v16 =	vadd.f32 v17, v16;
	v17 =	vld [tilespmem:$0x10260]  }
0xeb: {  	v22 =	vld [tilespmem:$0x10270]  }
0xec: {  	v16 =	vadd.f32 v18, v16;
	v18 =	vld [tilespmem:$0x10280]  }
0xed: {  	v23 =	vld [tilespmem:$0x10290]  }
0xee: {  	v16 =	vadd.f32 v19, v16;
	v19 =	vld [tilespmem:$0x102A0]  }
0xef: {  	v24 =	vld [tilespmem:$0x102B0]  }
0xf0: {  	v16 =	vadd.f32 v20, v16;
	v20 =	vld [tilespmem:$0x102C0]  }
0xf1: {  	v25 =	vld [tilespmem:$0x102D0]  }
0xf2: {  	v16 =	vadd.f32 v21, v16;
	v21 =	vld [tilespmem:$0x102E0]  }
0xf3: {  	v26 =	vld [tilespmem:$0x102F0]  }
0xf4: {  	v16 =	vadd.f32 v17, v16;
	_ =	sdelay $0x1  }
0xf5: {  	v16 =	vadd.f32 v22, v16;
	_ =	sdelay $0x1  }
0xf6: {  	v16 =	vadd.f32 v18, v16;
	_ =	sdelay $0x1  }
0xf7: {  	v16 =	vadd.f32 v23, v16;
	_ =	sdelay $0x1  }
0xf8: {  	v16 =	vadd.f32 v19, v16;
	_ =	sdelay $0x1  }
0xf9: {  	v16 =	vadd.f32 v24, v16;
	_ =	sdelay $0x1  }
0xfa: {  	v16 =	vadd.f32 v20, v16;
	_ =	sdelay $0x1  }
0xfb: {  	v16 =	vadd.f32 v25, v16;
	_ =	sdelay $0x1  }
0xfc: {  	v16 =	vadd.f32 v21, v16;
	_ =	sdelay $0x1  }
0xfd: {  	v16 =	vadd.f32 v26, v16;
	_ =	sdelay $0x1  }
0xfe: {  	s12 =	sshra.s32 s16, $0x2;
	[tilespmem:s13+$0x0] =	vst v16;
	s13 =	smov.u32 s15  }
0xff: {  	v16 =	vld [tilespmem:s12+$0x8010]  }
0x100: {  	v17 =	vld [tilespmem:s12+$0x0]  }
0x101: {  	v18 =	vld [tilespmem:s12+$0x10]  }
0x102: {  	v19 =	vld [tilespmem:s12+$0x8000]  }
0x103: {  	v20 =	vld [tilespmem:s12+$0x8020]  }
0x104: {  	v21 =	vld [tilespmem:s12+$0x20]  }
0x105: {  	v22 =	vld [tilespmem:s12+$0x8030]  }
0x106: {  	v16 =	vmul.f32 v16, v18;
	v18 =	vld [tilespmem:s12+$0x30]  }
0x107: {  	v17 =	vmul.f32 v19, v17;
	_ =	sdelay $0x1  }
0x108: {  	v16 =	vadd.f32 v16, v17;
	v17 =	vmul.f32 v20, v21;
	_ =	sdelay $0x1  }
0x109: {  	v16 =	vadd.f32 v17, v16;
	v17 =	vmul.f32 v22, v18;
	_ =	sdelay $0x1  }
0x10a: {  	v16 =	vadd.f32 v17, v16;
	_ =	sdelay $0x1  }
0x10b: {  	[tilespmem:v0+s9+$0x0] =	vst.idx.msk $0xffff, v16  }
0x10c: {  	v16 =	vld [tilespmem:s12+$0x40]  }
0x10d: {  	v17 =	vld [tilespmem:s12+$0x8040]  }
0x10e: {  	v18 =	vld [tilespmem:s12+$0x50]  }
0x10f: {  	v19 =	vld [tilespmem:s12+$0x8050]  }
0x110: {  	v20 =	vld [tilespmem:s12+$0x8060]  }
0x111: {  	v21 =	vld [tilespmem:s12+$0x60]  }
0x112: {  	v16 =	vmul.f32 v17, v16;
	v17 =	vld [tilespmem:s12+$0x8070]  }
0x113: {  	v22 =	vld [tilespmem:s12+$0x70]  }
0x114: {  	v18 =	vmul.f32 v19, v18;
	_ =	sdelay $0x1  }
0x115: {  	v16 =	vadd.f32 v18, v16;
	v18 =	vmul.f32 v20, v21;
	_ =	sdelay $0x1  }
0x116: {  	v16 =	vadd.f32 v18, v16;
	v17 =	vmul.f32 v17, v22;
	_ =	sdelay $0x1  }
0x117: {  	v16 =	vadd.f32 v17, v16;
	_ =	sdelay $0x1  }
0x118: {  	[tilespmem:v1+s9+$0x0] =	vst.idx.msk $0xffff, v16  }
0x119: {  	v16 =	vld [tilespmem:s12+$0x8090]  }
0x11a: {  	v17 =	vld [tilespmem:s12+$0x80]  }
0x11b: {  	v18 =	vld [tilespmem:s12+$0x8080]  }
0x11c: {  	v19 =	vld [tilespmem:s12+$0x90]  }
0x11d: {  	v20 =	vld [tilespmem:s12+$0x80A0]  }
0x11e: {  	v21 =	vld [tilespmem:s12+$0xA0]  }
0x11f: {  	v22 =	vld [tilespmem:s12+$0x80B0]  }
0x120: {  	v17 =	vmul.f32 v18, v17;
	v18 =	vld [tilespmem:s12+$0xB0]  }
0x121: {  	v16 =	vmul.f32 v16, v19;
	_ =	sdelay $0x1  }
0x122: {  	v16 =	vadd.f32 v16, v17;
	v17 =	vmul.f32 v20, v21;
	_ =	sdelay $0x1  }
0x123: {  	v16 =	vadd.f32 v17, v16;
	v17 =	vmul.f32 v22, v18;
	_ =	sdelay $0x1  }
0x124: {  	v16 =	vadd.f32 v17, v16;
	_ =	sdelay $0x1  }
0x125: {  	[tilespmem:v2+s9+$0x0] =	vst.idx.msk $0xffff, v16  }
0x126: {  	v16 =	vld [tilespmem:s12+$0x80D0]  }
0x127: {  	v17 =	vld [tilespmem:s12+$0xC0]  }
0x128: {  	v18 =	vld [tilespmem:s12+$0x80C0]  }
0x129: {  	v19 =	vld [tilespmem:s12+$0xD0]  }
0x12a: {  	v20 =	vld [tilespmem:s12+$0xE0]  }
0x12b: {  	v21 =	vld [tilespmem:s12+$0x80E0]  }
0x12c: {  	v22 =	vld [tilespmem:s12+$0x80F0]  }
0x12d: {  	v17 =	vmul.f32 v18, v17;
	v18 =	vld [tilespmem:s12+$0xF0]  }
0x12e: {  	v16 =	vmul.f32 v16, v19;
	_ =	sdelay $0x1  }
0x12f: {  	v16 =	vadd.f32 v16, v17;
	v17 =	vmul.f32 v21, v20;
	_ =	sdelay $0x1  }
0x130: {  	v16 =	vadd.f32 v17, v16;
	v17 =	vmul.f32 v22, v18;
	_ =	sdelay $0x1  }
0x131: {  	v16 =	vadd.f32 v17, v16;
	_ =	sdelay $0x1  }
0x132: {  	[tilespmem:v3+s9+$0x0] =	vst.idx.msk $0xffff, v16  }
0x133: {  	v16 =	vld [tilespmem:s12+$0x8100]  }
0x134: {  	v17 =	vld [tilespmem:s12+$0x8110]  }
0x135: {  	v18 =	vld [tilespmem:s12+$0x100]  }
0x136: {  	v19 =	vld [tilespmem:s12+$0x110]  }
0x137: {  	v20 =	vld [tilespmem:s12+$0x120]  }
0x138: {  	v21 =	vld [tilespmem:s12+$0x8120]  }
0x139: {  	v22 =	vld [tilespmem:s12+$0x8130]  }
0x13a: {  	v16 =	vmul.f32 v16, v18;
	v18 =	vld [tilespmem:s12+$0x130]  }
0x13b: {  	v17 =	vmul.f32 v17, v19;
	_ =	sdelay $0x1  }
0x13c: {  	v16 =	vadd.f32 v17, v16;
	v17 =	vmul.f32 v21, v20;
	_ =	sdelay $0x1  }
0x13d: {  	v16 =	vadd.f32 v17, v16;
	v17 =	vmul.f32 v22, v18;
	_ =	sdelay $0x1  }
0x13e: {  	v16 =	vadd.f32 v17, v16;
	_ =	sdelay $0x1  }
0x13f: {  	[tilespmem:v4+s9+$0x0] =	vst.idx.msk $0xffff, v16  }
0x140: {  	v16 =	vld [tilespmem:s12+$0x8140]  }
0x141: {  	v17 =	vld [tilespmem:s12+$0x8150]  }
0x142: {  	v18 =	vld [tilespmem:s12+$0x140]  }
0x143: {  	v19 =	vld [tilespmem:s12+$0x150]  }
0x144: {  	v20 =	vld [tilespmem:s12+$0x160]  }
0x145: {  	v21 =	vld [tilespmem:s12+$0x8160]  }
0x146: {  	v22 =	vld [tilespmem:s12+$0x8170]  }
0x147: {  	v16 =	vmul.f32 v16, v18;
	v18 =	vld [tilespmem:s12+$0x170]  }
0x148: {  	v17 =	vmul.f32 v17, v19;
	_ =	sdelay $0x1  }
0x149: {  	v16 =	vadd.f32 v17, v16;
	v17 =	vmul.f32 v21, v20;
	_ =	sdelay $0x1  }
0x14a: {  	v16 =	vadd.f32 v17, v16;
	v17 =	vmul.f32 v22, v18;
	_ =	sdelay $0x1  }
0x14b: {  	v16 =	vadd.f32 v17, v16;
	_ =	sdelay $0x1  }
0x14c: {  	[tilespmem:v5+s9+$0x0] =	vst.idx.msk $0xffff, v16  }
0x14d: {  	v16 =	vld [tilespmem:s12+$0x8180]  }
0x14e: {  	v17 =	vld [tilespmem:s12+$0x8190]  }
0x14f: {  	v18 =	vld [tilespmem:s12+$0x190]  }
0x150: {  	v19 =	vld [tilespmem:s12+$0x180]  }
0x151: {  	v20 =	vld [tilespmem:s12+$0x81A0]  }
0x152: {  	v21 =	vld [tilespmem:s12+$0x1A0]  }
0x153: {  	v22 =	vld [tilespmem:s12+$0x81B0]  }
0x154: {  	v17 =	vmul.f32 v17, v18;
	v18 =	vld [tilespmem:s12+$0x1B0]  }
0x155: {  	v16 =	vmul.f32 v16, v19;
	_ =	sdelay $0x1  }
0x156: {  	v16 =	vadd.f32 v17, v16;
	v17 =	vmul.f32 v20, v21;
	_ =	sdelay $0x1  }
0x157: {  	v16 =	vadd.f32 v17, v16;
	v17 =	vmul.f32 v22, v18;
	_ =	sdelay $0x1  }
0x158: {  	v16 =	vadd.f32 v17, v16;
	_ =	sdelay $0x1  }
0x159: {  	[tilespmem:v6+s9+$0x0] =	vst.idx.msk $0xffff, v16  }
0x15a: {  	v16 =	vld [tilespmem:s12+$0x1C0]  }
0x15b: {  	v17 =	vld [tilespmem:s12+$0x81C0]  }
0x15c: {  	v18 =	vld [tilespmem:s12+$0x81D0]  }
0x15d: {  	v19 =	vld [tilespmem:s12+$0x1D0]  }
0x15e: {  	v20 =	vld [tilespmem:s12+$0x81E0]  }
0x15f: {  	v21 =	vld [tilespmem:s12+$0x1E0]  }
0x160: {  	v16 =	vmul.f32 v17, v16;
	v17 =	vld [tilespmem:s12+$0x81F0]  }
0x161: {  	v22 =	vld [tilespmem:s12+$0x1F0]  }
0x162: {  	v18 =	vmul.f32 v18, v19;
	_ =	sdelay $0x1  }
0x163: {  	v16 =	vadd.f32 v18, v16;
	v18 =	vmul.f32 v20, v21;
	_ =	sdelay $0x1  }
0x164: {  	v16 =	vadd.f32 v18, v16;
	v17 =	vmul.f32 v17, v22;
	_ =	sdelay $0x1  }
0x165: {  	v16 =	vadd.f32 v17, v16;
	_ =	sdelay $0x1  }
0x166: {  	[tilespmem:v7+s9+$0x0] =	vst.idx.msk $0xffff, v16  }
0x167: {  	v16 =	vld [tilespmem:s12+$0x8200]  }
0x168: {  	v17 =	vld [tilespmem:s12+$0x8210]  }
0x169: {  	v18 =	vld [tilespmem:s12+$0x200]  }
0x16a: {  	v19 =	vld [tilespmem:s12+$0x210]  }
0x16b: {  	v20 =	vld [tilespmem:s12+$0x8220]  }
0x16c: {  	v21 =	vld [tilespmem:s12+$0x220]  }
0x16d: {  	v22 =	vld [tilespmem:s12+$0x8230]  }
0x16e: {  	v16 =	vmul.f32 v16, v18;
	v18 =	vld [tilespmem:s12+$0x230]  }
0x16f: {  	v17 =	vmul.f32 v17, v19;
	_ =	sdelay $0x1  }
0x170: {  	v16 =	vadd.f32 v17, v16;
	v17 =	vmul.f32 v20, v21;
	_ =	sdelay $0x1  }
0x171: {  	v16 =	vadd.f32 v17, v16;
	v17 =	vmul.f32 v22, v18;
	_ =	sdelay $0x1  }
0x172: {  	v16 =	vadd.f32 v17, v16;
	_ =	sdelay $0x1  }
0x173: {  	[tilespmem:v8+s9+$0x0] =	vst.idx.msk $0xffff, v16  }
0x174: {  	v16 =	vld [tilespmem:s12+$0x8240]  }
0x175: {  	v17 =	vld [tilespmem:s12+$0x8250]  }
0x176: {  	v18 =	vld [tilespmem:s12+$0x250]  }
0x177: {  	v19 =	vld [tilespmem:s12+$0x240]  }
0x178: {  	v20 =	vld [tilespmem:s12+$0x260]  }
0x179: {  	v21 =	vld [tilespmem:s12+$0x8260]  }
0x17a: {  	v22 =	vld [tilespmem:s12+$0x270]  }
0x17b: {  	v17 =	vmul.f32 v17, v18;
	v18 =	vld [tilespmem:s12+$0x8270]  }
0x17c: {  	v16 =	vmul.f32 v16, v19;
	_ =	sdelay $0x1  }
0x17d: {  	v16 =	vadd.f32 v17, v16;
	v17 =	vmul.f32 v21, v20;
	_ =	sdelay $0x1  }
0x17e: {  	v16 =	vadd.f32 v17, v16;
	v17 =	vmul.f32 v18, v22;
	_ =	sdelay $0x1  }
0x17f: {  	v16 =	vadd.f32 v17, v16;
	_ =	sdelay $0x1  }
0x180: {  	[tilespmem:v9+s9+$0x0] =	vst.idx.msk $0xffff, v16  }
0x181: {  	v16 =	vld [tilespmem:s12+$0x8290]  }
0x182: {  	v17 =	vld [tilespmem:s12+$0x8280]  }
0x183: {  	v18 =	vld [tilespmem:s12+$0x280]  }
0x184: {  	v19 =	vld [tilespmem:s12+$0x290]  }
0x185: {  	v20 =	vld [tilespmem:s12+$0x2A0]  }
0x186: {  	v21 =	vld [tilespmem:s12+$0x82A0]  }
0x187: {  	v22 =	vld [tilespmem:s12+$0x2B0]  }
0x188: {  	v17 =	vmul.f32 v17, v18;
	v18 =	vld [tilespmem:s12+$0x82B0]  }
0x189: {  	v16 =	vmul.f32 v16, v19;
	_ =	sdelay $0x1  }
0x18a: {  	v16 =	vadd.f32 v16, v17;
	v17 =	vmul.f32 v21, v20;
	_ =	sdelay $0x1  }
0x18b: {  	v16 =	vadd.f32 v17, v16;
	v17 =	vmul.f32 v18, v22;
	_ =	sdelay $0x1  }
0x18c: {  	v16 =	vadd.f32 v17, v16;
	_ =	sdelay $0x1  }
0x18d: {  	[tilespmem:v10+s9+$0x0] =	vst.idx.msk $0xffff, v16  }
0x18e: {  	v16 =	vld [tilespmem:s12+$0x82C0]  }
0x18f: {  	v17 =	vld [tilespmem:s12+$0x82D0]  }
0x190: {  	v18 =	vld [tilespmem:s12+$0x2C0]  }
0x191: {  	v19 =	vld [tilespmem:s12+$0x2D0]  }
0x192: {  	v20 =	vld [tilespmem:s12+$0x2E0]  }
0x193: {  	v21 =	vld [tilespmem:s12+$0x82E0]  }
0x194: {  	v22 =	vld [tilespmem:s12+$0x2F0]  }
0x195: {  	v16 =	vmul.f32 v16, v18;
	v18 =	vld [tilespmem:s12+$0x82F0]  }
0x196: {  	v17 =	vmul.f32 v17, v19;
	_ =	sdelay $0x1  }
0x197: {  	v16 =	vadd.f32 v17, v16;
	v17 =	vmul.f32 v21, v20;
	_ =	sdelay $0x1  }
0x198: {  	v16 =	vadd.f32 v17, v16;
	v17 =	vmul.f32 v18, v22;
	_ =	sdelay $0x1  }
0x199: {  	v16 =	vadd.f32 v17, v16;
	_ =	sdelay $0x1  }
0x19a: {  	[tilespmem:v11+s9+$0x0] =	vst.idx.msk $0xffff, v16  }
0x19b: {  	v16 =	vld [tilespmem:s12+$0x8300]  }
0x19c: {  	v17 =	vld [tilespmem:s12+$0x8310]  }
0x19d: {  	v18 =	vld [tilespmem:s12+$0x300]  }
0x19e: {  	v19 =	vld [tilespmem:s12+$0x310]  }
0x19f: {  	v20 =	vld [tilespmem:s12+$0x320]  }
0x1a0: {  	v21 =	vld [tilespmem:s12+$0x8320]  }
0x1a1: {  	v22 =	vld [tilespmem:s12+$0x330]  }
0x1a2: {  	v16 =	vmul.f32 v16, v18;
	v18 =	vld [tilespmem:s12+$0x8330]  }
0x1a3: {  	v17 =	vmul.f32 v17, v19;
	_ =	sdelay $0x1  }
0x1a4: {  	v16 =	vadd.f32 v17, v16;
	v17 =	vmul.f32 v21, v20;
	_ =	sdelay $0x1  }
0x1a5: {  	v16 =	vadd.f32 v17, v16;
	v17 =	vmul.f32 v18, v22;
	_ =	sdelay $0x1  }
0x1a6: {  	v16 =	vadd.f32 v17, v16;
	_ =	sdelay $0x1  }
0x1a7: {  	[tilespmem:v12+s9+$0x0] =	vst.idx.msk $0xffff, v16  }
0x1a8: {  	v16 =	vld [tilespmem:s12+$0x8340]  }
0x1a9: {  	v17 =	vld [tilespmem:s12+$0x8350]  }
0x1aa: {  	v18 =	vld [tilespmem:s12+$0x340]  }
0x1ab: {  	v19 =	vld [tilespmem:s12+$0x350]  }
0x1ac: {  	v20 =	vld [tilespmem:s12+$0x360]  }
0x1ad: {  	v21 =	vld [tilespmem:s12+$0x8360]  }
0x1ae: {  	v22 =	vld [tilespmem:s12+$0x370]  }
0x1af: {  	v16 =	vmul.f32 v16, v18;
	v18 =	vld [tilespmem:s12+$0x8370]  }
0x1b0: {  	v17 =	vmul.f32 v17, v19;
	_ =	sdelay $0x1  }
0x1b1: {  	v16 =	vadd.f32 v17, v16;
	v17 =	vmul.f32 v21, v20;
	_ =	sdelay $0x1  }
0x1b2: {  	v16 =	vadd.f32 v17, v16;
	v17 =	vmul.f32 v18, v22;
	_ =	sdelay $0x1  }
0x1b3: {  	v16 =	vadd.f32 v17, v16;
	_ =	sdelay $0x1  }
0x1b4: {  	[tilespmem:v13+s9+$0x0] =	vst.idx.msk $0xffff, v16  }
0x1b5: {  	v16 =	vld [tilespmem:s12+$0x8380]  }
0x1b6: {  	v17 =	vld [tilespmem:s12+$0x8390]  }
0x1b7: {  	v18 =	vld [tilespmem:s12+$0x380]  }
0x1b8: {  	v19 =	vld [tilespmem:s12+$0x390]  }
0x1b9: {  	v20 =	vld [tilespmem:s12+$0x3A0]  }
0x1ba: {  	v21 =	vld [tilespmem:s12+$0x83A0]  }
0x1bb: {  	v22 =	vld [tilespmem:s12+$0x3B0]  }
0x1bc: {  	v16 =	vmul.f32 v16, v18;
	v18 =	vld [tilespmem:s12+$0x83B0]  }
0x1bd: {  	v17 =	vmul.f32 v17, v19;
	_ =	sdelay $0x1  }
0x1be: {  	v16 =	vadd.f32 v17, v16;
	v17 =	vmul.f32 v21, v20;
	_ =	sdelay $0x1  }
0x1bf: {  	v16 =	vadd.f32 v17, v16;
	v17 =	vmul.f32 v18, v22;
	_ =	sdelay $0x1  }
0x1c0: {  	v16 =	vadd.f32 v17, v16;
	_ =	sdelay $0x1  }
.Ltmp0:
0x1c1: {  	[tilespmem:v14+s9+$0x0] =	vst.idx.msk $0xffff, v16;
	(pc) =	sbr.rel @p0 .LBB2_2-.Ltmp0, $4  }
0x1c2: {  	v16 =	vld [tilespmem:s12+$0x83C0]  }
0x1c3: {  	v18 =	vld [tilespmem:s12+$0x3C0]  }
0x1c4: {  	v17 =	vld [tilespmem:s12+$0x83D0]  }
0x1c5: {  	v19 =	vld [tilespmem:s12+$0x3D0]  }
0x1c6: {  	v20 =	vld [tilespmem:s12+$0x3E0]  }
0x1c7: {  	v21 =	vld [tilespmem:s12+$0x83E0]  }
0x1c8: {  	v22 =	vld [tilespmem:s12+$0x3F0]  }
0x1c9: {  	v23 =	vld [tilespmem:s12+$0x83F0]  }
0x1ca: {  	v16 =	vmul.f32 v16, v18;
	v17 =	vmul.f32 v17, v19;
	_ =	sdelay $0x1  }
0x1cb: {  	v16 =	vadd.f32 v17, v16;
	v17 =	vmul.f32 v21, v20;
	_ =	sdelay $0x1  }
0x1cc: {  	v16 =	vadd.f32 v17, v16;
	v17 =	vmul.f32 v23, v22;
	_ =	sdelay $0x1  }
0x1cd: {  	v16 =	vadd.f32 v17, v16;
	_ =	sdelay $0x1  }
0x1ce: {  	[tilespmem:v15+s9+$0x0] =	vst.idx.msk $0xffff, v16  }
0x1cf: {  	v16 =	vld [tilespmem:$0x10200]  }
0x1d0: {  	v17 =	vld [tilespmem:$0x10210];
	_ =	sdelay $0x1  }
0x1d1: {  	v54 =	vld [tilespmem:$0x10220];
	_ =	sdelay $0x1  }
0x1d2: {  	v55 =	vld [tilespmem:$0x10230]  }
0x1d3: {  	v16 =	vadd.f32 v17, v16  }
0x1d4: {  	v17 =	vld [tilespmem:$0x10240]  }
0x1d5: {  	v16 =	vadd.f32 v54, v16  }
0x1d6: {  	v56 =	vld [tilespmem:$0x10250]  }
0x1d7: {  	v16 =	vadd.f32 v55, v16  }
0x1d8: {  	v57 =	vld [tilespmem:$0x10260]  }
0x1d9: {  	v16 =	vadd.f32 v17, v16  }
0x1da: {  	v17 =	vld [tilespmem:$0x10270]  }
0x1db: {  	v16 =	vadd.f32 v56, v16  }
0x1dc: {  	v58 =	vld [tilespmem:$0x10280]  }
0x1dd: {  	v16 =	vadd.f32 v57, v16  }
0x1de: {  	v59 =	vld [tilespmem:$0x10290]  }
0x1df: {  	v16 =	vadd.f32 v17, v16  }
0x1e0: {  	v17 =	vld [tilespmem:$0x102A0]  }
0x1e1: {  	v16 =	vadd.f32 v58, v16  }
0x1e2: {  	v60 =	vld [tilespmem:$0x102B0]  }
0x1e3: {  	v16 =	vadd.f32 v59, v16  }
0x1e4: {  	v61 =	vld [tilespmem:$0x102C0]  }
0x1e5: {  	v16 =	vadd.f32 v17, v16  }
0x1e6: {  	v17 =	vld [tilespmem:$0x102D0]  }
0x1e7: {  	v16 =	vadd.f32 v60, v16  }
0x1e8: {  	v62 =	vld [tilespmem:$0x102E0]  }
0x1e9: {  	v16 =	vadd.f32 v61, v16  }
0x1ea: {  	v63 =	vld [tilespmem:$0x102F0]  }
0x1eb: {  	v16 =	vadd.f32 v17, v16;
	_ =	sdelay $0x1  }
0x1ec: {  	v16 =	vadd.f32 v62, v16;
	_ =	sdelay $0x1  }
0x1ed: {  	s11 =	sadd.s32 $0x1, s11;
	v16 =	vadd.f32 v63, v16  }
0x1ee: {  	p0 =	sne.s32 s11, s6  }
.Ltmp1:
0x1ef: {  	[tilespmem:s13+$0x0] =	vst v16;
	(pc) =	sbr.rel @p0 .LBB2_1-.Ltmp1, $4  }
0x1f0: {  	[hbm4b:s5+s2] =	stream.linear.scatter [tilespmem:s10], [sflag:$0x1], $0x200, $0x38;
	[tilespmem:$0x10300] =	vst v63  }
0x1f1: {  	_ =	swait.ge [sflag:s7], $0x200  }
0x1f2: {  	[sflag:s7] =	ssyncset.done $0x0  }
0x1f3: {  	[sflag:s7] =	ssyncadd.s32 $0xFFFFFE00  }
0x1f4: {  	_ =	sfence.sel $0x180000  }
0x1f5: {  	[bflag:$0x0] =	sbarrier.arrive $0xFFFF  }
0x1f6: {  	p0 =	sne.s32 s1, $0x0;
	_ =	strace $0x9000004A  }
0x1f7: {  	s0 =	sadd.s32 @!p0 $0x100000, s0;
	[bflag:$0x2] =	sbarrier.arrive $0xFFFF  }
0x1f8: {  	[sflag:s0] =	ssyncadd.tile.s32 @!p0 $0x1;
	_ =	shalt  }
.Lfunc_end2:
_tile_overlayer_lowered:
.L_overlay_start_2:
0x1f9: {  	(tag) =	ssettag $0x2  }
0x1fa: {  	s0 =	rddreg [dreg:$0x0];
	s2 =	stileid.u32  }
0x1fb: {  	s1 =	rddreg [dreg:$0x1];
	p0 =	sne.s32 s2, $0x0  }
0x1fc: {  	s3 =	rddreg [dreg:$0x2];
	[bflag:$0x3] =	sbarrier.arrive $0xFFFF;
	s2 =	simm.s32 @!p0 $0x1C01  }
0x1fd: {  	[timem:s3], [sflag:s2] =	dma.local @!p0 [hbm:s0], s1  }
0x1fe: {  	s0 =	simm.s32 @!p0 $0x1  }
0x1ff: {  	_ =	swait.ge @!p0 [sflag:s0], s1  }
0x200: {  	s1 =	ssub.s32 @!p0 $0x0, s1;
	[sflag:s0] =	ssyncset.done @!p0 $0x0  }
0x201: {  	[sflag:s0] =	ssyncadd.s32 @!p0 s1  }
0x202: {  	[bflag:$0x3] =	sbarrier.arrive $0xFFFF  }
0x203: {  	_ =	shalt  }

</sc_bundles>
